<compile_context>
chip_gen: v7x
topology: tpu7x:2x2x1
jax: 0.10.2.dev20260603
libtpu: 0.0.44.dev20260713+nightly
codegen_flags: <defaults>
</compile_context>

<pallas_src>
import jax
import jax.numpy as jnp
from jax import lax
from jax.experimental import pallas as pl
from jax.experimental.pallas import tpu as pltpu
from jax.experimental.pallas import tpu_sc as plsc

_BLK = 128
_NBUF = 5


def _make_gather(n_chunks, emb_dim, padw, base):
    info = plsc.get_sparse_core_info()
    nw = info.num_cores * info.num_subcores
    assert n_chunks % (nw * _NBUF) == 0
    cpw = n_chunks // nw
    niter = cpw // _NBUF
    mesh = plsc.VectorSubcoreMesh(core_axis_name="c", subcore_axis_name="s")

    half = _BLK // 2
    lanes = 16

    def body(table_hbm, idx_hbm, out_hbm, idx_v, *bufs):
        rows = bufs[:_NBUF]
        idxp = bufs[_NBUF : 2 * _NBUF]
        gs = bufs[2 * _NBUF : 3 * _NBUF]
        ws = bufs[3 * _NBUF : 4 * _NBUF]
        wid = lax.axis_index("s") * info.num_cores + lax.axis_index("c")
        chunk0 = wid * cpw
        pltpu.sync_copy(
            idx_hbm.at[pl.ds((base + chunk0) * _BLK, cpw * _BLK)], idx_v
        )

        il = lax.iota(jnp.int32, lanes)
        pat = (il >> 1) + (il & 1) * half

        def gather(j, b):
            for g in range(_BLK // lanes):
                idxp[b][pl.ds(g * lanes, lanes)] = plsc.load_gather(
                    idx_v, [j * _BLK + (g * (lanes // 2)) + pat]
                )
            pltpu.async_copy(table_hbm.at[idxp[b]], rows[b], gs[b])

        def wait_gather(j, b):
            pltpu.make_async_copy(
                table_hbm.at[idxp[b]], rows[b], gs[b]
            ).wait()

        def wait_wb(b):
            pltpu.make_async_copy(
                rows[b].at[:, pl.ds(0, emb_dim)], out_hbm.at[0], ws[b]
            ).wait()

        for b in range(_NBUF - 1):
            gather(b, b)

        def outer(g, carry):
            for b in range(_NBUF):
                j = g * _NBUF + b
                p = (b - 1) % _NBUF
                wait_gather(j, b)
                pltpu.async_copy(
                    rows[b].at[:, pl.ds(0, emb_dim)], out_hbm.at[chunk0 + j], ws[b]
                )
                if b == 0:

                    @pl.when(g >= 1)
                    def _():
                        wait_wb(p)

                    gather(j + _NBUF - 1, p)
                else:

                    @pl.when(g <= niter - 2)
                    def _():
                        wait_wb(p)
                        gather(j + _NBUF - 1, p)

            return carry

        lax.fori_loop(0, niter, outer, 0)
        for b in range(_NBUF):
            wait_wb(b)

    return pl.kernel(
        body,
        out_type=jax.ShapeDtypeStruct((n_chunks, _BLK, emb_dim), jnp.float32),
        mesh=mesh,
        compiler_params=pltpu.CompilerParams(
            use_tc_tiling_on_sc=False, needs_layout_passes=False
        ),
        scratch_types=(
            [pltpu.VMEM((cpw * _BLK,), jnp.int32)]
            + [pltpu.VMEM((_BLK, padw), jnp.float32) for _ in range(_NBUF)]
            + [pltpu.VMEM((_BLK,), jnp.int32) for _ in range(_NBUF)]
            + [pltpu.SemaphoreType.DMA for _ in range(2 * _NBUF)]
        ),
    )


def _make_table_transpose(n_tokens, emb_dim, padw, blk):
    grid = -(-n_tokens // blk)

    def body(in_ref, out_ref):
        out_ref[:, :emb_dim] = jnp.transpose(in_ref[...])

    return pl.pallas_call(
        body,
        grid=(grid,),
        in_specs=[pl.BlockSpec((emb_dim, blk), lambda m: (0, m))],
        out_specs=pl.BlockSpec((blk, padw), lambda m: (m, 0)),
        out_shape=jax.ShapeDtypeStruct((grid * blk, padw), jnp.float32),
    )


def _make_transpose(seq, batch, emb_dim, s_base, s_count, aliased):
    blocks_per_seq = batch // _BLK
    grp = 32
    half = _BLK // 2
    rows_per_chunk = _BLK * emb_dim // 128

    def body(in_ref, *refs):
        out_ref = refs[-1]
        t = jnp.transpose(in_ref[...])
        for q in range(grp):
            blk = t[:, q * rows_per_chunk : (q + 1) * rows_per_chunk]
            out_ref[0, :, q * _BLK : q * _BLK + half] = blk[:emb_dim]
            out_ref[0, :, q * _BLK + half : (q + 1) * _BLK] = blk[emb_dim:]

    in_specs = [pl.BlockSpec((grp * rows_per_chunk, 128), lambda c: (c, 0))]
    kwargs = {}
    if aliased:
        in_specs.append(pl.BlockSpec(memory_space=pl.ANY))
        kwargs["input_output_aliases"] = {1: 0}
    return pl.pallas_call(
        body,
        grid=(s_count * blocks_per_seq // grp,),
        in_specs=in_specs,
        out_specs=pl.BlockSpec(
            (1, emb_dim, grp * _BLK),
            lambda c: (
                s_base + c // (blocks_per_seq // grp),
                0,
                c % (blocks_per_seq // grp),
            ),
        ),
        out_shape=jax.ShapeDtypeStruct((seq, emb_dim, batch), jnp.float32),
        **kwargs,
    )


def kernel(x, table):
    b, s = x.shape
    emb_dim = table.shape[1]
    n_chunks = b * s // _BLK
    idx_sm = jnp.transpose(x).reshape(b * s)
    tableg = _make_table_transpose(table.shape[0], emb_dim, 128, 4096)(
        jnp.transpose(table)
    )
    k_parts = 2
    nh = n_chunks // k_parts
    rows_h = nh * _BLK * emb_dim // 128
    sh = s // k_parts
    gathers = [
        _make_gather(nh, emb_dim, 128, k * nh)(tableg, idx_sm)
        for k in range(k_parts)
    ]
    out_sm = _make_transpose(s, b, emb_dim, 0, sh, False)(
        gathers[0].reshape(rows_h, 128)
    )
    for k in range(1, k_parts):
        out_sm = _make_transpose(s, b, emb_dim, k * sh, sh, True)(
            gathers[k].reshape(rows_h, 128), out_sm
        )
    return jnp.transpose(out_sm, (2, 0, 1))

# --- scband reference (transcript-rebuilt; emitter-appended) ---
"""Pipeline reference for scband-word-embedding-16398185136271 (READ-ONLY COPY).

The authoritative reference and input builder live on the scoring server;
editing this copy changes nothing except your own understanding.
"""

import jax, jax.numpy as jnp
import numpy as np

N_TOKENS = 100000
EMB_DIM = 64

def setup_inputs(seed: int = 0) -> dict:
    key = jax.random.key(seed)
    k1, k2 = jax.random.split(key)
    x = jax.random.randint(k1, (4096, 50), 0, N_TOKENS, dtype=jnp.int64 if jax.config.jax_enable_x64 else jnp.int32).astype(jnp.int32)
    # Embedding table with padding row at index N_TOKENS (zeros, as nn.Embedding padding_idx)
    table = jax.random.normal(k2, (N_TOKENS + 1, EMB_DIM), dtype=jnp.float32)
    table = table.at[N_TOKENS].set(0.0)
    return {"x": x, "table": table}

def reference(x, table):
    # WordEmbedding.forward: emb = self.emb(x); emb = self.dropout(emb)
    # Dropout is identity at inference time.
    emb = jnp.take(table, x, axis=0)
    return emb

if __name__ == "__main__":
    import jax
    _d = setup_inputs()
    print(jax.jit(kernel)(*tuple(_d.values())))

</pallas_src>

<mosaic_0001>
#map = affine_map<(d0, d1) -> (0, 0)>
#map1 = affine_map<(d0, d1) -> (0)>
#map2 = affine_map<(d0, d1) -> (0, 0, 0)>
module attributes {stable_mosaic.version = 14 : i64} {
  func.func @body(%arg0: i32, %arg1: i32, %arg2: memref<102400x128xf32, #tpu.memory_space<hbm>>, %arg3: memref<204800xi32, #tpu.memory_space<hbm>>, %arg4: memref<800x128x64xf32, #tpu.memory_space<hbm>>, %arg5: memref<3200xi32, #tpu.memory_space<vmem>>, %arg6: memref<128x128xf32, #tpu.memory_space<vmem>>, %arg7: memref<128x128xf32, #tpu.memory_space<vmem>>, %arg8: memref<128x128xf32, #tpu.memory_space<vmem>>, %arg9: memref<128x128xf32, #tpu.memory_space<vmem>>, %arg10: memref<128x128xf32, #tpu.memory_space<vmem>>, %arg11: memref<128xi32, #tpu.memory_space<vmem>>, %arg12: memref<128xi32, #tpu.memory_space<vmem>>, %arg13: memref<128xi32, #tpu.memory_space<vmem>>, %arg14: memref<128xi32, #tpu.memory_space<vmem>>, %arg15: memref<128xi32, #tpu.memory_space<vmem>>, %arg16: memref<!tpu.dma_semaphore, #tpu.memory_space<semaphore_mem>>, %arg17: memref<!tpu.dma_semaphore, #tpu.memory_space<semaphore_mem>>, %arg18: memref<!tpu.dma_semaphore, #tpu.memory_space<semaphore_mem>>, %arg19: memref<!tpu.dma_semaphore, #tpu.memory_space<semaphore_mem>>, %arg20: memref<!tpu.dma_semaphore, #tpu.memory_space<semaphore_mem>>, %arg21: memref<!tpu.dma_semaphore, #tpu.memory_space<semaphore_mem>>, %arg22: memref<!tpu.dma_semaphore, #tpu.memory_space<semaphore_mem>>, %arg23: memref<!tpu.dma_semaphore, #tpu.memory_space<semaphore_mem>>, %arg24: memref<!tpu.dma_semaphore, #tpu.memory_space<semaphore_mem>>, %arg25: memref<!tpu.dma_semaphore, #tpu.memory_space<semaphore_mem>>) attributes {dimension_semantics = [#tpu.dimension_semantics<core_parallel>, #tpu.dimension_semantics<subcore_parallel>], iteration_bounds = array<i64: 2, 16>, scalar_prefetch = 0 : i64, scratch_operands = 21 : i64, tpu.core_type = #tpu.core_type<sc_vector_subcore>, window_params = [{transform_indices = #map}, {transform_indices = #map1}, {transform_indices = #map2}]} {
    %mul3A = arith.constant 2 : i32
    %mul3A_0 = arith.muli %arg1, %mul3A : i32
    %add3A = arith.addi %mul3A_0, %arg0 : i32
    %mul3A_1 = arith.constant 25 : i32
    %mul3A_2 = arith.muli %add3A, %mul3A_1 : i32
    %add3A_3 = arith.constant 0 : i32
    %add3A_4 = arith.addi %add3A_3, %mul3A_2 : i32
    %mul3A_5 = arith.constant 128 : i32
    %mul3A_6 = arith.muli %add3A_4, %mul3A_5 : i32
    "tpu.region"() ({
      %run_scoped3A = tpu.sem_alloc : memref<!tpu.dma_semaphore, #tpu.memory_space<semaphore_mem>>
      %dma_start3A_295 = tpu.memref_slice %arg3[%mul3A_6] : memref<204800xi32, #tpu.memory_space<hbm>> -> memref<3200xi32, #tpu.memory_space<hbm>>
      %dma_start3A_296 = tpu.memref_slice %arg3[%mul3A_6] : memref<204800xi32, #tpu.memory_space<hbm>> -> memref<3200xi32, #tpu.memory_space<hbm>>
      tpu.enqueue_dma source(%dma_start3A_296 : memref<3200xi32, #tpu.memory_space<hbm>>) target(%arg5 : memref<3200xi32, #tpu.memory_space<vmem>>) target_semaphore(%run_scoped3A : memref<!tpu.dma_semaphore, #tpu.memory_space<semaphore_mem>>)
      %dma_wait3A_297 = tpu.memref_slice %arg3[%mul3A_6] : memref<204800xi32, #tpu.memory_space<hbm>> -> memref<3200xi32, #tpu.memory_space<hbm>>
      %dma_wait3A_298 = tpu.memref_slice %arg3[%mul3A_6] : memref<204800xi32, #tpu.memory_space<hbm>> -> memref<3200xi32, #tpu.memory_space<hbm>>
      tpu.wait_dma2 semaphore(%run_scoped3A : memref<!tpu.dma_semaphore, #tpu.memory_space<semaphore_mem>>) src(%dma_wait3A_298 : memref<3200xi32, #tpu.memory_space<hbm>>) dst(%arg5 : memref<3200xi32, #tpu.memory_space<vmem>>)
      tpu.yield
    }) : () -> ()
    %iota3A = tpu.iota {dimensions = array<i32: 0>} : vector<16xi32>
    %shift_right_arithmetic3A = arith.constant 1 : i32
    %shift_right_arithmetic3A_7 = vector.broadcast %shift_right_arithmetic3A : i32 to vector<16xi32>
    %shift_right_arithmetic3A_8 = arith.shrsi %iota3A, %shift_right_arithmetic3A_7 : vector<16xi32>
    %and3A = arith.constant 1 : i32
    %and3A_9 = vector.broadcast %and3A : i32 to vector<16xi32>
    %and3A_10 = arith.andi %iota3A, %and3A_9 : vector<16xi32>
    %mul3A_11 = arith.constant 64 : i32
    %mul3A_12 = vector.broadcast %mul3A_11 : i32 to vector<16xi32>
    %mul3A_13 = arith.muli %and3A_10, %mul3A_12 : vector<16xi32>
    %add3A_14 = arith.addi %shift_right_arithmetic3A_8, %mul3A_13 : vector<16xi32>
    %add3A_15 = arith.constant 0 : i32
    %add3A_16 = vector.broadcast %add3A_15 : i32 to vector<16xi32>
    %add3A_17 = arith.addi %add3A_16, %add3A_14 : vector<16xi32>
    %gather3A = tpu.vector_load_idx %arg5[%add3A_17] : memref<3200xi32, #tpu.memory_space<vmem>>[vector<16xi32>], vector<16xi32>,
    %swap3A = arith.constant 0 : index
    %swap3A_18 = tpu.vector_load %arg11[%swap3A] {strides = array<i32>} : memref<128xi32, #tpu.memory_space<vmem>>, vector<16xi32>,
    tpu.vector_store %arg11[%swap3A], %gather3A {strides = array<i32>} : memref<128xi32, #tpu.memory_space<vmem>>, vector<16xi32>,
    %add3A_19 = arith.constant 8 : i32
    %add3A_20 = vector.broadcast %add3A_19 : i32 to vector<16xi32>
    %add3A_21 = arith.addi %add3A_20, %add3A_14 : vector<16xi32>
    %gather3A_22 = tpu.vector_load_idx %arg5[%add3A_21] : memref<3200xi32, #tpu.memory_space<vmem>>[vector<16xi32>], vector<16xi32>,
    %swap3A_23 = arith.constant 16 : index
    %swap3A_24 = tpu.vector_load %arg11[%swap3A_23] {strides = array<i32>} : memref<128xi32, #tpu.memory_space<vmem>>, vector<16xi32>,
    tpu.vector_store %arg11[%swap3A_23], %gather3A_22 {strides = array<i32>} : memref<128xi32, #tpu.memory_space<vmem>>, vector<16xi32>,
    %add3A_25 = arith.constant 16 : i32
    %add3A_26 = vector.broadcast %add3A_25 : i32 to vector<16xi32>
    %add3A_27 = arith.addi %add3A_26, %add3A_14 : vector<16xi32>
    %gather3A_28 = tpu.vector_load_idx %arg5[%add3A_27] : memref<3200xi32, #tpu.memory_space<vmem>>[vector<16xi32>], vector<16xi32>,
    %swap3A_29 = arith.constant 32 : index
    %swap3A_30 = tpu.vector_load %arg11[%swap3A_29] {strides = array<i32>} : memref<128xi32, #tpu.memory_space<vmem>>, vector<16xi32>,
    tpu.vector_store %arg11[%swap3A_29], %gather3A_28 {strides = array<i32>} : memref<128xi32, #tpu.memory_space<vmem>>, vector<16xi32>,
    %add3A_31 = arith.constant 24 : i32
    %add3A_32 = vector.broadcast %add3A_31 : i32 to vector<16xi32>
    %add3A_33 = arith.addi %add3A_32, %add3A_14 : vector<16xi32>
    %gather3A_34 = tpu.vector_load_idx %arg5[%add3A_33] : memref<3200xi32, #tpu.memory_space<vmem>>[vector<16xi32>], vector<16xi32>,
    %swap3A_35 = arith.constant 48 : index
    %swap3A_36 = tpu.vector_load %arg11[%swap3A_35] {strides = array<i32>} : memref<128xi32, #tpu.memory_space<vmem>>, vector<16xi32>,
    tpu.vector_store %arg11[%swap3A_35], %gather3A_34 {strides = array<i32>} : memref<128xi32, #tpu.memory_space<vmem>>, vector<16xi32>,
    %add3A_37 = arith.constant 32 : i32
    %add3A_38 = vector.broadcast %add3A_37 : i32 to vector<16xi32>
    %add3A_39 = arith.addi %add3A_38, %add3A_14 : vector<16xi32>
    %gather3A_40 = tpu.vector_load_idx %arg5[%add3A_39] : memref<3200xi32, #tpu.memory_space<vmem>>[vector<16xi32>], vector<16xi32>,
    %swap3A_41 = arith.constant 64 : index
    %swap3A_42 = tpu.vector_load %arg11[%swap3A_41] {strides = array<i32>} : memref<128xi32, #tpu.memory_space<vmem>>, vector<16xi32>,
    tpu.vector_store %arg11[%swap3A_41], %gather3A_40 {strides = array<i32>} : memref<128xi32, #tpu.memory_space<vmem>>, vector<16xi32>,
    %add3A_43 = arith.constant 40 : i32
    %add3A_44 = vector.broadcast %add3A_43 : i32 to vector<16xi32>
    %add3A_45 = arith.addi %add3A_44, %add3A_14 : vector<16xi32>
    %gather3A_46 = tpu.vector_load_idx %arg5[%add3A_45] : memref<3200xi32, #tpu.memory_space<vmem>>[vector<16xi32>], vector<16xi32>,
    %swap3A_47 = arith.constant 80 : index
    %swap3A_48 = tpu.vector_load %arg11[%swap3A_47] {strides = array<i32>} : memref<128xi32, #tpu.memory_space<vmem>>, vector<16xi32>,
    tpu.vector_store %arg11[%swap3A_47], %gather3A_46 {strides = array<i32>} : memref<128xi32, #tpu.memory_space<vmem>>, vector<16xi32>,
    %add3A_49 = arith.constant 48 : i32
    %add3A_50 = vector.broadcast %add3A_49 : i32 to vector<16xi32>
    %add3A_51 = arith.addi %add3A_50, %add3A_14 : vector<16xi32>
    %gather3A_52 = tpu.vector_load_idx %arg5[%add3A_51] : memref<3200xi32, #tpu.memory_space<vmem>>[vector<16xi32>], vector<16xi32>,
    %swap3A_53 = arith.constant 96 : index
    %swap3A_54 = tpu.vector_load %arg11[%swap3A_53] {strides = array<i32>} : memref<128xi32, #tpu.memory_space<vmem>>, vector<16xi32>,
    tpu.vector_store %arg11[%swap3A_53], %gather3A_52 {strides = array<i32>} : memref<128xi32, #tpu.memory_space<vmem>>, vector<16xi32>,
    %add3A_55 = arith.constant 56 : i32
    %add3A_56 = vector.broadcast %add3A_55 : i32 to vector<16xi32>
    %add3A_57 = arith.addi %add3A_56, %add3A_14 : vector<16xi32>
    %gather3A_58 = tpu.vector_load_idx %arg5[%add3A_57] : memref<3200xi32, #tpu.memory_space<vmem>>[vector<16xi32>], vector<16xi32>,
    %swap3A_59 = arith.constant 112 : index
    %swap3A_60 = tpu.vector_load %arg11[%swap3A_59] {strides = array<i32>} : memref<128xi32, #tpu.memory_space<vmem>>, vector<16xi32>,
    tpu.vector_store %arg11[%swap3A_59], %gather3A_58 {strides = array<i32>} : memref<128xi32, #tpu.memory_space<vmem>>, vector<16xi32>,
    %dma_start3A = arith.constant 0 : i32
    %dma_start3A_61 = arith.constant 0 : i32
    %dma_start3A_62 = tpu.memref_slice %arg2[%dma_start3A, %dma_start3A_61] : memref<102400x128xf32, #tpu.memory_space<hbm>> -> memref<102400x128xf32, #tpu.memory_space<hbm>>
    tpu.enqueue_indirect_dma source(%dma_start3A_62 : memref<102400x128xf32, #tpu.memory_space<hbm>>) target(%arg6 : memref<128x128xf32, #tpu.memory_space<vmem>>) offsets(%arg11 : memref<128xi32, #tpu.memory_space<vmem>>) semaphore(%arg16 : memref<!tpu.dma_semaphore, #tpu.memory_space<semaphore_mem>>)
    %add3A_63 = arith.constant 128 : i32
    %add3A_64 = vector.broadcast %add3A_63 : i32 to vector<16xi32>
    %add3A_65 = arith.addi %add3A_64, %add3A_14 : vector<16xi32>
    %gather3A_66 = tpu.vector_load_idx %arg5[%add3A_65] : memref<3200xi32, #tpu.memory_space<vmem>>[vector<16xi32>], vector<16xi32>,
    %swap3A_67 = arith.constant 0 : index
    %swap3A_68 = tpu.vector_load %arg12[%swap3A_67] {strides = array<i32>} : memref<128xi32, #tpu.memory_space<vmem>>, vector<16xi32>,
    tpu.vector_store %arg12[%swap3A_67], %gather3A_66 {strides = array<i32>} : memref<128xi32, #tpu.memory_space<vmem>>, vector<16xi32>,
    %add3A_69 = arith.constant 136 : i32
    %add3A_70 = vector.broadcast %add3A_69 : i32 to vector<16xi32>
    %add3A_71 = arith.addi %add3A_70, %add3A_14 : vector<16xi32>
    %gather3A_72 = tpu.vector_load_idx %arg5[%add3A_71] : memref<3200xi32, #tpu.memory_space<vmem>>[vector<16xi32>], vector<16xi32>,
    %swap3A_73 = arith.constant 16 : index
    %swap3A_74 = tpu.vector_load %arg12[%swap3A_73] {strides = array<i32>} : memref<128xi32, #tpu.memory_space<vmem>>, vector<16xi32>,
    tpu.vector_store %arg12[%swap3A_73], %gather3A_72 {strides = array<i32>} : memref<128xi32, #tpu.memory_space<vmem>>, vector<16xi32>,
    %add3A_75 = arith.constant 144 : i32
    %add3A_76 = vector.broadcast %add3A_75 : i32 to vector<16xi32>
    %add3A_77 = arith.addi %add3A_76, %add3A_14 : vector<16xi32>
    %gather3A_78 = tpu.vector_load_idx %arg5[%add3A_77] : memref<3200xi32, #tpu.memory_space<vmem>>[vector<16xi32>], vector<16xi32>,
    %swap3A_79 = arith.constant 32 : index
    %swap3A_80 = tpu.vector_load %arg12[%swap3A_79] {strides = array<i32>} : memref<128xi32, #tpu.memory_space<vmem>>, vector<16xi32>,
    tpu.vector_store %arg12[%swap3A_79], %gather3A_78 {strides = array<i32>} : memref<128xi32, #tpu.memory_space<vmem>>, vector<16xi32>,
    %add3A_81 = arith.constant 152 : i32
    %add3A_82 = vector.broadcast %add3A_81 : i32 to vector<16xi32>
    %add3A_83 = arith.addi %add3A_82, %add3A_14 : vector<16xi32>
    %gather3A_84 = tpu.vector_load_idx %arg5[%add3A_83] : memref<3200xi32, #tpu.memory_space<vmem>>[vector<16xi32>], vector<16xi32>,
    %swap3A_85 = arith.constant 48 : index
    %swap3A_86 = tpu.vector_load %arg12[%swap3A_85] {strides = array<i32>} : memref<128xi32, #tpu.memory_space<vmem>>, vector<16xi32>,
    tpu.vector_store %arg12[%swap3A_85], %gather3A_84 {strides = array<i32>} : memref<128xi32, #tpu.memory_space<vmem>>, vector<16xi32>,
    %add3A_87 = arith.constant 160 : i32
    %add3A_88 = vector.broadcast %add3A_87 : i32 to vector<16xi32>
    %add3A_89 = arith.addi %add3A_88, %add3A_14 : vector<16xi32>
    %gather3A_90 = tpu.vector_load_idx %arg5[%add3A_89] : memref<3200xi32, #tpu.memory_space<vmem>>[vector<16xi32>], vector<16xi32>,
    %swap3A_91 = arith.constant 64 : index
    %swap3A_92 = tpu.vector_load %arg12[%swap3A_91] {strides = array<i32>} : memref<128xi32, #tpu.memory_space<vmem>>, vector<16xi32>,
    tpu.vector_store %arg12[%swap3A_91], %gather3A_90 {strides = array<i32>} : memref<128xi32, #tpu.memory_space<vmem>>, vector<16xi32>,
    %add3A_93 = arith.constant 168 : i32
    %add3A_94 = vector.broadcast %add3A_93 : i32 to vector<16xi32>
    %add3A_95 = arith.addi %add3A_94, %add3A_14 : vector<16xi32>
    %gather3A_96 = tpu.vector_load_idx %arg5[%add3A_95] : memref<3200xi32, #tpu.memory_space<vmem>>[vector<16xi32>], vector<16xi32>,
    %swap3A_97 = arith.constant 80 : index
    %swap3A_98 = tpu.vector_load %arg12[%swap3A_97] {strides = array<i32>} : memref<128xi32, #tpu.memory_space<vmem>>, vector<16xi32>,
    tpu.vector_store %arg12[%swap3A_97], %gather3A_96 {strides = array<i32>} : memref<128xi32, #tpu.memory_space<vmem>>, vector<16xi32>,
    %add3A_99 = arith.constant 176 : i32
    %add3A_100 = vector.broadcast %add3A_99 : i32 to vector<16xi32>
    %add3A_101 = arith.addi %add3A_100, %add3A_14 : vector<16xi32>
    %gather3A_102 = tpu.vector_load_idx %arg5[%add3A_101] : memref<3200xi32, #tpu.memory_space<vmem>>[vector<16xi32>], vector<16xi32>,
    %swap3A_103 = arith.constant 96 : index
    %swap3A_104 = tpu.vector_load %arg12[%swap3A_103] {strides = array<i32>} : memref<128xi32, #tpu.memory_space<vmem>>, vector<16xi32>,
    tpu.vector_store %arg12[%swap3A_103], %gather3A_102 {strides = array<i32>} : memref<128xi32, #tpu.memory_space<vmem>>, vector<16xi32>,
    %add3A_105 = arith.constant 184 : i32
    %add3A_106 = vector.broadcast %add3A_105 : i32 to vector<16xi32>
    %add3A_107 = arith.addi %add3A_106, %add3A_14 : vector<16xi32>
    %gather3A_108 = tpu.vector_load_idx %arg5[%add3A_107] : memref<3200xi32, #tpu.memory_space<vmem>>[vector<16xi32>], vector<16xi32>,
    %swap3A_109 = arith.constant 112 : index
    %swap3A_110 = tpu.vector_load %arg12[%swap3A_109] {strides = array<i32>} : memref<128xi32, #tpu.memory_space<vmem>>, vector<16xi32>,
    tpu.vector_store %arg12[%swap3A_109], %gather3A_108 {strides = array<i32>} : memref<128xi32, #tpu.memory_space<vmem>>, vector<16xi32>,
    %dma_start3A_111 = arith.constant 0 : i32
    %dma_start3A_112 = arith.constant 0 : i32
    %dma_start3A_113 = tpu.memref_slice %arg2[%dma_start3A_111, %dma_start3A_112] : memref<102400x128xf32, #tpu.memory_space<hbm>> -> memref<102400x128xf32, #tpu.memory_space<hbm>>
    tpu.enqueue_indirect_dma source(%dma_start3A_113 : memref<102400x128xf32, #tpu.memory_space<hbm>>) target(%arg7 : memref<128x128xf32, #tpu.memory_space<vmem>>) offsets(%arg12 : memref<128xi32, #tpu.memory_space<vmem>>) semaphore(%arg17 : memref<!tpu.dma_semaphore, #tpu.memory_space<semaphore_mem>>)
    %add3A_114 = arith.constant 256 : i32
    %add3A_115 = vector.broadcast %add3A_114 : i32 to vector<16xi32>
    %add3A_116 = arith.addi %add3A_115, %add3A_14 : vector<16xi32>
    %gather3A_117 = tpu.vector_load_idx %arg5[%add3A_116] : memref<3200xi32, #tpu.memory_space<vmem>>[vector<16xi32>], vector<16xi32>,
    %swap3A_118 = arith.constant 0 : index
    %swap3A_119 = tpu.vector_load %arg13[%swap3A_118] {strides = array<i32>} : memref<128xi32, #tpu.memory_space<vmem>>, vector<16xi32>,
    tpu.vector_store %arg13[%swap3A_118], %gather3A_117 {strides = array<i32>} : memref<128xi32, #tpu.memory_space<vmem>>, vector<16xi32>,
    %add3A_120 = arith.constant 264 : i32
    %add3A_121 = vector.broadcast %add3A_120 : i32 to vector<16xi32>
    %add3A_122 = arith.addi %add3A_121, %add3A_14 : vector<16xi32>
    %gather3A_123 = tpu.vector_load_idx %arg5[%add3A_122] : memref<3200xi32, #tpu.memory_space<vmem>>[vector<16xi32>], vector<16xi32>,
    %swap3A_124 = arith.constant 16 : index
    %swap3A_125 = tpu.vector_load %arg13[%swap3A_124] {strides = array<i32>} : memref<128xi32, #tpu.memory_space<vmem>>, vector<16xi32>,
    tpu.vector_store %arg13[%swap3A_124], %gather3A_123 {strides = array<i32>} : memref<128xi32, #tpu.memory_space<vmem>>, vector<16xi32>,
    %add3A_126 = arith.constant 272 : i32
    %add3A_127 = vector.broadcast %add3A_126 : i32 to vector<16xi32>
    %add3A_128 = arith.addi %add3A_127, %add3A_14 : vector<16xi32>
    %gather3A_129 = tpu.vector_load_idx %arg5[%add3A_128] : memref<3200xi32, #tpu.memory_space<vmem>>[vector<16xi32>], vector<16xi32>,
    %swap3A_130 = arith.constant 32 : index
    %swap3A_131 = tpu.vector_load %arg13[%swap3A_130] {strides = array<i32>} : memref<128xi32, #tpu.memory_space<vmem>>, vector<16xi32>,
    tpu.vector_store %arg13[%swap3A_130], %gather3A_129 {strides = array<i32>} : memref<128xi32, #tpu.memory_space<vmem>>, vector<16xi32>,
    %add3A_132 = arith.constant 280 : i32
    %add3A_133 = vector.broadcast %add3A_132 : i32 to vector<16xi32>
    %add3A_134 = arith.addi %add3A_133, %add3A_14 : vector<16xi32>
    %gather3A_135 = tpu.vector_load_idx %arg5[%add3A_134] : memref<3200xi32, #tpu.memory_space<vmem>>[vector<16xi32>], vector<16xi32>,
    %swap3A_136 = arith.constant 48 : index
    %swap3A_137 = tpu.vector_load %arg13[%swap3A_136] {strides = array<i32>} : memref<128xi32, #tpu.memory_space<vmem>>, vector<16xi32>,
    tpu.vector_store %arg13[%swap3A_136], %gather3A_135 {strides = array<i32>} : memref<128xi32, #tpu.memory_space<vmem>>, vector<16xi32>,
    %add3A_138 = arith.constant 288 : i32
    %add3A_139 = vector.broadcast %add3A_138 : i32 to vector<16xi32>
    %add3A_140 = arith.addi %add3A_139, %add3A_14 : vector<16xi32>
    %gather3A_141 = tpu.vector_load_idx %arg5[%add3A_140] : memref<3200xi32, #tpu.memory_space<vmem>>[vector<16xi32>], vector<16xi32>,
    %swap3A_142 = arith.constant 64 : index
    %swap3A_143 = tpu.vector_load %arg13[%swap3A_142] {strides = array<i32>} : memref<128xi32, #tpu.memory_space<vmem>>, vector<16xi32>,
    tpu.vector_store %arg13[%swap3A_142], %gather3A_141 {strides = array<i32>} : memref<128xi32, #tpu.memory_space<vmem>>, vector<16xi32>,
    %add3A_144 = arith.constant 296 : i32
    %add3A_145 = vector.broadcast %add3A_144 : i32 to vector<16xi32>
    %add3A_146 = arith.addi %add3A_145, %add3A_14 : vector<16xi32>
    %gather3A_147 = tpu.vector_load_idx %arg5[%add3A_146] : memref<3200xi32, #tpu.memory_space<vmem>>[vector<16xi32>], vector<16xi32>,
    %swap3A_148 = arith.constant 80 : index
    %swap3A_149 = tpu.vector_load %arg13[%swap3A_148] {strides = array<i32>} : memref<128xi32, #tpu.memory_space<vmem>>, vector<16xi32>,
    tpu.vector_store %arg13[%swap3A_148], %gather3A_147 {strides = array<i32>} : memref<128xi32, #tpu.memory_space<vmem>>, vector<16xi32>,
    %add3A_150 = arith.constant 304 : i32
    %add3A_151 = vector.broadcast %add3A_150 : i32 to vector<16xi32>
    %add3A_152 = arith.addi %add3A_151, %add3A_14 : vector<16xi32>
    %gather3A_153 = tpu.vector_load_idx %arg5[%add3A_152] : memref<3200xi32, #tpu.memory_space<vmem>>[vector<16xi32>], vector<16xi32>,
    %swap3A_154 = arith.constant 96 : index
    %swap3A_155 = tpu.vector_load %arg13[%swap3A_154] {strides = array<i32>} : memref<128xi32, #tpu.memory_space<vmem>>, vector<16xi32>,
    tpu.vector_store %arg13[%swap3A_154], %gather3A_153 {strides = array<i32>} : memref<128xi32, #tpu.memory_space<vmem>>, vector<16xi32>,
    %add3A_156 = arith.constant 312 : i32
    %add3A_157 = vector.broadcast %add3A_156 : i32 to vector<16xi32>
    %add3A_158 = arith.addi %add3A_157, %add3A_14 : vector<16xi32>
    %gather3A_159 = tpu.vector_load_idx %arg5[%add3A_158] : memref<3200xi32, #tpu.memory_space<vmem>>[vector<16xi32>], vector<16xi32>,
    %swap3A_160 = arith.constant 112 : index
    %swap3A_161 = tpu.vector_load %arg13[%swap3A_160] {strides = array<i32>} : memref<128xi32, #tpu.memory_space<vmem>>, vector<16xi32>,
    tpu.vector_store %arg13[%swap3A_160], %gather3A_159 {strides = array<i32>} : memref<128xi32, #tpu.memory_space<vmem>>, vector<16xi32>,
    %dma_start3A_162 = arith.constant 0 : i32
    %dma_start3A_163 = arith.constant 0 : i32
    %dma_start3A_164 = tpu.memref_slice %arg2[%dma_start3A_162, %dma_start3A_163] : memref<102400x128xf32, #tpu.memory_space<hbm>> -> memref<102400x128xf32, #tpu.memory_space<hbm>>
    tpu.enqueue_indirect_dma source(%dma_start3A_164 : memref<102400x128xf32, #tpu.memory_space<hbm>>) target(%arg8 : memref<128x128xf32, #tpu.memory_space<vmem>>) offsets(%arg13 : memref<128xi32, #tpu.memory_space<vmem>>) semaphore(%arg18 : memref<!tpu.dma_semaphore, #tpu.memory_space<semaphore_mem>>)
    %add3A_165 = arith.constant 384 : i32
    %add3A_166 = vector.broadcast %add3A_165 : i32 to vector<16xi32>
    %add3A_167 = arith.addi %add3A_166, %add3A_14 : vector<16xi32>
    %gather3A_168 = tpu.vector_load_idx %arg5[%add3A_167] : memref<3200xi32, #tpu.memory_space<vmem>>[vector<16xi32>], vector<16xi32>,
    %swap3A_169 = arith.constant 0 : index
    %swap3A_170 = tpu.vector_load %arg14[%swap3A_169] {strides = array<i32>} : memref<128xi32, #tpu.memory_space<vmem>>, vector<16xi32>,
    tpu.vector_store %arg14[%swap3A_169], %gather3A_168 {strides = array<i32>} : memref<128xi32, #tpu.memory_space<vmem>>, vector<16xi32>,
    %add3A_171 = arith.constant 392 : i32
    %add3A_172 = vector.broadcast %add3A_171 : i32 to vector<16xi32>
    %add3A_173 = arith.addi %add3A_172, %add3A_14 : vector<16xi32>
    %gather3A_174 = tpu.vector_load_idx %arg5[%add3A_173] : memref<3200xi32, #tpu.memory_space<vmem>>[vector<16xi32>], vector<16xi32>,
    %swap3A_175 = arith.constant 16 : index
    %swap3A_176 = tpu.vector_load %arg14[%swap3A_175] {strides = array<i32>} : memref<128xi32, #tpu.memory_space<vmem>>, vector<16xi32>,
    tpu.vector_store %arg14[%swap3A_175], %gather3A_174 {strides = array<i32>} : memref<128xi32, #tpu.memory_space<vmem>>, vector<16xi32>,
    %add3A_177 = arith.constant 400 : i32
    %add3A_178 = vector.broadcast %add3A_177 : i32 to vector<16xi32>
    %add3A_179 = arith.addi %add3A_178, %add3A_14 : vector<16xi32>
    %gather3A_180 = tpu.vector_load_idx %arg5[%add3A_179] : memref<3200xi32, #tpu.memory_space<vmem>>[vector<16xi32>], vector<16xi32>,
    %swap3A_181 = arith.constant 32 : index
    %swap3A_182 = tpu.vector_load %arg14[%swap3A_181] {strides = array<i32>} : memref<128xi32, #tpu.memory_space<vmem>>, vector<16xi32>,
    tpu.vector_store %arg14[%swap3A_181], %gather3A_180 {strides = array<i32>} : memref<128xi32, #tpu.memory_space<vmem>>, vector<16xi32>,
    %add3A_183 = arith.constant 408 : i32
    %add3A_184 = vector.broadcast %add3A_183 : i32 to vector<16xi32>
    %add3A_185 = arith.addi %add3A_184, %add3A_14 : vector<16xi32>
    %gather3A_186 = tpu.vector_load_idx %arg5[%add3A_185] : memref<3200xi32, #tpu.memory_space<vmem>>[vector<16xi32>], vector<16xi32>,
    %swap3A_187 = arith.constant 48 : index
    %swap3A_188 = tpu.vector_load %arg14[%swap3A_187] {strides = array<i32>} : memref<128xi32, #tpu.memory_space<vmem>>, vector<16xi32>,
    tpu.vector_store %arg14[%swap3A_187], %gather3A_186 {strides = array<i32>} : memref<128xi32, #tpu.memory_space<vmem>>, vector<16xi32>,
    %add3A_189 = arith.constant 416 : i32
    %add3A_190 = vector.broadcast %add3A_189 : i32 to vector<16xi32>
    %add3A_191 = arith.addi %add3A_190, %add3A_14 : vector<16xi32>
    %gather3A_192 = tpu.vector_load_idx %arg5[%add3A_191] : memref<3200xi32, #tpu.memory_space<vmem>>[vector<16xi32>], vector<16xi32>,
    %swap3A_193 = arith.constant 64 : index
    %swap3A_194 = tpu.vector_load %arg14[%swap3A_193] {strides = array<i32>} : memref<128xi32, #tpu.memory_space<vmem>>, vector<16xi32>,
    tpu.vector_store %arg14[%swap3A_193], %gather3A_192 {strides = array<i32>} : memref<128xi32, #tpu.memory_space<vmem>>, vector<16xi32>,
    %add3A_195 = arith.constant 424 : i32
    %add3A_196 = vector.broadcast %add3A_195 : i32 to vector<16xi32>
    %add3A_197 = arith.addi %add3A_196, %add3A_14 : vector<16xi32>
    %gather3A_198 = tpu.vector_load_idx %arg5[%add3A_197] : memref<3200xi32, #tpu.memory_space<vmem>>[vector<16xi32>], vector<16xi32>,
    %swap3A_199 = arith.constant 80 : index
    %swap3A_200 = tpu.vector_load %arg14[%swap3A_199] {strides = array<i32>} : memref<128xi32, #tpu.memory_space<vmem>>, vector<16xi32>,
    tpu.vector_store %arg14[%swap3A_199], %gather3A_198 {strides = array<i32>} : memref<128xi32, #tpu.memory_space<vmem>>, vector<16xi32>,
    %add3A_201 = arith.constant 432 : i32
    %add3A_202 = vector.broadcast %add3A_201 : i32 to vector<16xi32>
    %add3A_203 = arith.addi %add3A_202, %add3A_14 : vector<16xi32>
    %gather3A_204 = tpu.vector_load_idx %arg5[%add3A_203] : memref<3200xi32, #tpu.memory_space<vmem>>[vector<16xi32>], vector<16xi32>,
    %swap3A_205 = arith.constant 96 : index
    %swap3A_206 = tpu.vector_load %arg14[%swap3A_205] {strides = array<i32>} : memref<128xi32, #tpu.memory_space<vmem>>, vector<16xi32>,
    tpu.vector_store %arg14[%swap3A_205], %gather3A_204 {strides = array<i32>} : memref<128xi32, #tpu.memory_space<vmem>>, vector<16xi32>,
    %add3A_207 = arith.constant 440 : i32
    %add3A_208 = vector.broadcast %add3A_207 : i32 to vector<16xi32>
    %add3A_209 = arith.addi %add3A_208, %add3A_14 : vector<16xi32>
    %gather3A_210 = tpu.vector_load_idx %arg5[%add3A_209] : memref<3200xi32, #tpu.memory_space<vmem>>[vector<16xi32>], vector<16xi32>,
    %swap3A_211 = arith.constant 112 : index
    %swap3A_212 = tpu.vector_load %arg14[%swap3A_211] {strides = array<i32>} : memref<128xi32, #tpu.memory_space<vmem>>, vector<16xi32>,
    tpu.vector_store %arg14[%swap3A_211], %gather3A_210 {strides = array<i32>} : memref<128xi32, #tpu.memory_space<vmem>>, vector<16xi32>,
    %dma_start3A_213 = arith.constant 0 : i32
    %dma_start3A_214 = arith.constant 0 : i32
    %dma_start3A_215 = tpu.memref_slice %arg2[%dma_start3A_213, %dma_start3A_214] : memref<102400x128xf32, #tpu.memory_space<hbm>> -> memref<102400x128xf32, #tpu.memory_space<hbm>>
    tpu.enqueue_indirect_dma source(%dma_start3A_215 : memref<102400x128xf32, #tpu.memory_space<hbm>>) target(%arg9 : memref<128x128xf32, #tpu.memory_space<vmem>>) offsets(%arg14 : memref<128xi32, #tpu.memory_space<vmem>>) semaphore(%arg19 : memref<!tpu.dma_semaphore, #tpu.memory_space<semaphore_mem>>)
    %scan3A = arith.constant 0 : i32
    %scan3A_216 = arith.constant 0 : i32
    %scan3A_217 = arith.constant 5 : i32
    %scan3A_218 = arith.addi %scan3A_216, %scan3A_217 : i32
    %scan3A_219 = arith.constant 1 : i32
    scf.for %scan3A_295 = %scan3A_216 to %scan3A_218 step %scan3A_219  : i32 {
      %mul3A_296 = arith.constant 5 : i32
      %mul3A_297 = arith.muli %scan3A_295, %mul3A_296 : i32
      %add3A_298 = arith.constant 0 : i32
      %add3A_299 = arith.addi %mul3A_297, %add3A_298 : i32
      %dma_wait3A_300 = arith.constant 0 : i32
      %dma_wait3A_301 = arith.constant 0 : i32
      %dma_wait3A_302 = tpu.memref_slice %arg2[%dma_wait3A_300, %dma_wait3A_301] : memref<102400x128xf32, #tpu.memory_space<hbm>> -> memref<102400x128xf32, #tpu.memory_space<hbm>>
      tpu.wait_indirect_dma semaphore(%arg16 : memref<!tpu.dma_semaphore, #tpu.memory_space<semaphore_mem>>) src(%dma_wait3A_302 : memref<102400x128xf32, #tpu.memory_space<hbm>>) dst(%arg6 : memref<128x128xf32, #tpu.memory_space<vmem>>)
      %add3A_303 = arith.addi %mul3A_2, %add3A_299 : i32
      %dma_start3A_304 = arith.constant 0 : i32
      %dma_start3A_305 = arith.constant 0 : i32
      %dma_start3A_306 = tpu.memref_slice %arg6[%dma_start3A_304, %dma_start3A_305] : memref<128x128xf32, #tpu.memory_space<vmem>> -> memref<128x64xf32, #tpu.memory_space<vmem>>
      %dma_start3A_307 = arith.constant 0 : i32
      %dma_start3A_308 = arith.constant 0 : i32
      %dma_start3A_309 = tpu.memref_slice %arg4[%add3A_303, %dma_start3A_307, %dma_start3A_308] : memref<800x128x64xf32, #tpu.memory_space<hbm>> -> memref<1x128x64xf32, #tpu.memory_space<hbm>>
      %dma_start3A_310 = tpu.memref_squeeze %dma_start3A_309 : memref<1x128x64xf32, #tpu.memory_space<hbm>> -> memref<128x64xf32, #tpu.memory_space<hbm>>
      %dma_start3A_311 = arith.constant 0 : i32
      %dma_start3A_312 = arith.constant 0 : i32
      %dma_start3A_313 = tpu.memref_slice %arg4[%add3A_303, %dma_start3A_311, %dma_start3A_312] : memref<800x128x64xf32, #tpu.memory_space<hbm>> -> memref<1x128x64xf32, #tpu.memory_space<hbm>>
      %dma_start3A_314 = tpu.memref_squeeze %dma_start3A_313 : memref<1x128x64xf32, #tpu.memory_space<hbm>> -> memref<128x64xf32, #tpu.memory_space<hbm>>
      %dma_start3A_315 = arith.constant 0 : i32
      %dma_start3A_316 = arith.constant 0 : i32
      %dma_start3A_317 = tpu.memref_slice %arg6[%dma_start3A_315, %dma_start3A_316] : memref<128x128xf32, #tpu.memory_space<vmem>> -> memref<128x64xf32, #tpu.memory_space<vmem>>
      tpu.enqueue_dma source(%dma_start3A_317 : memref<128x64xf32, #tpu.memory_space<vmem>>) target(%dma_start3A_314 : memref<128x64xf32, #tpu.memory_space<hbm>>) target_semaphore(%arg21 : memref<!tpu.dma_semaphore, #tpu.memory_space<semaphore_mem>>)
      %ge3A = arith.constant 1 : i32
      %ge3A_318 = arith.cmpi sge, %scan3A_295, %ge3A : i32
      %convert_element_type3A = arith.extui %ge3A_318 : i1 to i32
      %cond3A = arith.constant 0 : i32
      %cond3A_319 = arith.cmpi ne, %convert_element_type3A, %cond3A : i32
      scf.if %cond3A_319 {
        %dma_wait3A_505 = arith.constant 0 : i32
        %dma_wait3A_506 = arith.constant 0 : i32
        %dma_wait3A_507 = arith.constant 0 : i32
        %dma_wait3A_508 = tpu.memref_slice %arg10[%dma_wait3A_506, %dma_wait3A_507] : memref<128x128xf32, #tpu.memory_space<vmem>> -> memref<128x64xf32, #tpu.memory_space<vmem>>
        %dma_wait3A_509 = arith.constant 0 : i32
        %dma_wait3A_510 = arith.constant 0 : i32
        %dma_wait3A_511 = tpu.memref_slice %arg4[%dma_wait3A_505, %dma_wait3A_509, %dma_wait3A_510] : memref<800x128x64xf32, #tpu.memory_space<hbm>> -> memref<1x128x64xf32, #tpu.memory_space<hbm>>
        %dma_wait3A_512 = tpu.memref_squeeze %dma_wait3A_511 : memref<1x128x64xf32, #tpu.memory_space<hbm>> -> memref<128x64xf32, #tpu.memory_space<hbm>>
        %dma_wait3A_513 = arith.constant 0 : i32
        %dma_wait3A_514 = arith.constant 0 : i32
        %dma_wait3A_515 = tpu.memref_slice %arg4[%dma_wait3A_505, %dma_wait3A_513, %dma_wait3A_514] : memref<800x128x64xf32, #tpu.memory_space<hbm>> -> memref<1x128x64xf32, #tpu.memory_space<hbm>>
        %dma_wait3A_516 = tpu.memref_squeeze %dma_wait3A_515 : memref<1x128x64xf32, #tpu.memory_space<hbm>> -> memref<128x64xf32, #tpu.memory_space<hbm>>
        %dma_wait3A_517 = arith.constant 0 : i32
        %dma_wait3A_518 = arith.constant 0 : i32
        %dma_wait3A_519 = tpu.memref_slice %arg10[%dma_wait3A_517, %dma_wait3A_518] : memref<128x128xf32, #tpu.memory_space<vmem>> -> memref<128x64xf32, #tpu.memory_space<vmem>>
        tpu.wait_dma2 semaphore(%arg25 : memref<!tpu.dma_semaphore, #tpu.memory_space<semaphore_mem>>) src(%dma_wait3A_519 : memref<128x64xf32, #tpu.memory_space<vmem>>) dst(%dma_wait3A_516 : memref<128x64xf32, #tpu.memory_space<hbm>>)
      } else {
      }
      %add3A_320 = arith.constant 5 : i32
      %add3A_321 = arith.addi %add3A_299, %add3A_320 : i32
      %sub3A = arith.constant 1 : i32
      %sub3A_322 = arith.subi %add3A_321, %sub3A : i32
      %mul3A_323 = arith.constant 128 : i32
      %mul3A_324 = arith.muli %sub3A_322, %mul3A_323 : i32
      %add3A_325 = arith.constant 0 : i32
      %add3A_326 = arith.addi %mul3A_324, %add3A_325 : i32
      %add3A_327 = vector.broadcast %add3A_326 : i32 to vector<16xi32>
      %add3A_328 = arith.addi %add3A_327, %add3A_14 : vector<16xi32>
      %gather3A_329 = tpu.vector_load_idx %arg5[%add3A_328] : memref<3200xi32, #tpu.memory_space<vmem>>[vector<16xi32>], vector<16xi32>,
      %swap3A_330 = arith.constant 0 : index
      %swap3A_331 = tpu.vector_load %arg15[%swap3A_330] {strides = array<i32>} : memref<128xi32, #tpu.memory_space<vmem>>, vector<16xi32>,
      tpu.vector_store %arg15[%swap3A_330], %gather3A_329 {strides = array<i32>} : memref<128xi32, #tpu.memory_space<vmem>>, vector<16xi32>,
      %mul3A_332 = arith.constant 128 : i32
      %mul3A_333 = arith.muli %sub3A_322, %mul3A_332 : i32
      %add3A_334 = arith.constant 8 : i32
      %add3A_335 = arith.addi %mul3A_333, %add3A_334 : i32
      %add3A_336 = vector.broadcast %add3A_335 : i32 to vector<16xi32>
      %add3A_337 = arith.addi %add3A_336, %add3A_14 : vector<16xi32>
      %gather3A_338 = tpu.vector_load_idx %arg5[%add3A_337] : memref<3200xi32, #tpu.memory_space<vmem>>[vector<16xi32>], vector<16xi32>,
      %swap3A_339 = arith.constant 16 : index
      %swap3A_340 = tpu.vector_load %arg15[%swap3A_339] {strides = array<i32>} : memref<128xi32, #tpu.memory_space<vmem>>, vector<16xi32>,
      tpu.vector_store %arg15[%swap3A_339], %gather3A_338 {strides = array<i32>} : memref<128xi32, #tpu.memory_space<vmem>>, vector<16xi32>,
      %mul3A_341 = arith.constant 128 : i32
      %mul3A_342 = arith.muli %sub3A_322, %mul3A_341 : i32
      %add3A_343 = arith.constant 16 : i32
      %add3A_344 = arith.addi %mul3A_342, %add3A_343 : i32
      %add3A_345 = vector.broadcast %add3A_344 : i32 to vector<16xi32>
      %add3A_346 = arith.addi %add3A_345, %add3A_14 : vector<16xi32>
      %gather3A_347 = tpu.vector_load_idx %arg5[%add3A_346] : memref<3200xi32, #tpu.memory_space<vmem>>[vector<16xi32>], vector<16xi32>,
      %swap3A_348 = arith.constant 32 : index
      %swap3A_349 = tpu.vector_load %arg15[%swap3A_348] {strides = array<i32>} : memref<128xi32, #tpu.memory_space<vmem>>, vector<16xi32>,
      tpu.vector_store %arg15[%swap3A_348], %gather3A_347 {strides = array<i32>} : memref<128xi32, #tpu.memory_space<vmem>>, vector<16xi32>,
      %mul3A_350 = arith.constant 128 : i32
      %mul3A_351 = arith.muli %sub3A_322, %mul3A_350 : i32
      %add3A_352 = arith.constant 24 : i32
      %add3A_353 = arith.addi %mul3A_351, %add3A_352 : i32
      %add3A_354 = vector.broadcast %add3A_353 : i32 to vector<16xi32>
      %add3A_355 = arith.addi %add3A_354, %add3A_14 : vector<16xi32>
      %gather3A_356 = tpu.vector_load_idx %arg5[%add3A_355] : memref<3200xi32, #tpu.memory_space<vmem>>[vector<16xi32>], vector<16xi32>,
      %swap3A_357 = arith.constant 48 : index
      %swap3A_358 = tpu.vector_load %arg15[%swap3A_357] {strides = array<i32>} : memref<128xi32, #tpu.memory_space<vmem>>, vector<16xi32>,
      tpu.vector_store %arg15[%swap3A_357], %gather3A_356 {strides = array<i32>} : memref<128xi32, #tpu.memory_space<vmem>>, vector<16xi32>,
      %mul3A_359 = arith.constant 128 : i32
      %mul3A_360 = arith.muli %sub3A_322, %mul3A_359 : i32
      %add3A_361 = arith.constant 32 : i32
      %add3A_362 = arith.addi %mul3A_360, %add3A_361 : i32
      %add3A_363 = vector.broadcast %add3A_362 : i32 to vector<16xi32>
      %add3A_364 = arith.addi %add3A_363, %add3A_14 : vector<16xi32>
      %gather3A_365 = tpu.vector_load_idx %arg5[%add3A_364] : memref<3200xi32, #tpu.memory_space<vmem>>[vector<16xi32>], vector<16xi32>,
      %swap3A_366 = arith.constant 64 : index
      %swap3A_367 = tpu.vector_load %arg15[%swap3A_366] {strides = array<i32>} : memref<128xi32, #tpu.memory_space<vmem>>, vector<16xi32>,
      tpu.vector_store %arg15[%swap3A_366], %gather3A_365 {strides = array<i32>} : memref<128xi32, #tpu.memory_space<vmem>>, vector<16xi32>,
      %mul3A_368 = arith.constant 128 : i32
      %mul3A_369 = arith.muli %sub3A_322, %mul3A_368 : i32
      %add3A_370 = arith.constant 40 : i32
      %add3A_371 = arith.addi %mul3A_369, %add3A_370 : i32
      %add3A_372 = vector.broadcast %add3A_371 : i32 to vector<16xi32>
      %add3A_373 = arith.addi %add3A_372, %add3A_14 : vector<16xi32>
      %gather3A_374 = tpu.vector_load_idx %arg5[%add3A_373] : memref<3200xi32, #tpu.memory_space<vmem>>[vector<16xi32>], vector<16xi32>,
      %swap3A_375 = arith.constant 80 : index
      %swap3A_376 = tpu.vector_load %arg15[%swap3A_375] {strides = array<i32>} : memref<128xi32, #tpu.memory_space<vmem>>, vector<16xi32>,
      tpu.vector_store %arg15[%swap3A_375], %gather3A_374 {strides = array<i32>} : memref<128xi32, #tpu.memory_space<vmem>>, vector<16xi32>,
      %mul3A_377 = arith.constant 128 : i32
      %mul3A_378 = arith.muli %sub3A_322, %mul3A_377 : i32
      %add3A_379 = arith.constant 48 : i32
      %add3A_380 = arith.addi %mul3A_378, %add3A_379 : i32
      %add3A_381 = vector.broadcast %add3A_380 : i32 to vector<16xi32>
      %add3A_382 = arith.addi %add3A_381, %add3A_14 : vector<16xi32>
      %gather3A_383 = tpu.vector_load_idx %arg5[%add3A_382] : memref<3200xi32, #tpu.memory_space<vmem>>[vector<16xi32>], vector<16xi32>,
      %swap3A_384 = arith.constant 96 : index
      %swap3A_385 = tpu.vector_load %arg15[%swap3A_384] {strides = array<i32>} : memref<128xi32, #tpu.memory_space<vmem>>, vector<16xi32>,
      tpu.vector_store %arg15[%swap3A_384], %gather3A_383 {strides = array<i32>} : memref<128xi32, #tpu.memory_space<vmem>>, vector<16xi32>,
      %mul3A_386 = arith.constant 128 : i32
      %mul3A_387 = arith.muli %sub3A_322, %mul3A_386 : i32
      %add3A_388 = arith.constant 56 : i32
      %add3A_389 = arith.addi %mul3A_387, %add3A_388 : i32
      %add3A_390 = vector.broadcast %add3A_389 : i32 to vector<16xi32>
      %add3A_391 = arith.addi %add3A_390, %add3A_14 : vector<16xi32>
      %gather3A_392 = tpu.vector_load_idx %arg5[%add3A_391] : memref<3200xi32, #tpu.memory_space<vmem>>[vector<16xi32>], vector<16xi32>,
      %swap3A_393 = arith.constant 112 : index
      %swap3A_394 = tpu.vector_load %arg15[%swap3A_393] {strides = array<i32>} : memref<128xi32, #tpu.memory_space<vmem>>, vector<16xi32>,
      tpu.vector_store %arg15[%swap3A_393], %gather3A_392 {strides = array<i32>} : memref<128xi32, #tpu.memory_space<vmem>>, vector<16xi32>,
      %dma_start3A_395 = arith.constant 0 : i32
      %dma_start3A_396 = arith.constant 0 : i32
      %dma_start3A_397 = tpu.memref_slice %arg2[%dma_start3A_395, %dma_start3A_396] : memref<102400x128xf32, #tpu.memory_space<hbm>> -> memref<102400x128xf32, #tpu.memory_space<hbm>>
      tpu.enqueue_indirect_dma source(%dma_start3A_397 : memref<102400x128xf32, #tpu.memory_space<hbm>>) target(%arg10 : memref<128x128xf32, #tpu.memory_space<vmem>>) offsets(%arg15 : memref<128xi32, #tpu.memory_space<vmem>>) semaphore(%arg20 : memref<!tpu.dma_semaphore, #tpu.memory_space<semaphore_mem>>)
      %mul3A_398 = arith.constant 5 : i32
      %mul3A_399 = arith.muli %scan3A_295, %mul3A_398 : i32
      %add3A_400 = arith.constant 1 : i32
      %add3A_401 = arith.addi %mul3A_399, %add3A_400 : i32
      %dma_wait3A_402 = arith.constant 0 : i32
      %dma_wait3A_403 = arith.constant 0 : i32
      %dma_wait3A_404 = tpu.memref_slice %arg2[%dma_wait3A_402, %dma_wait3A_403] : memref<102400x128xf32, #tpu.memory_space<hbm>> -> memref<102400x128xf32, #tpu.memory_space<hbm>>
      tpu.wait_indirect_dma semaphore(%arg17 : memref<!tpu.dma_semaphore, #tpu.memory_space<semaphore_mem>>) src(%dma_wait3A_404 : memref<102400x128xf32, #tpu.memory_space<hbm>>) dst(%arg7 : memref<128x128xf32, #tpu.memory_space<vmem>>)
      %add3A_405 = arith.addi %mul3A_2, %add3A_401 : i32
      %dma_start3A_406 = arith.constant 0 : i32
      %dma_start3A_407 = arith.constant 0 : i32
      %dma_start3A_408 = tpu.memref_slice %arg7[%dma_start3A_406, %dma_start3A_407] : memref<128x128xf32, #tpu.memory_space<vmem>> -> memref<128x64xf32, #tpu.memory_space<vmem>>
      %dma_start3A_409 = arith.constant 0 : i32
      %dma_start3A_410 = arith.constant 0 : i32
      %dma_start3A_411 = tpu.memref_slice %arg4[%add3A_405, %dma_start3A_409, %dma_start3A_410] : memref<800x128x64xf32, #tpu.memory_space<hbm>> -> memref<1x128x64xf32, #tpu.memory_space<hbm>>
      %dma_start3A_412 = tpu.memref_squeeze %dma_start3A_411 : memref<1x128x64xf32, #tpu.memory_space<hbm>> -> memref<128x64xf32, #tpu.memory_space<hbm>>
      %dma_start3A_413 = arith.constant 0 : i32
      %dma_start3A_414 = arith.constant 0 : i32
      %dma_start3A_415 = tpu.memref_slice %arg4[%add3A_405, %dma_start3A_413, %dma_start3A_414] : memref<800x128x64xf32, #tpu.memory_space<hbm>> -> memref<1x128x64xf32, #tpu.memory_space<hbm>>
      %dma_start3A_416 = tpu.memref_squeeze %dma_start3A_415 : memref<1x128x64xf32, #tpu.memory_space<hbm>> -> memref<128x64xf32, #tpu.memory_space<hbm>>
      %dma_start3A_417 = arith.constant 0 : i32
      %dma_start3A_418 = arith.constant 0 : i32
      %dma_start3A_419 = tpu.memref_slice %arg7[%dma_start3A_417, %dma_start3A_418] : memref<128x128xf32, #tpu.memory_space<vmem>> -> memref<128x64xf32, #tpu.memory_space<vmem>>
      tpu.enqueue_dma source(%dma_start3A_419 : memref<128x64xf32, #tpu.memory_space<vmem>>) target(%dma_start3A_416 : memref<128x64xf32, #tpu.memory_space<hbm>>) target_semaphore(%arg22 : memref<!tpu.dma_semaphore, #tpu.memory_space<semaphore_mem>>)
      %le3A = arith.constant 3 : i32
      %le3A_420 = arith.cmpi sle, %scan3A_295, %le3A : i32
      %convert_element_type3A_421 = arith.extui %le3A_420 : i1 to i32
      %cond3A_422 = arith.constant 0 : i32
      %cond3A_423 = arith.cmpi ne, %convert_element_type3A_421, %cond3A_422 : i32
      scf.if %cond3A_423 {
        %dma_wait3A_505 = arith.constant 0 : i32
        %dma_wait3A_506 = arith.constant 0 : i32
        %dma_wait3A_507 = arith.constant 0 : i32
        %dma_wait3A_508 = tpu.memref_slice %arg6[%dma_wait3A_506, %dma_wait3A_507] : memref<128x128xf32, #tpu.memory_space<vmem>> -> memref<128x64xf32, #tpu.memory_space<vmem>>
        %dma_wait3A_509 = arith.constant 0 : i32
        %dma_wait3A_510 = arith.constant 0 : i32
        %dma_wait3A_511 = tpu.memref_slice %arg4[%dma_wait3A_505, %dma_wait3A_509, %dma_wait3A_510] : memref<800x128x64xf32, #tpu.memory_space<hbm>> -> memref<1x128x64xf32, #tpu.memory_space<hbm>>
        %dma_wait3A_512 = tpu.memref_squeeze %dma_wait3A_511 : memref<1x128x64xf32, #tpu.memory_space<hbm>> -> memref<128x64xf32, #tpu.memory_space<hbm>>
        %dma_wait3A_513 = arith.constant 0 : i32
        %dma_wait3A_514 = arith.constant 0 : i32
        %dma_wait3A_515 = tpu.memref_slice %arg4[%dma_wait3A_505, %dma_wait3A_513, %dma_wait3A_514] : memref<800x128x64xf32, #tpu.memory_space<hbm>> -> memref<1x128x64xf32, #tpu.memory_space<hbm>>
        %dma_wait3A_516 = tpu.memref_squeeze %dma_wait3A_515 : memref<1x128x64xf32, #tpu.memory_space<hbm>> -> memref<128x64xf32, #tpu.memory_space<hbm>>
        %dma_wait3A_517 = arith.constant 0 : i32
        %dma_wait3A_518 = arith.constant 0 : i32
        %dma_wait3A_519 = tpu.memref_slice %arg6[%dma_wait3A_517, %dma_wait3A_518] : memref<128x128xf32, #tpu.memory_space<vmem>> -> memref<128x64xf32, #tpu.memory_space<vmem>>
        tpu.wait_dma2 semaphore(%arg21 : memref<!tpu.dma_semaphore, #tpu.memory_space<semaphore_mem>>) src(%dma_wait3A_519 : memref<128x64xf32, #tpu.memory_space<vmem>>) dst(%dma_wait3A_516 : memref<128x64xf32, #tpu.memory_space<hbm>>)
        %add3A_520 = arith.constant 5 : i32
        %add3A_521 = arith.addi %add3A_401, %add3A_520 : i32
        %sub3A_522 = arith.constant 1 : i32
        %sub3A_523 = arith.subi %add3A_521, %sub3A_522 : i32
        %mul3A_524 = arith.constant 128 : i32
        %mul3A_525 = arith.muli %sub3A_523, %mul3A_524 : i32
        %add3A_526 = arith.constant 0 : i32
        %add3A_527 = arith.addi %mul3A_525, %add3A_526 : i32
        %add3A_528 = vector.broadcast %add3A_527 : i32 to vector<16xi32>
        %add3A_529 = arith.addi %add3A_528, %add3A_14 : vector<16xi32>
        %gather3A_530 = tpu.vector_load_idx %arg5[%add3A_529] : memref<3200xi32, #tpu.memory_space<vmem>>[vector<16xi32>], vector<16xi32>,
        %swap3A_531 = arith.constant 0 : index
        %swap3A_532 = tpu.vector_load %arg11[%swap3A_531] {strides = array<i32>} : memref<128xi32, #tpu.memory_space<vmem>>, vector<16xi32>,
        tpu.vector_store %arg11[%swap3A_531], %gather3A_530 {strides = array<i32>} : memref<128xi32, #tpu.memory_space<vmem>>, vector<16xi32>,
        %mul3A_533 = arith.constant 128 : i32
        %mul3A_534 = arith.muli %sub3A_523, %mul3A_533 : i32
        %add3A_535 = arith.constant 8 : i32
        %add3A_536 = arith.addi %mul3A_534, %add3A_535 : i32
        %add3A_537 = vector.broadcast %add3A_536 : i32 to vector<16xi32>
        %add3A_538 = arith.addi %add3A_537, %add3A_14 : vector<16xi32>
        %gather3A_539 = tpu.vector_load_idx %arg5[%add3A_538] : memref<3200xi32, #tpu.memory_space<vmem>>[vector<16xi32>], vector<16xi32>,
        %swap3A_540 = arith.constant 16 : index
        %swap3A_541 = tpu.vector_load %arg11[%swap3A_540] {strides = array<i32>} : memref<128xi32, #tpu.memory_space<vmem>>, vector<16xi32>,
        tpu.vector_store %arg11[%swap3A_540], %gather3A_539 {strides = array<i32>} : memref<128xi32, #tpu.memory_space<vmem>>, vector<16xi32>,
        %mul3A_542 = arith.constant 128 : i32
        %mul3A_543 = arith.muli %sub3A_523, %mul3A_542 : i32
        %add3A_544 = arith.constant 16 : i32
        %add3A_545 = arith.addi %mul3A_543, %add3A_544 : i32
        %add3A_546 = vector.broadcast %add3A_545 : i32 to vector<16xi32>
        %add3A_547 = arith.addi %add3A_546, %add3A_14 : vector<16xi32>
        %gather3A_548 = tpu.vector_load_idx %arg5[%add3A_547] : memref<3200xi32, #tpu.memory_space<vmem>>[vector<16xi32>], vector<16xi32>,
        %swap3A_549 = arith.constant 32 : index
        %swap3A_550 = tpu.vector_load %arg11[%swap3A_549] {strides = array<i32>} : memref<128xi32, #tpu.memory_space<vmem>>, vector<16xi32>,
        tpu.vector_store %arg11[%swap3A_549], %gather3A_548 {strides = array<i32>} : memref<128xi32, #tpu.memory_space<vmem>>, vector<16xi32>,
        %mul3A_551 = arith.constant 128 : i32
        %mul3A_552 = arith.muli %sub3A_523, %mul3A_551 : i32
        %add3A_553 = arith.constant 24 : i32
        %add3A_554 = arith.addi %mul3A_552, %add3A_553 : i32
        %add3A_555 = vector.broadcast %add3A_554 : i32 to vector<16xi32>
        %add3A_556 = arith.addi %add3A_555, %add3A_14 : vector<16xi32>
        %gather3A_557 = tpu.vector_load_idx %arg5[%add3A_556] : memref<3200xi32, #tpu.memory_space<vmem>>[vector<16xi32>], vector<16xi32>,
        %swap3A_558 = arith.constant 48 : index
        %swap3A_559 = tpu.vector_load %arg11[%swap3A_558] {strides = array<i32>} : memref<128xi32, #tpu.memory_space<vmem>>, vector<16xi32>,
        tpu.vector_store %arg11[%swap3A_558], %gather3A_557 {strides = array<i32>} : memref<128xi32, #tpu.memory_space<vmem>>, vector<16xi32>,
        %mul3A_560 = arith.constant 128 : i32
        %mul3A_561 = arith.muli %sub3A_523, %mul3A_560 : i32
        %add3A_562 = arith.constant 32 : i32
        %add3A_563 = arith.addi %mul3A_561, %add3A_562 : i32
        %add3A_564 = vector.broadcast %add3A_563 : i32 to vector<16xi32>
        %add3A_565 = arith.addi %add3A_564, %add3A_14 : vector<16xi32>
        %gather3A_566 = tpu.vector_load_idx %arg5[%add3A_565] : memref<3200xi32, #tpu.memory_space<vmem>>[vector<16xi32>], vector<16xi32>,
        %swap3A_567 = arith.constant 64 : index
        %swap3A_568 = tpu.vector_load %arg11[%swap3A_567] {strides = array<i32>} : memref<128xi32, #tpu.memory_space<vmem>>, vector<16xi32>,
        tpu.vector_store %arg11[%swap3A_567], %gather3A_566 {strides = array<i32>} : memref<128xi32, #tpu.memory_space<vmem>>, vector<16xi32>,
        %mul3A_569 = arith.constant 128 : i32
        %mul3A_570 = arith.muli %sub3A_523, %mul3A_569 : i32
        %add3A_571 = arith.constant 40 : i32
        %add3A_572 = arith.addi %mul3A_570, %add3A_571 : i32
        %add3A_573 = vector.broadcast %add3A_572 : i32 to vector<16xi32>
        %add3A_574 = arith.addi %add3A_573, %add3A_14 : vector<16xi32>
        %gather3A_575 = tpu.vector_load_idx %arg5[%add3A_574] : memref<3200xi32, #tpu.memory_space<vmem>>[vector<16xi32>], vector<16xi32>,
        %swap3A_576 = arith.constant 80 : index
        %swap3A_577 = tpu.vector_load %arg11[%swap3A_576] {strides = array<i32>} : memref<128xi32, #tpu.memory_space<vmem>>, vector<16xi32>,
        tpu.vector_store %arg11[%swap3A_576], %gather3A_575 {strides = array<i32>} : memref<128xi32, #tpu.memory_space<vmem>>, vector<16xi32>,
        %mul3A_578 = arith.constant 128 : i32
        %mul3A_579 = arith.muli %sub3A_523, %mul3A_578 : i32
        %add3A_580 = arith.constant 48 : i32
        %add3A_581 = arith.addi %mul3A_579, %add3A_580 : i32
        %add3A_582 = vector.broadcast %add3A_581 : i32 to vector<16xi32>
        %add3A_583 = arith.addi %add3A_582, %add3A_14 : vector<16xi32>
        %gather3A_584 = tpu.vector_load_idx %arg5[%add3A_583] : memref<3200xi32, #tpu.memory_space<vmem>>[vector<16xi32>], vector<16xi32>,
        %swap3A_585 = arith.constant 96 : index
        %swap3A_586 = tpu.vector_load %arg11[%swap3A_585] {strides = array<i32>} : memref<128xi32, #tpu.memory_space<vmem>>, vector<16xi32>,
        tpu.vector_store %arg11[%swap3A_585], %gather3A_584 {strides = array<i32>} : memref<128xi32, #tpu.memory_space<vmem>>, vector<16xi32>,
        %mul3A_587 = arith.constant 128 : i32
        %mul3A_588 = arith.muli %sub3A_523, %mul3A_587 : i32
        %add3A_589 = arith.constant 56 : i32
        %add3A_590 = arith.addi %mul3A_588, %add3A_589 : i32
        %add3A_591 = vector.broadcast %add3A_590 : i32 to vector<16xi32>
        %add3A_592 = arith.addi %add3A_591, %add3A_14 : vector<16xi32>
        %gather3A_593 = tpu.vector_load_idx %arg5[%add3A_592] : memref<3200xi32, #tpu.memory_space<vmem>>[vector<16xi32>], vector<16xi32>,
        %swap3A_594 = arith.constant 112 : index
        %swap3A_595 = tpu.vector_load %arg11[%swap3A_594] {strides = array<i32>} : memref<128xi32, #tpu.memory_space<vmem>>, vector<16xi32>,
        tpu.vector_store %arg11[%swap3A_594], %gather3A_593 {strides = array<i32>} : memref<128xi32, #tpu.memory_space<vmem>>, vector<16xi32>,
        %dma_start3A_596 = arith.constant 0 : i32
        %dma_start3A_597 = arith.constant 0 : i32
        %dma_start3A_598 = tpu.memref_slice %arg2[%dma_start3A_596, %dma_start3A_597] : memref<102400x128xf32, #tpu.memory_space<hbm>> -> memref<102400x128xf32, #tpu.memory_space<hbm>>
        tpu.enqueue_indirect_dma source(%dma_start3A_598 : memref<102400x128xf32, #tpu.memory_space<hbm>>) target(%arg6 : memref<128x128xf32, #tpu.memory_space<vmem>>) offsets(%arg11 : memref<128xi32, #tpu.memory_space<vmem>>) semaphore(%arg16 : memref<!tpu.dma_semaphore, #tpu.memory_space<semaphore_mem>>)
      } else {
      }
      %mul3A_424 = arith.constant 5 : i32
      %mul3A_425 = arith.muli %scan3A_295, %mul3A_424 : i32
      %add3A_426 = arith.constant 2 : i32
      %add3A_427 = arith.addi %mul3A_425, %add3A_426 : i32
      %dma_wait3A_428 = arith.constant 0 : i32
      %dma_wait3A_429 = arith.constant 0 : i32
      %dma_wait3A_430 = tpu.memref_slice %arg2[%dma_wait3A_428, %dma_wait3A_429] : memref<102400x128xf32, #tpu.memory_space<hbm>> -> memref<102400x128xf32, #tpu.memory_space<hbm>>
      tpu.wait_indirect_dma semaphore(%arg18 : memref<!tpu.dma_semaphore, #tpu.memory_space<semaphore_mem>>) src(%dma_wait3A_430 : memref<102400x128xf32, #tpu.memory_space<hbm>>) dst(%arg8 : memref<128x128xf32, #tpu.memory_space<vmem>>)
      %add3A_431 = arith.addi %mul3A_2, %add3A_427 : i32
      %dma_start3A_432 = arith.constant 0 : i32
      %dma_start3A_433 = arith.constant 0 : i32
      %dma_start3A_434 = tpu.memref_slice %arg8[%dma_start3A_432, %dma_start3A_433] : memref<128x128xf32, #tpu.memory_space<vmem>> -> memref<128x64xf32, #tpu.memory_space<vmem>>
      %dma_start3A_435 = arith.constant 0 : i32
      %dma_start3A_436 = arith.constant 0 : i32
      %dma_start3A_437 = tpu.memref_slice %arg4[%add3A_431, %dma_start3A_435, %dma_start3A_436] : memref<800x128x64xf32, #tpu.memory_space<hbm>> -> memref<1x128x64xf32, #tpu.memory_space<hbm>>
      %dma_start3A_438 = tpu.memref_squeeze %dma_start3A_437 : memref<1x128x64xf32, #tpu.memory_space<hbm>> -> memref<128x64xf32, #tpu.memory_space<hbm>>
      %dma_start3A_439 = arith.constant 0 : i32
      %dma_start3A_440 = arith.constant 0 : i32
      %dma_start3A_441 = tpu.memref_slice %arg4[%add3A_431, %dma_start3A_439, %dma_start3A_440] : memref<800x128x64xf32, #tpu.memory_space<hbm>> -> memref<1x128x64xf32, #tpu.memory_space<hbm>>
      %dma_start3A_442 = tpu.memref_squeeze %dma_start3A_441 : memref<1x128x64xf32, #tpu.memory_space<hbm>> -> memref<128x64xf32, #tpu.memory_space<hbm>>
      %dma_start3A_443 = arith.constant 0 : i32
      %dma_start3A_444 = arith.constant 0 : i32
      %dma_start3A_445 = tpu.memref_slice %arg8[%dma_start3A_443, %dma_start3A_444] : memref<128x128xf32, #tpu.memory_space<vmem>> -> memref<128x64xf32, #tpu.memory_space<vmem>>
      tpu.enqueue_dma source(%dma_start3A_445 : memref<128x64xf32, #tpu.memory_space<vmem>>) target(%dma_start3A_442 : memref<128x64xf32, #tpu.memory_space<hbm>>) target_semaphore(%arg23 : memref<!tpu.dma_semaphore, #tpu.memory_space<semaphore_mem>>)
      %le3A_446 = arith.constant 3 : i32
      %le3A_447 = arith.cmpi sle, %scan3A_295, %le3A_446 : i32
      %convert_element_type3A_448 = arith.extui %le3A_447 : i1 to i32
      %cond3A_449 = arith.constant 0 : i32
      %cond3A_450 = arith.cmpi ne, %convert_element_type3A_448, %cond3A_449 : i32
      scf.if %cond3A_450 {
        %dma_wait3A_505 = arith.constant 0 : i32
        %dma_wait3A_506 = arith.constant 0 : i32
        %dma_wait3A_507 = arith.constant 0 : i32
        %dma_wait3A_508 = tpu.memref_slice %arg7[%dma_wait3A_506, %dma_wait3A_507] : memref<128x128xf32, #tpu.memory_space<vmem>> -> memref<128x64xf32, #tpu.memory_space<vmem>>
        %dma_wait3A_509 = arith.constant 0 : i32
        %dma_wait3A_510 = arith.constant 0 : i32
        %dma_wait3A_511 = tpu.memref_slice %arg4[%dma_wait3A_505, %dma_wait3A_509, %dma_wait3A_510] : memref<800x128x64xf32, #tpu.memory_space<hbm>> -> memref<1x128x64xf32, #tpu.memory_space<hbm>>
        %dma_wait3A_512 = tpu.memref_squeeze %dma_wait3A_511 : memref<1x128x64xf32, #tpu.memory_space<hbm>> -> memref<128x64xf32, #tpu.memory_space<hbm>>
        %dma_wait3A_513 = arith.constant 0 : i32
        %dma_wait3A_514 = arith.constant 0 : i32
        %dma_wait3A_515 = tpu.memref_slice %arg4[%dma_wait3A_505, %dma_wait3A_513, %dma_wait3A_514] : memref<800x128x64xf32, #tpu.memory_space<hbm>> -> memref<1x128x64xf32, #tpu.memory_space<hbm>>
        %dma_wait3A_516 = tpu.memref_squeeze %dma_wait3A_515 : memref<1x128x64xf32, #tpu.memory_space<hbm>> -> memref<128x64xf32, #tpu.memory_space<hbm>>
        %dma_wait3A_517 = arith.constant 0 : i32
        %dma_wait3A_518 = arith.constant 0 : i32
        %dma_wait3A_519 = tpu.memref_slice %arg7[%dma_wait3A_517, %dma_wait3A_518] : memref<128x128xf32, #tpu.memory_space<vmem>> -> memref<128x64xf32, #tpu.memory_space<vmem>>
        tpu.wait_dma2 semaphore(%arg22 : memref<!tpu.dma_semaphore, #tpu.memory_space<semaphore_mem>>) src(%dma_wait3A_519 : memref<128x64xf32, #tpu.memory_space<vmem>>) dst(%dma_wait3A_516 : memref<128x64xf32, #tpu.memory_space<hbm>>)
        %add3A_520 = arith.constant 5 : i32
        %add3A_521 = arith.addi %add3A_427, %add3A_520 : i32
        %sub3A_522 = arith.constant 1 : i32
        %sub3A_523 = arith.subi %add3A_521, %sub3A_522 : i32
        %mul3A_524 = arith.constant 128 : i32
        %mul3A_525 = arith.muli %sub3A_523, %mul3A_524 : i32
        %add3A_526 = arith.constant 0 : i32
        %add3A_527 = arith.addi %mul3A_525, %add3A_526 : i32
        %add3A_528 = vector.broadcast %add3A_527 : i32 to vector<16xi32>
        %add3A_529 = arith.addi %add3A_528, %add3A_14 : vector<16xi32>
        %gather3A_530 = tpu.vector_load_idx %arg5[%add3A_529] : memref<3200xi32, #tpu.memory_space<vmem>>[vector<16xi32>], vector<16xi32>,
        %swap3A_531 = arith.constant 0 : index
        %swap3A_532 = tpu.vector_load %arg12[%swap3A_531] {strides = array<i32>} : memref<128xi32, #tpu.memory_space<vmem>>, vector<16xi32>,
        tpu.vector_store %arg12[%swap3A_531], %gather3A_530 {strides = array<i32>} : memref<128xi32, #tpu.memory_space<vmem>>, vector<16xi32>,
        %mul3A_533 = arith.constant 128 : i32
        %mul3A_534 = arith.muli %sub3A_523, %mul3A_533 : i32
        %add3A_535 = arith.constant 8 : i32
        %add3A_536 = arith.addi %mul3A_534, %add3A_535 : i32
        %add3A_537 = vector.broadcast %add3A_536 : i32 to vector<16xi32>
        %add3A_538 = arith.addi %add3A_537, %add3A_14 : vector<16xi32>
        %gather3A_539 = tpu.vector_load_idx %arg5[%add3A_538] : memref<3200xi32, #tpu.memory_space<vmem>>[vector<16xi32>], vector<16xi32>,
        %swap3A_540 = arith.constant 16 : index
        %swap3A_541 = tpu.vector_load %arg12[%swap3A_540] {strides = array<i32>} : memref<128xi32, #tpu.memory_space<vmem>>, vector<16xi32>,
        tpu.vector_store %arg12[%swap3A_540], %gather3A_539 {strides = array<i32>} : memref<128xi32, #tpu.memory_space<vmem>>, vector<16xi32>,
        %mul3A_542 = arith.constant 128 : i32
        %mul3A_543 = arith.muli %sub3A_523, %mul3A_542 : i32
        %add3A_544 = arith.constant 16 : i32
        %add3A_545 = arith.addi %mul3A_543, %add3A_544 : i32
        %add3A_546 = vector.broadcast %add3A_545 : i32 to vector<16xi32>
        %add3A_547 = arith.addi %add3A_546, %add3A_14 : vector<16xi32>
        %gather3A_548 = tpu.vector_load_idx %arg5[%add3A_547] : memref<3200xi32, #tpu.memory_space<vmem>>[vector<16xi32>], vector<16xi32>,
        %swap3A_549 = arith.constant 32 : index
        %swap3A_550 = tpu.vector_load %arg12[%swap3A_549] {strides = array<i32>} : memref<128xi32, #tpu.memory_space<vmem>>, vector<16xi32>,
        tpu.vector_store %arg12[%swap3A_549], %gather3A_548 {strides = array<i32>} : memref<128xi32, #tpu.memory_space<vmem>>, vector<16xi32>,
        %mul3A_551 = arith.constant 128 : i32
        %mul3A_552 = arith.muli %sub3A_523, %mul3A_551 : i32
        %add3A_553 = arith.constant 24 : i32
        %add3A_554 = arith.addi %mul3A_552, %add3A_553 : i32
        %add3A_555 = vector.broadcast %add3A_554 : i32 to vector<16xi32>
        %add3A_556 = arith.addi %add3A_555, %add3A_14 : vector<16xi32>
        %gather3A_557 = tpu.vector_load_idx %arg5[%add3A_556] : memref<3200xi32, #tpu.memory_space<vmem>>[vector<16xi32>], vector<16xi32>,
        %swap3A_558 = arith.constant 48 : index
        %swap3A_559 = tpu.vector_load %arg12[%swap3A_558] {strides = array<i32>} : memref<128xi32, #tpu.memory_space<vmem>>, vector<16xi32>,
        tpu.vector_store %arg12[%swap3A_558], %gather3A_557 {strides = array<i32>} : memref<128xi32, #tpu.memory_space<vmem>>, vector<16xi32>,
        %mul3A_560 = arith.constant 128 : i32
        %mul3A_561 = arith.muli %sub3A_523, %mul3A_560 : i32
        %add3A_562 = arith.constant 32 : i32
        %add3A_563 = arith.addi %mul3A_561, %add3A_562 : i32
        %add3A_564 = vector.broadcast %add3A_563 : i32 to vector<16xi32>
        %add3A_565 = arith.addi %add3A_564, %add3A_14 : vector<16xi32>
        %gather3A_566 = tpu.vector_load_idx %arg5[%add3A_565] : memref<3200xi32, #tpu.memory_space<vmem>>[vector<16xi32>], vector<16xi32>,
        %swap3A_567 = arith.constant 64 : index
        %swap3A_568 = tpu.vector_load %arg12[%swap3A_567] {strides = array<i32>} : memref<128xi32, #tpu.memory_space<vmem>>, vector<16xi32>,
        tpu.vector_store %arg12[%swap3A_567], %gather3A_566 {strides = array<i32>} : memref<128xi32, #tpu.memory_space<vmem>>, vector<16xi32>,
        %mul3A_569 = arith.constant 128 : i32
        %mul3A_570 = arith.muli %sub3A_523, %mul3A_569 : i32
        %add3A_571 = arith.constant 40 : i32
        %add3A_572 = arith.addi %mul3A_570, %add3A_571 : i32
        %add3A_573 = vector.broadcast %add3A_572 : i32 to vector<16xi32>
        %add3A_574 = arith.addi %add3A_573, %add3A_14 : vector<16xi32>
        %gather3A_575 = tpu.vector_load_idx %arg5[%add3A_574] : memref<3200xi32, #tpu.memory_space<vmem>>[vector<16xi32>], vector<16xi32>,
        %swap3A_576 = arith.constant 80 : index
        %swap3A_577 = tpu.vector_load %arg12[%swap3A_576] {strides = array<i32>} : memref<128xi32, #tpu.memory_space<vmem>>, vector<16xi32>,
        tpu.vector_store %arg12[%swap3A_576], %gather3A_575 {strides = array<i32>} : memref<128xi32, #tpu.memory_space<vmem>>, vector<16xi32>,
        %mul3A_578 = arith.constant 128 : i32
        %mul3A_579 = arith.muli %sub3A_523, %mul3A_578 : i32
        %add3A_580 = arith.constant 48 : i32
        %add3A_581 = arith.addi %mul3A_579, %add3A_580 : i32
        %add3A_582 = vector.broadcast %add3A_581 : i32 to vector<16xi32>
        %add3A_583 = arith.addi %add3A_582, %add3A_14 : vector<16xi32>
        %gather3A_584 = tpu.vector_load_idx %arg5[%add3A_583] : memref<3200xi32, #tpu.memory_space<vmem>>[vector<16xi32>], vector<16xi32>,
        %swap3A_585 = arith.constant 96 : index
        %swap3A_586 = tpu.vector_load %arg12[%swap3A_585] {strides = array<i32>} : memref<128xi32, #tpu.memory_space<vmem>>, vector<16xi32>,
        tpu.vector_store %arg12[%swap3A_585], %gather3A_584 {strides = array<i32>} : memref<128xi32, #tpu.memory_space<vmem>>, vector<16xi32>,
        %mul3A_587 = arith.constant 128 : i32
        %mul3A_588 = arith.muli %sub3A_523, %mul3A_587 : i32
        %add3A_589 = arith.constant 56 : i32
        %add3A_590 = arith.addi %mul3A_588, %add3A_589 : i32
        %add3A_591 = vector.broadcast %add3A_590 : i32 to vector<16xi32>
        %add3A_592 = arith.addi %add3A_591, %add3A_14 : vector<16xi32>
        %gather3A_593 = tpu.vector_load_idx %arg5[%add3A_592] : memref<3200xi32, #tpu.memory_space<vmem>>[vector<16xi32>], vector<16xi32>,
        %swap3A_594 = arith.constant 112 : index
        %swap3A_595 = tpu.vector_load %arg12[%swap3A_594] {strides = array<i32>} : memref<128xi32, #tpu.memory_space<vmem>>, vector<16xi32>,
        tpu.vector_store %arg12[%swap3A_594], %gather3A_593 {strides = array<i32>} : memref<128xi32, #tpu.memory_space<vmem>>, vector<16xi32>,
        %dma_start3A_596 = arith.constant 0 : i32
        %dma_start3A_597 = arith.constant 0 : i32
        %dma_start3A_598 = tpu.memref_slice %arg2[%dma_start3A_596, %dma_start3A_597] : memref<102400x128xf32, #tpu.memory_space<hbm>> -> memref<102400x128xf32, #tpu.memory_space<hbm>>
        tpu.enqueue_indirect_dma source(%dma_start3A_598 : memref<102400x128xf32, #tpu.memory_space<hbm>>) target(%arg7 : memref<128x128xf32, #tpu.memory_space<vmem>>) offsets(%arg12 : memref<128xi32, #tpu.memory_space<vmem>>) semaphore(%arg17 : memref<!tpu.dma_semaphore, #tpu.memory_space<semaphore_mem>>)
      } else {
      }
      %mul3A_451 = arith.constant 5 : i32
      %mul3A_452 = arith.muli %scan3A_295, %mul3A_451 : i32
      %add3A_453 = arith.constant 3 : i32
      %add3A_454 = arith.addi %mul3A_452, %add3A_453 : i32
      %dma_wait3A_455 = arith.constant 0 : i32
      %dma_wait3A_456 = arith.constant 0 : i32
      %dma_wait3A_457 = tpu.memref_slice %arg2[%dma_wait3A_455, %dma_wait3A_456] : memref<102400x128xf32, #tpu.memory_space<hbm>> -> memref<102400x128xf32, #tpu.memory_space<hbm>>
      tpu.wait_indirect_dma semaphore(%arg19 : memref<!tpu.dma_semaphore, #tpu.memory_space<semaphore_mem>>) src(%dma_wait3A_457 : memref<102400x128xf32, #tpu.memory_space<hbm>>) dst(%arg9 : memref<128x128xf32, #tpu.memory_space<vmem>>)
      %add3A_458 = arith.addi %mul3A_2, %add3A_454 : i32
      %dma_start3A_459 = arith.constant 0 : i32
      %dma_start3A_460 = arith.constant 0 : i32
      %dma_start3A_461 = tpu.memref_slice %arg9[%dma_start3A_459, %dma_start3A_460] : memref<128x128xf32, #tpu.memory_space<vmem>> -> memref<128x64xf32, #tpu.memory_space<vmem>>
      %dma_start3A_462 = arith.constant 0 : i32
      %dma_start3A_463 = arith.constant 0 : i32
      %dma_start3A_464 = tpu.memref_slice %arg4[%add3A_458, %dma_start3A_462, %dma_start3A_463] : memref<800x128x64xf32, #tpu.memory_space<hbm>> -> memref<1x128x64xf32, #tpu.memory_space<hbm>>
      %dma_start3A_465 = tpu.memref_squeeze %dma_start3A_464 : memref<1x128x64xf32, #tpu.memory_space<hbm>> -> memref<128x64xf32, #tpu.memory_space<hbm>>
      %dma_start3A_466 = arith.constant 0 : i32
      %dma_start3A_467 = arith.constant 0 : i32
      %dma_start3A_468 = tpu.memref_slice %arg4[%add3A_458, %dma_start3A_466, %dma_start3A_467] : memref<800x128x64xf32, #tpu.memory_space<hbm>> -> memref<1x128x64xf32, #tpu.memory_space<hbm>>
      %dma_start3A_469 = tpu.memref_squeeze %dma_start3A_468 : memref<1x128x64xf32, #tpu.memory_space<hbm>> -> memref<128x64xf32, #tpu.memory_space<hbm>>
      %dma_start3A_470 = arith.constant 0 : i32
      %dma_start3A_471 = arith.constant 0 : i32
      %dma_start3A_472 = tpu.memref_slice %arg9[%dma_start3A_470, %dma_start3A_471] : memref<128x128xf32, #tpu.memory_space<vmem>> -> memref<128x64xf32, #tpu.memory_space<vmem>>
      tpu.enqueue_dma source(%dma_start3A_472 : memref<128x64xf32, #tpu.memory_space<vmem>>) target(%dma_start3A_469 : memref<128x64xf32, #tpu.memory_space<hbm>>) target_semaphore(%arg24 : memref<!tpu.dma_semaphore, #tpu.memory_space<semaphore_mem>>)
      %le3A_473 = arith.constant 3 : i32
      %le3A_474 = arith.cmpi sle, %scan3A_295, %le3A_473 : i32
      %convert_element_type3A_475 = arith.extui %le3A_474 : i1 to i32
      %cond3A_476 = arith.constant 0 : i32
      %cond3A_477 = arith.cmpi ne, %convert_element_type3A_475, %cond3A_476 : i32
      scf.if %cond3A_477 {
        %dma_wait3A_505 = arith.constant 0 : i32
        %dma_wait3A_506 = arith.constant 0 : i32
        %dma_wait3A_507 = arith.constant 0 : i32
        %dma_wait3A_508 = tpu.memref_slice %arg8[%dma_wait3A_506, %dma_wait3A_507] : memref<128x128xf32, #tpu.memory_space<vmem>> -> memref<128x64xf32, #tpu.memory_space<vmem>>
        %dma_wait3A_509 = arith.constant 0 : i32
        %dma_wait3A_510 = arith.constant 0 : i32
        %dma_wait3A_511 = tpu.memref_slice %arg4[%dma_wait3A_505, %dma_wait3A_509, %dma_wait3A_510] : memref<800x128x64xf32, #tpu.memory_space<hbm>> -> memref<1x128x64xf32, #tpu.memory_space<hbm>>
        %dma_wait3A_512 = tpu.memref_squeeze %dma_wait3A_511 : memref<1x128x64xf32, #tpu.memory_space<hbm>> -> memref<128x64xf32, #tpu.memory_space<hbm>>
        %dma_wait3A_513 = arith.constant 0 : i32
        %dma_wait3A_514 = arith.constant 0 : i32
        %dma_wait3A_515 = tpu.memref_slice %arg4[%dma_wait3A_505, %dma_wait3A_513, %dma_wait3A_514] : memref<800x128x64xf32, #tpu.memory_space<hbm>> -> memref<1x128x64xf32, #tpu.memory_space<hbm>>
        %dma_wait3A_516 = tpu.memref_squeeze %dma_wait3A_515 : memref<1x128x64xf32, #tpu.memory_space<hbm>> -> memref<128x64xf32, #tpu.memory_space<hbm>>
        %dma_wait3A_517 = arith.constant 0 : i32
        %dma_wait3A_518 = arith.constant 0 : i32
        %dma_wait3A_519 = tpu.memref_slice %arg8[%dma_wait3A_517, %dma_wait3A_518] : memref<128x128xf32, #tpu.memory_space<vmem>> -> memref<128x64xf32, #tpu.memory_space<vmem>>
        tpu.wait_dma2 semaphore(%arg23 : memref<!tpu.dma_semaphore, #tpu.memory_space<semaphore_mem>>) src(%dma_wait3A_519 : memref<128x64xf32, #tpu.memory_space<vmem>>) dst(%dma_wait3A_516 : memref<128x64xf32, #tpu.memory_space<hbm>>)
        %add3A_520 = arith.constant 5 : i32
        %add3A_521 = arith.addi %add3A_454, %add3A_520 : i32
        %sub3A_522 = arith.constant 1 : i32
        %sub3A_523 = arith.subi %add3A_521, %sub3A_522 : i32
        %mul3A_524 = arith.constant 128 : i32
        %mul3A_525 = arith.muli %sub3A_523, %mul3A_524 : i32
        %add3A_526 = arith.constant 0 : i32
        %add3A_527 = arith.addi %mul3A_525, %add3A_526 : i32
        %add3A_528 = vector.broadcast %add3A_527 : i32 to vector<16xi32>
        %add3A_529 = arith.addi %add3A_528, %add3A_14 : vector<16xi32>
        %gather3A_530 = tpu.vector_load_idx %arg5[%add3A_529] : memref<3200xi32, #tpu.memory_space<vmem>>[vector<16xi32>], vector<16xi32>,
        %swap3A_531 = arith.constant 0 : index
        %swap3A_532 = tpu.vector_load %arg13[%swap3A_531] {strides = array<i32>} : memref<128xi32, #tpu.memory_space<vmem>>, vector<16xi32>,
        tpu.vector_store %arg13[%swap3A_531], %gather3A_530 {strides = array<i32>} : memref<128xi32, #tpu.memory_space<vmem>>, vector<16xi32>,
        %mul3A_533 = arith.constant 128 : i32
        %mul3A_534 = arith.muli %sub3A_523, %mul3A_533 : i32
        %add3A_535 = arith.constant 8 : i32
        %add3A_536 = arith.addi %mul3A_534, %add3A_535 : i32
        %add3A_537 = vector.broadcast %add3A_536 : i32 to vector<16xi32>
        %add3A_538 = arith.addi %add3A_537, %add3A_14 : vector<16xi32>
        %gather3A_539 = tpu.vector_load_idx %arg5[%add3A_538] : memref<3200xi32, #tpu.memory_space<vmem>>[vector<16xi32>], vector<16xi32>,
        %swap3A_540 = arith.constant 16 : index
        %swap3A_541 = tpu.vector_load %arg13[%swap3A_540] {strides = array<i32>} : memref<128xi32, #tpu.memory_space<vmem>>, vector<16xi32>,
        tpu.vector_store %arg13[%swap3A_540], %gather3A_539 {strides = array<i32>} : memref<128xi32, #tpu.memory_space<vmem>>, vector<16xi32>,
        %mul3A_542 = arith.constant 128 : i32
        %mul3A_543 = arith.muli %sub3A_523, %mul3A_542 : i32
        %add3A_544 = arith.constant 16 : i32
        %add3A_545 = arith.addi %mul3A_543, %add3A_544 : i32
        %add3A_546 = vector.broadcast %add3A_545 : i32 to vector<16xi32>
        %add3A_547 = arith.addi %add3A_546, %add3A_14 : vector<16xi32>
        %gather3A_548 = tpu.vector_load_idx %arg5[%add3A_547] : memref<3200xi32, #tpu.memory_space<vmem>>[vector<16xi32>], vector<16xi32>,
        %swap3A_549 = arith.constant 32 : index
        %swap3A_550 = tpu.vector_load %arg13[%swap3A_549] {strides = array<i32>} : memref<128xi32, #tpu.memory_space<vmem>>, vector<16xi32>,
        tpu.vector_store %arg13[%swap3A_549], %gather3A_548 {strides = array<i32>} : memref<128xi32, #tpu.memory_space<vmem>>, vector<16xi32>,
        %mul3A_551 = arith.constant 128 : i32
        %mul3A_552 = arith.muli %sub3A_523, %mul3A_551 : i32
        %add3A_553 = arith.constant 24 : i32
        %add3A_554 = arith.addi %mul3A_552, %add3A_553 : i32
        %add3A_555 = vector.broadcast %add3A_554 : i32 to vector<16xi32>
        %add3A_556 = arith.addi %add3A_555, %add3A_14 : vector<16xi32>
        %gather3A_557 = tpu.vector_load_idx %arg5[%add3A_556] : memref<3200xi32, #tpu.memory_space<vmem>>[vector<16xi32>], vector<16xi32>,
        %swap3A_558 = arith.constant 48 : index
        %swap3A_559 = tpu.vector_load %arg13[%swap3A_558] {strides = array<i32>} : memref<128xi32, #tpu.memory_space<vmem>>, vector<16xi32>,
        tpu.vector_store %arg13[%swap3A_558], %gather3A_557 {strides = array<i32>} : memref<128xi32, #tpu.memory_space<vmem>>, vector<16xi32>,
        %mul3A_560 = arith.constant 128 : i32
        %mul3A_561 = arith.muli %sub3A_523, %mul3A_560 : i32
        %add3A_562 = arith.constant 32 : i32
        %add3A_563 = arith.addi %mul3A_561, %add3A_562 : i32
        %add3A_564 = vector.broadcast %add3A_563 : i32 to vector<16xi32>
        %add3A_565 = arith.addi %add3A_564, %add3A_14 : vector<16xi32>
        %gather3A_566 = tpu.vector_load_idx %arg5[%add3A_565] : memref<3200xi32, #tpu.memory_space<vmem>>[vector<16xi32>], vector<16xi32>,
        %swap3A_567 = arith.constant 64 : index
        %swap3A_568 = tpu.vector_load %arg13[%swap3A_567] {strides = array<i32>} : memref<128xi32, #tpu.memory_space<vmem>>, vector<16xi32>,
        tpu.vector_store %arg13[%swap3A_567], %gather3A_566 {strides = array<i32>} : memref<128xi32, #tpu.memory_space<vmem>>, vector<16xi32>,
        %mul3A_569 = arith.constant 128 : i32
        %mul3A_570 = arith.muli %sub3A_523, %mul3A_569 : i32
        %add3A_571 = arith.constant 40 : i32
        %add3A_572 = arith.addi %mul3A_570, %add3A_571 : i32
        %add3A_573 = vector.broadcast %add3A_572 : i32 to vector<16xi32>
        %add3A_574 = arith.addi %add3A_573, %add3A_14 : vector<16xi32>
        %gather3A_575 = tpu.vector_load_idx %arg5[%add3A_574] : memref<3200xi32, #tpu.memory_space<vmem>>[vector<16xi32>], vector<16xi32>,
        %swap3A_576 = arith.constant 80 : index
        %swap3A_577 = tpu.vector_load %arg13[%swap3A_576] {strides = array<i32>} : memref<128xi32, #tpu.memory_space<vmem>>, vector<16xi32>,
        tpu.vector_store %arg13[%swap3A_576], %gather3A_575 {strides = array<i32>} : memref<128xi32, #tpu.memory_space<vmem>>, vector<16xi32>,
        %mul3A_578 = arith.constant 128 : i32
        %mul3A_579 = arith.muli %sub3A_523, %mul3A_578 : i32
        %add3A_580 = arith.constant 48 : i32
        %add3A_581 = arith.addi %mul3A_579, %add3A_580 : i32
        %add3A_582 = vector.broadcast %add3A_581 : i32 to vector<16xi32>
        %add3A_583 = arith.addi %add3A_582, %add3A_14 : vector<16xi32>
        %gather3A_584 = tpu.vector_load_idx %arg5[%add3A_583] : memref<3200xi32, #tpu.memory_space<vmem>>[vector<16xi32>], vector<16xi32>,
        %swap3A_585 = arith.constant 96 : index
        %swap3A_586 = tpu.vector_load %arg13[%swap3A_585] {strides = array<i32>} : memref<128xi32, #tpu.memory_space<vmem>>, vector<16xi32>,
        tpu.vector_store %arg13[%swap3A_585], %gather3A_584 {strides = array<i32>} : memref<128xi32, #tpu.memory_space<vmem>>, vector<16xi32>,
        %mul3A_587 = arith.constant 128 : i32
        %mul3A_588 = arith.muli %sub3A_523, %mul3A_587 : i32
        %add3A_589 = arith.constant 56 : i32
        %add3A_590 = arith.addi %mul3A_588, %add3A_589 : i32
        %add3A_591 = vector.broadcast %add3A_590 : i32 to vector<16xi32>
        %add3A_592 = arith.addi %add3A_591, %add3A_14 : vector<16xi32>
        %gather3A_593 = tpu.vector_load_idx %arg5[%add3A_592] : memref<3200xi32, #tpu.memory_space<vmem>>[vector<16xi32>], vector<16xi32>,
        %swap3A_594 = arith.constant 112 : index
        %swap3A_595 = tpu.vector_load %arg13[%swap3A_594] {strides = array<i32>} : memref<128xi32, #tpu.memory_space<vmem>>, vector<16xi32>,
        tpu.vector_store %arg13[%swap3A_594], %gather3A_593 {strides = array<i32>} : memref<128xi32, #tpu.memory_space<vmem>>, vector<16xi32>,
        %dma_start3A_596 = arith.constant 0 : i32
        %dma_start3A_597 = arith.constant 0 : i32
        %dma_start3A_598 = tpu.memref_slice %arg2[%dma_start3A_596, %dma_start3A_597] : memref<102400x128xf32, #tpu.memory_space<hbm>> -> memref<102400x128xf32, #tpu.memory_space<hbm>>
        tpu.enqueue_indirect_dma source(%dma_start3A_598 : memref<102400x128xf32, #tpu.memory_space<hbm>>) target(%arg8 : memref<128x128xf32, #tpu.memory_space<vmem>>) offsets(%arg13 : memref<128xi32, #tpu.memory_space<vmem>>) semaphore(%arg18 : memref<!tpu.dma_semaphore, #tpu.memory_space<semaphore_mem>>)
      } else {
      }
      %mul3A_478 = arith.constant 5 : i32
      %mul3A_479 = arith.muli %scan3A_295, %mul3A_478 : i32
      %add3A_480 = arith.constant 4 : i32
      %add3A_481 = arith.addi %mul3A_479, %add3A_480 : i32
      %dma_wait3A_482 = arith.constant 0 : i32
      %dma_wait3A_483 = arith.constant 0 : i32
      %dma_wait3A_484 = tpu.memref_slice %arg2[%dma_wait3A_482, %dma_wait3A_483] : memref<102400x128xf32, #tpu.memory_space<hbm>> -> memref<102400x128xf32, #tpu.memory_space<hbm>>
      tpu.wait_indirect_dma semaphore(%arg20 : memref<!tpu.dma_semaphore, #tpu.memory_space<semaphore_mem>>) src(%dma_wait3A_484 : memref<102400x128xf32, #tpu.memory_space<hbm>>) dst(%arg10 : memref<128x128xf32, #tpu.memory_space<vmem>>)
      %add3A_485 = arith.addi %mul3A_2, %add3A_481 : i32
      %dma_start3A_486 = arith.constant 0 : i32
      %dma_start3A_487 = arith.constant 0 : i32
      %dma_start3A_488 = tpu.memref_slice %arg10[%dma_start3A_486, %dma_start3A_487] : memref<128x128xf32, #tpu.memory_space<vmem>> -> memref<128x64xf32, #tpu.memory_space<vmem>>
      %dma_start3A_489 = arith.constant 0 : i32
      %dma_start3A_490 = arith.constant 0 : i32
      %dma_start3A_491 = tpu.memref_slice %arg4[%add3A_485, %dma_start3A_489, %dma_start3A_490] : memref<800x128x64xf32, #tpu.memory_space<hbm>> -> memref<1x128x64xf32, #tpu.memory_space<hbm>>
      %dma_start3A_492 = tpu.memref_squeeze %dma_start3A_491 : memref<1x128x64xf32, #tpu.memory_space<hbm>> -> memref<128x64xf32, #tpu.memory_space<hbm>>
      %dma_start3A_493 = arith.constant 0 : i32
      %dma_start3A_494 = arith.constant 0 : i32
      %dma_start3A_495 = tpu.memref_slice %arg4[%add3A_485, %dma_start3A_493, %dma_start3A_494] : memref<800x128x64xf32, #tpu.memory_space<hbm>> -> memref<1x128x64xf32, #tpu.memory_space<hbm>>
      %dma_start3A_496 = tpu.memref_squeeze %dma_start3A_495 : memref<1x128x64xf32, #tpu.memory_space<hbm>> -> memref<128x64xf32, #tpu.memory_space<hbm>>
      %dma_start3A_497 = arith.constant 0 : i32
      %dma_start3A_498 = arith.constant 0 : i32
      %dma_start3A_499 = tpu.memref_slice %arg10[%dma_start3A_497, %dma_start3A_498] : memref<128x128xf32, #tpu.memory_space<vmem>> -> memref<128x64xf32, #tpu.memory_space<vmem>>
      tpu.enqueue_dma source(%dma_start3A_499 : memref<128x64xf32, #tpu.memory_space<vmem>>) target(%dma_start3A_496 : memref<128x64xf32, #tpu.memory_space<hbm>>) target_semaphore(%arg25 : memref<!tpu.dma_semaphore, #tpu.memory_space<semaphore_mem>>)
      %le3A_500 = arith.constant 3 : i32
      %le3A_501 = arith.cmpi sle, %scan3A_295, %le3A_500 : i32
      %convert_element_type3A_502 = arith.extui %le3A_501 : i1 to i32
      %cond3A_503 = arith.constant 0 : i32
      %cond3A_504 = arith.cmpi ne, %convert_element_type3A_502, %cond3A_503 : i32
      scf.if %cond3A_504 {
        %dma_wait3A_505 = arith.constant 0 : i32
        %dma_wait3A_506 = arith.constant 0 : i32
        %dma_wait3A_507 = arith.constant 0 : i32
        %dma_wait3A_508 = tpu.memref_slice %arg9[%dma_wait3A_506, %dma_wait3A_507] : memref<128x128xf32, #tpu.memory_space<vmem>> -> memref<128x64xf32, #tpu.memory_space<vmem>>
        %dma_wait3A_509 = arith.constant 0 : i32
        %dma_wait3A_510 = arith.constant 0 : i32
        %dma_wait3A_511 = tpu.memref_slice %arg4[%dma_wait3A_505, %dma_wait3A_509, %dma_wait3A_510] : memref<800x128x64xf32, #tpu.memory_space<hbm>> -> memref<1x128x64xf32, #tpu.memory_space<hbm>>
        %dma_wait3A_512 = tpu.memref_squeeze %dma_wait3A_511 : memref<1x128x64xf32, #tpu.memory_space<hbm>> -> memref<128x64xf32, #tpu.memory_space<hbm>>
        %dma_wait3A_513 = arith.constant 0 : i32
        %dma_wait3A_514 = arith.constant 0 : i32
        %dma_wait3A_515 = tpu.memref_slice %arg4[%dma_wait3A_505, %dma_wait3A_513, %dma_wait3A_514] : memref<800x128x64xf32, #tpu.memory_space<hbm>> -> memref<1x128x64xf32, #tpu.memory_space<hbm>>
        %dma_wait3A_516 = tpu.memref_squeeze %dma_wait3A_515 : memref<1x128x64xf32, #tpu.memory_space<hbm>> -> memref<128x64xf32, #tpu.memory_space<hbm>>
        %dma_wait3A_517 = arith.constant 0 : i32
        %dma_wait3A_518 = arith.constant 0 : i32
        %dma_wait3A_519 = tpu.memref_slice %arg9[%dma_wait3A_517, %dma_wait3A_518] : memref<128x128xf32, #tpu.memory_space<vmem>> -> memref<128x64xf32, #tpu.memory_space<vmem>>
        tpu.wait_dma2 semaphore(%arg24 : memref<!tpu.dma_semaphore, #tpu.memory_space<semaphore_mem>>) src(%dma_wait3A_519 : memref<128x64xf32, #tpu.memory_space<vmem>>) dst(%dma_wait3A_516 : memref<128x64xf32, #tpu.memory_space<hbm>>)
        %add3A_520 = arith.constant 5 : i32
        %add3A_521 = arith.addi %add3A_481, %add3A_520 : i32
        %sub3A_522 = arith.constant 1 : i32
        %sub3A_523 = arith.subi %add3A_521, %sub3A_522 : i32
        %mul3A_524 = arith.constant 128 : i32
        %mul3A_525 = arith.muli %sub3A_523, %mul3A_524 : i32
        %add3A_526 = arith.constant 0 : i32
        %add3A_527 = arith.addi %mul3A_525, %add3A_526 : i32
        %add3A_528 = vector.broadcast %add3A_527 : i32 to vector<16xi32>
        %add3A_529 = arith.addi %add3A_528, %add3A_14 : vector<16xi32>
        %gather3A_530 = tpu.vector_load_idx %arg5[%add3A_529] : memref<3200xi32, #tpu.memory_space<vmem>>[vector<16xi32>], vector<16xi32>,
        %swap3A_531 = arith.constant 0 : index
        %swap3A_532 = tpu.vector_load %arg14[%swap3A_531] {strides = array<i32>} : memref<128xi32, #tpu.memory_space<vmem>>, vector<16xi32>,
        tpu.vector_store %arg14[%swap3A_531], %gather3A_530 {strides = array<i32>} : memref<128xi32, #tpu.memory_space<vmem>>, vector<16xi32>,
        %mul3A_533 = arith.constant 128 : i32
        %mul3A_534 = arith.muli %sub3A_523, %mul3A_533 : i32
        %add3A_535 = arith.constant 8 : i32
        %add3A_536 = arith.addi %mul3A_534, %add3A_535 : i32
        %add3A_537 = vector.broadcast %add3A_536 : i32 to vector<16xi32>
        %add3A_538 = arith.addi %add3A_537, %add3A_14 : vector<16xi32>
        %gather3A_539 = tpu.vector_load_idx %arg5[%add3A_538] : memref<3200xi32, #tpu.memory_space<vmem>>[vector<16xi32>], vector<16xi32>,
        %swap3A_540 = arith.constant 16 : index
        %swap3A_541 = tpu.vector_load %arg14[%swap3A_540] {strides = array<i32>} : memref<128xi32, #tpu.memory_space<vmem>>, vector<16xi32>,
        tpu.vector_store %arg14[%swap3A_540], %gather3A_539 {strides = array<i32>} : memref<128xi32, #tpu.memory_space<vmem>>, vector<16xi32>,
        %mul3A_542 = arith.constant 128 : i32
        %mul3A_543 = arith.muli %sub3A_523, %mul3A_542 : i32
        %add3A_544 = arith.constant 16 : i32
        %add3A_545 = arith.addi %mul3A_543, %add3A_544 : i32
        %add3A_546 = vector.broadcast %add3A_545 : i32 to vector<16xi32>
        %add3A_547 = arith.addi %add3A_546, %add3A_14 : vector<16xi32>
        %gather3A_548 = tpu.vector_load_idx %arg5[%add3A_547] : memref<3200xi32, #tpu.memory_space<vmem>>[vector<16xi32>], vector<16xi32>,
        %swap3A_549 = arith.constant 32 : index
        %swap3A_550 = tpu.vector_load %arg14[%swap3A_549] {strides = array<i32>} : memref<128xi32, #tpu.memory_space<vmem>>, vector<16xi32>,
        tpu.vector_store %arg14[%swap3A_549], %gather3A_548 {strides = array<i32>} : memref<128xi32, #tpu.memory_space<vmem>>, vector<16xi32>,
        %mul3A_551 = arith.constant 128 : i32
        %mul3A_552 = arith.muli %sub3A_523, %mul3A_551 : i32
        %add3A_553 = arith.constant 24 : i32
        %add3A_554 = arith.addi %mul3A_552, %add3A_553 : i32
        %add3A_555 = vector.broadcast %add3A_554 : i32 to vector<16xi32>
        %add3A_556 = arith.addi %add3A_555, %add3A_14 : vector<16xi32>
        %gather3A_557 = tpu.vector_load_idx %arg5[%add3A_556] : memref<3200xi32, #tpu.memory_space<vmem>>[vector<16xi32>], vector<16xi32>,
        %swap3A_558 = arith.constant 48 : index
        %swap3A_559 = tpu.vector_load %arg14[%swap3A_558] {strides = array<i32>} : memref<128xi32, #tpu.memory_space<vmem>>, vector<16xi32>,
        tpu.vector_store %arg14[%swap3A_558], %gather3A_557 {strides = array<i32>} : memref<128xi32, #tpu.memory_space<vmem>>, vector<16xi32>,
        %mul3A_560 = arith.constant 128 : i32
        %mul3A_561 = arith.muli %sub3A_523, %mul3A_560 : i32
        %add3A_562 = arith.constant 32 : i32
        %add3A_563 = arith.addi %mul3A_561, %add3A_562 : i32
        %add3A_564 = vector.broadcast %add3A_563 : i32 to vector<16xi32>
        %add3A_565 = arith.addi %add3A_564, %add3A_14 : vector<16xi32>
        %gather3A_566 = tpu.vector_load_idx %arg5[%add3A_565] : memref<3200xi32, #tpu.memory_space<vmem>>[vector<16xi32>], vector<16xi32>,
        %swap3A_567 = arith.constant 64 : index
        %swap3A_568 = tpu.vector_load %arg14[%swap3A_567] {strides = array<i32>} : memref<128xi32, #tpu.memory_space<vmem>>, vector<16xi32>,
        tpu.vector_store %arg14[%swap3A_567], %gather3A_566 {strides = array<i32>} : memref<128xi32, #tpu.memory_space<vmem>>, vector<16xi32>,
        %mul3A_569 = arith.constant 128 : i32
        %mul3A_570 = arith.muli %sub3A_523, %mul3A_569 : i32
        %add3A_571 = arith.constant 40 : i32
        %add3A_572 = arith.addi %mul3A_570, %add3A_571 : i32
        %add3A_573 = vector.broadcast %add3A_572 : i32 to vector<16xi32>
        %add3A_574 = arith.addi %add3A_573, %add3A_14 : vector<16xi32>
        %gather3A_575 = tpu.vector_load_idx %arg5[%add3A_574] : memref<3200xi32, #tpu.memory_space<vmem>>[vector<16xi32>], vector<16xi32>,
        %swap3A_576 = arith.constant 80 : index
        %swap3A_577 = tpu.vector_load %arg14[%swap3A_576] {strides = array<i32>} : memref<128xi32, #tpu.memory_space<vmem>>, vector<16xi32>,
        tpu.vector_store %arg14[%swap3A_576], %gather3A_575 {strides = array<i32>} : memref<128xi32, #tpu.memory_space<vmem>>, vector<16xi32>,
        %mul3A_578 = arith.constant 128 : i32
        %mul3A_579 = arith.muli %sub3A_523, %mul3A_578 : i32
        %add3A_580 = arith.constant 48 : i32
        %add3A_581 = arith.addi %mul3A_579, %add3A_580 : i32
        %add3A_582 = vector.broadcast %add3A_581 : i32 to vector<16xi32>
        %add3A_583 = arith.addi %add3A_582, %add3A_14 : vector<16xi32>
        %gather3A_584 = tpu.vector_load_idx %arg5[%add3A_583] : memref<3200xi32, #tpu.memory_space<vmem>>[vector<16xi32>], vector<16xi32>,
        %swap3A_585 = arith.constant 96 : index
        %swap3A_586 = tpu.vector_load %arg14[%swap3A_585] {strides = array<i32>} : memref<128xi32, #tpu.memory_space<vmem>>, vector<16xi32>,
        tpu.vector_store %arg14[%swap3A_585], %gather3A_584 {strides = array<i32>} : memref<128xi32, #tpu.memory_space<vmem>>, vector<16xi32>,
        %mul3A_587 = arith.constant 128 : i32
        %mul3A_588 = arith.muli %sub3A_523, %mul3A_587 : i32
        %add3A_589 = arith.constant 56 : i32
        %add3A_590 = arith.addi %mul3A_588, %add3A_589 : i32
        %add3A_591 = vector.broadcast %add3A_590 : i32 to vector<16xi32>
        %add3A_592 = arith.addi %add3A_591, %add3A_14 : vector<16xi32>
        %gather3A_593 = tpu.vector_load_idx %arg5[%add3A_592] : memref<3200xi32, #tpu.memory_space<vmem>>[vector<16xi32>], vector<16xi32>,
        %swap3A_594 = arith.constant 112 : index
        %swap3A_595 = tpu.vector_load %arg14[%swap3A_594] {strides = array<i32>} : memref<128xi32, #tpu.memory_space<vmem>>, vector<16xi32>,
        tpu.vector_store %arg14[%swap3A_594], %gather3A_593 {strides = array<i32>} : memref<128xi32, #tpu.memory_space<vmem>>, vector<16xi32>,
        %dma_start3A_596 = arith.constant 0 : i32
        %dma_start3A_597 = arith.constant 0 : i32
        %dma_start3A_598 = tpu.memref_slice %arg2[%dma_start3A_596, %dma_start3A_597] : memref<102400x128xf32, #tpu.memory_space<hbm>> -> memref<102400x128xf32, #tpu.memory_space<hbm>>
        tpu.enqueue_indirect_dma source(%dma_start3A_598 : memref<102400x128xf32, #tpu.memory_space<hbm>>) target(%arg9 : memref<128x128xf32, #tpu.memory_space<vmem>>) offsets(%arg14 : memref<128xi32, #tpu.memory_space<vmem>>) semaphore(%arg19 : memref<!tpu.dma_semaphore, #tpu.memory_space<semaphore_mem>>)
      } else {
      }
    }
    %scan3A_220 = arith.constant 5 : i32
    %dma_wait3A = arith.constant 0 : i32
    %dma_wait3A_221 = arith.constant 0 : i32
    %dma_wait3A_222 = arith.constant 0 : i32
    %dma_wait3A_223 = tpu.memref_slice %arg6[%dma_wait3A_221, %dma_wait3A_222] : memref<128x128xf32, #tpu.memory_space<vmem>> -> memref<128x64xf32, #tpu.memory_space<vmem>>
    %dma_wait3A_224 = arith.constant 0 : i32
    %dma_wait3A_225 = arith.constant 0 : i32
    %dma_wait3A_226 = tpu.memref_slice %arg4[%dma_wait3A, %dma_wait3A_224, %dma_wait3A_225] : memref<800x128x64xf32, #tpu.memory_space<hbm>> -> memref<1x128x64xf32, #tpu.memory_space<hbm>>
    %dma_wait3A_227 = tpu.memref_squeeze %dma_wait3A_226 : memref<1x128x64xf32, #tpu.memory_space<hbm>> -> memref<128x64xf32, #tpu.memory_space<hbm>>
    %dma_wait3A_228 = arith.constant 0 : i32
    %dma_wait3A_229 = arith.constant 0 : i32
    %dma_wait3A_230 = tpu.memref_slice %arg4[%dma_wait3A, %dma_wait3A_228, %dma_wait3A_229] : memref<800x128x64xf32, #tpu.memory_space<hbm>> -> memref<1x128x64xf32, #tpu.memory_space<hbm>>
    %dma_wait3A_231 = tpu.memref_squeeze %dma_wait3A_230 : memref<1x128x64xf32, #tpu.memory_space<hbm>> -> memref<128x64xf32, #tpu.memory_space<hbm>>
    %dma_wait3A_232 = arith.constant 0 : i32
    %dma_wait3A_233 = arith.constant 0 : i32
    %dma_wait3A_234 = tpu.memref_slice %arg6[%dma_wait3A_232, %dma_wait3A_233] : memref<128x128xf32, #tpu.memory_space<vmem>> -> memref<128x64xf32, #tpu.memory_space<vmem>>
    tpu.wait_dma2 semaphore(%arg21 : memref<!tpu.dma_semaphore, #tpu.memory_space<semaphore_mem>>) src(%dma_wait3A_234 : memref<128x64xf32, #tpu.memory_space<vmem>>) dst(%dma_wait3A_231 : memref<128x64xf32, #tpu.memory_space<hbm>>)
    %dma_wait3A_235 = arith.constant 0 : i32
    %dma_wait3A_236 = arith.constant 0 : i32
    %dma_wait3A_237 = arith.constant 0 : i32
    %dma_wait3A_238 = tpu.memref_slice %arg7[%dma_wait3A_236, %dma_wait3A_237] : memref<128x128xf32, #tpu.memory_space<vmem>> -> memref<128x64xf32, #tpu.memory_space<vmem>>
    %dma_wait3A_239 = arith.constant 0 : i32
    %dma_wait3A_240 = arith.constant 0 : i32
    %dma_wait3A_241 = tpu.memref_slice %arg4[%dma_wait3A_235, %dma_wait3A_239, %dma_wait3A_240] : memref<800x128x64xf32, #tpu.memory_space<hbm>> -> memref<1x128x64xf32, #tpu.memory_space<hbm>>
    %dma_wait3A_242 = tpu.memref_squeeze %dma_wait3A_241 : memref<1x128x64xf32, #tpu.memory_space<hbm>> -> memref<128x64xf32, #tpu.memory_space<hbm>>
    %dma_wait3A_243 = arith.constant 0 : i32
    %dma_wait3A_244 = arith.constant 0 : i32
    %dma_wait3A_245 = tpu.memref_slice %arg4[%dma_wait3A_235, %dma_wait3A_243, %dma_wait3A_244] : memref<800x128x64xf32, #tpu.memory_space<hbm>> -> memref<1x128x64xf32, #tpu.memory_space<hbm>>
    %dma_wait3A_246 = tpu.memref_squeeze %dma_wait3A_245 : memref<1x128x64xf32, #tpu.memory_space<hbm>> -> memref<128x64xf32, #tpu.memory_space<hbm>>
    %dma_wait3A_247 = arith.constant 0 : i32
    %dma_wait3A_248 = arith.constant 0 : i32
    %dma_wait3A_249 = tpu.memref_slice %arg7[%dma_wait3A_247, %dma_wait3A_248] : memref<128x128xf32, #tpu.memory_space<vmem>> -> memref<128x64xf32, #tpu.memory_space<vmem>>
    tpu.wait_dma2 semaphore(%arg22 : memref<!tpu.dma_semaphore, #tpu.memory_space<semaphore_mem>>) src(%dma_wait3A_249 : memref<128x64xf32, #tpu.memory_space<vmem>>) dst(%dma_wait3A_246 : memref<128x64xf32, #tpu.memory_space<hbm>>)
    %dma_wait3A_250 = arith.constant 0 : i32
    %dma_wait3A_251 = arith.constant 0 : i32
    %dma_wait3A_252 = arith.constant 0 : i32
    %dma_wait3A_253 = tpu.memref_slice %arg8[%dma_wait3A_251, %dma_wait3A_252] : memref<128x128xf32, #tpu.memory_space<vmem>> -> memref<128x64xf32, #tpu.memory_space<vmem>>
    %dma_wait3A_254 = arith.constant 0 : i32
    %dma_wait3A_255 = arith.constant 0 : i32
    %dma_wait3A_256 = tpu.memref_slice %arg4[%dma_wait3A_250, %dma_wait3A_254, %dma_wait3A_255] : memref<800x128x64xf32, #tpu.memory_space<hbm>> -> memref<1x128x64xf32, #tpu.memory_space<hbm>>
    %dma_wait3A_257 = tpu.memref_squeeze %dma_wait3A_256 : memref<1x128x64xf32, #tpu.memory_space<hbm>> -> memref<128x64xf32, #tpu.memory_space<hbm>>
    %dma_wait3A_258 = arith.constant 0 : i32
    %dma_wait3A_259 = arith.constant 0 : i32
    %dma_wait3A_260 = tpu.memref_slice %arg4[%dma_wait3A_250, %dma_wait3A_258, %dma_wait3A_259] : memref<800x128x64xf32, #tpu.memory_space<hbm>> -> memref<1x128x64xf32, #tpu.memory_space<hbm>>
    %dma_wait3A_261 = tpu.memref_squeeze %dma_wait3A_260 : memref<1x128x64xf32, #tpu.memory_space<hbm>> -> memref<128x64xf32, #tpu.memory_space<hbm>>
    %dma_wait3A_262 = arith.constant 0 : i32
    %dma_wait3A_263 = arith.constant 0 : i32
    %dma_wait3A_264 = tpu.memref_slice %arg8[%dma_wait3A_262, %dma_wait3A_263] : memref<128x128xf32, #tpu.memory_space<vmem>> -> memref<128x64xf32, #tpu.memory_space<vmem>>
    tpu.wait_dma2 semaphore(%arg23 : memref<!tpu.dma_semaphore, #tpu.memory_space<semaphore_mem>>) src(%dma_wait3A_264 : memref<128x64xf32, #tpu.memory_space<vmem>>) dst(%dma_wait3A_261 : memref<128x64xf32, #tpu.memory_space<hbm>>)
    %dma_wait3A_265 = arith.constant 0 : i32
    %dma_wait3A_266 = arith.constant 0 : i32
    %dma_wait3A_267 = arith.constant 0 : i32
    %dma_wait3A_268 = tpu.memref_slice %arg9[%dma_wait3A_266, %dma_wait3A_267] : memref<128x128xf32, #tpu.memory_space<vmem>> -> memref<128x64xf32, #tpu.memory_space<vmem>>
    %dma_wait3A_269 = arith.constant 0 : i32
    %dma_wait3A_270 = arith.constant 0 : i32
    %dma_wait3A_271 = tpu.memref_slice %arg4[%dma_wait3A_265, %dma_wait3A_269, %dma_wait3A_270] : memref<800x128x64xf32, #tpu.memory_space<hbm>> -> memref<1x128x64xf32, #tpu.memory_space<hbm>>
    %dma_wait3A_272 = tpu.memref_squeeze %dma_wait3A_271 : memref<1x128x64xf32, #tpu.memory_space<hbm>> -> memref<128x64xf32, #tpu.memory_space<hbm>>
    %dma_wait3A_273 = arith.constant 0 : i32
    %dma_wait3A_274 = arith.constant 0 : i32
    %dma_wait3A_275 = tpu.memref_slice %arg4[%dma_wait3A_265, %dma_wait3A_273, %dma_wait3A_274] : memref<800x128x64xf32, #tpu.memory_space<hbm>> -> memref<1x128x64xf32, #tpu.memory_space<hbm>>
    %dma_wait3A_276 = tpu.memref_squeeze %dma_wait3A_275 : memref<1x128x64xf32, #tpu.memory_space<hbm>> -> memref<128x64xf32, #tpu.memory_space<hbm>>
    %dma_wait3A_277 = arith.constant 0 : i32
    %dma_wait3A_278 = arith.constant 0 : i32
    %dma_wait3A_279 = tpu.memref_slice %arg9[%dma_wait3A_277, %dma_wait3A_278] : memref<128x128xf32, #tpu.memory_space<vmem>> -> memref<128x64xf32, #tpu.memory_space<vmem>>
    tpu.wait_dma2 semaphore(%arg24 : memref<!tpu.dma_semaphore, #tpu.memory_space<semaphore_mem>>) src(%dma_wait3A_279 : memref<128x64xf32, #tpu.memory_space<vmem>>) dst(%dma_wait3A_276 : memref<128x64xf32, #tpu.memory_space<hbm>>)
    %dma_wait3A_280 = arith.constant 0 : i32
    %dma_wait3A_281 = arith.constant 0 : i32
    %dma_wait3A_282 = arith.constant 0 : i32
    %dma_wait3A_283 = tpu.memref_slice %arg10[%dma_wait3A_281, %dma_wait3A_282] : memref<128x128xf32, #tpu.memory_space<vmem>> -> memref<128x64xf32, #tpu.memory_space<vmem>>
    %dma_wait3A_284 = arith.constant 0 : i32
    %dma_wait3A_285 = arith.constant 0 : i32
    %dma_wait3A_286 = tpu.memref_slice %arg4[%dma_wait3A_280, %dma_wait3A_284, %dma_wait3A_285] : memref<800x128x64xf32, #tpu.memory_space<hbm>> -> memref<1x128x64xf32, #tpu.memory_space<hbm>>
    %dma_wait3A_287 = tpu.memref_squeeze %dma_wait3A_286 : memref<1x128x64xf32, #tpu.memory_space<hbm>> -> memref<128x64xf32, #tpu.memory_space<hbm>>
    %dma_wait3A_288 = arith.constant 0 : i32
    %dma_wait3A_289 = arith.constant 0 : i32
    %dma_wait3A_290 = tpu.memref_slice %arg4[%dma_wait3A_280, %dma_wait3A_288, %dma_wait3A_289] : memref<800x128x64xf32, #tpu.memory_space<hbm>> -> memref<1x128x64xf32, #tpu.memory_space<hbm>>
    %dma_wait3A_291 = tpu.memref_squeeze %dma_wait3A_290 : memref<1x128x64xf32, #tpu.memory_space<hbm>> -> memref<128x64xf32, #tpu.memory_space<hbm>>
    %dma_wait3A_292 = arith.constant 0 : i32
    %dma_wait3A_293 = arith.constant 0 : i32
    %dma_wait3A_294 = tpu.memref_slice %arg10[%dma_wait3A_292, %dma_wait3A_293] : memref<128x128xf32, #tpu.memory_space<vmem>> -> memref<128x64xf32, #tpu.memory_space<vmem>>
    tpu.wait_dma2 semaphore(%arg25 : memref<!tpu.dma_semaphore, #tpu.memory_space<semaphore_mem>>) src(%dma_wait3A_294 : memref<128x64xf32, #tpu.memory_space<vmem>>) dst(%dma_wait3A_291 : memref<128x64xf32, #tpu.memory_space<hbm>>)
    return
  }
}

#map = affine_map<(d0, d1) -> (0, 0)>
#map1 = affine_map<(d0, d1) -> (0)>
#map2 = affine_map<(d0, d1) -> (0, 0, 0)>
module attributes {stable_mosaic.version = 14 : i64} {
  func.func @body(%arg0: i32, %arg1: i32, %arg2: memref<102400x128xf32, #tpu.memory_space<hbm>>, %arg3: memref<204800xi32, #tpu.memory_space<hbm>>, %arg4: memref<800x128x64xf32, #tpu.memory_space<hbm>>, %arg5: memref<3200xi32, #tpu.memory_space<vmem>>, %arg6: memref<128x128xf32, #tpu.memory_space<vmem>>, %arg7: memref<128x128xf32, #tpu.memory_space<vmem>>, %arg8: memref<128x128xf32, #tpu.memory_space<vmem>>, %arg9: memref<128x128xf32, #tpu.memory_space<vmem>>, %arg10: memref<128x128xf32, #tpu.memory_space<vmem>>, %arg11: memref<128xi32, #tpu.memory_space<vmem>>, %arg12: memref<128xi32, #tpu.memory_space<vmem>>, %arg13: memref<128xi32, #tpu.memory_space<vmem>>, %arg14: memref<128xi32, #tpu.memory_space<vmem>>, %arg15: memref<128xi32, #tpu.memory_space<vmem>>, %arg16: memref<!tpu.dma_semaphore, #tpu.memory_space<semaphore_mem>>, %arg17: memref<!tpu.dma_semaphore, #tpu.memory_space<semaphore_mem>>, %arg18: memref<!tpu.dma_semaphore, #tpu.memory_space<semaphore_mem>>, %arg19: memref<!tpu.dma_semaphore, #tpu.memory_space<semaphore_mem>>, %arg20: memref<!tpu.dma_semaphore, #tpu.memory_space<semaphore_mem>>, %arg21: memref<!tpu.dma_semaphore, #tpu.memory_space<semaphore_mem>>, %arg22: memref<!tpu.dma_semaphore, #tpu.memory_space<semaphore_mem>>, %arg23: memref<!tpu.dma_semaphore, #tpu.memory_space<semaphore_mem>>, %arg24: memref<!tpu.dma_semaphore, #tpu.memory_space<semaphore_mem>>, %arg25: memref<!tpu.dma_semaphore, #tpu.memory_space<semaphore_mem>>) attributes {dimension_semantics = [#tpu.dimension_semantics<core_parallel>, #tpu.dimension_semantics<subcore_parallel>], iteration_bounds = array<i64: 2, 16>, scalar_prefetch = 0 : i64, scratch_operands = 21 : i64, tpu.core_type = #tpu.core_type<sc_vector_subcore>, window_params = [{transform_indices = #map}, {transform_indices = #map1}, {transform_indices = #map2}]} {
    %mul3A = arith.constant 2 : i32
    %mul3A_0 = arith.muli %arg1, %mul3A : i32
    %add3A = arith.addi %mul3A_0, %arg0 : i32
    %mul3A_1 = arith.constant 25 : i32
    %mul3A_2 = arith.muli %add3A, %mul3A_1 : i32
    %add3A_3 = arith.constant 800 : i32
    %add3A_4 = arith.addi %add3A_3, %mul3A_2 : i32
    %mul3A_5 = arith.constant 128 : i32
    %mul3A_6 = arith.muli %add3A_4, %mul3A_5 : i32
    "tpu.region"() ({
      %run_scoped3A = tpu.sem_alloc : memref<!tpu.dma_semaphore, #tpu.memory_space<semaphore_mem>>
      %dma_start3A_295 = tpu.memref_slice %arg3[%mul3A_6] : memref<204800xi32, #tpu.memory_space<hbm>> -> memref<3200xi32, #tpu.memory_space<hbm>>
      %dma_start3A_296 = tpu.memref_slice %arg3[%mul3A_6] : memref<204800xi32, #tpu.memory_space<hbm>> -> memref<3200xi32, #tpu.memory_space<hbm>>
      tpu.enqueue_dma source(%dma_start3A_296 : memref<3200xi32, #tpu.memory_space<hbm>>) target(%arg5 : memref<3200xi32, #tpu.memory_space<vmem>>) target_semaphore(%run_scoped3A : memref<!tpu.dma_semaphore, #tpu.memory_space<semaphore_mem>>)
      %dma_wait3A_297 = tpu.memref_slice %arg3[%mul3A_6] : memref<204800xi32, #tpu.memory_space<hbm>> -> memref<3200xi32, #tpu.memory_space<hbm>>
      %dma_wait3A_298 = tpu.memref_slice %arg3[%mul3A_6] : memref<204800xi32, #tpu.memory_space<hbm>> -> memref<3200xi32, #tpu.memory_space<hbm>>
      tpu.wait_dma2 semaphore(%run_scoped3A : memref<!tpu.dma_semaphore, #tpu.memory_space<semaphore_mem>>) src(%dma_wait3A_298 : memref<3200xi32, #tpu.memory_space<hbm>>) dst(%arg5 : memref<3200xi32, #tpu.memory_space<vmem>>)
      tpu.yield
    }) : () -> ()
    %iota3A = tpu.iota {dimensions = array<i32: 0>} : vector<16xi32>
    %shift_right_arithmetic3A = arith.constant 1 : i32
    %shift_right_arithmetic3A_7 = vector.broadcast %shift_right_arithmetic3A : i32 to vector<16xi32>
    %shift_right_arithmetic3A_8 = arith.shrsi %iota3A, %shift_right_arithmetic3A_7 : vector<16xi32>
    %and3A = arith.constant 1 : i32
    %and3A_9 = vector.broadcast %and3A : i32 to vector<16xi32>
    %and3A_10 = arith.andi %iota3A, %and3A_9 : vector<16xi32>
    %mul3A_11 = arith.constant 64 : i32
    %mul3A_12 = vector.broadcast %mul3A_11 : i32 to vector<16xi32>
    %mul3A_13 = arith.muli %and3A_10, %mul3A_12 : vector<16xi32>
    %add3A_14 = arith.addi %shift_right_arithmetic3A_8, %mul3A_13 : vector<16xi32>
    %add3A_15 = arith.constant 0 : i32
    %add3A_16 = vector.broadcast %add3A_15 : i32 to vector<16xi32>
    %add3A_17 = arith.addi %add3A_16, %add3A_14 : vector<16xi32>
    %gather3A = tpu.vector_load_idx %arg5[%add3A_17] : memref<3200xi32, #tpu.memory_space<vmem>>[vector<16xi32>], vector<16xi32>,
    %swap3A = arith.constant 0 : index
    %swap3A_18 = tpu.vector_load %arg11[%swap3A] {strides = array<i32>} : memref<128xi32, #tpu.memory_space<vmem>>, vector<16xi32>,
    tpu.vector_store %arg11[%swap3A], %gather3A {strides = array<i32>} : memref<128xi32, #tpu.memory_space<vmem>>, vector<16xi32>,
    %add3A_19 = arith.constant 8 : i32
    %add3A_20 = vector.broadcast %add3A_19 : i32 to vector<16xi32>
    %add3A_21 = arith.addi %add3A_20, %add3A_14 : vector<16xi32>
    %gather3A_22 = tpu.vector_load_idx %arg5[%add3A_21] : memref<3200xi32, #tpu.memory_space<vmem>>[vector<16xi32>], vector<16xi32>,
    %swap3A_23 = arith.constant 16 : index
    %swap3A_24 = tpu.vector_load %arg11[%swap3A_23] {strides = array<i32>} : memref<128xi32, #tpu.memory_space<vmem>>, vector<16xi32>,
    tpu.vector_store %arg11[%swap3A_23], %gather3A_22 {strides = array<i32>} : memref<128xi32, #tpu.memory_space<vmem>>, vector<16xi32>,
    %add3A_25 = arith.constant 16 : i32
    %add3A_26 = vector.broadcast %add3A_25 : i32 to vector<16xi32>
    %add3A_27 = arith.addi %add3A_26, %add3A_14 : vector<16xi32>
    %gather3A_28 = tpu.vector_load_idx %arg5[%add3A_27] : memref<3200xi32, #tpu.memory_space<vmem>>[vector<16xi32>], vector<16xi32>,
    %swap3A_29 = arith.constant 32 : index
    %swap3A_30 = tpu.vector_load %arg11[%swap3A_29] {strides = array<i32>} : memref<128xi32, #tpu.memory_space<vmem>>, vector<16xi32>,
    tpu.vector_store %arg11[%swap3A_29], %gather3A_28 {strides = array<i32>} : memref<128xi32, #tpu.memory_space<vmem>>, vector<16xi32>,
    %add3A_31 = arith.constant 24 : i32
    %add3A_32 = vector.broadcast %add3A_31 : i32 to vector<16xi32>
    %add3A_33 = arith.addi %add3A_32, %add3A_14 : vector<16xi32>
    %gather3A_34 = tpu.vector_load_idx %arg5[%add3A_33] : memref<3200xi32, #tpu.memory_space<vmem>>[vector<16xi32>], vector<16xi32>,
    %swap3A_35 = arith.constant 48 : index
    %swap3A_36 = tpu.vector_load %arg11[%swap3A_35] {strides = array<i32>} : memref<128xi32, #tpu.memory_space<vmem>>, vector<16xi32>,
    tpu.vector_store %arg11[%swap3A_35], %gather3A_34 {strides = array<i32>} : memref<128xi32, #tpu.memory_space<vmem>>, vector<16xi32>,
    %add3A_37 = arith.constant 32 : i32
    %add3A_38 = vector.broadcast %add3A_37 : i32 to vector<16xi32>
    %add3A_39 = arith.addi %add3A_38, %add3A_14 : vector<16xi32>
    %gather3A_40 = tpu.vector_load_idx %arg5[%add3A_39] : memref<3200xi32, #tpu.memory_space<vmem>>[vector<16xi32>], vector<16xi32>,
    %swap3A_41 = arith.constant 64 : index
    %swap3A_42 = tpu.vector_load %arg11[%swap3A_41] {strides = array<i32>} : memref<128xi32, #tpu.memory_space<vmem>>, vector<16xi32>,
    tpu.vector_store %arg11[%swap3A_41], %gather3A_40 {strides = array<i32>} : memref<128xi32, #tpu.memory_space<vmem>>, vector<16xi32>,
    %add3A_43 = arith.constant 40 : i32
    %add3A_44 = vector.broadcast %add3A_43 : i32 to vector<16xi32>
    %add3A_45 = arith.addi %add3A_44, %add3A_14 : vector<16xi32>
    %gather3A_46 = tpu.vector_load_idx %arg5[%add3A_45] : memref<3200xi32, #tpu.memory_space<vmem>>[vector<16xi32>], vector<16xi32>,
    %swap3A_47 = arith.constant 80 : index
    %swap3A_48 = tpu.vector_load %arg11[%swap3A_47] {strides = array<i32>} : memref<128xi32, #tpu.memory_space<vmem>>, vector<16xi32>,
    tpu.vector_store %arg11[%swap3A_47], %gather3A_46 {strides = array<i32>} : memref<128xi32, #tpu.memory_space<vmem>>, vector<16xi32>,
    %add3A_49 = arith.constant 48 : i32
    %add3A_50 = vector.broadcast %add3A_49 : i32 to vector<16xi32>
    %add3A_51 = arith.addi %add3A_50, %add3A_14 : vector<16xi32>
    %gather3A_52 = tpu.vector_load_idx %arg5[%add3A_51] : memref<3200xi32, #tpu.memory_space<vmem>>[vector<16xi32>], vector<16xi32>,
    %swap3A_53 = arith.constant 96 : index
    %swap3A_54 = tpu.vector_load %arg11[%swap3A_53] {strides = array<i32>} : memref<128xi32, #tpu.memory_space<vmem>>, vector<16xi32>,
    tpu.vector_store %arg11[%swap3A_53], %gather3A_52 {strides = array<i32>} : memref<128xi32, #tpu.memory_space<vmem>>, vector<16xi32>,
    %add3A_55 = arith.constant 56 : i32
    %add3A_56 = vector.broadcast %add3A_55 : i32 to vector<16xi32>
    %add3A_57 = arith.addi %add3A_56, %add3A_14 : vector<16xi32>
    %gather3A_58 = tpu.vector_load_idx %arg5[%add3A_57] : memref<3200xi32, #tpu.memory_space<vmem>>[vector<16xi32>], vector<16xi32>,
    %swap3A_59 = arith.constant 112 : index
    %swap3A_60 = tpu.vector_load %arg11[%swap3A_59] {strides = array<i32>} : memref<128xi32, #tpu.memory_space<vmem>>, vector<16xi32>,
    tpu.vector_store %arg11[%swap3A_59], %gather3A_58 {strides = array<i32>} : memref<128xi32, #tpu.memory_space<vmem>>, vector<16xi32>,
    %dma_start3A = arith.constant 0 : i32
    %dma_start3A_61 = arith.constant 0 : i32
    %dma_start3A_62 = tpu.memref_slice %arg2[%dma_start3A, %dma_start3A_61] : memref<102400x128xf32, #tpu.memory_space<hbm>> -> memref<102400x128xf32, #tpu.memory_space<hbm>>
    tpu.enqueue_indirect_dma source(%dma_start3A_62 : memref<102400x128xf32, #tpu.memory_space<hbm>>) target(%arg6 : memref<128x128xf32, #tpu.memory_space<vmem>>) offsets(%arg11 : memref<128xi32, #tpu.memory_space<vmem>>) semaphore(%arg16 : memref<!tpu.dma_semaphore, #tpu.memory_space<semaphore_mem>>)
    %add3A_63 = arith.constant 128 : i32
    %add3A_64 = vector.broadcast %add3A_63 : i32 to vector<16xi32>
    %add3A_65 = arith.addi %add3A_64, %add3A_14 : vector<16xi32>
    %gather3A_66 = tpu.vector_load_idx %arg5[%add3A_65] : memref<3200xi32, #tpu.memory_space<vmem>>[vector<16xi32>], vector<16xi32>,
    %swap3A_67 = arith.constant 0 : index
    %swap3A_68 = tpu.vector_load %arg12[%swap3A_67] {strides = array<i32>} : memref<128xi32, #tpu.memory_space<vmem>>, vector<16xi32>,
    tpu.vector_store %arg12[%swap3A_67], %gather3A_66 {strides = array<i32>} : memref<128xi32, #tpu.memory_space<vmem>>, vector<16xi32>,
    %add3A_69 = arith.constant 136 : i32
    %add3A_70 = vector.broadcast %add3A_69 : i32 to vector<16xi32>
    %add3A_71 = arith.addi %add3A_70, %add3A_14 : vector<16xi32>
    %gather3A_72 = tpu.vector_load_idx %arg5[%add3A_71] : memref<3200xi32, #tpu.memory_space<vmem>>[vector<16xi32>], vector<16xi32>,
    %swap3A_73 = arith.constant 16 : index
    %swap3A_74 = tpu.vector_load %arg12[%swap3A_73] {strides = array<i32>} : memref<128xi32, #tpu.memory_space<vmem>>, vector<16xi32>,
    tpu.vector_store %arg12[%swap3A_73], %gather3A_72 {strides = array<i32>} : memref<128xi32, #tpu.memory_space<vmem>>, vector<16xi32>,
    %add3A_75 = arith.constant 144 : i32
    %add3A_76 = vector.broadcast %add3A_75 : i32 to vector<16xi32>
    %add3A_77 = arith.addi %add3A_76, %add3A_14 : vector<16xi32>
    %gather3A_78 = tpu.vector_load_idx %arg5[%add3A_77] : memref<3200xi32, #tpu.memory_space<vmem>>[vector<16xi32>], vector<16xi32>,
    %swap3A_79 = arith.constant 32 : index
    %swap3A_80 = tpu.vector_load %arg12[%swap3A_79] {strides = array<i32>} : memref<128xi32, #tpu.memory_space<vmem>>, vector<16xi32>,
    tpu.vector_store %arg12[%swap3A_79], %gather3A_78 {strides = array<i32>} : memref<128xi32, #tpu.memory_space<vmem>>, vector<16xi32>,
    %add3A_81 = arith.constant 152 : i32
    %add3A_82 = vector.broadcast %add3A_81 : i32 to vector<16xi32>
    %add3A_83 = arith.addi %add3A_82, %add3A_14 : vector<16xi32>
    %gather3A_84 = tpu.vector_load_idx %arg5[%add3A_83] : memref<3200xi32, #tpu.memory_space<vmem>>[vector<16xi32>], vector<16xi32>,
    %swap3A_85 = arith.constant 48 : index
    %swap3A_86 = tpu.vector_load %arg12[%swap3A_85] {strides = array<i32>} : memref<128xi32, #tpu.memory_space<vmem>>, vector<16xi32>,
    tpu.vector_store %arg12[%swap3A_85], %gather3A_84 {strides = array<i32>} : memref<128xi32, #tpu.memory_space<vmem>>, vector<16xi32>,
    %add3A_87 = arith.constant 160 : i32
    %add3A_88 = vector.broadcast %add3A_87 : i32 to vector<16xi32>
    %add3A_89 = arith.addi %add3A_88, %add3A_14 : vector<16xi32>
    %gather3A_90 = tpu.vector_load_idx %arg5[%add3A_89] : memref<3200xi32, #tpu.memory_space<vmem>>[vector<16xi32>], vector<16xi32>,
    %swap3A_91 = arith.constant 64 : index
    %swap3A_92 = tpu.vector_load %arg12[%swap3A_91] {strides = array<i32>} : memref<128xi32, #tpu.memory_space<vmem>>, vector<16xi32>,
    tpu.vector_store %arg12[%swap3A_91], %gather3A_90 {strides = array<i32>} : memref<128xi32, #tpu.memory_space<vmem>>, vector<16xi32>,
    %add3A_93 = arith.constant 168 : i32
    %add3A_94 = vector.broadcast %add3A_93 : i32 to vector<16xi32>
    %add3A_95 = arith.addi %add3A_94, %add3A_14 : vector<16xi32>
    %gather3A_96 = tpu.vector_load_idx %arg5[%add3A_95] : memref<3200xi32, #tpu.memory_space<vmem>>[vector<16xi32>], vector<16xi32>,
    %swap3A_97 = arith.constant 80 : index
    %swap3A_98 = tpu.vector_load %arg12[%swap3A_97] {strides = array<i32>} : memref<128xi32, #tpu.memory_space<vmem>>, vector<16xi32>,
    tpu.vector_store %arg12[%swap3A_97], %gather3A_96 {strides = array<i32>} : memref<128xi32, #tpu.memory_space<vmem>>, vector<16xi32>,
    %add3A_99 = arith.constant 176 : i32
    %add3A_100 = vector.broadcast %add3A_99 : i32 to vector<16xi32>
    %add3A_101 = arith.addi %add3A_100, %add3A_14 : vector<16xi32>
    %gather3A_102 = tpu.vector_load_idx %arg5[%add3A_101] : memref<3200xi32, #tpu.memory_space<vmem>>[vector<16xi32>], vector<16xi32>,
    %swap3A_103 = arith.constant 96 : index
    %swap3A_104 = tpu.vector_load %arg12[%swap3A_103] {strides = array<i32>} : memref<128xi32, #tpu.memory_space<vmem>>, vector<16xi32>,
    tpu.vector_store %arg12[%swap3A_103], %gather3A_102 {strides = array<i32>} : memref<128xi32, #tpu.memory_space<vmem>>, vector<16xi32>,
    %add3A_105 = arith.constant 184 : i32
    %add3A_106 = vector.broadcast %add3A_105 : i32 to vector<16xi32>
    %add3A_107 = arith.addi %add3A_106, %add3A_14 : vector<16xi32>
    %gather3A_108 = tpu.vector_load_idx %arg5[%add3A_107] : memref<3200xi32, #tpu.memory_space<vmem>>[vector<16xi32>], vector<16xi32>,
    %swap3A_109 = arith.constant 112 : index
    %swap3A_110 = tpu.vector_load %arg12[%swap3A_109] {strides = array<i32>} : memref<128xi32, #tpu.memory_space<vmem>>, vector<16xi32>,
    tpu.vector_store %arg12[%swap3A_109], %gather3A_108 {strides = array<i32>} : memref<128xi32, #tpu.memory_space<vmem>>, vector<16xi32>,
    %dma_start3A_111 = arith.constant 0 : i32
    %dma_start3A_112 = arith.constant 0 : i32
    %dma_start3A_113 = tpu.memref_slice %arg2[%dma_start3A_111, %dma_start3A_112] : memref<102400x128xf32, #tpu.memory_space<hbm>> -> memref<102400x128xf32, #tpu.memory_space<hbm>>
    tpu.enqueue_indirect_dma source(%dma_start3A_113 : memref<102400x128xf32, #tpu.memory_space<hbm>>) target(%arg7 : memref<128x128xf32, #tpu.memory_space<vmem>>) offsets(%arg12 : memref<128xi32, #tpu.memory_space<vmem>>) semaphore(%arg17 : memref<!tpu.dma_semaphore, #tpu.memory_space<semaphore_mem>>)
    %add3A_114 = arith.constant 256 : i32
    %add3A_115 = vector.broadcast %add3A_114 : i32 to vector<16xi32>
    %add3A_116 = arith.addi %add3A_115, %add3A_14 : vector<16xi32>
    %gather3A_117 = tpu.vector_load_idx %arg5[%add3A_116] : memref<3200xi32, #tpu.memory_space<vmem>>[vector<16xi32>], vector<16xi32>,
    %swap3A_118 = arith.constant 0 : index
    %swap3A_119 = tpu.vector_load %arg13[%swap3A_118] {strides = array<i32>} : memref<128xi32, #tpu.memory_space<vmem>>, vector<16xi32>,
    tpu.vector_store %arg13[%swap3A_118], %gather3A_117 {strides = array<i32>} : memref<128xi32, #tpu.memory_space<vmem>>, vector<16xi32>,
    %add3A_120 = arith.constant 264 : i32
    %add3A_121 = vector.broadcast %add3A_120 : i32 to vector<16xi32>
    %add3A_122 = arith.addi %add3A_121, %add3A_14 : vector<16xi32>
    %gather3A_123 = tpu.vector_load_idx %arg5[%add3A_122] : memref<3200xi32, #tpu.memory_space<vmem>>[vector<16xi32>], vector<16xi32>,
    %swap3A_124 = arith.constant 16 : index
    %swap3A_125 = tpu.vector_load %arg13[%swap3A_124] {strides = array<i32>} : memref<128xi32, #tpu.memory_space<vmem>>, vector<16xi32>,
    tpu.vector_store %arg13[%swap3A_124], %gather3A_123 {strides = array<i32>} : memref<128xi32, #tpu.memory_space<vmem>>, vector<16xi32>,
    %add3A_126 = arith.constant 272 : i32
    %add3A_127 = vector.broadcast %add3A_126 : i32 to vector<16xi32>
    %add3A_128 = arith.addi %add3A_127, %add3A_14 : vector<16xi32>
    %gather3A_129 = tpu.vector_load_idx %arg5[%add3A_128] : memref<3200xi32, #tpu.memory_space<vmem>>[vector<16xi32>], vector<16xi32>,
    %swap3A_130 = arith.constant 32 : index
    %swap3A_131 = tpu.vector_load %arg13[%swap3A_130] {strides = array<i32>} : memref<128xi32, #tpu.memory_space<vmem>>, vector<16xi32>,
    tpu.vector_store %arg13[%swap3A_130], %gather3A_129 {strides = array<i32>} : memref<128xi32, #tpu.memory_space<vmem>>, vector<16xi32>,
    %add3A_132 = arith.constant 280 : i32
    %add3A_133 = vector.broadcast %add3A_132 : i32 to vector<16xi32>
    %add3A_134 = arith.addi %add3A_133, %add3A_14 : vector<16xi32>
    %gather3A_135 = tpu.vector_load_idx %arg5[%add3A_134] : memref<3200xi32, #tpu.memory_space<vmem>>[vector<16xi32>], vector<16xi32>,
    %swap3A_136 = arith.constant 48 : index
    %swap3A_137 = tpu.vector_load %arg13[%swap3A_136] {strides = array<i32>} : memref<128xi32, #tpu.memory_space<vmem>>, vector<16xi32>,
    tpu.vector_store %arg13[%swap3A_136], %gather3A_135 {strides = array<i32>} : memref<128xi32, #tpu.memory_space<vmem>>, vector<16xi32>,
    %add3A_138 = arith.constant 288 : i32
    %add3A_139 = vector.broadcast %add3A_138 : i32 to vector<16xi32>
    %add3A_140 = arith.addi %add3A_139, %add3A_14 : vector<16xi32>
    %gather3A_141 = tpu.vector_load_idx %arg5[%add3A_140] : memref<3200xi32, #tpu.memory_space<vmem>>[vector<16xi32>], vector<16xi32>,
    %swap3A_142 = arith.constant 64 : index
    %swap3A_143 = tpu.vector_load %arg13[%swap3A_142] {strides = array<i32>} : memref<128xi32, #tpu.memory_space<vmem>>, vector<16xi32>,
    tpu.vector_store %arg13[%swap3A_142], %gather3A_141 {strides = array<i32>} : memref<128xi32, #tpu.memory_space<vmem>>, vector<16xi32>,
    %add3A_144 = arith.constant 296 : i32
    %add3A_145 = vector.broadcast %add3A_144 : i32 to vector<16xi32>
    %add3A_146 = arith.addi %add3A_145, %add3A_14 : vector<16xi32>
    %gather3A_147 = tpu.vector_load_idx %arg5[%add3A_146] : memref<3200xi32, #tpu.memory_space<vmem>>[vector<16xi32>], vector<16xi32>,
    %swap3A_148 = arith.constant 80 : index
    %swap3A_149 = tpu.vector_load %arg13[%swap3A_148] {strides = array<i32>} : memref<128xi32, #tpu.memory_space<vmem>>, vector<16xi32>,
    tpu.vector_store %arg13[%swap3A_148], %gather3A_147 {strides = array<i32>} : memref<128xi32, #tpu.memory_space<vmem>>, vector<16xi32>,
    %add3A_150 = arith.constant 304 : i32
    %add3A_151 = vector.broadcast %add3A_150 : i32 to vector<16xi32>
    %add3A_152 = arith.addi %add3A_151, %add3A_14 : vector<16xi32>
    %gather3A_153 = tpu.vector_load_idx %arg5[%add3A_152] : memref<3200xi32, #tpu.memory_space<vmem>>[vector<16xi32>], vector<16xi32>,
    %swap3A_154 = arith.constant 96 : index
    %swap3A_155 = tpu.vector_load %arg13[%swap3A_154] {strides = array<i32>} : memref<128xi32, #tpu.memory_space<vmem>>, vector<16xi32>,
    tpu.vector_store %arg13[%swap3A_154], %gather3A_153 {strides = array<i32>} : memref<128xi32, #tpu.memory_space<vmem>>, vector<16xi32>,
    %add3A_156 = arith.constant 312 : i32
    %add3A_157 = vector.broadcast %add3A_156 : i32 to vector<16xi32>
    %add3A_158 = arith.addi %add3A_157, %add3A_14 : vector<16xi32>
    %gather3A_159 = tpu.vector_load_idx %arg5[%add3A_158] : memref<3200xi32, #tpu.memory_space<vmem>>[vector<16xi32>], vector<16xi32>,
    %swap3A_160 = arith.constant 112 : index
    %swap3A_161 = tpu.vector_load %arg13[%swap3A_160] {strides = array<i32>} : memref<128xi32, #tpu.memory_space<vmem>>, vector<16xi32>,
    tpu.vector_store %arg13[%swap3A_160], %gather3A_159 {strides = array<i32>} : memref<128xi32, #tpu.memory_space<vmem>>, vector<16xi32>,
    %dma_start3A_162 = arith.constant 0 : i32
    %dma_start3A_163 = arith.constant 0 : i32
    %dma_start3A_164 = tpu.memref_slice %arg2[%dma_start3A_162, %dma_start3A_163] : memref<102400x128xf32, #tpu.memory_space<hbm>> -> memref<102400x128xf32, #tpu.memory_space<hbm>>
    tpu.enqueue_indirect_dma source(%dma_start3A_164 : memref<102400x128xf32, #tpu.memory_space<hbm>>) target(%arg8 : memref<128x128xf32, #tpu.memory_space<vmem>>) offsets(%arg13 : memref<128xi32, #tpu.memory_space<vmem>>) semaphore(%arg18 : memref<!tpu.dma_semaphore, #tpu.memory_space<semaphore_mem>>)
    %add3A_165 = arith.constant 384 : i32
    %add3A_166 = vector.broadcast %add3A_165 : i32 to vector<16xi32>
    %add3A_167 = arith.addi %add3A_166, %add3A_14 : vector<16xi32>
    %gather3A_168 = tpu.vector_load_idx %arg5[%add3A_167] : memref<3200xi32, #tpu.memory_space<vmem>>[vector<16xi32>], vector<16xi32>,
    %swap3A_169 = arith.constant 0 : index
    %swap3A_170 = tpu.vector_load %arg14[%swap3A_169] {strides = array<i32>} : memref<128xi32, #tpu.memory_space<vmem>>, vector<16xi32>,
    tpu.vector_store %arg14[%swap3A_169], %gather3A_168 {strides = array<i32>} : memref<128xi32, #tpu.memory_space<vmem>>, vector<16xi32>,
    %add3A_171 = arith.constant 392 : i32
    %add3A_172 = vector.broadcast %add3A_171 : i32 to vector<16xi32>
    %add3A_173 = arith.addi %add3A_172, %add3A_14 : vector<16xi32>
    %gather3A_174 = tpu.vector_load_idx %arg5[%add3A_173] : memref<3200xi32, #tpu.memory_space<vmem>>[vector<16xi32>], vector<16xi32>,
    %swap3A_175 = arith.constant 16 : index
    %swap3A_176 = tpu.vector_load %arg14[%swap3A_175] {strides = array<i32>} : memref<128xi32, #tpu.memory_space<vmem>>, vector<16xi32>,
    tpu.vector_store %arg14[%swap3A_175], %gather3A_174 {strides = array<i32>} : memref<128xi32, #tpu.memory_space<vmem>>, vector<16xi32>,
    %add3A_177 = arith.constant 400 : i32
    %add3A_178 = vector.broadcast %add3A_177 : i32 to vector<16xi32>
    %add3A_179 = arith.addi %add3A_178, %add3A_14 : vector<16xi32>
    %gather3A_180 = tpu.vector_load_idx %arg5[%add3A_179] : memref<3200xi32, #tpu.memory_space<vmem>>[vector<16xi32>], vector<16xi32>,
    %swap3A_181 = arith.constant 32 : index
    %swap3A_182 = tpu.vector_load %arg14[%swap3A_181] {strides = array<i32>} : memref<128xi32, #tpu.memory_space<vmem>>, vector<16xi32>,
    tpu.vector_store %arg14[%swap3A_181], %gather3A_180 {strides = array<i32>} : memref<128xi32, #tpu.memory_space<vmem>>, vector<16xi32>,
    %add3A_183 = arith.constant 408 : i32
    %add3A_184 = vector.broadcast %add3A_183 : i32 to vector<16xi32>
    %add3A_185 = arith.addi %add3A_184, %add3A_14 : vector<16xi32>
    %gather3A_186 = tpu.vector_load_idx %arg5[%add3A_185] : memref<3200xi32, #tpu.memory_space<vmem>>[vector<16xi32>], vector<16xi32>,
    %swap3A_187 = arith.constant 48 : index
    %swap3A_188 = tpu.vector_load %arg14[%swap3A_187] {strides = array<i32>} : memref<128xi32, #tpu.memory_space<vmem>>, vector<16xi32>,
    tpu.vector_store %arg14[%swap3A_187], %gather3A_186 {strides = array<i32>} : memref<128xi32, #tpu.memory_space<vmem>>, vector<16xi32>,
    %add3A_189 = arith.constant 416 : i32
    %add3A_190 = vector.broadcast %add3A_189 : i32 to vector<16xi32>
    %add3A_191 = arith.addi %add3A_190, %add3A_14 : vector<16xi32>
    %gather3A_192 = tpu.vector_load_idx %arg5[%add3A_191] : memref<3200xi32, #tpu.memory_space<vmem>>[vector<16xi32>], vector<16xi32>,
    %swap3A_193 = arith.constant 64 : index
    %swap3A_194 = tpu.vector_load %arg14[%swap3A_193] {strides = array<i32>} : memref<128xi32, #tpu.memory_space<vmem>>, vector<16xi32>,
    tpu.vector_store %arg14[%swap3A_193], %gather3A_192 {strides = array<i32>} : memref<128xi32, #tpu.memory_space<vmem>>, vector<16xi32>,
    %add3A_195 = arith.constant 424 : i32
    %add3A_196 = vector.broadcast %add3A_195 : i32 to vector<16xi32>
    %add3A_197 = arith.addi %add3A_196, %add3A_14 : vector<16xi32>
    %gather3A_198 = tpu.vector_load_idx %arg5[%add3A_197] : memref<3200xi32, #tpu.memory_space<vmem>>[vector<16xi32>], vector<16xi32>,
    %swap3A_199 = arith.constant 80 : index
    %swap3A_200 = tpu.vector_load %arg14[%swap3A_199] {strides = array<i32>} : memref<128xi32, #tpu.memory_space<vmem>>, vector<16xi32>,
    tpu.vector_store %arg14[%swap3A_199], %gather3A_198 {strides = array<i32>} : memref<128xi32, #tpu.memory_space<vmem>>, vector<16xi32>,
    %add3A_201 = arith.constant 432 : i32
    %add3A_202 = vector.broadcast %add3A_201 : i32 to vector<16xi32>
    %add3A_203 = arith.addi %add3A_202, %add3A_14 : vector<16xi32>
    %gather3A_204 = tpu.vector_load_idx %arg5[%add3A_203] : memref<3200xi32, #tpu.memory_space<vmem>>[vector<16xi32>], vector<16xi32>,
    %swap3A_205 = arith.constant 96 : index
    %swap3A_206 = tpu.vector_load %arg14[%swap3A_205] {strides = array<i32>} : memref<128xi32, #tpu.memory_space<vmem>>, vector<16xi32>,
    tpu.vector_store %arg14[%swap3A_205], %gather3A_204 {strides = array<i32>} : memref<128xi32, #tpu.memory_space<vmem>>, vector<16xi32>,
    %add3A_207 = arith.constant 440 : i32
    %add3A_208 = vector.broadcast %add3A_207 : i32 to vector<16xi32>
    %add3A_209 = arith.addi %add3A_208, %add3A_14 : vector<16xi32>
    %gather3A_210 = tpu.vector_load_idx %arg5[%add3A_209] : memref<3200xi32, #tpu.memory_space<vmem>>[vector<16xi32>], vector<16xi32>,
    %swap3A_211 = arith.constant 112 : index
    %swap3A_212 = tpu.vector_load %arg14[%swap3A_211] {strides = array<i32>} : memref<128xi32, #tpu.memory_space<vmem>>, vector<16xi32>,
    tpu.vector_store %arg14[%swap3A_211], %gather3A_210 {strides = array<i32>} : memref<128xi32, #tpu.memory_space<vmem>>, vector<16xi32>,
    %dma_start3A_213 = arith.constant 0 : i32
    %dma_start3A_214 = arith.constant 0 : i32
    %dma_start3A_215 = tpu.memref_slice %arg2[%dma_start3A_213, %dma_start3A_214] : memref<102400x128xf32, #tpu.memory_space<hbm>> -> memref<102400x128xf32, #tpu.memory_space<hbm>>
    tpu.enqueue_indirect_dma source(%dma_start3A_215 : memref<102400x128xf32, #tpu.memory_space<hbm>>) target(%arg9 : memref<128x128xf32, #tpu.memory_space<vmem>>) offsets(%arg14 : memref<128xi32, #tpu.memory_space<vmem>>) semaphore(%arg19 : memref<!tpu.dma_semaphore, #tpu.memory_space<semaphore_mem>>)
    %scan3A = arith.constant 0 : i32
    %scan3A_216 = arith.constant 0 : i32
    %scan3A_217 = arith.constant 5 : i32
    %scan3A_218 = arith.addi %scan3A_216, %scan3A_217 : i32
    %scan3A_219 = arith.constant 1 : i32
    scf.for %scan3A_295 = %scan3A_216 to %scan3A_218 step %scan3A_219  : i32 {
      %mul3A_296 = arith.constant 5 : i32
      %mul3A_297 = arith.muli %scan3A_295, %mul3A_296 : i32
      %add3A_298 = arith.constant 0 : i32
      %add3A_299 = arith.addi %mul3A_297, %add3A_298 : i32
      %dma_wait3A_300 = arith.constant 0 : i32
      %dma_wait3A_301 = arith.constant 0 : i32
      %dma_wait3A_302 = tpu.memref_slice %arg2[%dma_wait3A_300, %dma_wait3A_301] : memref<102400x128xf32, #tpu.memory_space<hbm>> -> memref<102400x128xf32, #tpu.memory_space<hbm>>
      tpu.wait_indirect_dma semaphore(%arg16 : memref<!tpu.dma_semaphore, #tpu.memory_space<semaphore_mem>>) src(%dma_wait3A_302 : memref<102400x128xf32, #tpu.memory_space<hbm>>) dst(%arg6 : memref<128x128xf32, #tpu.memory_space<vmem>>)
      %add3A_303 = arith.addi %mul3A_2, %add3A_299 : i32
      %dma_start3A_304 = arith.constant 0 : i32
      %dma_start3A_305 = arith.constant 0 : i32
      %dma_start3A_306 = tpu.memref_slice %arg6[%dma_start3A_304, %dma_start3A_305] : memref<128x128xf32, #tpu.memory_space<vmem>> -> memref<128x64xf32, #tpu.memory_space<vmem>>
      %dma_start3A_307 = arith.constant 0 : i32
      %dma_start3A_308 = arith.constant 0 : i32
      %dma_start3A_309 = tpu.memref_slice %arg4[%add3A_303, %dma_start3A_307, %dma_start3A_308] : memref<800x128x64xf32, #tpu.memory_space<hbm>> -> memref<1x128x64xf32, #tpu.memory_space<hbm>>
      %dma_start3A_310 = tpu.memref_squeeze %dma_start3A_309 : memref<1x128x64xf32, #tpu.memory_space<hbm>> -> memref<128x64xf32, #tpu.memory_space<hbm>>
      %dma_start3A_311 = arith.constant 0 : i32
      %dma_start3A_312 = arith.constant 0 : i32
      %dma_start3A_313 = tpu.memref_slice %arg4[%add3A_303, %dma_start3A_311, %dma_start3A_312] : memref<800x128x64xf32, #tpu.memory_space<hbm>> -> memref<1x128x64xf32, #tpu.memory_space<hbm>>
      %dma_start3A_314 = tpu.memref_squeeze %dma_start3A_313 : memref<1x128x64xf32, #tpu.memory_space<hbm>> -> memref<128x64xf32, #tpu.memory_space<hbm>>
      %dma_start3A_315 = arith.constant 0 : i32
      %dma_start3A_316 = arith.constant 0 : i32
      %dma_start3A_317 = tpu.memref_slice %arg6[%dma_start3A_315, %dma_start3A_316] : memref<128x128xf32, #tpu.memory_space<vmem>> -> memref<128x64xf32, #tpu.memory_space<vmem>>
      tpu.enqueue_dma source(%dma_start3A_317 : memref<128x64xf32, #tpu.memory_space<vmem>>) target(%dma_start3A_314 : memref<128x64xf32, #tpu.memory_space<hbm>>) target_semaphore(%arg21 : memref<!tpu.dma_semaphore, #tpu.memory_space<semaphore_mem>>)
      %ge3A = arith.constant 1 : i32
      %ge3A_318 = arith.cmpi sge, %scan3A_295, %ge3A : i32
      %convert_element_type3A = arith.extui %ge3A_318 : i1 to i32
      %cond3A = arith.constant 0 : i32
      %cond3A_319 = arith.cmpi ne, %convert_element_type3A, %cond3A : i32
      scf.if %cond3A_319 {
        %dma_wait3A_505 = arith.constant 0 : i32
        %dma_wait3A_506 = arith.constant 0 : i32
        %dma_wait3A_507 = arith.constant 0 : i32
        %dma_wait3A_508 = tpu.memref_slice %arg10[%dma_wait3A_506, %dma_wait3A_507] : memref<128x128xf32, #tpu.memory_space<vmem>> -> memref<128x64xf32, #tpu.memory_space<vmem>>
        %dma_wait3A_509 = arith.constant 0 : i32
        %dma_wait3A_510 = arith.constant 0 : i32
        %dma_wait3A_511 = tpu.memref_slice %arg4[%dma_wait3A_505, %dma_wait3A_509, %dma_wait3A_510] : memref<800x128x64xf32, #tpu.memory_space<hbm>> -> memref<1x128x64xf32, #tpu.memory_space<hbm>>
        %dma_wait3A_512 = tpu.memref_squeeze %dma_wait3A_511 : memref<1x128x64xf32, #tpu.memory_space<hbm>> -> memref<128x64xf32, #tpu.memory_space<hbm>>
        %dma_wait3A_513 = arith.constant 0 : i32
        %dma_wait3A_514 = arith.constant 0 : i32
        %dma_wait3A_515 = tpu.memref_slice %arg4[%dma_wait3A_505, %dma_wait3A_513, %dma_wait3A_514] : memref<800x128x64xf32, #tpu.memory_space<hbm>> -> memref<1x128x64xf32, #tpu.memory_space<hbm>>
        %dma_wait3A_516 = tpu.memref_squeeze %dma_wait3A_515 : memref<1x128x64xf32, #tpu.memory_space<hbm>> -> memref<128x64xf32, #tpu.memory_space<hbm>>
        %dma_wait3A_517 = arith.constant 0 : i32
        %dma_wait3A_518 = arith.constant 0 : i32
        %dma_wait3A_519 = tpu.memref_slice %arg10[%dma_wait3A_517, %dma_wait3A_518] : memref<128x128xf32, #tpu.memory_space<vmem>> -> memref<128x64xf32, #tpu.memory_space<vmem>>
        tpu.wait_dma2 semaphore(%arg25 : memref<!tpu.dma_semaphore, #tpu.memory_space<semaphore_mem>>) src(%dma_wait3A_519 : memref<128x64xf32, #tpu.memory_space<vmem>>) dst(%dma_wait3A_516 : memref<128x64xf32, #tpu.memory_space<hbm>>)
      } else {
      }
      %add3A_320 = arith.constant 5 : i32
      %add3A_321 = arith.addi %add3A_299, %add3A_320 : i32
      %sub3A = arith.constant 1 : i32
      %sub3A_322 = arith.subi %add3A_321, %sub3A : i32
      %mul3A_323 = arith.constant 128 : i32
      %mul3A_324 = arith.muli %sub3A_322, %mul3A_323 : i32
      %add3A_325 = arith.constant 0 : i32
      %add3A_326 = arith.addi %mul3A_324, %add3A_325 : i32
      %add3A_327 = vector.broadcast %add3A_326 : i32 to vector<16xi32>
      %add3A_328 = arith.addi %add3A_327, %add3A_14 : vector<16xi32>
      %gather3A_329 = tpu.vector_load_idx %arg5[%add3A_328] : memref<3200xi32, #tpu.memory_space<vmem>>[vector<16xi32>], vector<16xi32>,
      %swap3A_330 = arith.constant 0 : index
      %swap3A_331 = tpu.vector_load %arg15[%swap3A_330] {strides = array<i32>} : memref<128xi32, #tpu.memory_space<vmem>>, vector<16xi32>,
      tpu.vector_store %arg15[%swap3A_330], %gather3A_329 {strides = array<i32>} : memref<128xi32, #tpu.memory_space<vmem>>, vector<16xi32>,
      %mul3A_332 = arith.constant 128 : i32
      %mul3A_333 = arith.muli %sub3A_322, %mul3A_332 : i32
      %add3A_334 = arith.constant 8 : i32
      %add3A_335 = arith.addi %mul3A_333, %add3A_334 : i32
      %add3A_336 = vector.broadcast %add3A_335 : i32 to vector<16xi32>
      %add3A_337 = arith.addi %add3A_336, %add3A_14 : vector<16xi32>
      %gather3A_338 = tpu.vector_load_idx %arg5[%add3A_337] : memref<3200xi32, #tpu.memory_space<vmem>>[vector<16xi32>], vector<16xi32>,
      %swap3A_339 = arith.constant 16 : index
      %swap3A_340 = tpu.vector_load %arg15[%swap3A_339] {strides = array<i32>} : memref<128xi32, #tpu.memory_space<vmem>>, vector<16xi32>,
      tpu.vector_store %arg15[%swap3A_339], %gather3A_338 {strides = array<i32>} : memref<128xi32, #tpu.memory_space<vmem>>, vector<16xi32>,
      %mul3A_341 = arith.constant 128 : i32
      %mul3A_342 = arith.muli %sub3A_322, %mul3A_341 : i32
      %add3A_343 = arith.constant 16 : i32
      %add3A_344 = arith.addi %mul3A_342, %add3A_343 : i32
      %add3A_345 = vector.broadcast %add3A_344 : i32 to vector<16xi32>
      %add3A_346 = arith.addi %add3A_345, %add3A_14 : vector<16xi32>
      %gather3A_347 = tpu.vector_load_idx %arg5[%add3A_346] : memref<3200xi32, #tpu.memory_space<vmem>>[vector<16xi32>], vector<16xi32>,
      %swap3A_348 = arith.constant 32 : index
      %swap3A_349 = tpu.vector_load %arg15[%swap3A_348] {strides = array<i32>} : memref<128xi32, #tpu.memory_space<vmem>>, vector<16xi32>,
      tpu.vector_store %arg15[%swap3A_348], %gather3A_347 {strides = array<i32>} : memref<128xi32, #tpu.memory_space<vmem>>, vector<16xi32>,
      %mul3A_350 = arith.constant 128 : i32
      %mul3A_351 = arith.muli %sub3A_322, %mul3A_350 : i32
      %add3A_352 = arith.constant 24 : i32
      %add3A_353 = arith.addi %mul3A_351, %add3A_352 : i32
      %add3A_354 = vector.broadcast %add3A_353 : i32 to vector<16xi32>
      %add3A_355 = arith.addi %add3A_354, %add3A_14 : vector<16xi32>
      %gather3A_356 = tpu.vector_load_idx %arg5[%add3A_355] : memref<3200xi32, #tpu.memory_space<vmem>>[vector<16xi32>], vector<16xi32>,
      %swap3A_357 = arith.constant 48 : index
      %swap3A_358 = tpu.vector_load %arg15[%swap3A_357] {strides = array<i32>} : memref<128xi32, #tpu.memory_space<vmem>>, vector<16xi32>,
      tpu.vector_store %arg15[%swap3A_357], %gather3A_356 {strides = array<i32>} : memref<128xi32, #tpu.memory_space<vmem>>, vector<16xi32>,
      %mul3A_359 = arith.constant 128 : i32
      %mul3A_360 = arith.muli %sub3A_322, %mul3A_359 : i32
      %add3A_361 = arith.constant 32 : i32
      %add3A_362 = arith.addi %mul3A_360, %add3A_361 : i32
      %add3A_363 = vector.broadcast %add3A_362 : i32 to vector<16xi32>
      %add3A_364 = arith.addi %add3A_363, %add3A_14 : vector<16xi32>
      %gather3A_365 = tpu.vector_load_idx %arg5[%add3A_364] : memref<3200xi32, #tpu.memory_space<vmem>>[vector<16xi32>], vector<16xi32>,
      %swap3A_366 = arith.constant 64 : index
      %swap3A_367 = tpu.vector_load %arg15[%swap3A_366] {strides = array<i32>} : memref<128xi32, #tpu.memory_space<vmem>>, vector<16xi32>,
      tpu.vector_store %arg15[%swap3A_366], %gather3A_365 {strides = array<i32>} : memref<128xi32, #tpu.memory_space<vmem>>, vector<16xi32>,
      %mul3A_368 = arith.constant 128 : i32
      %mul3A_369 = arith.muli %sub3A_322, %mul3A_368 : i32
      %add3A_370 = arith.constant 40 : i32
      %add3A_371 = arith.addi %mul3A_369, %add3A_370 : i32
      %add3A_372 = vector.broadcast %add3A_371 : i32 to vector<16xi32>
      %add3A_373 = arith.addi %add3A_372, %add3A_14 : vector<16xi32>
      %gather3A_374 = tpu.vector_load_idx %arg5[%add3A_373] : memref<3200xi32, #tpu.memory_space<vmem>>[vector<16xi32>], vector<16xi32>,
      %swap3A_375 = arith.constant 80 : index
      %swap3A_376 = tpu.vector_load %arg15[%swap3A_375] {strides = array<i32>} : memref<128xi32, #tpu.memory_space<vmem>>, vector<16xi32>,
      tpu.vector_store %arg15[%swap3A_375], %gather3A_374 {strides = array<i32>} : memref<128xi32, #tpu.memory_space<vmem>>, vector<16xi32>,
      %mul3A_377 = arith.constant 128 : i32
      %mul3A_378 = arith.muli %sub3A_322, %mul3A_377 : i32
      %add3A_379 = arith.constant 48 : i32
      %add3A_380 = arith.addi %mul3A_378, %add3A_379 : i32
      %add3A_381 = vector.broadcast %add3A_380 : i32 to vector<16xi32>
      %add3A_382 = arith.addi %add3A_381, %add3A_14 : vector<16xi32>
      %gather3A_383 = tpu.vector_load_idx %arg5[%add3A_382] : memref<3200xi32, #tpu.memory_space<vmem>>[vector<16xi32>], vector<16xi32>,
      %swap3A_384 = arith.constant 96 : index
      %swap3A_385 = tpu.vector_load %arg15[%swap3A_384] {strides = array<i32>} : memref<128xi32, #tpu.memory_space<vmem>>, vector<16xi32>,
      tpu.vector_store %arg15[%swap3A_384], %gather3A_383 {strides = array<i32>} : memref<128xi32, #tpu.memory_space<vmem>>, vector<16xi32>,
      %mul3A_386 = arith.constant 128 : i32
      %mul3A_387 = arith.muli %sub3A_322, %mul3A_386 : i32
      %add3A_388 = arith.constant 56 : i32
      %add3A_389 = arith.addi %mul3A_387, %add3A_388 : i32
      %add3A_390 = vector.broadcast %add3A_389 : i32 to vector<16xi32>
      %add3A_391 = arith.addi %add3A_390, %add3A_14 : vector<16xi32>
      %gather3A_392 = tpu.vector_load_idx %arg5[%add3A_391] : memref<3200xi32, #tpu.memory_space<vmem>>[vector<16xi32>], vector<16xi32>,
      %swap3A_393 = arith.constant 112 : index
      %swap3A_394 = tpu.vector_load %arg15[%swap3A_393] {strides = array<i32>} : memref<128xi32, #tpu.memory_space<vmem>>, vector<16xi32>,
      tpu.vector_store %arg15[%swap3A_393], %gather3A_392 {strides = array<i32>} : memref<128xi32, #tpu.memory_space<vmem>>, vector<16xi32>,
      %dma_start3A_395 = arith.constant 0 : i32
      %dma_start3A_396 = arith.constant 0 : i32
      %dma_start3A_397 = tpu.memref_slice %arg2[%dma_start3A_395, %dma_start3A_396] : memref<102400x128xf32, #tpu.memory_space<hbm>> -> memref<102400x128xf32, #tpu.memory_space<hbm>>
      tpu.enqueue_indirect_dma source(%dma_start3A_397 : memref<102400x128xf32, #tpu.memory_space<hbm>>) target(%arg10 : memref<128x128xf32, #tpu.memory_space<vmem>>) offsets(%arg15 : memref<128xi32, #tpu.memory_space<vmem>>) semaphore(%arg20 : memref<!tpu.dma_semaphore, #tpu.memory_space<semaphore_mem>>)
      %mul3A_398 = arith.constant 5 : i32
      %mul3A_399 = arith.muli %scan3A_295, %mul3A_398 : i32
      %add3A_400 = arith.constant 1 : i32
      %add3A_401 = arith.addi %mul3A_399, %add3A_400 : i32
      %dma_wait3A_402 = arith.constant 0 : i32
      %dma_wait3A_403 = arith.constant 0 : i32
      %dma_wait3A_404 = tpu.memref_slice %arg2[%dma_wait3A_402, %dma_wait3A_403] : memref<102400x128xf32, #tpu.memory_space<hbm>> -> memref<102400x128xf32, #tpu.memory_space<hbm>>
      tpu.wait_indirect_dma semaphore(%arg17 : memref<!tpu.dma_semaphore, #tpu.memory_space<semaphore_mem>>) src(%dma_wait3A_404 : memref<102400x128xf32, #tpu.memory_space<hbm>>) dst(%arg7 : memref<128x128xf32, #tpu.memory_space<vmem>>)
      %add3A_405 = arith.addi %mul3A_2, %add3A_401 : i32
      %dma_start3A_406 = arith.constant 0 : i32
      %dma_start3A_407 = arith.constant 0 : i32
      %dma_start3A_408 = tpu.memref_slice %arg7[%dma_start3A_406, %dma_start3A_407] : memref<128x128xf32, #tpu.memory_space<vmem>> -> memref<128x64xf32, #tpu.memory_space<vmem>>
      %dma_start3A_409 = arith.constant 0 : i32
      %dma_start3A_410 = arith.constant 0 : i32
      %dma_start3A_411 = tpu.memref_slice %arg4[%add3A_405, %dma_start3A_409, %dma_start3A_410] : memref<800x128x64xf32, #tpu.memory_space<hbm>> -> memref<1x128x64xf32, #tpu.memory_space<hbm>>
      %dma_start3A_412 = tpu.memref_squeeze %dma_start3A_411 : memref<1x128x64xf32, #tpu.memory_space<hbm>> -> memref<128x64xf32, #tpu.memory_space<hbm>>
      %dma_start3A_413 = arith.constant 0 : i32
      %dma_start3A_414 = arith.constant 0 : i32
      %dma_start3A_415 = tpu.memref_slice %arg4[%add3A_405, %dma_start3A_413, %dma_start3A_414] : memref<800x128x64xf32, #tpu.memory_space<hbm>> -> memref<1x128x64xf32, #tpu.memory_space<hbm>>
      %dma_start3A_416 = tpu.memref_squeeze %dma_start3A_415 : memref<1x128x64xf32, #tpu.memory_space<hbm>> -> memref<128x64xf32, #tpu.memory_space<hbm>>
      %dma_start3A_417 = arith.constant 0 : i32
      %dma_start3A_418 = arith.constant 0 : i32
      %dma_start3A_419 = tpu.memref_slice %arg7[%dma_start3A_417, %dma_start3A_418] : memref<128x128xf32, #tpu.memory_space<vmem>> -> memref<128x64xf32, #tpu.memory_space<vmem>>
      tpu.enqueue_dma source(%dma_start3A_419 : memref<128x64xf32, #tpu.memory_space<vmem>>) target(%dma_start3A_416 : memref<128x64xf32, #tpu.memory_space<hbm>>) target_semaphore(%arg22 : memref<!tpu.dma_semaphore, #tpu.memory_space<semaphore_mem>>)
      %le3A = arith.constant 3 : i32
      %le3A_420 = arith.cmpi sle, %scan3A_295, %le3A : i32
      %convert_element_type3A_421 = arith.extui %le3A_420 : i1 to i32
      %cond3A_422 = arith.constant 0 : i32
      %cond3A_423 = arith.cmpi ne, %convert_element_type3A_421, %cond3A_422 : i32
      scf.if %cond3A_423 {
        %dma_wait3A_505 = arith.constant 0 : i32
        %dma_wait3A_506 = arith.constant 0 : i32
        %dma_wait3A_507 = arith.constant 0 : i32
        %dma_wait3A_508 = tpu.memref_slice %arg6[%dma_wait3A_506, %dma_wait3A_507] : memref<128x128xf32, #tpu.memory_space<vmem>> -> memref<128x64xf32, #tpu.memory_space<vmem>>
        %dma_wait3A_509 = arith.constant 0 : i32
        %dma_wait3A_510 = arith.constant 0 : i32
        %dma_wait3A_511 = tpu.memref_slice %arg4[%dma_wait3A_505, %dma_wait3A_509, %dma_wait3A_510] : memref<800x128x64xf32, #tpu.memory_space<hbm>> -> memref<1x128x64xf32, #tpu.memory_space<hbm>>
        %dma_wait3A_512 = tpu.memref_squeeze %dma_wait3A_511 : memref<1x128x64xf32, #tpu.memory_space<hbm>> -> memref<128x64xf32, #tpu.memory_space<hbm>>
        %dma_wait3A_513 = arith.constant 0 : i32
        %dma_wait3A_514 = arith.constant 0 : i32
        %dma_wait3A_515 = tpu.memref_slice %arg4[%dma_wait3A_505, %dma_wait3A_513, %dma_wait3A_514] : memref<800x128x64xf32, #tpu.memory_space<hbm>> -> memref<1x128x64xf32, #tpu.memory_space<hbm>>
        %dma_wait3A_516 = tpu.memref_squeeze %dma_wait3A_515 : memref<1x128x64xf32, #tpu.memory_space<hbm>> -> memref<128x64xf32, #tpu.memory_space<hbm>>
        %dma_wait3A_517 = arith.constant 0 : i32
        %dma_wait3A_518 = arith.constant 0 : i32
        %dma_wait3A_519 = tpu.memref_slice %arg6[%dma_wait3A_517, %dma_wait3A_518] : memref<128x128xf32, #tpu.memory_space<vmem>> -> memref<128x64xf32, #tpu.memory_space<vmem>>
        tpu.wait_dma2 semaphore(%arg21 : memref<!tpu.dma_semaphore, #tpu.memory_space<semaphore_mem>>) src(%dma_wait3A_519 : memref<128x64xf32, #tpu.memory_space<vmem>>) dst(%dma_wait3A_516 : memref<128x64xf32, #tpu.memory_space<hbm>>)
        %add3A_520 = arith.constant 5 : i32
        %add3A_521 = arith.addi %add3A_401, %add3A_520 : i32
        %sub3A_522 = arith.constant 1 : i32
        %sub3A_523 = arith.subi %add3A_521, %sub3A_522 : i32
        %mul3A_524 = arith.constant 128 : i32
        %mul3A_525 = arith.muli %sub3A_523, %mul3A_524 : i32
        %add3A_526 = arith.constant 0 : i32
        %add3A_527 = arith.addi %mul3A_525, %add3A_526 : i32
        %add3A_528 = vector.broadcast %add3A_527 : i32 to vector<16xi32>
        %add3A_529 = arith.addi %add3A_528, %add3A_14 : vector<16xi32>
        %gather3A_530 = tpu.vector_load_idx %arg5[%add3A_529] : memref<3200xi32, #tpu.memory_space<vmem>>[vector<16xi32>], vector<16xi32>,
        %swap3A_531 = arith.constant 0 : index
        %swap3A_532 = tpu.vector_load %arg11[%swap3A_531] {strides = array<i32>} : memref<128xi32, #tpu.memory_space<vmem>>, vector<16xi32>,
        tpu.vector_store %arg11[%swap3A_531], %gather3A_530 {strides = array<i32>} : memref<128xi32, #tpu.memory_space<vmem>>, vector<16xi32>,
        %mul3A_533 = arith.constant 128 : i32
        %mul3A_534 = arith.muli %sub3A_523, %mul3A_533 : i32
        %add3A_535 = arith.constant 8 : i32
        %add3A_536 = arith.addi %mul3A_534, %add3A_535 : i32
        %add3A_537 = vector.broadcast %add3A_536 : i32 to vector<16xi32>
        %add3A_538 = arith.addi %add3A_537, %add3A_14 : vector<16xi32>
        %gather3A_539 = tpu.vector_load_idx %arg5[%add3A_538] : memref<3200xi32, #tpu.memory_space<vmem>>[vector<16xi32>], vector<16xi32>,
        %swap3A_540 = arith.constant 16 : index
        %swap3A_541 = tpu.vector_load %arg11[%swap3A_540] {strides = array<i32>} : memref<128xi32, #tpu.memory_space<vmem>>, vector<16xi32>,
        tpu.vector_store %arg11[%swap3A_540], %gather3A_539 {strides = array<i32>} : memref<128xi32, #tpu.memory_space<vmem>>, vector<16xi32>,
        %mul3A_542 = arith.constant 128 : i32
        %mul3A_543 = arith.muli %sub3A_523, %mul3A_542 : i32
        %add3A_544 = arith.constant 16 : i32
        %add3A_545 = arith.addi %mul3A_543, %add3A_544 : i32
        %add3A_546 = vector.broadcast %add3A_545 : i32 to vector<16xi32>
        %add3A_547 = arith.addi %add3A_546, %add3A_14 : vector<16xi32>
        %gather3A_548 = tpu.vector_load_idx %arg5[%add3A_547] : memref<3200xi32, #tpu.memory_space<vmem>>[vector<16xi32>], vector<16xi32>,
        %swap3A_549 = arith.constant 32 : index
        %swap3A_550 = tpu.vector_load %arg11[%swap3A_549] {strides = array<i32>} : memref<128xi32, #tpu.memory_space<vmem>>, vector<16xi32>,
        tpu.vector_store %arg11[%swap3A_549], %gather3A_548 {strides = array<i32>} : memref<128xi32, #tpu.memory_space<vmem>>, vector<16xi32>,
        %mul3A_551 = arith.constant 128 : i32
        %mul3A_552 = arith.muli %sub3A_523, %mul3A_551 : i32
        %add3A_553 = arith.constant 24 : i32
        %add3A_554 = arith.addi %mul3A_552, %add3A_553 : i32
        %add3A_555 = vector.broadcast %add3A_554 : i32 to vector<16xi32>
        %add3A_556 = arith.addi %add3A_555, %add3A_14 : vector<16xi32>
        %gather3A_557 = tpu.vector_load_idx %arg5[%add3A_556] : memref<3200xi32, #tpu.memory_space<vmem>>[vector<16xi32>], vector<16xi32>,
        %swap3A_558 = arith.constant 48 : index
        %swap3A_559 = tpu.vector_load %arg11[%swap3A_558] {strides = array<i32>} : memref<128xi32, #tpu.memory_space<vmem>>, vector<16xi32>,
        tpu.vector_store %arg11[%swap3A_558], %gather3A_557 {strides = array<i32>} : memref<128xi32, #tpu.memory_space<vmem>>, vector<16xi32>,
        %mul3A_560 = arith.constant 128 : i32
        %mul3A_561 = arith.muli %sub3A_523, %mul3A_560 : i32
        %add3A_562 = arith.constant 32 : i32
        %add3A_563 = arith.addi %mul3A_561, %add3A_562 : i32
        %add3A_564 = vector.broadcast %add3A_563 : i32 to vector<16xi32>
        %add3A_565 = arith.addi %add3A_564, %add3A_14 : vector<16xi32>
        %gather3A_566 = tpu.vector_load_idx %arg5[%add3A_565] : memref<3200xi32, #tpu.memory_space<vmem>>[vector<16xi32>], vector<16xi32>,
        %swap3A_567 = arith.constant 64 : index
        %swap3A_568 = tpu.vector_load %arg11[%swap3A_567] {strides = array<i32>} : memref<128xi32, #tpu.memory_space<vmem>>, vector<16xi32>,
        tpu.vector_store %arg11[%swap3A_567], %gather3A_566 {strides = array<i32>} : memref<128xi32, #tpu.memory_space<vmem>>, vector<16xi32>,
        %mul3A_569 = arith.constant 128 : i32
        %mul3A_570 = arith.muli %sub3A_523, %mul3A_569 : i32
        %add3A_571 = arith.constant 40 : i32
        %add3A_572 = arith.addi %mul3A_570, %add3A_571 : i32
        %add3A_573 = vector.broadcast %add3A_572 : i32 to vector<16xi32>
        %add3A_574 = arith.addi %add3A_573, %add3A_14 : vector<16xi32>
        %gather3A_575 = tpu.vector_load_idx %arg5[%add3A_574] : memref<3200xi32, #tpu.memory_space<vmem>>[vector<16xi32>], vector<16xi32>,
        %swap3A_576 = arith.constant 80 : index
        %swap3A_577 = tpu.vector_load %arg11[%swap3A_576] {strides = array<i32>} : memref<128xi32, #tpu.memory_space<vmem>>, vector<16xi32>,
        tpu.vector_store %arg11[%swap3A_576], %gather3A_575 {strides = array<i32>} : memref<128xi32, #tpu.memory_space<vmem>>, vector<16xi32>,
        %mul3A_578 = arith.constant 128 : i32
        %mul3A_579 = arith.muli %sub3A_523, %mul3A_578 : i32
        %add3A_580 = arith.constant 48 : i32
        %add3A_581 = arith.addi %mul3A_579, %add3A_580 : i32
        %add3A_582 = vector.broadcast %add3A_581 : i32 to vector<16xi32>
        %add3A_583 = arith.addi %add3A_582, %add3A_14 : vector<16xi32>
        %gather3A_584 = tpu.vector_load_idx %arg5[%add3A_583] : memref<3200xi32, #tpu.memory_space<vmem>>[vector<16xi32>], vector<16xi32>,
        %swap3A_585 = arith.constant 96 : index
        %swap3A_586 = tpu.vector_load %arg11[%swap3A_585] {strides = array<i32>} : memref<128xi32, #tpu.memory_space<vmem>>, vector<16xi32>,
        tpu.vector_store %arg11[%swap3A_585], %gather3A_584 {strides = array<i32>} : memref<128xi32, #tpu.memory_space<vmem>>, vector<16xi32>,
        %mul3A_587 = arith.constant 128 : i32
        %mul3A_588 = arith.muli %sub3A_523, %mul3A_587 : i32
        %add3A_589 = arith.constant 56 : i32
        %add3A_590 = arith.addi %mul3A_588, %add3A_589 : i32
        %add3A_591 = vector.broadcast %add3A_590 : i32 to vector<16xi32>
        %add3A_592 = arith.addi %add3A_591, %add3A_14 : vector<16xi32>
        %gather3A_593 = tpu.vector_load_idx %arg5[%add3A_592] : memref<3200xi32, #tpu.memory_space<vmem>>[vector<16xi32>], vector<16xi32>,
        %swap3A_594 = arith.constant 112 : index
        %swap3A_595 = tpu.vector_load %arg11[%swap3A_594] {strides = array<i32>} : memref<128xi32, #tpu.memory_space<vmem>>, vector<16xi32>,
        tpu.vector_store %arg11[%swap3A_594], %gather3A_593 {strides = array<i32>} : memref<128xi32, #tpu.memory_space<vmem>>, vector<16xi32>,
        %dma_start3A_596 = arith.constant 0 : i32
        %dma_start3A_597 = arith.constant 0 : i32
        %dma_start3A_598 = tpu.memref_slice %arg2[%dma_start3A_596, %dma_start3A_597] : memref<102400x128xf32, #tpu.memory_space<hbm>> -> memref<102400x128xf32, #tpu.memory_space<hbm>>
        tpu.enqueue_indirect_dma source(%dma_start3A_598 : memref<102400x128xf32, #tpu.memory_space<hbm>>) target(%arg6 : memref<128x128xf32, #tpu.memory_space<vmem>>) offsets(%arg11 : memref<128xi32, #tpu.memory_space<vmem>>) semaphore(%arg16 : memref<!tpu.dma_semaphore, #tpu.memory_space<semaphore_mem>>)
      } else {
      }
      %mul3A_424 = arith.constant 5 : i32
      %mul3A_425 = arith.muli %scan3A_295, %mul3A_424 : i32
      %add3A_426 = arith.constant 2 : i32
      %add3A_427 = arith.addi %mul3A_425, %add3A_426 : i32
      %dma_wait3A_428 = arith.constant 0 : i32
      %dma_wait3A_429 = arith.constant 0 : i32
      %dma_wait3A_430 = tpu.memref_slice %arg2[%dma_wait3A_428, %dma_wait3A_429] : memref<102400x128xf32, #tpu.memory_space<hbm>> -> memref<102400x128xf32, #tpu.memory_space<hbm>>
      tpu.wait_indirect_dma semaphore(%arg18 : memref<!tpu.dma_semaphore, #tpu.memory_space<semaphore_mem>>) src(%dma_wait3A_430 : memref<102400x128xf32, #tpu.memory_space<hbm>>) dst(%arg8 : memref<128x128xf32, #tpu.memory_space<vmem>>)
      %add3A_431 = arith.addi %mul3A_2, %add3A_427 : i32
      %dma_start3A_432 = arith.constant 0 : i32
      %dma_start3A_433 = arith.constant 0 : i32
      %dma_start3A_434 = tpu.memref_slice %arg8[%dma_start3A_432, %dma_start3A_433] : memref<128x128xf32, #tpu.memory_space<vmem>> -> memref<128x64xf32, #tpu.memory_space<vmem>>
      %dma_start3A_435 = arith.constant 0 : i32
      %dma_start3A_436 = arith.constant 0 : i32
      %dma_start3A_437 = tpu.memref_slice %arg4[%add3A_431, %dma_start3A_435, %dma_start3A_436] : memref<800x128x64xf32, #tpu.memory_space<hbm>> -> memref<1x128x64xf32, #tpu.memory_space<hbm>>
      %dma_start3A_438 = tpu.memref_squeeze %dma_start3A_437 : memref<1x128x64xf32, #tpu.memory_space<hbm>> -> memref<128x64xf32, #tpu.memory_space<hbm>>
      %dma_start3A_439 = arith.constant 0 : i32
      %dma_start3A_440 = arith.constant 0 : i32
      %dma_start3A_441 = tpu.memref_slice %arg4[%add3A_431, %dma_start3A_439, %dma_start3A_440] : memref<800x128x64xf32, #tpu.memory_space<hbm>> -> memref<1x128x64xf32, #tpu.memory_space<hbm>>
      %dma_start3A_442 = tpu.memref_squeeze %dma_start3A_441 : memref<1x128x64xf32, #tpu.memory_space<hbm>> -> memref<128x64xf32, #tpu.memory_space<hbm>>
      %dma_start3A_443 = arith.constant 0 : i32
      %dma_start3A_444 = arith.constant 0 : i32
      %dma_start3A_445 = tpu.memref_slice %arg8[%dma_start3A_443, %dma_start3A_444] : memref<128x128xf32, #tpu.memory_space<vmem>> -> memref<128x64xf32, #tpu.memory_space<vmem>>
      tpu.enqueue_dma source(%dma_start3A_445 : memref<128x64xf32, #tpu.memory_space<vmem>>) target(%dma_start3A_442 : memref<128x64xf32, #tpu.memory_space<hbm>>) target_semaphore(%arg23 : memref<!tpu.dma_semaphore, #tpu.memory_space<semaphore_mem>>)
      %le3A_446 = arith.constant 3 : i32
      %le3A_447 = arith.cmpi sle, %scan3A_295, %le3A_446 : i32
      %convert_element_type3A_448 = arith.extui %le3A_447 : i1 to i32
      %cond3A_449 = arith.constant 0 : i32
      %cond3A_450 = arith.cmpi ne, %convert_element_type3A_448, %cond3A_449 : i32
      scf.if %cond3A_450 {
        %dma_wait3A_505 = arith.constant 0 : i32
        %dma_wait3A_506 = arith.constant 0 : i32
        %dma_wait3A_507 = arith.constant 0 : i32
        %dma_wait3A_508 = tpu.memref_slice %arg7[%dma_wait3A_506, %dma_wait3A_507] : memref<128x128xf32, #tpu.memory_space<vmem>> -> memref<128x64xf32, #tpu.memory_space<vmem>>
        %dma_wait3A_509 = arith.constant 0 : i32
        %dma_wait3A_510 = arith.constant 0 : i32
        %dma_wait3A_511 = tpu.memref_slice %arg4[%dma_wait3A_505, %dma_wait3A_509, %dma_wait3A_510] : memref<800x128x64xf32, #tpu.memory_space<hbm>> -> memref<1x128x64xf32, #tpu.memory_space<hbm>>
        %dma_wait3A_512 = tpu.memref_squeeze %dma_wait3A_511 : memref<1x128x64xf32, #tpu.memory_space<hbm>> -> memref<128x64xf32, #tpu.memory_space<hbm>>
        %dma_wait3A_513 = arith.constant 0 : i32
        %dma_wait3A_514 = arith.constant 0 : i32
        %dma_wait3A_515 = tpu.memref_slice %arg4[%dma_wait3A_505, %dma_wait3A_513, %dma_wait3A_514] : memref<800x128x64xf32, #tpu.memory_space<hbm>> -> memref<1x128x64xf32, #tpu.memory_space<hbm>>
        %dma_wait3A_516 = tpu.memref_squeeze %dma_wait3A_515 : memref<1x128x64xf32, #tpu.memory_space<hbm>> -> memref<128x64xf32, #tpu.memory_space<hbm>>
        %dma_wait3A_517 = arith.constant 0 : i32
        %dma_wait3A_518 = arith.constant 0 : i32
        %dma_wait3A_519 = tpu.memref_slice %arg7[%dma_wait3A_517, %dma_wait3A_518] : memref<128x128xf32, #tpu.memory_space<vmem>> -> memref<128x64xf32, #tpu.memory_space<vmem>>
        tpu.wait_dma2 semaphore(%arg22 : memref<!tpu.dma_semaphore, #tpu.memory_space<semaphore_mem>>) src(%dma_wait3A_519 : memref<128x64xf32, #tpu.memory_space<vmem>>) dst(%dma_wait3A_516 : memref<128x64xf32, #tpu.memory_space<hbm>>)
        %add3A_520 = arith.constant 5 : i32
        %add3A_521 = arith.addi %add3A_427, %add3A_520 : i32
        %sub3A_522 = arith.constant 1 : i32
        %sub3A_523 = arith.subi %add3A_521, %sub3A_522 : i32
        %mul3A_524 = arith.constant 128 : i32
        %mul3A_525 = arith.muli %sub3A_523, %mul3A_524 : i32
        %add3A_526 = arith.constant 0 : i32
        %add3A_527 = arith.addi %mul3A_525, %add3A_526 : i32
        %add3A_528 = vector.broadcast %add3A_527 : i32 to vector<16xi32>
        %add3A_529 = arith.addi %add3A_528, %add3A_14 : vector<16xi32>
        %gather3A_530 = tpu.vector_load_idx %arg5[%add3A_529] : memref<3200xi32, #tpu.memory_space<vmem>>[vector<16xi32>], vector<16xi32>,
        %swap3A_531 = arith.constant 0 : index
        %swap3A_532 = tpu.vector_load %arg12[%swap3A_531] {strides = array<i32>} : memref<128xi32, #tpu.memory_space<vmem>>, vector<16xi32>,
        tpu.vector_store %arg12[%swap3A_531], %gather3A_530 {strides = array<i32>} : memref<128xi32, #tpu.memory_space<vmem>>, vector<16xi32>,
        %mul3A_533 = arith.constant 128 : i32
        %mul3A_534 = arith.muli %sub3A_523, %mul3A_533 : i32
        %add3A_535 = arith.constant 8 : i32
        %add3A_536 = arith.addi %mul3A_534, %add3A_535 : i32
        %add3A_537 = vector.broadcast %add3A_536 : i32 to vector<16xi32>
        %add3A_538 = arith.addi %add3A_537, %add3A_14 : vector<16xi32>
        %gather3A_539 = tpu.vector_load_idx %arg5[%add3A_538] : memref<3200xi32, #tpu.memory_space<vmem>>[vector<16xi32>], vector<16xi32>,
        %swap3A_540 = arith.constant 16 : index
        %swap3A_541 = tpu.vector_load %arg12[%swap3A_540] {strides = array<i32>} : memref<128xi32, #tpu.memory_space<vmem>>, vector<16xi32>,
        tpu.vector_store %arg12[%swap3A_540], %gather3A_539 {strides = array<i32>} : memref<128xi32, #tpu.memory_space<vmem>>, vector<16xi32>,
        %mul3A_542 = arith.constant 128 : i32
        %mul3A_543 = arith.muli %sub3A_523, %mul3A_542 : i32
        %add3A_544 = arith.constant 16 : i32
        %add3A_545 = arith.addi %mul3A_543, %add3A_544 : i32
        %add3A_546 = vector.broadcast %add3A_545 : i32 to vector<16xi32>
        %add3A_547 = arith.addi %add3A_546, %add3A_14 : vector<16xi32>
        %gather3A_548 = tpu.vector_load_idx %arg5[%add3A_547] : memref<3200xi32, #tpu.memory_space<vmem>>[vector<16xi32>], vector<16xi32>,
        %swap3A_549 = arith.constant 32 : index
        %swap3A_550 = tpu.vector_load %arg12[%swap3A_549] {strides = array<i32>} : memref<128xi32, #tpu.memory_space<vmem>>, vector<16xi32>,
        tpu.vector_store %arg12[%swap3A_549], %gather3A_548 {strides = array<i32>} : memref<128xi32, #tpu.memory_space<vmem>>, vector<16xi32>,
        %mul3A_551 = arith.constant 128 : i32
        %mul3A_552 = arith.muli %sub3A_523, %mul3A_551 : i32
        %add3A_553 = arith.constant 24 : i32
        %add3A_554 = arith.addi %mul3A_552, %add3A_553 : i32
        %add3A_555 = vector.broadcast %add3A_554 : i32 to vector<16xi32>
        %add3A_556 = arith.addi %add3A_555, %add3A_14 : vector<16xi32>
        %gather3A_557 = tpu.vector_load_idx %arg5[%add3A_556] : memref<3200xi32, #tpu.memory_space<vmem>>[vector<16xi32>], vector<16xi32>,
        %swap3A_558 = arith.constant 48 : index
        %swap3A_559 = tpu.vector_load %arg12[%swap3A_558] {strides = array<i32>} : memref<128xi32, #tpu.memory_space<vmem>>, vector<16xi32>,
        tpu.vector_store %arg12[%swap3A_558], %gather3A_557 {strides = array<i32>} : memref<128xi32, #tpu.memory_space<vmem>>, vector<16xi32>,
        %mul3A_560 = arith.constant 128 : i32
        %mul3A_561 = arith.muli %sub3A_523, %mul3A_560 : i32
        %add3A_562 = arith.constant 32 : i32
        %add3A_563 = arith.addi %mul3A_561, %add3A_562 : i32
        %add3A_564 = vector.broadcast %add3A_563 : i32 to vector<16xi32>
        %add3A_565 = arith.addi %add3A_564, %add3A_14 : vector<16xi32>
        %gather3A_566 = tpu.vector_load_idx %arg5[%add3A_565] : memref<3200xi32, #tpu.memory_space<vmem>>[vector<16xi32>], vector<16xi32>,
        %swap3A_567 = arith.constant 64 : index
        %swap3A_568 = tpu.vector_load %arg12[%swap3A_567] {strides = array<i32>} : memref<128xi32, #tpu.memory_space<vmem>>, vector<16xi32>,
        tpu.vector_store %arg12[%swap3A_567], %gather3A_566 {strides = array<i32>} : memref<128xi32, #tpu.memory_space<vmem>>, vector<16xi32>,
        %mul3A_569 = arith.constant 128 : i32
        %mul3A_570 = arith.muli %sub3A_523, %mul3A_569 : i32
        %add3A_571 = arith.constant 40 : i32
        %add3A_572 = arith.addi %mul3A_570, %add3A_571 : i32
        %add3A_573 = vector.broadcast %add3A_572 : i32 to vector<16xi32>
        %add3A_574 = arith.addi %add3A_573, %add3A_14 : vector<16xi32>
        %gather3A_575 = tpu.vector_load_idx %arg5[%add3A_574] : memref<3200xi32, #tpu.memory_space<vmem>>[vector<16xi32>], vector<16xi32>,
        %swap3A_576 = arith.constant 80 : index
        %swap3A_577 = tpu.vector_load %arg12[%swap3A_576] {strides = array<i32>} : memref<128xi32, #tpu.memory_space<vmem>>, vector<16xi32>,
        tpu.vector_store %arg12[%swap3A_576], %gather3A_575 {strides = array<i32>} : memref<128xi32, #tpu.memory_space<vmem>>, vector<16xi32>,
        %mul3A_578 = arith.constant 128 : i32
        %mul3A_579 = arith.muli %sub3A_523, %mul3A_578 : i32
        %add3A_580 = arith.constant 48 : i32
        %add3A_581 = arith.addi %mul3A_579, %add3A_580 : i32
        %add3A_582 = vector.broadcast %add3A_581 : i32 to vector<16xi32>
        %add3A_583 = arith.addi %add3A_582, %add3A_14 : vector<16xi32>
        %gather3A_584 = tpu.vector_load_idx %arg5[%add3A_583] : memref<3200xi32, #tpu.memory_space<vmem>>[vector<16xi32>], vector<16xi32>,
        %swap3A_585 = arith.constant 96 : index
        %swap3A_586 = tpu.vector_load %arg12[%swap3A_585] {strides = array<i32>} : memref<128xi32, #tpu.memory_space<vmem>>, vector<16xi32>,
        tpu.vector_store %arg12[%swap3A_585], %gather3A_584 {strides = array<i32>} : memref<128xi32, #tpu.memory_space<vmem>>, vector<16xi32>,
        %mul3A_587 = arith.constant 128 : i32
        %mul3A_588 = arith.muli %sub3A_523, %mul3A_587 : i32
        %add3A_589 = arith.constant 56 : i32
        %add3A_590 = arith.addi %mul3A_588, %add3A_589 : i32
        %add3A_591 = vector.broadcast %add3A_590 : i32 to vector<16xi32>
        %add3A_592 = arith.addi %add3A_591, %add3A_14 : vector<16xi32>
        %gather3A_593 = tpu.vector_load_idx %arg5[%add3A_592] : memref<3200xi32, #tpu.memory_space<vmem>>[vector<16xi32>], vector<16xi32>,
        %swap3A_594 = arith.constant 112 : index
        %swap3A_595 = tpu.vector_load %arg12[%swap3A_594] {strides = array<i32>} : memref<128xi32, #tpu.memory_space<vmem>>, vector<16xi32>,
        tpu.vector_store %arg12[%swap3A_594], %gather3A_593 {strides = array<i32>} : memref<128xi32, #tpu.memory_space<vmem>>, vector<16xi32>,
        %dma_start3A_596 = arith.constant 0 : i32
        %dma_start3A_597 = arith.constant 0 : i32
        %dma_start3A_598 = tpu.memref_slice %arg2[%dma_start3A_596, %dma_start3A_597] : memref<102400x128xf32, #tpu.memory_space<hbm>> -> memref<102400x128xf32, #tpu.memory_space<hbm>>
        tpu.enqueue_indirect_dma source(%dma_start3A_598 : memref<102400x128xf32, #tpu.memory_space<hbm>>) target(%arg7 : memref<128x128xf32, #tpu.memory_space<vmem>>) offsets(%arg12 : memref<128xi32, #tpu.memory_space<vmem>>) semaphore(%arg17 : memref<!tpu.dma_semaphore, #tpu.memory_space<semaphore_mem>>)
      } else {
      }
      %mul3A_451 = arith.constant 5 : i32
      %mul3A_452 = arith.muli %scan3A_295, %mul3A_451 : i32
      %add3A_453 = arith.constant 3 : i32
      %add3A_454 = arith.addi %mul3A_452, %add3A_453 : i32
      %dma_wait3A_455 = arith.constant 0 : i32
      %dma_wait3A_456 = arith.constant 0 : i32
      %dma_wait3A_457 = tpu.memref_slice %arg2[%dma_wait3A_455, %dma_wait3A_456] : memref<102400x128xf32, #tpu.memory_space<hbm>> -> memref<102400x128xf32, #tpu.memory_space<hbm>>
      tpu.wait_indirect_dma semaphore(%arg19 : memref<!tpu.dma_semaphore, #tpu.memory_space<semaphore_mem>>) src(%dma_wait3A_457 : memref<102400x128xf32, #tpu.memory_space<hbm>>) dst(%arg9 : memref<128x128xf32, #tpu.memory_space<vmem>>)
      %add3A_458 = arith.addi %mul3A_2, %add3A_454 : i32
      %dma_start3A_459 = arith.constant 0 : i32
      %dma_start3A_460 = arith.constant 0 : i32
      %dma_start3A_461 = tpu.memref_slice %arg9[%dma_start3A_459, %dma_start3A_460] : memref<128x128xf32, #tpu.memory_space<vmem>> -> memref<128x64xf32, #tpu.memory_space<vmem>>
      %dma_start3A_462 = arith.constant 0 : i32
      %dma_start3A_463 = arith.constant 0 : i32
      %dma_start3A_464 = tpu.memref_slice %arg4[%add3A_458, %dma_start3A_462, %dma_start3A_463] : memref<800x128x64xf32, #tpu.memory_space<hbm>> -> memref<1x128x64xf32, #tpu.memory_space<hbm>>
      %dma_start3A_465 = tpu.memref_squeeze %dma_start3A_464 : memref<1x128x64xf32, #tpu.memory_space<hbm>> -> memref<128x64xf32, #tpu.memory_space<hbm>>
      %dma_start3A_466 = arith.constant 0 : i32
      %dma_start3A_467 = arith.constant 0 : i32
      %dma_start3A_468 = tpu.memref_slice %arg4[%add3A_458, %dma_start3A_466, %dma_start3A_467] : memref<800x128x64xf32, #tpu.memory_space<hbm>> -> memref<1x128x64xf32, #tpu.memory_space<hbm>>
      %dma_start3A_469 = tpu.memref_squeeze %dma_start3A_468 : memref<1x128x64xf32, #tpu.memory_space<hbm>> -> memref<128x64xf32, #tpu.memory_space<hbm>>
      %dma_start3A_470 = arith.constant 0 : i32
      %dma_start3A_471 = arith.constant 0 : i32
      %dma_start3A_472 = tpu.memref_slice %arg9[%dma_start3A_470, %dma_start3A_471] : memref<128x128xf32, #tpu.memory_space<vmem>> -> memref<128x64xf32, #tpu.memory_space<vmem>>
      tpu.enqueue_dma source(%dma_start3A_472 : memref<128x64xf32, #tpu.memory_space<vmem>>) target(%dma_start3A_469 : memref<128x64xf32, #tpu.memory_space<hbm>>) target_semaphore(%arg24 : memref<!tpu.dma_semaphore, #tpu.memory_space<semaphore_mem>>)
      %le3A_473 = arith.constant 3 : i32
      %le3A_474 = arith.cmpi sle, %scan3A_295, %le3A_473 : i32
      %convert_element_type3A_475 = arith.extui %le3A_474 : i1 to i32
      %cond3A_476 = arith.constant 0 : i32
      %cond3A_477 = arith.cmpi ne, %convert_element_type3A_475, %cond3A_476 : i32
      scf.if %cond3A_477 {
        %dma_wait3A_505 = arith.constant 0 : i32
        %dma_wait3A_506 = arith.constant 0 : i32
        %dma_wait3A_507 = arith.constant 0 : i32
        %dma_wait3A_508 = tpu.memref_slice %arg8[%dma_wait3A_506, %dma_wait3A_507] : memref<128x128xf32, #tpu.memory_space<vmem>> -> memref<128x64xf32, #tpu.memory_space<vmem>>
        %dma_wait3A_509 = arith.constant 0 : i32
        %dma_wait3A_510 = arith.constant 0 : i32
        %dma_wait3A_511 = tpu.memref_slice %arg4[%dma_wait3A_505, %dma_wait3A_509, %dma_wait3A_510] : memref<800x128x64xf32, #tpu.memory_space<hbm>> -> memref<1x128x64xf32, #tpu.memory_space<hbm>>
        %dma_wait3A_512 = tpu.memref_squeeze %dma_wait3A_511 : memref<1x128x64xf32, #tpu.memory_space<hbm>> -> memref<128x64xf32, #tpu.memory_space<hbm>>
        %dma_wait3A_513 = arith.constant 0 : i32
        %dma_wait3A_514 = arith.constant 0 : i32
        %dma_wait3A_515 = tpu.memref_slice %arg4[%dma_wait3A_505, %dma_wait3A_513, %dma_wait3A_514] : memref<800x128x64xf32, #tpu.memory_space<hbm>> -> memref<1x128x64xf32, #tpu.memory_space<hbm>>
        %dma_wait3A_516 = tpu.memref_squeeze %dma_wait3A_515 : memref<1x128x64xf32, #tpu.memory_space<hbm>> -> memref<128x64xf32, #tpu.memory_space<hbm>>
        %dma_wait3A_517 = arith.constant 0 : i32
        %dma_wait3A_518 = arith.constant 0 : i32
        %dma_wait3A_519 = tpu.memref_slice %arg8[%dma_wait3A_517, %dma_wait3A_518] : memref<128x128xf32, #tpu.memory_space<vmem>> -> memref<128x64xf32, #tpu.memory_space<vmem>>
        tpu.wait_dma2 semaphore(%arg23 : memref<!tpu.dma_semaphore, #tpu.memory_space<semaphore_mem>>) src(%dma_wait3A_519 : memref<128x64xf32, #tpu.memory_space<vmem>>) dst(%dma_wait3A_516 : memref<128x64xf32, #tpu.memory_space<hbm>>)
        %add3A_520 = arith.constant 5 : i32
        %add3A_521 = arith.addi %add3A_454, %add3A_520 : i32
        %sub3A_522 = arith.constant 1 : i32
        %sub3A_523 = arith.subi %add3A_521, %sub3A_522 : i32
        %mul3A_524 = arith.constant 128 : i32
        %mul3A_525 = arith.muli %sub3A_523, %mul3A_524 : i32
        %add3A_526 = arith.constant 0 : i32
        %add3A_527 = arith.addi %mul3A_525, %add3A_526 : i32
        %add3A_528 = vector.broadcast %add3A_527 : i32 to vector<16xi32>
        %add3A_529 = arith.addi %add3A_528, %add3A_14 : vector<16xi32>
        %gather3A_530 = tpu.vector_load_idx %arg5[%add3A_529] : memref<3200xi32, #tpu.memory_space<vmem>>[vector<16xi32>], vector<16xi32>,
        %swap3A_531 = arith.constant 0 : index
        %swap3A_532 = tpu.vector_load %arg13[%swap3A_531] {strides = array<i32>} : memref<128xi32, #tpu.memory_space<vmem>>, vector<16xi32>,
        tpu.vector_store %arg13[%swap3A_531], %gather3A_530 {strides = array<i32>} : memref<128xi32, #tpu.memory_space<vmem>>, vector<16xi32>,
        %mul3A_533 = arith.constant 128 : i32
        %mul3A_534 = arith.muli %sub3A_523, %mul3A_533 : i32
        %add3A_535 = arith.constant 8 : i32
        %add3A_536 = arith.addi %mul3A_534, %add3A_535 : i32
        %add3A_537 = vector.broadcast %add3A_536 : i32 to vector<16xi32>
        %add3A_538 = arith.addi %add3A_537, %add3A_14 : vector<16xi32>
        %gather3A_539 = tpu.vector_load_idx %arg5[%add3A_538] : memref<3200xi32, #tpu.memory_space<vmem>>[vector<16xi32>], vector<16xi32>,
        %swap3A_540 = arith.constant 16 : index
        %swap3A_541 = tpu.vector_load %arg13[%swap3A_540] {strides = array<i32>} : memref<128xi32, #tpu.memory_space<vmem>>, vector<16xi32>,
        tpu.vector_store %arg13[%swap3A_540], %gather3A_539 {strides = array<i32>} : memref<128xi32, #tpu.memory_space<vmem>>, vector<16xi32>,
        %mul3A_542 = arith.constant 128 : i32
        %mul3A_543 = arith.muli %sub3A_523, %mul3A_542 : i32
        %add3A_544 = arith.constant 16 : i32
        %add3A_545 = arith.addi %mul3A_543, %add3A_544 : i32
        %add3A_546 = vector.broadcast %add3A_545 : i32 to vector<16xi32>
        %add3A_547 = arith.addi %add3A_546, %add3A_14 : vector<16xi32>
        %gather3A_548 = tpu.vector_load_idx %arg5[%add3A_547] : memref<3200xi32, #tpu.memory_space<vmem>>[vector<16xi32>], vector<16xi32>,
        %swap3A_549 = arith.constant 32 : index
        %swap3A_550 = tpu.vector_load %arg13[%swap3A_549] {strides = array<i32>} : memref<128xi32, #tpu.memory_space<vmem>>, vector<16xi32>,
        tpu.vector_store %arg13[%swap3A_549], %gather3A_548 {strides = array<i32>} : memref<128xi32, #tpu.memory_space<vmem>>, vector<16xi32>,
        %mul3A_551 = arith.constant 128 : i32
        %mul3A_552 = arith.muli %sub3A_523, %mul3A_551 : i32
        %add3A_553 = arith.constant 24 : i32
        %add3A_554 = arith.addi %mul3A_552, %add3A_553 : i32
        %add3A_555 = vector.broadcast %add3A_554 : i32 to vector<16xi32>
        %add3A_556 = arith.addi %add3A_555, %add3A_14 : vector<16xi32>
        %gather3A_557 = tpu.vector_load_idx %arg5[%add3A_556] : memref<3200xi32, #tpu.memory_space<vmem>>[vector<16xi32>], vector<16xi32>,
        %swap3A_558 = arith.constant 48 : index
        %swap3A_559 = tpu.vector_load %arg13[%swap3A_558] {strides = array<i32>} : memref<128xi32, #tpu.memory_space<vmem>>, vector<16xi32>,
        tpu.vector_store %arg13[%swap3A_558], %gather3A_557 {strides = array<i32>} : memref<128xi32, #tpu.memory_space<vmem>>, vector<16xi32>,
        %mul3A_560 = arith.constant 128 : i32
        %mul3A_561 = arith.muli %sub3A_523, %mul3A_560 : i32
        %add3A_562 = arith.constant 32 : i32
        %add3A_563 = arith.addi %mul3A_561, %add3A_562 : i32
        %add3A_564 = vector.broadcast %add3A_563 : i32 to vector<16xi32>
        %add3A_565 = arith.addi %add3A_564, %add3A_14 : vector<16xi32>
        %gather3A_566 = tpu.vector_load_idx %arg5[%add3A_565] : memref<3200xi32, #tpu.memory_space<vmem>>[vector<16xi32>], vector<16xi32>,
        %swap3A_567 = arith.constant 64 : index
        %swap3A_568 = tpu.vector_load %arg13[%swap3A_567] {strides = array<i32>} : memref<128xi32, #tpu.memory_space<vmem>>, vector<16xi32>,
        tpu.vector_store %arg13[%swap3A_567], %gather3A_566 {strides = array<i32>} : memref<128xi32, #tpu.memory_space<vmem>>, vector<16xi32>,
        %mul3A_569 = arith.constant 128 : i32
        %mul3A_570 = arith.muli %sub3A_523, %mul3A_569 : i32
        %add3A_571 = arith.constant 40 : i32
        %add3A_572 = arith.addi %mul3A_570, %add3A_571 : i32
        %add3A_573 = vector.broadcast %add3A_572 : i32 to vector<16xi32>
        %add3A_574 = arith.addi %add3A_573, %add3A_14 : vector<16xi32>
        %gather3A_575 = tpu.vector_load_idx %arg5[%add3A_574] : memref<3200xi32, #tpu.memory_space<vmem>>[vector<16xi32>], vector<16xi32>,
        %swap3A_576 = arith.constant 80 : index
        %swap3A_577 = tpu.vector_load %arg13[%swap3A_576] {strides = array<i32>} : memref<128xi32, #tpu.memory_space<vmem>>, vector<16xi32>,
        tpu.vector_store %arg13[%swap3A_576], %gather3A_575 {strides = array<i32>} : memref<128xi32, #tpu.memory_space<vmem>>, vector<16xi32>,
        %mul3A_578 = arith.constant 128 : i32
        %mul3A_579 = arith.muli %sub3A_523, %mul3A_578 : i32
        %add3A_580 = arith.constant 48 : i32
        %add3A_581 = arith.addi %mul3A_579, %add3A_580 : i32
        %add3A_582 = vector.broadcast %add3A_581 : i32 to vector<16xi32>
        %add3A_583 = arith.addi %add3A_582, %add3A_14 : vector<16xi32>
        %gather3A_584 = tpu.vector_load_idx %arg5[%add3A_583] : memref<3200xi32, #tpu.memory_space<vmem>>[vector<16xi32>], vector<16xi32>,
        %swap3A_585 = arith.constant 96 : index
        %swap3A_586 = tpu.vector_load %arg13[%swap3A_585] {strides = array<i32>} : memref<128xi32, #tpu.memory_space<vmem>>, vector<16xi32>,
        tpu.vector_store %arg13[%swap3A_585], %gather3A_584 {strides = array<i32>} : memref<128xi32, #tpu.memory_space<vmem>>, vector<16xi32>,
        %mul3A_587 = arith.constant 128 : i32
        %mul3A_588 = arith.muli %sub3A_523, %mul3A_587 : i32
        %add3A_589 = arith.constant 56 : i32
        %add3A_590 = arith.addi %mul3A_588, %add3A_589 : i32
        %add3A_591 = vector.broadcast %add3A_590 : i32 to vector<16xi32>
        %add3A_592 = arith.addi %add3A_591, %add3A_14 : vector<16xi32>
        %gather3A_593 = tpu.vector_load_idx %arg5[%add3A_592] : memref<3200xi32, #tpu.memory_space<vmem>>[vector<16xi32>], vector<16xi32>,
        %swap3A_594 = arith.constant 112 : index
        %swap3A_595 = tpu.vector_load %arg13[%swap3A_594] {strides = array<i32>} : memref<128xi32, #tpu.memory_space<vmem>>, vector<16xi32>,
        tpu.vector_store %arg13[%swap3A_594], %gather3A_593 {strides = array<i32>} : memref<128xi32, #tpu.memory_space<vmem>>, vector<16xi32>,
        %dma_start3A_596 = arith.constant 0 : i32
        %dma_start3A_597 = arith.constant 0 : i32
        %dma_start3A_598 = tpu.memref_slice %arg2[%dma_start3A_596, %dma_start3A_597] : memref<102400x128xf32, #tpu.memory_space<hbm>> -> memref<102400x128xf32, #tpu.memory_space<hbm>>
        tpu.enqueue_indirect_dma source(%dma_start3A_598 : memref<102400x128xf32, #tpu.memory_space<hbm>>) target(%arg8 : memref<128x128xf32, #tpu.memory_space<vmem>>) offsets(%arg13 : memref<128xi32, #tpu.memory_space<vmem>>) semaphore(%arg18 : memref<!tpu.dma_semaphore, #tpu.memory_space<semaphore_mem>>)
      } else {
      }
      %mul3A_478 = arith.constant 5 : i32
      %mul3A_479 = arith.muli %scan3A_295, %mul3A_478 : i32
      %add3A_480 = arith.constant 4 : i32
      %add3A_481 = arith.addi %mul3A_479, %add3A_480 : i32
      %dma_wait3A_482 = arith.constant 0 : i32
      %dma_wait3A_483 = arith.constant 0 : i32
      %dma_wait3A_484 = tpu.memref_slice %arg2[%dma_wait3A_482, %dma_wait3A_483] : memref<102400x128xf32, #tpu.memory_space<hbm>> -> memref<102400x128xf32, #tpu.memory_space<hbm>>
      tpu.wait_indirect_dma semaphore(%arg20 : memref<!tpu.dma_semaphore, #tpu.memory_space<semaphore_mem>>) src(%dma_wait3A_484 : memref<102400x128xf32, #tpu.memory_space<hbm>>) dst(%arg10 : memref<128x128xf32, #tpu.memory_space<vmem>>)
      %add3A_485 = arith.addi %mul3A_2, %add3A_481 : i32
      %dma_start3A_486 = arith.constant 0 : i32
      %dma_start3A_487 = arith.constant 0 : i32
      %dma_start3A_488 = tpu.memref_slice %arg10[%dma_start3A_486, %dma_start3A_487] : memref<128x128xf32, #tpu.memory_space<vmem>> -> memref<128x64xf32, #tpu.memory_space<vmem>>
      %dma_start3A_489 = arith.constant 0 : i32
      %dma_start3A_490 = arith.constant 0 : i32
      %dma_start3A_491 = tpu.memref_slice %arg4[%add3A_485, %dma_start3A_489, %dma_start3A_490] : memref<800x128x64xf32, #tpu.memory_space<hbm>> -> memref<1x128x64xf32, #tpu.memory_space<hbm>>
      %dma_start3A_492 = tpu.memref_squeeze %dma_start3A_491 : memref<1x128x64xf32, #tpu.memory_space<hbm>> -> memref<128x64xf32, #tpu.memory_space<hbm>>
      %dma_start3A_493 = arith.constant 0 : i32
      %dma_start3A_494 = arith.constant 0 : i32
      %dma_start3A_495 = tpu.memref_slice %arg4[%add3A_485, %dma_start3A_493, %dma_start3A_494] : memref<800x128x64xf32, #tpu.memory_space<hbm>> -> memref<1x128x64xf32, #tpu.memory_space<hbm>>
      %dma_start3A_496 = tpu.memref_squeeze %dma_start3A_495 : memref<1x128x64xf32, #tpu.memory_space<hbm>> -> memref<128x64xf32, #tpu.memory_space<hbm>>
      %dma_start3A_497 = arith.constant 0 : i32
      %dma_start3A_498 = arith.constant 0 : i32
      %dma_start3A_499 = tpu.memref_slice %arg10[%dma_start3A_497, %dma_start3A_498] : memref<128x128xf32, #tpu.memory_space<vmem>> -> memref<128x64xf32, #tpu.memory_space<vmem>>
      tpu.enqueue_dma source(%dma_start3A_499 : memref<128x64xf32, #tpu.memory_space<vmem>>) target(%dma_start3A_496 : memref<128x64xf32, #tpu.memory_space<hbm>>) target_semaphore(%arg25 : memref<!tpu.dma_semaphore, #tpu.memory_space<semaphore_mem>>)
      %le3A_500 = arith.constant 3 : i32
      %le3A_501 = arith.cmpi sle, %scan3A_295, %le3A_500 : i32
      %convert_element_type3A_502 = arith.extui %le3A_501 : i1 to i32
      %cond3A_503 = arith.constant 0 : i32
      %cond3A_504 = arith.cmpi ne, %convert_element_type3A_502, %cond3A_503 : i32
      scf.if %cond3A_504 {
        %dma_wait3A_505 = arith.constant 0 : i32
        %dma_wait3A_506 = arith.constant 0 : i32
        %dma_wait3A_507 = arith.constant 0 : i32
        %dma_wait3A_508 = tpu.memref_slice %arg9[%dma_wait3A_506, %dma_wait3A_507] : memref<128x128xf32, #tpu.memory_space<vmem>> -> memref<128x64xf32, #tpu.memory_space<vmem>>
        %dma_wait3A_509 = arith.constant 0 : i32
        %dma_wait3A_510 = arith.constant 0 : i32
        %dma_wait3A_511 = tpu.memref_slice %arg4[%dma_wait3A_505, %dma_wait3A_509, %dma_wait3A_510] : memref<800x128x64xf32, #tpu.memory_space<hbm>> -> memref<1x128x64xf32, #tpu.memory_space<hbm>>
        %dma_wait3A_512 = tpu.memref_squeeze %dma_wait3A_511 : memref<1x128x64xf32, #tpu.memory_space<hbm>> -> memref<128x64xf32, #tpu.memory_space<hbm>>
        %dma_wait3A_513 = arith.constant 0 : i32
        %dma_wait3A_514 = arith.constant 0 : i32
        %dma_wait3A_515 = tpu.memref_slice %arg4[%dma_wait3A_505, %dma_wait3A_513, %dma_wait3A_514] : memref<800x128x64xf32, #tpu.memory_space<hbm>> -> memref<1x128x64xf32, #tpu.memory_space<hbm>>
        %dma_wait3A_516 = tpu.memref_squeeze %dma_wait3A_515 : memref<1x128x64xf32, #tpu.memory_space<hbm>> -> memref<128x64xf32, #tpu.memory_space<hbm>>
        %dma_wait3A_517 = arith.constant 0 : i32
        %dma_wait3A_518 = arith.constant 0 : i32
        %dma_wait3A_519 = tpu.memref_slice %arg9[%dma_wait3A_517, %dma_wait3A_518] : memref<128x128xf32, #tpu.memory_space<vmem>> -> memref<128x64xf32, #tpu.memory_space<vmem>>
        tpu.wait_dma2 semaphore(%arg24 : memref<!tpu.dma_semaphore, #tpu.memory_space<semaphore_mem>>) src(%dma_wait3A_519 : memref<128x64xf32, #tpu.memory_space<vmem>>) dst(%dma_wait3A_516 : memref<128x64xf32, #tpu.memory_space<hbm>>)
        %add3A_520 = arith.constant 5 : i32
        %add3A_521 = arith.addi %add3A_481, %add3A_520 : i32
        %sub3A_522 = arith.constant 1 : i32
        %sub3A_523 = arith.subi %add3A_521, %sub3A_522 : i32
        %mul3A_524 = arith.constant 128 : i32
        %mul3A_525 = arith.muli %sub3A_523, %mul3A_524 : i32
        %add3A_526 = arith.constant 0 : i32
        %add3A_527 = arith.addi %mul3A_525, %add3A_526 : i32
        %add3A_528 = vector.broadcast %add3A_527 : i32 to vector<16xi32>
        %add3A_529 = arith.addi %add3A_528, %add3A_14 : vector<16xi32>
        %gather3A_530 = tpu.vector_load_idx %arg5[%add3A_529] : memref<3200xi32, #tpu.memory_space<vmem>>[vector<16xi32>], vector<16xi32>,
        %swap3A_531 = arith.constant 0 : index
        %swap3A_532 = tpu.vector_load %arg14[%swap3A_531] {strides = array<i32>} : memref<128xi32, #tpu.memory_space<vmem>>, vector<16xi32>,
        tpu.vector_store %arg14[%swap3A_531], %gather3A_530 {strides = array<i32>} : memref<128xi32, #tpu.memory_space<vmem>>, vector<16xi32>,
        %mul3A_533 = arith.constant 128 : i32
        %mul3A_534 = arith.muli %sub3A_523, %mul3A_533 : i32
        %add3A_535 = arith.constant 8 : i32
        %add3A_536 = arith.addi %mul3A_534, %add3A_535 : i32
        %add3A_537 = vector.broadcast %add3A_536 : i32 to vector<16xi32>
        %add3A_538 = arith.addi %add3A_537, %add3A_14 : vector<16xi32>
        %gather3A_539 = tpu.vector_load_idx %arg5[%add3A_538] : memref<3200xi32, #tpu.memory_space<vmem>>[vector<16xi32>], vector<16xi32>,
        %swap3A_540 = arith.constant 16 : index
        %swap3A_541 = tpu.vector_load %arg14[%swap3A_540] {strides = array<i32>} : memref<128xi32, #tpu.memory_space<vmem>>, vector<16xi32>,
        tpu.vector_store %arg14[%swap3A_540], %gather3A_539 {strides = array<i32>} : memref<128xi32, #tpu.memory_space<vmem>>, vector<16xi32>,
        %mul3A_542 = arith.constant 128 : i32
        %mul3A_543 = arith.muli %sub3A_523, %mul3A_542 : i32
        %add3A_544 = arith.constant 16 : i32
        %add3A_545 = arith.addi %mul3A_543, %add3A_544 : i32
        %add3A_546 = vector.broadcast %add3A_545 : i32 to vector<16xi32>
        %add3A_547 = arith.addi %add3A_546, %add3A_14 : vector<16xi32>
        %gather3A_548 = tpu.vector_load_idx %arg5[%add3A_547] : memref<3200xi32, #tpu.memory_space<vmem>>[vector<16xi32>], vector<16xi32>,
        %swap3A_549 = arith.constant 32 : index
        %swap3A_550 = tpu.vector_load %arg14[%swap3A_549] {strides = array<i32>} : memref<128xi32, #tpu.memory_space<vmem>>, vector<16xi32>,
        tpu.vector_store %arg14[%swap3A_549], %gather3A_548 {strides = array<i32>} : memref<128xi32, #tpu.memory_space<vmem>>, vector<16xi32>,
        %mul3A_551 = arith.constant 128 : i32
        %mul3A_552 = arith.muli %sub3A_523, %mul3A_551 : i32
        %add3A_553 = arith.constant 24 : i32
        %add3A_554 = arith.addi %mul3A_552, %add3A_553 : i32
        %add3A_555 = vector.broadcast %add3A_554 : i32 to vector<16xi32>
        %add3A_556 = arith.addi %add3A_555, %add3A_14 : vector<16xi32>
        %gather3A_557 = tpu.vector_load_idx %arg5[%add3A_556] : memref<3200xi32, #tpu.memory_space<vmem>>[vector<16xi32>], vector<16xi32>,
        %swap3A_558 = arith.constant 48 : index
        %swap3A_559 = tpu.vector_load %arg14[%swap3A_558] {strides = array<i32>} : memref<128xi32, #tpu.memory_space<vmem>>, vector<16xi32>,
        tpu.vector_store %arg14[%swap3A_558], %gather3A_557 {strides = array<i32>} : memref<128xi32, #tpu.memory_space<vmem>>, vector<16xi32>,
        %mul3A_560 = arith.constant 128 : i32
        %mul3A_561 = arith.muli %sub3A_523, %mul3A_560 : i32
        %add3A_562 = arith.constant 32 : i32
        %add3A_563 = arith.addi %mul3A_561, %add3A_562 : i32
        %add3A_564 = vector.broadcast %add3A_563 : i32 to vector<16xi32>
        %add3A_565 = arith.addi %add3A_564, %add3A_14 : vector<16xi32>
        %gather3A_566 = tpu.vector_load_idx %arg5[%add3A_565] : memref<3200xi32, #tpu.memory_space<vmem>>[vector<16xi32>], vector<16xi32>,
        %swap3A_567 = arith.constant 64 : index
        %swap3A_568 = tpu.vector_load %arg14[%swap3A_567] {strides = array<i32>} : memref<128xi32, #tpu.memory_space<vmem>>, vector<16xi32>,
        tpu.vector_store %arg14[%swap3A_567], %gather3A_566 {strides = array<i32>} : memref<128xi32, #tpu.memory_space<vmem>>, vector<16xi32>,
        %mul3A_569 = arith.constant 128 : i32
        %mul3A_570 = arith.muli %sub3A_523, %mul3A_569 : i32
        %add3A_571 = arith.constant 40 : i32
        %add3A_572 = arith.addi %mul3A_570, %add3A_571 : i32
        %add3A_573 = vector.broadcast %add3A_572 : i32 to vector<16xi32>
        %add3A_574 = arith.addi %add3A_573, %add3A_14 : vector<16xi32>
        %gather3A_575 = tpu.vector_load_idx %arg5[%add3A_574] : memref<3200xi32, #tpu.memory_space<vmem>>[vector<16xi32>], vector<16xi32>,
        %swap3A_576 = arith.constant 80 : index
        %swap3A_577 = tpu.vector_load %arg14[%swap3A_576] {strides = array<i32>} : memref<128xi32, #tpu.memory_space<vmem>>, vector<16xi32>,
        tpu.vector_store %arg14[%swap3A_576], %gather3A_575 {strides = array<i32>} : memref<128xi32, #tpu.memory_space<vmem>>, vector<16xi32>,
        %mul3A_578 = arith.constant 128 : i32
        %mul3A_579 = arith.muli %sub3A_523, %mul3A_578 : i32
        %add3A_580 = arith.constant 48 : i32
        %add3A_581 = arith.addi %mul3A_579, %add3A_580 : i32
        %add3A_582 = vector.broadcast %add3A_581 : i32 to vector<16xi32>
        %add3A_583 = arith.addi %add3A_582, %add3A_14 : vector<16xi32>
        %gather3A_584 = tpu.vector_load_idx %arg5[%add3A_583] : memref<3200xi32, #tpu.memory_space<vmem>>[vector<16xi32>], vector<16xi32>,
        %swap3A_585 = arith.constant 96 : index
        %swap3A_586 = tpu.vector_load %arg14[%swap3A_585] {strides = array<i32>} : memref<128xi32, #tpu.memory_space<vmem>>, vector<16xi32>,
        tpu.vector_store %arg14[%swap3A_585], %gather3A_584 {strides = array<i32>} : memref<128xi32, #tpu.memory_space<vmem>>, vector<16xi32>,
        %mul3A_587 = arith.constant 128 : i32
        %mul3A_588 = arith.muli %sub3A_523, %mul3A_587 : i32
        %add3A_589 = arith.constant 56 : i32
        %add3A_590 = arith.addi %mul3A_588, %add3A_589 : i32
        %add3A_591 = vector.broadcast %add3A_590 : i32 to vector<16xi32>
        %add3A_592 = arith.addi %add3A_591, %add3A_14 : vector<16xi32>
        %gather3A_593 = tpu.vector_load_idx %arg5[%add3A_592] : memref<3200xi32, #tpu.memory_space<vmem>>[vector<16xi32>], vector<16xi32>,
        %swap3A_594 = arith.constant 112 : index
        %swap3A_595 = tpu.vector_load %arg14[%swap3A_594] {strides = array<i32>} : memref<128xi32, #tpu.memory_space<vmem>>, vector<16xi32>,
        tpu.vector_store %arg14[%swap3A_594], %gather3A_593 {strides = array<i32>} : memref<128xi32, #tpu.memory_space<vmem>>, vector<16xi32>,
        %dma_start3A_596 = arith.constant 0 : i32
        %dma_start3A_597 = arith.constant 0 : i32
        %dma_start3A_598 = tpu.memref_slice %arg2[%dma_start3A_596, %dma_start3A_597] : memref<102400x128xf32, #tpu.memory_space<hbm>> -> memref<102400x128xf32, #tpu.memory_space<hbm>>
        tpu.enqueue_indirect_dma source(%dma_start3A_598 : memref<102400x128xf32, #tpu.memory_space<hbm>>) target(%arg9 : memref<128x128xf32, #tpu.memory_space<vmem>>) offsets(%arg14 : memref<128xi32, #tpu.memory_space<vmem>>) semaphore(%arg19 : memref<!tpu.dma_semaphore, #tpu.memory_space<semaphore_mem>>)
      } else {
      }
    }
    %scan3A_220 = arith.constant 5 : i32
    %dma_wait3A = arith.constant 0 : i32
    %dma_wait3A_221 = arith.constant 0 : i32
    %dma_wait3A_222 = arith.constant 0 : i32
    %dma_wait3A_223 = tpu.memref_slice %arg6[%dma_wait3A_221, %dma_wait3A_222] : memref<128x128xf32, #tpu.memory_space<vmem>> -> memref<128x64xf32, #tpu.memory_space<vmem>>
    %dma_wait3A_224 = arith.constant 0 : i32
    %dma_wait3A_225 = arith.constant 0 : i32
    %dma_wait3A_226 = tpu.memref_slice %arg4[%dma_wait3A, %dma_wait3A_224, %dma_wait3A_225] : memref<800x128x64xf32, #tpu.memory_space<hbm>> -> memref<1x128x64xf32, #tpu.memory_space<hbm>>
    %dma_wait3A_227 = tpu.memref_squeeze %dma_wait3A_226 : memref<1x128x64xf32, #tpu.memory_space<hbm>> -> memref<128x64xf32, #tpu.memory_space<hbm>>
    %dma_wait3A_228 = arith.constant 0 : i32
    %dma_wait3A_229 = arith.constant 0 : i32
    %dma_wait3A_230 = tpu.memref_slice %arg4[%dma_wait3A, %dma_wait3A_228, %dma_wait3A_229] : memref<800x128x64xf32, #tpu.memory_space<hbm>> -> memref<1x128x64xf32, #tpu.memory_space<hbm>>
    %dma_wait3A_231 = tpu.memref_squeeze %dma_wait3A_230 : memref<1x128x64xf32, #tpu.memory_space<hbm>> -> memref<128x64xf32, #tpu.memory_space<hbm>>
    %dma_wait3A_232 = arith.constant 0 : i32
    %dma_wait3A_233 = arith.constant 0 : i32
    %dma_wait3A_234 = tpu.memref_slice %arg6[%dma_wait3A_232, %dma_wait3A_233] : memref<128x128xf32, #tpu.memory_space<vmem>> -> memref<128x64xf32, #tpu.memory_space<vmem>>
    tpu.wait_dma2 semaphore(%arg21 : memref<!tpu.dma_semaphore, #tpu.memory_space<semaphore_mem>>) src(%dma_wait3A_234 : memref<128x64xf32, #tpu.memory_space<vmem>>) dst(%dma_wait3A_231 : memref<128x64xf32, #tpu.memory_space<hbm>>)
    %dma_wait3A_235 = arith.constant 0 : i32
    %dma_wait3A_236 = arith.constant 0 : i32
    %dma_wait3A_237 = arith.constant 0 : i32
    %dma_wait3A_238 = tpu.memref_slice %arg7[%dma_wait3A_236, %dma_wait3A_237] : memref<128x128xf32, #tpu.memory_space<vmem>> -> memref<128x64xf32, #tpu.memory_space<vmem>>
    %dma_wait3A_239 = arith.constant 0 : i32
    %dma_wait3A_240 = arith.constant 0 : i32
    %dma_wait3A_241 = tpu.memref_slice %arg4[%dma_wait3A_235, %dma_wait3A_239, %dma_wait3A_240] : memref<800x128x64xf32, #tpu.memory_space<hbm>> -> memref<1x128x64xf32, #tpu.memory_space<hbm>>
    %dma_wait3A_242 = tpu.memref_squeeze %dma_wait3A_241 : memref<1x128x64xf32, #tpu.memory_space<hbm>> -> memref<128x64xf32, #tpu.memory_space<hbm>>
    %dma_wait3A_243 = arith.constant 0 : i32
    %dma_wait3A_244 = arith.constant 0 : i32
    %dma_wait3A_245 = tpu.memref_slice %arg4[%dma_wait3A_235, %dma_wait3A_243, %dma_wait3A_244] : memref<800x128x64xf32, #tpu.memory_space<hbm>> -> memref<1x128x64xf32, #tpu.memory_space<hbm>>
    %dma_wait3A_246 = tpu.memref_squeeze %dma_wait3A_245 : memref<1x128x64xf32, #tpu.memory_space<hbm>> -> memref<128x64xf32, #tpu.memory_space<hbm>>
    %dma_wait3A_247 = arith.constant 0 : i32
    %dma_wait3A_248 = arith.constant 0 : i32
    %dma_wait3A_249 = tpu.memref_slice %arg7[%dma_wait3A_247, %dma_wait3A_248] : memref<128x128xf32, #tpu.memory_space<vmem>> -> memref<128x64xf32, #tpu.memory_space<vmem>>
    tpu.wait_dma2 semaphore(%arg22 : memref<!tpu.dma_semaphore, #tpu.memory_space<semaphore_mem>>) src(%dma_wait3A_249 : memref<128x64xf32, #tpu.memory_space<vmem>>) dst(%dma_wait3A_246 : memref<128x64xf32, #tpu.memory_space<hbm>>)
    %dma_wait3A_250 = arith.constant 0 : i32
    %dma_wait3A_251 = arith.constant 0 : i32
    %dma_wait3A_252 = arith.constant 0 : i32
    %dma_wait3A_253 = tpu.memref_slice %arg8[%dma_wait3A_251, %dma_wait3A_252] : memref<128x128xf32, #tpu.memory_space<vmem>> -> memref<128x64xf32, #tpu.memory_space<vmem>>
    %dma_wait3A_254 = arith.constant 0 : i32
    %dma_wait3A_255 = arith.constant 0 : i32
    %dma_wait3A_256 = tpu.memref_slice %arg4[%dma_wait3A_250, %dma_wait3A_254, %dma_wait3A_255] : memref<800x128x64xf32, #tpu.memory_space<hbm>> -> memref<1x128x64xf32, #tpu.memory_space<hbm>>
    %dma_wait3A_257 = tpu.memref_squeeze %dma_wait3A_256 : memref<1x128x64xf32, #tpu.memory_space<hbm>> -> memref<128x64xf32, #tpu.memory_space<hbm>>
    %dma_wait3A_258 = arith.constant 0 : i32
    %dma_wait3A_259 = arith.constant 0 : i32
    %dma_wait3A_260 = tpu.memref_slice %arg4[%dma_wait3A_250, %dma_wait3A_258, %dma_wait3A_259] : memref<800x128x64xf32, #tpu.memory_space<hbm>> -> memref<1x128x64xf32, #tpu.memory_space<hbm>>
    %dma_wait3A_261 = tpu.memref_squeeze %dma_wait3A_260 : memref<1x128x64xf32, #tpu.memory_space<hbm>> -> memref<128x64xf32, #tpu.memory_space<hbm>>
    %dma_wait3A_262 = arith.constant 0 : i32
    %dma_wait3A_263 = arith.constant 0 : i32
    %dma_wait3A_264 = tpu.memref_slice %arg8[%dma_wait3A_262, %dma_wait3A_263] : memref<128x128xf32, #tpu.memory_space<vmem>> -> memref<128x64xf32, #tpu.memory_space<vmem>>
    tpu.wait_dma2 semaphore(%arg23 : memref<!tpu.dma_semaphore, #tpu.memory_space<semaphore_mem>>) src(%dma_wait3A_264 : memref<128x64xf32, #tpu.memory_space<vmem>>) dst(%dma_wait3A_261 : memref<128x64xf32, #tpu.memory_space<hbm>>)
    %dma_wait3A_265 = arith.constant 0 : i32
    %dma_wait3A_266 = arith.constant 0 : i32
    %dma_wait3A_267 = arith.constant 0 : i32
    %dma_wait3A_268 = tpu.memref_slice %arg9[%dma_wait3A_266, %dma_wait3A_267] : memref<128x128xf32, #tpu.memory_space<vmem>> -> memref<128x64xf32, #tpu.memory_space<vmem>>
    %dma_wait3A_269 = arith.constant 0 : i32
    %dma_wait3A_270 = arith.constant 0 : i32
    %dma_wait3A_271 = tpu.memref_slice %arg4[%dma_wait3A_265, %dma_wait3A_269, %dma_wait3A_270] : memref<800x128x64xf32, #tpu.memory_space<hbm>> -> memref<1x128x64xf32, #tpu.memory_space<hbm>>
    %dma_wait3A_272 = tpu.memref_squeeze %dma_wait3A_271 : memref<1x128x64xf32, #tpu.memory_space<hbm>> -> memref<128x64xf32, #tpu.memory_space<hbm>>
    %dma_wait3A_273 = arith.constant 0 : i32
    %dma_wait3A_274 = arith.constant 0 : i32
    %dma_wait3A_275 = tpu.memref_slice %arg4[%dma_wait3A_265, %dma_wait3A_273, %dma_wait3A_274] : memref<800x128x64xf32, #tpu.memory_space<hbm>> -> memref<1x128x64xf32, #tpu.memory_space<hbm>>
    %dma_wait3A_276 = tpu.memref_squeeze %dma_wait3A_275 : memref<1x128x64xf32, #tpu.memory_space<hbm>> -> memref<128x64xf32, #tpu.memory_space<hbm>>
    %dma_wait3A_277 = arith.constant 0 : i32
    %dma_wait3A_278 = arith.constant 0 : i32
    %dma_wait3A_279 = tpu.memref_slice %arg9[%dma_wait3A_277, %dma_wait3A_278] : memref<128x128xf32, #tpu.memory_space<vmem>> -> memref<128x64xf32, #tpu.memory_space<vmem>>
    tpu.wait_dma2 semaphore(%arg24 : memref<!tpu.dma_semaphore, #tpu.memory_space<semaphore_mem>>) src(%dma_wait3A_279 : memref<128x64xf32, #tpu.memory_space<vmem>>) dst(%dma_wait3A_276 : memref<128x64xf32, #tpu.memory_space<hbm>>)
    %dma_wait3A_280 = arith.constant 0 : i32
    %dma_wait3A_281 = arith.constant 0 : i32
    %dma_wait3A_282 = arith.constant 0 : i32
    %dma_wait3A_283 = tpu.memref_slice %arg10[%dma_wait3A_281, %dma_wait3A_282] : memref<128x128xf32, #tpu.memory_space<vmem>> -> memref<128x64xf32, #tpu.memory_space<vmem>>
    %dma_wait3A_284 = arith.constant 0 : i32
    %dma_wait3A_285 = arith.constant 0 : i32
    %dma_wait3A_286 = tpu.memref_slice %arg4[%dma_wait3A_280, %dma_wait3A_284, %dma_wait3A_285] : memref<800x128x64xf32, #tpu.memory_space<hbm>> -> memref<1x128x64xf32, #tpu.memory_space<hbm>>
    %dma_wait3A_287 = tpu.memref_squeeze %dma_wait3A_286 : memref<1x128x64xf32, #tpu.memory_space<hbm>> -> memref<128x64xf32, #tpu.memory_space<hbm>>
    %dma_wait3A_288 = arith.constant 0 : i32
    %dma_wait3A_289 = arith.constant 0 : i32
    %dma_wait3A_290 = tpu.memref_slice %arg4[%dma_wait3A_280, %dma_wait3A_288, %dma_wait3A_289] : memref<800x128x64xf32, #tpu.memory_space<hbm>> -> memref<1x128x64xf32, #tpu.memory_space<hbm>>
    %dma_wait3A_291 = tpu.memref_squeeze %dma_wait3A_290 : memref<1x128x64xf32, #tpu.memory_space<hbm>> -> memref<128x64xf32, #tpu.memory_space<hbm>>
    %dma_wait3A_292 = arith.constant 0 : i32
    %dma_wait3A_293 = arith.constant 0 : i32
    %dma_wait3A_294 = tpu.memref_slice %arg10[%dma_wait3A_292, %dma_wait3A_293] : memref<128x128xf32, #tpu.memory_space<vmem>> -> memref<128x64xf32, #tpu.memory_space<vmem>>
    tpu.wait_dma2 semaphore(%arg25 : memref<!tpu.dma_semaphore, #tpu.memory_space<semaphore_mem>>) src(%dma_wait3A_294 : memref<128x64xf32, #tpu.memory_space<vmem>>) dst(%dma_wait3A_291 : memref<128x64xf32, #tpu.memory_space<hbm>>)
    return
  }
}

module attributes {stable_mosaic.version = 14 : i64} {
  func.func @body(%arg0: i32, %arg1: memref<2048x128xf32, #tpu.memory_space<vmem>>, %arg2: memref<50x64x4096xf32, #tpu.memory_space<any>>, %arg3: memref<1x64x4096xf32, #tpu.memory_space<vmem>>) attributes {dimension_semantics = [#tpu.dimension_semantics<arbitrary>], iteration_bounds = array<i64: 25>, scalar_prefetch = 0 : i64, scratch_operands = 0 : i64, tpu.core_type = #tpu.core_type<tc>, window_params = [{transform_indices = @transform_0, window_bounds = array<i64: 2048, 128>}, {}, {transform_indices = @transform_2, window_bounds = array<i64: 1, 64, 4096>}]} {
    %get3A = arith.constant 0 : index
    %get3A_0 = arith.constant 0 : index
    %get3A_1 = vector.load %arg1[%get3A, %get3A_0] : memref<2048x128xf32, #tpu.memory_space<vmem>>, vector<2048x128xf32>
    %transpose3A = tpu.transpose %get3A_1, [1, 0] : vector<2048x128xf32> -> vector<128x2048xf32>
    %slice3A = vector.extract_strided_slice %transpose3A {offsets = [0, 0], sizes = [128, 64], strides = [1, 1]} : vector<128x2048xf32> to vector<128x64xf32>
    %slice3A_2 = vector.extract_strided_slice %slice3A {offsets = [0, 0], sizes = [64, 64], strides = [1, 1]} : vector<128x64xf32> to vector<64x64xf32>
    %swap3A = arith.constant 0 : index
    %swap3A_3 = arith.constant 0 : index
    %swap3A_4 = arith.constant 0 : index
    %swap3A_5 = vector.load %arg3[%swap3A, %swap3A_3, %swap3A_4] : memref<1x64x4096xf32, #tpu.memory_space<vmem>>, vector<1x64x64xf32>
    %swap3A_6 = vector.shape_cast %swap3A_5 : vector<1x64x64xf32> to vector<64x64xf32>
    %swap3A_7 = vector.shape_cast %slice3A_2 : vector<64x64xf32> to vector<1x64x64xf32>
    tpu.vector_store %arg3[%swap3A, %swap3A_3, %swap3A_4], %swap3A_7 {strides = array<i32>} : memref<1x64x4096xf32, #tpu.memory_space<vmem>>, vector<1x64x64xf32>,
    %slice3A_8 = vector.extract_strided_slice %slice3A {offsets = [64, 0], sizes = [64, 64], strides = [1, 1]} : vector<128x64xf32> to vector<64x64xf32>
    %swap3A_9 = arith.constant 0 : index
    %swap3A_10 = arith.constant 0 : index
    %swap3A_11 = arith.constant 64 : index
    %swap3A_12 = vector.load %arg3[%swap3A_9, %swap3A_10, %swap3A_11] : memref<1x64x4096xf32, #tpu.memory_space<vmem>>, vector<1x64x64xf32>
    %swap3A_13 = vector.shape_cast %swap3A_12 : vector<1x64x64xf32> to vector<64x64xf32>
    %swap3A_14 = vector.shape_cast %slice3A_8 : vector<64x64xf32> to vector<1x64x64xf32>
    tpu.vector_store %arg3[%swap3A_9, %swap3A_10, %swap3A_11], %swap3A_14 {strides = array<i32>} : memref<1x64x4096xf32, #tpu.memory_space<vmem>>, vector<1x64x64xf32>,
    %slice3A_15 = vector.extract_strided_slice %transpose3A {offsets = [0, 64], sizes = [128, 64], strides = [1, 1]} : vector<128x2048xf32> to vector<128x64xf32>
    %slice3A_16 = vector.extract_strided_slice %slice3A_15 {offsets = [0, 0], sizes = [64, 64], strides = [1, 1]} : vector<128x64xf32> to vector<64x64xf32>
    %swap3A_17 = arith.constant 0 : index
    %swap3A_18 = arith.constant 0 : index
    %swap3A_19 = arith.constant 128 : index
    %swap3A_20 = vector.load %arg3[%swap3A_17, %swap3A_18, %swap3A_19] : memref<1x64x4096xf32, #tpu.memory_space<vmem>>, vector<1x64x64xf32>
    %swap3A_21 = vector.shape_cast %swap3A_20 : vector<1x64x64xf32> to vector<64x64xf32>
    %swap3A_22 = vector.shape_cast %slice3A_16 : vector<64x64xf32> to vector<1x64x64xf32>
    tpu.vector_store %arg3[%swap3A_17, %swap3A_18, %swap3A_19], %swap3A_22 {strides = array<i32>} : memref<1x64x4096xf32, #tpu.memory_space<vmem>>, vector<1x64x64xf32>,
    %slice3A_23 = vector.extract_strided_slice %slice3A_15 {offsets = [64, 0], sizes = [64, 64], strides = [1, 1]} : vector<128x64xf32> to vector<64x64xf32>
    %swap3A_24 = arith.constant 0 : index
    %swap3A_25 = arith.constant 0 : index
    %swap3A_26 = arith.constant 192 : index
    %swap3A_27 = vector.load %arg3[%swap3A_24, %swap3A_25, %swap3A_26] : memref<1x64x4096xf32, #tpu.memory_space<vmem>>, vector<1x64x64xf32>
    %swap3A_28 = vector.shape_cast %swap3A_27 : vector<1x64x64xf32> to vector<64x64xf32>
    %swap3A_29 = vector.shape_cast %slice3A_23 : vector<64x64xf32> to vector<1x64x64xf32>
    tpu.vector_store %arg3[%swap3A_24, %swap3A_25, %swap3A_26], %swap3A_29 {strides = array<i32>} : memref<1x64x4096xf32, #tpu.memory_space<vmem>>, vector<1x64x64xf32>,
    %slice3A_30 = vector.extract_strided_slice %transpose3A {offsets = [0, 128], sizes = [128, 64], strides = [1, 1]} : vector<128x2048xf32> to vector<128x64xf32>
    %slice3A_31 = vector.extract_strided_slice %slice3A_30 {offsets = [0, 0], sizes = [64, 64], strides = [1, 1]} : vector<128x64xf32> to vector<64x64xf32>
    %swap3A_32 = arith.constant 0 : index
    %swap3A_33 = arith.constant 0 : index
    %swap3A_34 = arith.constant 256 : index
    %swap3A_35 = vector.load %arg3[%swap3A_32, %swap3A_33, %swap3A_34] : memref<1x64x4096xf32, #tpu.memory_space<vmem>>, vector<1x64x64xf32>
    %swap3A_36 = vector.shape_cast %swap3A_35 : vector<1x64x64xf32> to vector<64x64xf32>
    %swap3A_37 = vector.shape_cast %slice3A_31 : vector<64x64xf32> to vector<1x64x64xf32>
    tpu.vector_store %arg3[%swap3A_32, %swap3A_33, %swap3A_34], %swap3A_37 {strides = array<i32>} : memref<1x64x4096xf32, #tpu.memory_space<vmem>>, vector<1x64x64xf32>,
    %slice3A_38 = vector.extract_strided_slice %slice3A_30 {offsets = [64, 0], sizes = [64, 64], strides = [1, 1]} : vector<128x64xf32> to vector<64x64xf32>
    %swap3A_39 = arith.constant 0 : index
    %swap3A_40 = arith.constant 0 : index
    %swap3A_41 = arith.constant 320 : index
    %swap3A_42 = vector.load %arg3[%swap3A_39, %swap3A_40, %swap3A_41] : memref<1x64x4096xf32, #tpu.memory_space<vmem>>, vector<1x64x64xf32>
    %swap3A_43 = vector.shape_cast %swap3A_42 : vector<1x64x64xf32> to vector<64x64xf32>
    %swap3A_44 = vector.shape_cast %slice3A_38 : vector<64x64xf32> to vector<1x64x64xf32>
    tpu.vector_store %arg3[%swap3A_39, %swap3A_40, %swap3A_41], %swap3A_44 {strides = array<i32>} : memref<1x64x4096xf32, #tpu.memory_space<vmem>>, vector<1x64x64xf32>,
    %slice3A_45 = vector.extract_strided_slice %transpose3A {offsets = [0, 192], sizes = [128, 64], strides = [1, 1]} : vector<128x2048xf32> to vector<128x64xf32>
    %slice3A_46 = vector.extract_strided_slice %slice3A_45 {offsets = [0, 0], sizes = [64, 64], strides = [1, 1]} : vector<128x64xf32> to vector<64x64xf32>
    %swap3A_47 = arith.constant 0 : index
    %swap3A_48 = arith.constant 0 : index
    %swap3A_49 = arith.constant 384 : index
    %swap3A_50 = vector.load %arg3[%swap3A_47, %swap3A_48, %swap3A_49] : memref<1x64x4096xf32, #tpu.memory_space<vmem>>, vector<1x64x64xf32>
    %swap3A_51 = vector.shape_cast %swap3A_50 : vector<1x64x64xf32> to vector<64x64xf32>
    %swap3A_52 = vector.shape_cast %slice3A_46 : vector<64x64xf32> to vector<1x64x64xf32>
    tpu.vector_store %arg3[%swap3A_47, %swap3A_48, %swap3A_49], %swap3A_52 {strides = array<i32>} : memref<1x64x4096xf32, #tpu.memory_space<vmem>>, vector<1x64x64xf32>,
    %slice3A_53 = vector.extract_strided_slice %slice3A_45 {offsets = [64, 0], sizes = [64, 64], strides = [1, 1]} : vector<128x64xf32> to vector<64x64xf32>
    %swap3A_54 = arith.constant 0 : index
    %swap3A_55 = arith.constant 0 : index
    %swap3A_56 = arith.constant 448 : index
    %swap3A_57 = vector.load %arg3[%swap3A_54, %swap3A_55, %swap3A_56] : memref<1x64x4096xf32, #tpu.memory_space<vmem>>, vector<1x64x64xf32>
    %swap3A_58 = vector.shape_cast %swap3A_57 : vector<1x64x64xf32> to vector<64x64xf32>
    %swap3A_59 = vector.shape_cast %slice3A_53 : vector<64x64xf32> to vector<1x64x64xf32>
    tpu.vector_store %arg3[%swap3A_54, %swap3A_55, %swap3A_56], %swap3A_59 {strides = array<i32>} : memref<1x64x4096xf32, #tpu.memory_space<vmem>>, vector<1x64x64xf32>,
    %slice3A_60 = vector.extract_strided_slice %transpose3A {offsets = [0, 256], sizes = [128, 64], strides = [1, 1]} : vector<128x2048xf32> to vector<128x64xf32>
    %slice3A_61 = vector.extract_strided_slice %slice3A_60 {offsets = [0, 0], sizes = [64, 64], strides = [1, 1]} : vector<128x64xf32> to vector<64x64xf32>
    %swap3A_62 = arith.constant 0 : index
    %swap3A_63 = arith.constant 0 : index
    %swap3A_64 = arith.constant 512 : index
    %swap3A_65 = vector.load %arg3[%swap3A_62, %swap3A_63, %swap3A_64] : memref<1x64x4096xf32, #tpu.memory_space<vmem>>, vector<1x64x64xf32>
    %swap3A_66 = vector.shape_cast %swap3A_65 : vector<1x64x64xf32> to vector<64x64xf32>
    %swap3A_67 = vector.shape_cast %slice3A_61 : vector<64x64xf32> to vector<1x64x64xf32>
    tpu.vector_store %arg3[%swap3A_62, %swap3A_63, %swap3A_64], %swap3A_67 {strides = array<i32>} : memref<1x64x4096xf32, #tpu.memory_space<vmem>>, vector<1x64x64xf32>,
    %slice3A_68 = vector.extract_strided_slice %slice3A_60 {offsets = [64, 0], sizes = [64, 64], strides = [1, 1]} : vector<128x64xf32> to vector<64x64xf32>
    %swap3A_69 = arith.constant 0 : index
    %swap3A_70 = arith.constant 0 : index
    %swap3A_71 = arith.constant 576 : index
    %swap3A_72 = vector.load %arg3[%swap3A_69, %swap3A_70, %swap3A_71] : memref<1x64x4096xf32, #tpu.memory_space<vmem>>, vector<1x64x64xf32>
    %swap3A_73 = vector.shape_cast %swap3A_72 : vector<1x64x64xf32> to vector<64x64xf32>
    %swap3A_74 = vector.shape_cast %slice3A_68 : vector<64x64xf32> to vector<1x64x64xf32>
    tpu.vector_store %arg3[%swap3A_69, %swap3A_70, %swap3A_71], %swap3A_74 {strides = array<i32>} : memref<1x64x4096xf32, #tpu.memory_space<vmem>>, vector<1x64x64xf32>,
    %slice3A_75 = vector.extract_strided_slice %transpose3A {offsets = [0, 320], sizes = [128, 64], strides = [1, 1]} : vector<128x2048xf32> to vector<128x64xf32>
    %slice3A_76 = vector.extract_strided_slice %slice3A_75 {offsets = [0, 0], sizes = [64, 64], strides = [1, 1]} : vector<128x64xf32> to vector<64x64xf32>
    %swap3A_77 = arith.constant 0 : index
    %swap3A_78 = arith.constant 0 : index
    %swap3A_79 = arith.constant 640 : index
    %swap3A_80 = vector.load %arg3[%swap3A_77, %swap3A_78, %swap3A_79] : memref<1x64x4096xf32, #tpu.memory_space<vmem>>, vector<1x64x64xf32>
    %swap3A_81 = vector.shape_cast %swap3A_80 : vector<1x64x64xf32> to vector<64x64xf32>
    %swap3A_82 = vector.shape_cast %slice3A_76 : vector<64x64xf32> to vector<1x64x64xf32>
    tpu.vector_store %arg3[%swap3A_77, %swap3A_78, %swap3A_79], %swap3A_82 {strides = array<i32>} : memref<1x64x4096xf32, #tpu.memory_space<vmem>>, vector<1x64x64xf32>,
    %slice3A_83 = vector.extract_strided_slice %slice3A_75 {offsets = [64, 0], sizes = [64, 64], strides = [1, 1]} : vector<128x64xf32> to vector<64x64xf32>
    %swap3A_84 = arith.constant 0 : index
    %swap3A_85 = arith.constant 0 : index
    %swap3A_86 = arith.constant 704 : index
    %swap3A_87 = vector.load %arg3[%swap3A_84, %swap3A_85, %swap3A_86] : memref<1x64x4096xf32, #tpu.memory_space<vmem>>, vector<1x64x64xf32>
    %swap3A_88 = vector.shape_cast %swap3A_87 : vector<1x64x64xf32> to vector<64x64xf32>
    %swap3A_89 = vector.shape_cast %slice3A_83 : vector<64x64xf32> to vector<1x64x64xf32>
    tpu.vector_store %arg3[%swap3A_84, %swap3A_85, %swap3A_86], %swap3A_89 {strides = array<i32>} : memref<1x64x4096xf32, #tpu.memory_space<vmem>>, vector<1x64x64xf32>,
    %slice3A_90 = vector.extract_strided_slice %transpose3A {offsets = [0, 384], sizes = [128, 64], strides = [1, 1]} : vector<128x2048xf32> to vector<128x64xf32>
    %slice3A_91 = vector.extract_strided_slice %slice3A_90 {offsets = [0, 0], sizes = [64, 64], strides = [1, 1]} : vector<128x64xf32> to vector<64x64xf32>
    %swap3A_92 = arith.constant 0 : index
    %swap3A_93 = arith.constant 0 : index
    %swap3A_94 = arith.constant 768 : index
    %swap3A_95 = vector.load %arg3[%swap3A_92, %swap3A_93, %swap3A_94] : memref<1x64x4096xf32, #tpu.memory_space<vmem>>, vector<1x64x64xf32>
    %swap3A_96 = vector.shape_cast %swap3A_95 : vector<1x64x64xf32> to vector<64x64xf32>
    %swap3A_97 = vector.shape_cast %slice3A_91 : vector<64x64xf32> to vector<1x64x64xf32>
    tpu.vector_store %arg3[%swap3A_92, %swap3A_93, %swap3A_94], %swap3A_97 {strides = array<i32>} : memref<1x64x4096xf32, #tpu.memory_space<vmem>>, vector<1x64x64xf32>,
    %slice3A_98 = vector.extract_strided_slice %slice3A_90 {offsets = [64, 0], sizes = [64, 64], strides = [1, 1]} : vector<128x64xf32> to vector<64x64xf32>
    %swap3A_99 = arith.constant 0 : index
    %swap3A_100 = arith.constant 0 : index
    %swap3A_101 = arith.constant 832 : index
    %swap3A_102 = vector.load %arg3[%swap3A_99, %swap3A_100, %swap3A_101] : memref<1x64x4096xf32, #tpu.memory_space<vmem>>, vector<1x64x64xf32>
    %swap3A_103 = vector.shape_cast %swap3A_102 : vector<1x64x64xf32> to vector<64x64xf32>
    %swap3A_104 = vector.shape_cast %slice3A_98 : vector<64x64xf32> to vector<1x64x64xf32>
    tpu.vector_store %arg3[%swap3A_99, %swap3A_100, %swap3A_101], %swap3A_104 {strides = array<i32>} : memref<1x64x4096xf32, #tpu.memory_space<vmem>>, vector<1x64x64xf32>,
    %slice3A_105 = vector.extract_strided_slice %transpose3A {offsets = [0, 448], sizes = [128, 64], strides = [1, 1]} : vector<128x2048xf32> to vector<128x64xf32>
    %slice3A_106 = vector.extract_strided_slice %slice3A_105 {offsets = [0, 0], sizes = [64, 64], strides = [1, 1]} : vector<128x64xf32> to vector<64x64xf32>
    %swap3A_107 = arith.constant 0 : index
    %swap3A_108 = arith.constant 0 : index
    %swap3A_109 = arith.constant 896 : index
    %swap3A_110 = vector.load %arg3[%swap3A_107, %swap3A_108, %swap3A_109] : memref<1x64x4096xf32, #tpu.memory_space<vmem>>, vector<1x64x64xf32>
    %swap3A_111 = vector.shape_cast %swap3A_110 : vector<1x64x64xf32> to vector<64x64xf32>
    %swap3A_112 = vector.shape_cast %slice3A_106 : vector<64x64xf32> to vector<1x64x64xf32>
    tpu.vector_store %arg3[%swap3A_107, %swap3A_108, %swap3A_109], %swap3A_112 {strides = array<i32>} : memref<1x64x4096xf32, #tpu.memory_space<vmem>>, vector<1x64x64xf32>,
    %slice3A_113 = vector.extract_strided_slice %slice3A_105 {offsets = [64, 0], sizes = [64, 64], strides = [1, 1]} : vector<128x64xf32> to vector<64x64xf32>
    %swap3A_114 = arith.constant 0 : index
    %swap3A_115 = arith.constant 0 : index
    %swap3A_116 = arith.constant 960 : index
    %swap3A_117 = vector.load %arg3[%swap3A_114, %swap3A_115, %swap3A_116] : memref<1x64x4096xf32, #tpu.memory_space<vmem>>, vector<1x64x64xf32>
    %swap3A_118 = vector.shape_cast %swap3A_117 : vector<1x64x64xf32> to vector<64x64xf32>
    %swap3A_119 = vector.shape_cast %slice3A_113 : vector<64x64xf32> to vector<1x64x64xf32>
    tpu.vector_store %arg3[%swap3A_114, %swap3A_115, %swap3A_116], %swap3A_119 {strides = array<i32>} : memref<1x64x4096xf32, #tpu.memory_space<vmem>>, vector<1x64x64xf32>,
    %slice3A_120 = vector.extract_strided_slice %transpose3A {offsets = [0, 512], sizes = [128, 64], strides = [1, 1]} : vector<128x2048xf32> to vector<128x64xf32>
    %slice3A_121 = vector.extract_strided_slice %slice3A_120 {offsets = [0, 0], sizes = [64, 64], strides = [1, 1]} : vector<128x64xf32> to vector<64x64xf32>
    %swap3A_122 = arith.constant 0 : index
    %swap3A_123 = arith.constant 0 : index
    %swap3A_124 = arith.constant 1024 : index
    %swap3A_125 = vector.load %arg3[%swap3A_122, %swap3A_123, %swap3A_124] : memref<1x64x4096xf32, #tpu.memory_space<vmem>>, vector<1x64x64xf32>
    %swap3A_126 = vector.shape_cast %swap3A_125 : vector<1x64x64xf32> to vector<64x64xf32>
    %swap3A_127 = vector.shape_cast %slice3A_121 : vector<64x64xf32> to vector<1x64x64xf32>
    tpu.vector_store %arg3[%swap3A_122, %swap3A_123, %swap3A_124], %swap3A_127 {strides = array<i32>} : memref<1x64x4096xf32, #tpu.memory_space<vmem>>, vector<1x64x64xf32>,
    %slice3A_128 = vector.extract_strided_slice %slice3A_120 {offsets = [64, 0], sizes = [64, 64], strides = [1, 1]} : vector<128x64xf32> to vector<64x64xf32>
    %swap3A_129 = arith.constant 0 : index
    %swap3A_130 = arith.constant 0 : index
    %swap3A_131 = arith.constant 1088 : index
    %swap3A_132 = vector.load %arg3[%swap3A_129, %swap3A_130, %swap3A_131] : memref<1x64x4096xf32, #tpu.memory_space<vmem>>, vector<1x64x64xf32>
    %swap3A_133 = vector.shape_cast %swap3A_132 : vector<1x64x64xf32> to vector<64x64xf32>
    %swap3A_134 = vector.shape_cast %slice3A_128 : vector<64x64xf32> to vector<1x64x64xf32>
    tpu.vector_store %arg3[%swap3A_129, %swap3A_130, %swap3A_131], %swap3A_134 {strides = array<i32>} : memref<1x64x4096xf32, #tpu.memory_space<vmem>>, vector<1x64x64xf32>,
    %slice3A_135 = vector.extract_strided_slice %transpose3A {offsets = [0, 576], sizes = [128, 64], strides = [1, 1]} : vector<128x2048xf32> to vector<128x64xf32>
    %slice3A_136 = vector.extract_strided_slice %slice3A_135 {offsets = [0, 0], sizes = [64, 64], strides = [1, 1]} : vector<128x64xf32> to vector<64x64xf32>
    %swap3A_137 = arith.constant 0 : index
    %swap3A_138 = arith.constant 0 : index
    %swap3A_139 = arith.constant 1152 : index
    %swap3A_140 = vector.load %arg3[%swap3A_137, %swap3A_138, %swap3A_139] : memref<1x64x4096xf32, #tpu.memory_space<vmem>>, vector<1x64x64xf32>
    %swap3A_141 = vector.shape_cast %swap3A_140 : vector<1x64x64xf32> to vector<64x64xf32>
    %swap3A_142 = vector.shape_cast %slice3A_136 : vector<64x64xf32> to vector<1x64x64xf32>
    tpu.vector_store %arg3[%swap3A_137, %swap3A_138, %swap3A_139], %swap3A_142 {strides = array<i32>} : memref<1x64x4096xf32, #tpu.memory_space<vmem>>, vector<1x64x64xf32>,
    %slice3A_143 = vector.extract_strided_slice %slice3A_135 {offsets = [64, 0], sizes = [64, 64], strides = [1, 1]} : vector<128x64xf32> to vector<64x64xf32>
    %swap3A_144 = arith.constant 0 : index
    %swap3A_145 = arith.constant 0 : index
    %swap3A_146 = arith.constant 1216 : index
    %swap3A_147 = vector.load %arg3[%swap3A_144, %swap3A_145, %swap3A_146] : memref<1x64x4096xf32, #tpu.memory_space<vmem>>, vector<1x64x64xf32>
    %swap3A_148 = vector.shape_cast %swap3A_147 : vector<1x64x64xf32> to vector<64x64xf32>
    %swap3A_149 = vector.shape_cast %slice3A_143 : vector<64x64xf32> to vector<1x64x64xf32>
    tpu.vector_store %arg3[%swap3A_144, %swap3A_145, %swap3A_146], %swap3A_149 {strides = array<i32>} : memref<1x64x4096xf32, #tpu.memory_space<vmem>>, vector<1x64x64xf32>,
    %slice3A_150 = vector.extract_strided_slice %transpose3A {offsets = [0, 640], sizes = [128, 64], strides = [1, 1]} : vector<128x2048xf32> to vector<128x64xf32>
    %slice3A_151 = vector.extract_strided_slice %slice3A_150 {offsets = [0, 0], sizes = [64, 64], strides = [1, 1]} : vector<128x64xf32> to vector<64x64xf32>
    %swap3A_152 = arith.constant 0 : index
    %swap3A_153 = arith.constant 0 : index
    %swap3A_154 = arith.constant 1280 : index
    %swap3A_155 = vector.load %arg3[%swap3A_152, %swap3A_153, %swap3A_154] : memref<1x64x4096xf32, #tpu.memory_space<vmem>>, vector<1x64x64xf32>
    %swap3A_156 = vector.shape_cast %swap3A_155 : vector<1x64x64xf32> to vector<64x64xf32>
    %swap3A_157 = vector.shape_cast %slice3A_151 : vector<64x64xf32> to vector<1x64x64xf32>
    tpu.vector_store %arg3[%swap3A_152, %swap3A_153, %swap3A_154], %swap3A_157 {strides = array<i32>} : memref<1x64x4096xf32, #tpu.memory_space<vmem>>, vector<1x64x64xf32>,
    %slice3A_158 = vector.extract_strided_slice %slice3A_150 {offsets = [64, 0], sizes = [64, 64], strides = [1, 1]} : vector<128x64xf32> to vector<64x64xf32>
    %swap3A_159 = arith.constant 0 : index
    %swap3A_160 = arith.constant 0 : index
    %swap3A_161 = arith.constant 1344 : index
    %swap3A_162 = vector.load %arg3[%swap3A_159, %swap3A_160, %swap3A_161] : memref<1x64x4096xf32, #tpu.memory_space<vmem>>, vector<1x64x64xf32>
    %swap3A_163 = vector.shape_cast %swap3A_162 : vector<1x64x64xf32> to vector<64x64xf32>
    %swap3A_164 = vector.shape_cast %slice3A_158 : vector<64x64xf32> to vector<1x64x64xf32>
    tpu.vector_store %arg3[%swap3A_159, %swap3A_160, %swap3A_161], %swap3A_164 {strides = array<i32>} : memref<1x64x4096xf32, #tpu.memory_space<vmem>>, vector<1x64x64xf32>,
    %slice3A_165 = vector.extract_strided_slice %transpose3A {offsets = [0, 704], sizes = [128, 64], strides = [1, 1]} : vector<128x2048xf32> to vector<128x64xf32>
    %slice3A_166 = vector.extract_strided_slice %slice3A_165 {offsets = [0, 0], sizes = [64, 64], strides = [1, 1]} : vector<128x64xf32> to vector<64x64xf32>
    %swap3A_167 = arith.constant 0 : index
    %swap3A_168 = arith.constant 0 : index
    %swap3A_169 = arith.constant 1408 : index
    %swap3A_170 = vector.load %arg3[%swap3A_167, %swap3A_168, %swap3A_169] : memref<1x64x4096xf32, #tpu.memory_space<vmem>>, vector<1x64x64xf32>
    %swap3A_171 = vector.shape_cast %swap3A_170 : vector<1x64x64xf32> to vector<64x64xf32>
    %swap3A_172 = vector.shape_cast %slice3A_166 : vector<64x64xf32> to vector<1x64x64xf32>
    tpu.vector_store %arg3[%swap3A_167, %swap3A_168, %swap3A_169], %swap3A_172 {strides = array<i32>} : memref<1x64x4096xf32, #tpu.memory_space<vmem>>, vector<1x64x64xf32>,
    %slice3A_173 = vector.extract_strided_slice %slice3A_165 {offsets = [64, 0], sizes = [64, 64], strides = [1, 1]} : vector<128x64xf32> to vector<64x64xf32>
    %swap3A_174 = arith.constant 0 : index
    %swap3A_175 = arith.constant 0 : index
    %swap3A_176 = arith.constant 1472 : index
    %swap3A_177 = vector.load %arg3[%swap3A_174, %swap3A_175, %swap3A_176] : memref<1x64x4096xf32, #tpu.memory_space<vmem>>, vector<1x64x64xf32>
    %swap3A_178 = vector.shape_cast %swap3A_177 : vector<1x64x64xf32> to vector<64x64xf32>
    %swap3A_179 = vector.shape_cast %slice3A_173 : vector<64x64xf32> to vector<1x64x64xf32>
    tpu.vector_store %arg3[%swap3A_174, %swap3A_175, %swap3A_176], %swap3A_179 {strides = array<i32>} : memref<1x64x4096xf32, #tpu.memory_space<vmem>>, vector<1x64x64xf32>,
    %slice3A_180 = vector.extract_strided_slice %transpose3A {offsets = [0, 768], sizes = [128, 64], strides = [1, 1]} : vector<128x2048xf32> to vector<128x64xf32>
    %slice3A_181 = vector.extract_strided_slice %slice3A_180 {offsets = [0, 0], sizes = [64, 64], strides = [1, 1]} : vector<128x64xf32> to vector<64x64xf32>
    %swap3A_182 = arith.constant 0 : index
    %swap3A_183 = arith.constant 0 : index
    %swap3A_184 = arith.constant 1536 : index
    %swap3A_185 = vector.load %arg3[%swap3A_182, %swap3A_183, %swap3A_184] : memref<1x64x4096xf32, #tpu.memory_space<vmem>>, vector<1x64x64xf32>
    %swap3A_186 = vector.shape_cast %swap3A_185 : vector<1x64x64xf32> to vector<64x64xf32>
    %swap3A_187 = vector.shape_cast %slice3A_181 : vector<64x64xf32> to vector<1x64x64xf32>
    tpu.vector_store %arg3[%swap3A_182, %swap3A_183, %swap3A_184], %swap3A_187 {strides = array<i32>} : memref<1x64x4096xf32, #tpu.memory_space<vmem>>, vector<1x64x64xf32>,
    %slice3A_188 = vector.extract_strided_slice %slice3A_180 {offsets = [64, 0], sizes = [64, 64], strides = [1, 1]} : vector<128x64xf32> to vector<64x64xf32>
    %swap3A_189 = arith.constant 0 : index
    %swap3A_190 = arith.constant 0 : index
    %swap3A_191 = arith.constant 1600 : index
    %swap3A_192 = vector.load %arg3[%swap3A_189, %swap3A_190, %swap3A_191] : memref<1x64x4096xf32, #tpu.memory_space<vmem>>, vector<1x64x64xf32>
    %swap3A_193 = vector.shape_cast %swap3A_192 : vector<1x64x64xf32> to vector<64x64xf32>
    %swap3A_194 = vector.shape_cast %slice3A_188 : vector<64x64xf32> to vector<1x64x64xf32>
    tpu.vector_store %arg3[%swap3A_189, %swap3A_190, %swap3A_191], %swap3A_194 {strides = array<i32>} : memref<1x64x4096xf32, #tpu.memory_space<vmem>>, vector<1x64x64xf32>,
    %slice3A_195 = vector.extract_strided_slice %transpose3A {offsets = [0, 832], sizes = [128, 64], strides = [1, 1]} : vector<128x2048xf32> to vector<128x64xf32>
    %slice3A_196 = vector.extract_strided_slice %slice3A_195 {offsets = [0, 0], sizes = [64, 64], strides = [1, 1]} : vector<128x64xf32> to vector<64x64xf32>
    %swap3A_197 = arith.constant 0 : index
    %swap3A_198 = arith.constant 0 : index
    %swap3A_199 = arith.constant 1664 : index
    %swap3A_200 = vector.load %arg3[%swap3A_197, %swap3A_198, %swap3A_199] : memref<1x64x4096xf32, #tpu.memory_space<vmem>>, vector<1x64x64xf32>
    %swap3A_201 = vector.shape_cast %swap3A_200 : vector<1x64x64xf32> to vector<64x64xf32>
    %swap3A_202 = vector.shape_cast %slice3A_196 : vector<64x64xf32> to vector<1x64x64xf32>
    tpu.vector_store %arg3[%swap3A_197, %swap3A_198, %swap3A_199], %swap3A_202 {strides = array<i32>} : memref<1x64x4096xf32, #tpu.memory_space<vmem>>, vector<1x64x64xf32>,
    %slice3A_203 = vector.extract_strided_slice %slice3A_195 {offsets = [64, 0], sizes = [64, 64], strides = [1, 1]} : vector<128x64xf32> to vector<64x64xf32>
    %swap3A_204 = arith.constant 0 : index
    %swap3A_205 = arith.constant 0 : index
    %swap3A_206 = arith.constant 1728 : index
    %swap3A_207 = vector.load %arg3[%swap3A_204, %swap3A_205, %swap3A_206] : memref<1x64x4096xf32, #tpu.memory_space<vmem>>, vector<1x64x64xf32>
    %swap3A_208 = vector.shape_cast %swap3A_207 : vector<1x64x64xf32> to vector<64x64xf32>
    %swap3A_209 = vector.shape_cast %slice3A_203 : vector<64x64xf32> to vector<1x64x64xf32>
    tpu.vector_store %arg3[%swap3A_204, %swap3A_205, %swap3A_206], %swap3A_209 {strides = array<i32>} : memref<1x64x4096xf32, #tpu.memory_space<vmem>>, vector<1x64x64xf32>,
    %slice3A_210 = vector.extract_strided_slice %transpose3A {offsets = [0, 896], sizes = [128, 64], strides = [1, 1]} : vector<128x2048xf32> to vector<128x64xf32>
    %slice3A_211 = vector.extract_strided_slice %slice3A_210 {offsets = [0, 0], sizes = [64, 64], strides = [1, 1]} : vector<128x64xf32> to vector<64x64xf32>
    %swap3A_212 = arith.constant 0 : index
    %swap3A_213 = arith.constant 0 : index
    %swap3A_214 = arith.constant 1792 : index
    %swap3A_215 = vector.load %arg3[%swap3A_212, %swap3A_213, %swap3A_214] : memref<1x64x4096xf32, #tpu.memory_space<vmem>>, vector<1x64x64xf32>
    %swap3A_216 = vector.shape_cast %swap3A_215 : vector<1x64x64xf32> to vector<64x64xf32>
    %swap3A_217 = vector.shape_cast %slice3A_211 : vector<64x64xf32> to vector<1x64x64xf32>
    tpu.vector_store %arg3[%swap3A_212, %swap3A_213, %swap3A_214], %swap3A_217 {strides = array<i32>} : memref<1x64x4096xf32, #tpu.memory_space<vmem>>, vector<1x64x64xf32>,
    %slice3A_218 = vector.extract_strided_slice %slice3A_210 {offsets = [64, 0], sizes = [64, 64], strides = [1, 1]} : vector<128x64xf32> to vector<64x64xf32>
    %swap3A_219 = arith.constant 0 : index
    %swap3A_220 = arith.constant 0 : index
    %swap3A_221 = arith.constant 1856 : index
    %swap3A_222 = vector.load %arg3[%swap3A_219, %swap3A_220, %swap3A_221] : memref<1x64x4096xf32, #tpu.memory_space<vmem>>, vector<1x64x64xf32>
    %swap3A_223 = vector.shape_cast %swap3A_222 : vector<1x64x64xf32> to vector<64x64xf32>
    %swap3A_224 = vector.shape_cast %slice3A_218 : vector<64x64xf32> to vector<1x64x64xf32>
    tpu.vector_store %arg3[%swap3A_219, %swap3A_220, %swap3A_221], %swap3A_224 {strides = array<i32>} : memref<1x64x4096xf32, #tpu.memory_space<vmem>>, vector<1x64x64xf32>,
    %slice3A_225 = vector.extract_strided_slice %transpose3A {offsets = [0, 960], sizes = [128, 64], strides = [1, 1]} : vector<128x2048xf32> to vector<128x64xf32>
    %slice3A_226 = vector.extract_strided_slice %slice3A_225 {offsets = [0, 0], sizes = [64, 64], strides = [1, 1]} : vector<128x64xf32> to vector<64x64xf32>
    %swap3A_227 = arith.constant 0 : index
    %swap3A_228 = arith.constant 0 : index
    %swap3A_229 = arith.constant 1920 : index
    %swap3A_230 = vector.load %arg3[%swap3A_227, %swap3A_228, %swap3A_229] : memref<1x64x4096xf32, #tpu.memory_space<vmem>>, vector<1x64x64xf32>
    %swap3A_231 = vector.shape_cast %swap3A_230 : vector<1x64x64xf32> to vector<64x64xf32>
    %swap3A_232 = vector.shape_cast %slice3A_226 : vector<64x64xf32> to vector<1x64x64xf32>
    tpu.vector_store %arg3[%swap3A_227, %swap3A_228, %swap3A_229], %swap3A_232 {strides = array<i32>} : memref<1x64x4096xf32, #tpu.memory_space<vmem>>, vector<1x64x64xf32>,
    %slice3A_233 = vector.extract_strided_slice %slice3A_225 {offsets = [64, 0], sizes = [64, 64], strides = [1, 1]} : vector<128x64xf32> to vector<64x64xf32>
    %swap3A_234 = arith.constant 0 : index
    %swap3A_235 = arith.constant 0 : index
    %swap3A_236 = arith.constant 1984 : index
    %swap3A_237 = vector.load %arg3[%swap3A_234, %swap3A_235, %swap3A_236] : memref<1x64x4096xf32, #tpu.memory_space<vmem>>, vector<1x64x64xf32>
    %swap3A_238 = vector.shape_cast %swap3A_237 : vector<1x64x64xf32> to vector<64x64xf32>
    %swap3A_239 = vector.shape_cast %slice3A_233 : vector<64x64xf32> to vector<1x64x64xf32>
    tpu.vector_store %arg3[%swap3A_234, %swap3A_235, %swap3A_236], %swap3A_239 {strides = array<i32>} : memref<1x64x4096xf32, #tpu.memory_space<vmem>>, vector<1x64x64xf32>,
    %slice3A_240 = vector.extract_strided_slice %transpose3A {offsets = [0, 1024], sizes = [128, 64], strides = [1, 1]} : vector<128x2048xf32> to vector<128x64xf32>
    %slice3A_241 = vector.extract_strided_slice %slice3A_240 {offsets = [0, 0], sizes = [64, 64], strides = [1, 1]} : vector<128x64xf32> to vector<64x64xf32>
    %swap3A_242 = arith.constant 0 : index
    %swap3A_243 = arith.constant 0 : index
    %swap3A_244 = arith.constant 2048 : index
    %swap3A_245 = vector.load %arg3[%swap3A_242, %swap3A_243, %swap3A_244] : memref<1x64x4096xf32, #tpu.memory_space<vmem>>, vector<1x64x64xf32>
    %swap3A_246 = vector.shape_cast %swap3A_245 : vector<1x64x64xf32> to vector<64x64xf32>
    %swap3A_247 = vector.shape_cast %slice3A_241 : vector<64x64xf32> to vector<1x64x64xf32>
    tpu.vector_store %arg3[%swap3A_242, %swap3A_243, %swap3A_244], %swap3A_247 {strides = array<i32>} : memref<1x64x4096xf32, #tpu.memory_space<vmem>>, vector<1x64x64xf32>,
    %slice3A_248 = vector.extract_strided_slice %slice3A_240 {offsets = [64, 0], sizes = [64, 64], strides = [1, 1]} : vector<128x64xf32> to vector<64x64xf32>
    %swap3A_249 = arith.constant 0 : index
    %swap3A_250 = arith.constant 0 : index
    %swap3A_251 = arith.constant 2112 : index
    %swap3A_252 = vector.load %arg3[%swap3A_249, %swap3A_250, %swap3A_251] : memref<1x64x4096xf32, #tpu.memory_space<vmem>>, vector<1x64x64xf32>
    %swap3A_253 = vector.shape_cast %swap3A_252 : vector<1x64x64xf32> to vector<64x64xf32>
    %swap3A_254 = vector.shape_cast %slice3A_248 : vector<64x64xf32> to vector<1x64x64xf32>
    tpu.vector_store %arg3[%swap3A_249, %swap3A_250, %swap3A_251], %swap3A_254 {strides = array<i32>} : memref<1x64x4096xf32, #tpu.memory_space<vmem>>, vector<1x64x64xf32>,
    %slice3A_255 = vector.extract_strided_slice %transpose3A {offsets = [0, 1088], sizes = [128, 64], strides = [1, 1]} : vector<128x2048xf32> to vector<128x64xf32>
    %slice3A_256 = vector.extract_strided_slice %slice3A_255 {offsets = [0, 0], sizes = [64, 64], strides = [1, 1]} : vector<128x64xf32> to vector<64x64xf32>
    %swap3A_257 = arith.constant 0 : index
    %swap3A_258 = arith.constant 0 : index
    %swap3A_259 = arith.constant 2176 : index
    %swap3A_260 = vector.load %arg3[%swap3A_257, %swap3A_258, %swap3A_259] : memref<1x64x4096xf32, #tpu.memory_space<vmem>>, vector<1x64x64xf32>
    %swap3A_261 = vector.shape_cast %swap3A_260 : vector<1x64x64xf32> to vector<64x64xf32>
    %swap3A_262 = vector.shape_cast %slice3A_256 : vector<64x64xf32> to vector<1x64x64xf32>
    tpu.vector_store %arg3[%swap3A_257, %swap3A_258, %swap3A_259], %swap3A_262 {strides = array<i32>} : memref<1x64x4096xf32, #tpu.memory_space<vmem>>, vector<1x64x64xf32>,
    %slice3A_263 = vector.extract_strided_slice %slice3A_255 {offsets = [64, 0], sizes = [64, 64], strides = [1, 1]} : vector<128x64xf32> to vector<64x64xf32>
    %swap3A_264 = arith.constant 0 : index
    %swap3A_265 = arith.constant 0 : index
    %swap3A_266 = arith.constant 2240 : index
    %swap3A_267 = vector.load %arg3[%swap3A_264, %swap3A_265, %swap3A_266] : memref<1x64x4096xf32, #tpu.memory_space<vmem>>, vector<1x64x64xf32>
    %swap3A_268 = vector.shape_cast %swap3A_267 : vector<1x64x64xf32> to vector<64x64xf32>
    %swap3A_269 = vector.shape_cast %slice3A_263 : vector<64x64xf32> to vector<1x64x64xf32>
    tpu.vector_store %arg3[%swap3A_264, %swap3A_265, %swap3A_266], %swap3A_269 {strides = array<i32>} : memref<1x64x4096xf32, #tpu.memory_space<vmem>>, vector<1x64x64xf32>,
    %slice3A_270 = vector.extract_strided_slice %transpose3A {offsets = [0, 1152], sizes = [128, 64], strides = [1, 1]} : vector<128x2048xf32> to vector<128x64xf32>
    %slice3A_271 = vector.extract_strided_slice %slice3A_270 {offsets = [0, 0], sizes = [64, 64], strides = [1, 1]} : vector<128x64xf32> to vector<64x64xf32>
    %swap3A_272 = arith.constant 0 : index
    %swap3A_273 = arith.constant 0 : index
    %swap3A_274 = arith.constant 2304 : index
    %swap3A_275 = vector.load %arg3[%swap3A_272, %swap3A_273, %swap3A_274] : memref<1x64x4096xf32, #tpu.memory_space<vmem>>, vector<1x64x64xf32>
    %swap3A_276 = vector.shape_cast %swap3A_275 : vector<1x64x64xf32> to vector<64x64xf32>
    %swap3A_277 = vector.shape_cast %slice3A_271 : vector<64x64xf32> to vector<1x64x64xf32>
    tpu.vector_store %arg3[%swap3A_272, %swap3A_273, %swap3A_274], %swap3A_277 {strides = array<i32>} : memref<1x64x4096xf32, #tpu.memory_space<vmem>>, vector<1x64x64xf32>,
    %slice3A_278 = vector.extract_strided_slice %slice3A_270 {offsets = [64, 0], sizes = [64, 64], strides = [1, 1]} : vector<128x64xf32> to vector<64x64xf32>
    %swap3A_279 = arith.constant 0 : index
    %swap3A_280 = arith.constant 0 : index
    %swap3A_281 = arith.constant 2368 : index
    %swap3A_282 = vector.load %arg3[%swap3A_279, %swap3A_280, %swap3A_281] : memref<1x64x4096xf32, #tpu.memory_space<vmem>>, vector<1x64x64xf32>
    %swap3A_283 = vector.shape_cast %swap3A_282 : vector<1x64x64xf32> to vector<64x64xf32>
    %swap3A_284 = vector.shape_cast %slice3A_278 : vector<64x64xf32> to vector<1x64x64xf32>
    tpu.vector_store %arg3[%swap3A_279, %swap3A_280, %swap3A_281], %swap3A_284 {strides = array<i32>} : memref<1x64x4096xf32, #tpu.memory_space<vmem>>, vector<1x64x64xf32>,
    %slice3A_285 = vector.extract_strided_slice %transpose3A {offsets = [0, 1216], sizes = [128, 64], strides = [1, 1]} : vector<128x2048xf32> to vector<128x64xf32>
    %slice3A_286 = vector.extract_strided_slice %slice3A_285 {offsets = [0, 0], sizes = [64, 64], strides = [1, 1]} : vector<128x64xf32> to vector<64x64xf32>
    %swap3A_287 = arith.constant 0 : index
    %swap3A_288 = arith.constant 0 : index
    %swap3A_289 = arith.constant 2432 : index
    %swap3A_290 = vector.load %arg3[%swap3A_287, %swap3A_288, %swap3A_289] : memref<1x64x4096xf32, #tpu.memory_space<vmem>>, vector<1x64x64xf32>
    %swap3A_291 = vector.shape_cast %swap3A_290 : vector<1x64x64xf32> to vector<64x64xf32>
    %swap3A_292 = vector.shape_cast %slice3A_286 : vector<64x64xf32> to vector<1x64x64xf32>
    tpu.vector_store %arg3[%swap3A_287, %swap3A_288, %swap3A_289], %swap3A_292 {strides = array<i32>} : memref<1x64x4096xf32, #tpu.memory_space<vmem>>, vector<1x64x64xf32>,
    %slice3A_293 = vector.extract_strided_slice %slice3A_285 {offsets = [64, 0], sizes = [64, 64], strides = [1, 1]} : vector<128x64xf32> to vector<64x64xf32>
    %swap3A_294 = arith.constant 0 : index
    %swap3A_295 = arith.constant 0 : index
    %swap3A_296 = arith.constant 2496 : index
    %swap3A_297 = vector.load %arg3[%swap3A_294, %swap3A_295, %swap3A_296] : memref<1x64x4096xf32, #tpu.memory_space<vmem>>, vector<1x64x64xf32>
    %swap3A_298 = vector.shape_cast %swap3A_297 : vector<1x64x64xf32> to vector<64x64xf32>
    %swap3A_299 = vector.shape_cast %slice3A_293 : vector<64x64xf32> to vector<1x64x64xf32>
    tpu.vector_store %arg3[%swap3A_294, %swap3A_295, %swap3A_296], %swap3A_299 {strides = array<i32>} : memref<1x64x4096xf32, #tpu.memory_space<vmem>>, vector<1x64x64xf32>,
    %slice3A_300 = vector.extract_strided_slice %transpose3A {offsets = [0, 1280], sizes = [128, 64], strides = [1, 1]} : vector<128x2048xf32> to vector<128x64xf32>
    %slice3A_301 = vector.extract_strided_slice %slice3A_300 {offsets = [0, 0], sizes = [64, 64], strides = [1, 1]} : vector<128x64xf32> to vector<64x64xf32>
    %swap3A_302 = arith.constant 0 : index
    %swap3A_303 = arith.constant 0 : index
    %swap3A_304 = arith.constant 2560 : index
    %swap3A_305 = vector.load %arg3[%swap3A_302, %swap3A_303, %swap3A_304] : memref<1x64x4096xf32, #tpu.memory_space<vmem>>, vector<1x64x64xf32>
    %swap3A_306 = vector.shape_cast %swap3A_305 : vector<1x64x64xf32> to vector<64x64xf32>
    %swap3A_307 = vector.shape_cast %slice3A_301 : vector<64x64xf32> to vector<1x64x64xf32>
    tpu.vector_store %arg3[%swap3A_302, %swap3A_303, %swap3A_304], %swap3A_307 {strides = array<i32>} : memref<1x64x4096xf32, #tpu.memory_space<vmem>>, vector<1x64x64xf32>,
    %slice3A_308 = vector.extract_strided_slice %slice3A_300 {offsets = [64, 0], sizes = [64, 64], strides = [1, 1]} : vector<128x64xf32> to vector<64x64xf32>
    %swap3A_309 = arith.constant 0 : index
    %swap3A_310 = arith.constant 0 : index
    %swap3A_311 = arith.constant 2624 : index
    %swap3A_312 = vector.load %arg3[%swap3A_309, %swap3A_310, %swap3A_311] : memref<1x64x4096xf32, #tpu.memory_space<vmem>>, vector<1x64x64xf32>
    %swap3A_313 = vector.shape_cast %swap3A_312 : vector<1x64x64xf32> to vector<64x64xf32>
    %swap3A_314 = vector.shape_cast %slice3A_308 : vector<64x64xf32> to vector<1x64x64xf32>
    tpu.vector_store %arg3[%swap3A_309, %swap3A_310, %swap3A_311], %swap3A_314 {strides = array<i32>} : memref<1x64x4096xf32, #tpu.memory_space<vmem>>, vector<1x64x64xf32>,
    %slice3A_315 = vector.extract_strided_slice %transpose3A {offsets = [0, 1344], sizes = [128, 64], strides = [1, 1]} : vector<128x2048xf32> to vector<128x64xf32>
    %slice3A_316 = vector.extract_strided_slice %slice3A_315 {offsets = [0, 0], sizes = [64, 64], strides = [1, 1]} : vector<128x64xf32> to vector<64x64xf32>
    %swap3A_317 = arith.constant 0 : index
    %swap3A_318 = arith.constant 0 : index
    %swap3A_319 = arith.constant 2688 : index
    %swap3A_320 = vector.load %arg3[%swap3A_317, %swap3A_318, %swap3A_319] : memref<1x64x4096xf32, #tpu.memory_space<vmem>>, vector<1x64x64xf32>
    %swap3A_321 = vector.shape_cast %swap3A_320 : vector<1x64x64xf32> to vector<64x64xf32>
    %swap3A_322 = vector.shape_cast %slice3A_316 : vector<64x64xf32> to vector<1x64x64xf32>
    tpu.vector_store %arg3[%swap3A_317, %swap3A_318, %swap3A_319], %swap3A_322 {strides = array<i32>} : memref<1x64x4096xf32, #tpu.memory_space<vmem>>, vector<1x64x64xf32>,
    %slice3A_323 = vector.extract_strided_slice %slice3A_315 {offsets = [64, 0], sizes = [64, 64], strides = [1, 1]} : vector<128x64xf32> to vector<64x64xf32>
    %swap3A_324 = arith.constant 0 : index
    %swap3A_325 = arith.constant 0 : index
    %swap3A_326 = arith.constant 2752 : index
    %swap3A_327 = vector.load %arg3[%swap3A_324, %swap3A_325, %swap3A_326] : memref<1x64x4096xf32, #tpu.memory_space<vmem>>, vector<1x64x64xf32>
    %swap3A_328 = vector.shape_cast %swap3A_327 : vector<1x64x64xf32> to vector<64x64xf32>
    %swap3A_329 = vector.shape_cast %slice3A_323 : vector<64x64xf32> to vector<1x64x64xf32>
    tpu.vector_store %arg3[%swap3A_324, %swap3A_325, %swap3A_326], %swap3A_329 {strides = array<i32>} : memref<1x64x4096xf32, #tpu.memory_space<vmem>>, vector<1x64x64xf32>,
    %slice3A_330 = vector.extract_strided_slice %transpose3A {offsets = [0, 1408], sizes = [128, 64], strides = [1, 1]} : vector<128x2048xf32> to vector<128x64xf32>
    %slice3A_331 = vector.extract_strided_slice %slice3A_330 {offsets = [0, 0], sizes = [64, 64], strides = [1, 1]} : vector<128x64xf32> to vector<64x64xf32>
    %swap3A_332 = arith.constant 0 : index
    %swap3A_333 = arith.constant 0 : index
    %swap3A_334 = arith.constant 2816 : index
    %swap3A_335 = vector.load %arg3[%swap3A_332, %swap3A_333, %swap3A_334] : memref<1x64x4096xf32, #tpu.memory_space<vmem>>, vector<1x64x64xf32>
    %swap3A_336 = vector.shape_cast %swap3A_335 : vector<1x64x64xf32> to vector<64x64xf32>
    %swap3A_337 = vector.shape_cast %slice3A_331 : vector<64x64xf32> to vector<1x64x64xf32>
    tpu.vector_store %arg3[%swap3A_332, %swap3A_333, %swap3A_334], %swap3A_337 {strides = array<i32>} : memref<1x64x4096xf32, #tpu.memory_space<vmem>>, vector<1x64x64xf32>,
    %slice3A_338 = vector.extract_strided_slice %slice3A_330 {offsets = [64, 0], sizes = [64, 64], strides = [1, 1]} : vector<128x64xf32> to vector<64x64xf32>
    %swap3A_339 = arith.constant 0 : index
    %swap3A_340 = arith.constant 0 : index
    %swap3A_341 = arith.constant 2880 : index
    %swap3A_342 = vector.load %arg3[%swap3A_339, %swap3A_340, %swap3A_341] : memref<1x64x4096xf32, #tpu.memory_space<vmem>>, vector<1x64x64xf32>
    %swap3A_343 = vector.shape_cast %swap3A_342 : vector<1x64x64xf32> to vector<64x64xf32>
    %swap3A_344 = vector.shape_cast %slice3A_338 : vector<64x64xf32> to vector<1x64x64xf32>
    tpu.vector_store %arg3[%swap3A_339, %swap3A_340, %swap3A_341], %swap3A_344 {strides = array<i32>} : memref<1x64x4096xf32, #tpu.memory_space<vmem>>, vector<1x64x64xf32>,
    %slice3A_345 = vector.extract_strided_slice %transpose3A {offsets = [0, 1472], sizes = [128, 64], strides = [1, 1]} : vector<128x2048xf32> to vector<128x64xf32>
    %slice3A_346 = vector.extract_strided_slice %slice3A_345 {offsets = [0, 0], sizes = [64, 64], strides = [1, 1]} : vector<128x64xf32> to vector<64x64xf32>
    %swap3A_347 = arith.constant 0 : index
    %swap3A_348 = arith.constant 0 : index
    %swap3A_349 = arith.constant 2944 : index
    %swap3A_350 = vector.load %arg3[%swap3A_347, %swap3A_348, %swap3A_349] : memref<1x64x4096xf32, #tpu.memory_space<vmem>>, vector<1x64x64xf32>
    %swap3A_351 = vector.shape_cast %swap3A_350 : vector<1x64x64xf32> to vector<64x64xf32>
    %swap3A_352 = vector.shape_cast %slice3A_346 : vector<64x64xf32> to vector<1x64x64xf32>
    tpu.vector_store %arg3[%swap3A_347, %swap3A_348, %swap3A_349], %swap3A_352 {strides = array<i32>} : memref<1x64x4096xf32, #tpu.memory_space<vmem>>, vector<1x64x64xf32>,
    %slice3A_353 = vector.extract_strided_slice %slice3A_345 {offsets = [64, 0], sizes = [64, 64], strides = [1, 1]} : vector<128x64xf32> to vector<64x64xf32>
    %swap3A_354 = arith.constant 0 : index
    %swap3A_355 = arith.constant 0 : index
    %swap3A_356 = arith.constant 3008 : index
    %swap3A_357 = vector.load %arg3[%swap3A_354, %swap3A_355, %swap3A_356] : memref<1x64x4096xf32, #tpu.memory_space<vmem>>, vector<1x64x64xf32>
    %swap3A_358 = vector.shape_cast %swap3A_357 : vector<1x64x64xf32> to vector<64x64xf32>
    %swap3A_359 = vector.shape_cast %slice3A_353 : vector<64x64xf32> to vector<1x64x64xf32>
    tpu.vector_store %arg3[%swap3A_354, %swap3A_355, %swap3A_356], %swap3A_359 {strides = array<i32>} : memref<1x64x4096xf32, #tpu.memory_space<vmem>>, vector<1x64x64xf32>,
    %slice3A_360 = vector.extract_strided_slice %transpose3A {offsets = [0, 1536], sizes = [128, 64], strides = [1, 1]} : vector<128x2048xf32> to vector<128x64xf32>
    %slice3A_361 = vector.extract_strided_slice %slice3A_360 {offsets = [0, 0], sizes = [64, 64], strides = [1, 1]} : vector<128x64xf32> to vector<64x64xf32>
    %swap3A_362 = arith.constant 0 : index
    %swap3A_363 = arith.constant 0 : index
    %swap3A_364 = arith.constant 3072 : index
    %swap3A_365 = vector.load %arg3[%swap3A_362, %swap3A_363, %swap3A_364] : memref<1x64x4096xf32, #tpu.memory_space<vmem>>, vector<1x64x64xf32>
    %swap3A_366 = vector.shape_cast %swap3A_365 : vector<1x64x64xf32> to vector<64x64xf32>
    %swap3A_367 = vector.shape_cast %slice3A_361 : vector<64x64xf32> to vector<1x64x64xf32>
    tpu.vector_store %arg3[%swap3A_362, %swap3A_363, %swap3A_364], %swap3A_367 {strides = array<i32>} : memref<1x64x4096xf32, #tpu.memory_space<vmem>>, vector<1x64x64xf32>,
    %slice3A_368 = vector.extract_strided_slice %slice3A_360 {offsets = [64, 0], sizes = [64, 64], strides = [1, 1]} : vector<128x64xf32> to vector<64x64xf32>
    %swap3A_369 = arith.constant 0 : index
    %swap3A_370 = arith.constant 0 : index
    %swap3A_371 = arith.constant 3136 : index
    %swap3A_372 = vector.load %arg3[%swap3A_369, %swap3A_370, %swap3A_371] : memref<1x64x4096xf32, #tpu.memory_space<vmem>>, vector<1x64x64xf32>
    %swap3A_373 = vector.shape_cast %swap3A_372 : vector<1x64x64xf32> to vector<64x64xf32>
    %swap3A_374 = vector.shape_cast %slice3A_368 : vector<64x64xf32> to vector<1x64x64xf32>
    tpu.vector_store %arg3[%swap3A_369, %swap3A_370, %swap3A_371], %swap3A_374 {strides = array<i32>} : memref<1x64x4096xf32, #tpu.memory_space<vmem>>, vector<1x64x64xf32>,
    %slice3A_375 = vector.extract_strided_slice %transpose3A {offsets = [0, 1600], sizes = [128, 64], strides = [1, 1]} : vector<128x2048xf32> to vector<128x64xf32>
    %slice3A_376 = vector.extract_strided_slice %slice3A_375 {offsets = [0, 0], sizes = [64, 64], strides = [1, 1]} : vector<128x64xf32> to vector<64x64xf32>
    %swap3A_377 = arith.constant 0 : index
    %swap3A_378 = arith.constant 0 : index
    %swap3A_379 = arith.constant 3200 : index
    %swap3A_380 = vector.load %arg3[%swap3A_377, %swap3A_378, %swap3A_379] : memref<1x64x4096xf32, #tpu.memory_space<vmem>>, vector<1x64x64xf32>
    %swap3A_381 = vector.shape_cast %swap3A_380 : vector<1x64x64xf32> to vector<64x64xf32>
    %swap3A_382 = vector.shape_cast %slice3A_376 : vector<64x64xf32> to vector<1x64x64xf32>
    tpu.vector_store %arg3[%swap3A_377, %swap3A_378, %swap3A_379], %swap3A_382 {strides = array<i32>} : memref<1x64x4096xf32, #tpu.memory_space<vmem>>, vector<1x64x64xf32>,
    %slice3A_383 = vector.extract_strided_slice %slice3A_375 {offsets = [64, 0], sizes = [64, 64], strides = [1, 1]} : vector<128x64xf32> to vector<64x64xf32>
    %swap3A_384 = arith.constant 0 : index
    %swap3A_385 = arith.constant 0 : index
    %swap3A_386 = arith.constant 3264 : index
    %swap3A_387 = vector.load %arg3[%swap3A_384, %swap3A_385, %swap3A_386] : memref<1x64x4096xf32, #tpu.memory_space<vmem>>, vector<1x64x64xf32>
    %swap3A_388 = vector.shape_cast %swap3A_387 : vector<1x64x64xf32> to vector<64x64xf32>
    %swap3A_389 = vector.shape_cast %slice3A_383 : vector<64x64xf32> to vector<1x64x64xf32>
    tpu.vector_store %arg3[%swap3A_384, %swap3A_385, %swap3A_386], %swap3A_389 {strides = array<i32>} : memref<1x64x4096xf32, #tpu.memory_space<vmem>>, vector<1x64x64xf32>,
    %slice3A_390 = vector.extract_strided_slice %transpose3A {offsets = [0, 1664], sizes = [128, 64], strides = [1, 1]} : vector<128x2048xf32> to vector<128x64xf32>
    %slice3A_391 = vector.extract_strided_slice %slice3A_390 {offsets = [0, 0], sizes = [64, 64], strides = [1, 1]} : vector<128x64xf32> to vector<64x64xf32>
    %swap3A_392 = arith.constant 0 : index
    %swap3A_393 = arith.constant 0 : index
    %swap3A_394 = arith.constant 3328 : index
    %swap3A_395 = vector.load %arg3[%swap3A_392, %swap3A_393, %swap3A_394] : memref<1x64x4096xf32, #tpu.memory_space<vmem>>, vector<1x64x64xf32>
    %swap3A_396 = vector.shape_cast %swap3A_395 : vector<1x64x64xf32> to vector<64x64xf32>
    %swap3A_397 = vector.shape_cast %slice3A_391 : vector<64x64xf32> to vector<1x64x64xf32>
    tpu.vector_store %arg3[%swap3A_392, %swap3A_393, %swap3A_394], %swap3A_397 {strides = array<i32>} : memref<1x64x4096xf32, #tpu.memory_space<vmem>>, vector<1x64x64xf32>,
    %slice3A_398 = vector.extract_strided_slice %slice3A_390 {offsets = [64, 0], sizes = [64, 64], strides = [1, 1]} : vector<128x64xf32> to vector<64x64xf32>
    %swap3A_399 = arith.constant 0 : index
    %swap3A_400 = arith.constant 0 : index
    %swap3A_401 = arith.constant 3392 : index
    %swap3A_402 = vector.load %arg3[%swap3A_399, %swap3A_400, %swap3A_401] : memref<1x64x4096xf32, #tpu.memory_space<vmem>>, vector<1x64x64xf32>
    %swap3A_403 = vector.shape_cast %swap3A_402 : vector<1x64x64xf32> to vector<64x64xf32>
    %swap3A_404 = vector.shape_cast %slice3A_398 : vector<64x64xf32> to vector<1x64x64xf32>
    tpu.vector_store %arg3[%swap3A_399, %swap3A_400, %swap3A_401], %swap3A_404 {strides = array<i32>} : memref<1x64x4096xf32, #tpu.memory_space<vmem>>, vector<1x64x64xf32>,
    %slice3A_405 = vector.extract_strided_slice %transpose3A {offsets = [0, 1728], sizes = [128, 64], strides = [1, 1]} : vector<128x2048xf32> to vector<128x64xf32>
    %slice3A_406 = vector.extract_strided_slice %slice3A_405 {offsets = [0, 0], sizes = [64, 64], strides = [1, 1]} : vector<128x64xf32> to vector<64x64xf32>
    %swap3A_407 = arith.constant 0 : index
    %swap3A_408 = arith.constant 0 : index
    %swap3A_409 = arith.constant 3456 : index
    %swap3A_410 = vector.load %arg3[%swap3A_407, %swap3A_408, %swap3A_409] : memref<1x64x4096xf32, #tpu.memory_space<vmem>>, vector<1x64x64xf32>
    %swap3A_411 = vector.shape_cast %swap3A_410 : vector<1x64x64xf32> to vector<64x64xf32>
    %swap3A_412 = vector.shape_cast %slice3A_406 : vector<64x64xf32> to vector<1x64x64xf32>
    tpu.vector_store %arg3[%swap3A_407, %swap3A_408, %swap3A_409], %swap3A_412 {strides = array<i32>} : memref<1x64x4096xf32, #tpu.memory_space<vmem>>, vector<1x64x64xf32>,
    %slice3A_413 = vector.extract_strided_slice %slice3A_405 {offsets = [64, 0], sizes = [64, 64], strides = [1, 1]} : vector<128x64xf32> to vector<64x64xf32>
    %swap3A_414 = arith.constant 0 : index
    %swap3A_415 = arith.constant 0 : index
    %swap3A_416 = arith.constant 3520 : index
    %swap3A_417 = vector.load %arg3[%swap3A_414, %swap3A_415, %swap3A_416] : memref<1x64x4096xf32, #tpu.memory_space<vmem>>, vector<1x64x64xf32>
    %swap3A_418 = vector.shape_cast %swap3A_417 : vector<1x64x64xf32> to vector<64x64xf32>
    %swap3A_419 = vector.shape_cast %slice3A_413 : vector<64x64xf32> to vector<1x64x64xf32>
    tpu.vector_store %arg3[%swap3A_414, %swap3A_415, %swap3A_416], %swap3A_419 {strides = array<i32>} : memref<1x64x4096xf32, #tpu.memory_space<vmem>>, vector<1x64x64xf32>,
    %slice3A_420 = vector.extract_strided_slice %transpose3A {offsets = [0, 1792], sizes = [128, 64], strides = [1, 1]} : vector<128x2048xf32> to vector<128x64xf32>
    %slice3A_421 = vector.extract_strided_slice %slice3A_420 {offsets = [0, 0], sizes = [64, 64], strides = [1, 1]} : vector<128x64xf32> to vector<64x64xf32>
    %swap3A_422 = arith.constant 0 : index
    %swap3A_423 = arith.constant 0 : index
    %swap3A_424 = arith.constant 3584 : index
    %swap3A_425 = vector.load %arg3[%swap3A_422, %swap3A_423, %swap3A_424] : memref<1x64x4096xf32, #tpu.memory_space<vmem>>, vector<1x64x64xf32>
    %swap3A_426 = vector.shape_cast %swap3A_425 : vector<1x64x64xf32> to vector<64x64xf32>
    %swap3A_427 = vector.shape_cast %slice3A_421 : vector<64x64xf32> to vector<1x64x64xf32>
    tpu.vector_store %arg3[%swap3A_422, %swap3A_423, %swap3A_424], %swap3A_427 {strides = array<i32>} : memref<1x64x4096xf32, #tpu.memory_space<vmem>>, vector<1x64x64xf32>,
    %slice3A_428 = vector.extract_strided_slice %slice3A_420 {offsets = [64, 0], sizes = [64, 64], strides = [1, 1]} : vector<128x64xf32> to vector<64x64xf32>
    %swap3A_429 = arith.constant 0 : index
    %swap3A_430 = arith.constant 0 : index
    %swap3A_431 = arith.constant 3648 : index
    %swap3A_432 = vector.load %arg3[%swap3A_429, %swap3A_430, %swap3A_431] : memref<1x64x4096xf32, #tpu.memory_space<vmem>>, vector<1x64x64xf32>
    %swap3A_433 = vector.shape_cast %swap3A_432 : vector<1x64x64xf32> to vector<64x64xf32>
    %swap3A_434 = vector.shape_cast %slice3A_428 : vector<64x64xf32> to vector<1x64x64xf32>
    tpu.vector_store %arg3[%swap3A_429, %swap3A_430, %swap3A_431], %swap3A_434 {strides = array<i32>} : memref<1x64x4096xf32, #tpu.memory_space<vmem>>, vector<1x64x64xf32>,
    %slice3A_435 = vector.extract_strided_slice %transpose3A {offsets = [0, 1856], sizes = [128, 64], strides = [1, 1]} : vector<128x2048xf32> to vector<128x64xf32>
    %slice3A_436 = vector.extract_strided_slice %slice3A_435 {offsets = [0, 0], sizes = [64, 64], strides = [1, 1]} : vector<128x64xf32> to vector<64x64xf32>
    %swap3A_437 = arith.constant 0 : index
    %swap3A_438 = arith.constant 0 : index
    %swap3A_439 = arith.constant 3712 : index
    %swap3A_440 = vector.load %arg3[%swap3A_437, %swap3A_438, %swap3A_439] : memref<1x64x4096xf32, #tpu.memory_space<vmem>>, vector<1x64x64xf32>
    %swap3A_441 = vector.shape_cast %swap3A_440 : vector<1x64x64xf32> to vector<64x64xf32>
    %swap3A_442 = vector.shape_cast %slice3A_436 : vector<64x64xf32> to vector<1x64x64xf32>
    tpu.vector_store %arg3[%swap3A_437, %swap3A_438, %swap3A_439], %swap3A_442 {strides = array<i32>} : memref<1x64x4096xf32, #tpu.memory_space<vmem>>, vector<1x64x64xf32>,
    %slice3A_443 = vector.extract_strided_slice %slice3A_435 {offsets = [64, 0], sizes = [64, 64], strides = [1, 1]} : vector<128x64xf32> to vector<64x64xf32>
    %swap3A_444 = arith.constant 0 : index
    %swap3A_445 = arith.constant 0 : index
    %swap3A_446 = arith.constant 3776 : index
    %swap3A_447 = vector.load %arg3[%swap3A_444, %swap3A_445, %swap3A_446] : memref<1x64x4096xf32, #tpu.memory_space<vmem>>, vector<1x64x64xf32>
    %swap3A_448 = vector.shape_cast %swap3A_447 : vector<1x64x64xf32> to vector<64x64xf32>
    %swap3A_449 = vector.shape_cast %slice3A_443 : vector<64x64xf32> to vector<1x64x64xf32>
    tpu.vector_store %arg3[%swap3A_444, %swap3A_445, %swap3A_446], %swap3A_449 {strides = array<i32>} : memref<1x64x4096xf32, #tpu.memory_space<vmem>>, vector<1x64x64xf32>,
    %slice3A_450 = vector.extract_strided_slice %transpose3A {offsets = [0, 1920], sizes = [128, 64], strides = [1, 1]} : vector<128x2048xf32> to vector<128x64xf32>
    %slice3A_451 = vector.extract_strided_slice %slice3A_450 {offsets = [0, 0], sizes = [64, 64], strides = [1, 1]} : vector<128x64xf32> to vector<64x64xf32>
    %swap3A_452 = arith.constant 0 : index
    %swap3A_453 = arith.constant 0 : index
    %swap3A_454 = arith.constant 3840 : index
    %swap3A_455 = vector.load %arg3[%swap3A_452, %swap3A_453, %swap3A_454] : memref<1x64x4096xf32, #tpu.memory_space<vmem>>, vector<1x64x64xf32>
    %swap3A_456 = vector.shape_cast %swap3A_455 : vector<1x64x64xf32> to vector<64x64xf32>
    %swap3A_457 = vector.shape_cast %slice3A_451 : vector<64x64xf32> to vector<1x64x64xf32>
    tpu.vector_store %arg3[%swap3A_452, %swap3A_453, %swap3A_454], %swap3A_457 {strides = array<i32>} : memref<1x64x4096xf32, #tpu.memory_space<vmem>>, vector<1x64x64xf32>,
    %slice3A_458 = vector.extract_strided_slice %slice3A_450 {offsets = [64, 0], sizes = [64, 64], strides = [1, 1]} : vector<128x64xf32> to vector<64x64xf32>
    %swap3A_459 = arith.constant 0 : index
    %swap3A_460 = arith.constant 0 : index
    %swap3A_461 = arith.constant 3904 : index
    %swap3A_462 = vector.load %arg3[%swap3A_459, %swap3A_460, %swap3A_461] : memref<1x64x4096xf32, #tpu.memory_space<vmem>>, vector<1x64x64xf32>
    %swap3A_463 = vector.shape_cast %swap3A_462 : vector<1x64x64xf32> to vector<64x64xf32>
    %swap3A_464 = vector.shape_cast %slice3A_458 : vector<64x64xf32> to vector<1x64x64xf32>
    tpu.vector_store %arg3[%swap3A_459, %swap3A_460, %swap3A_461], %swap3A_464 {strides = array<i32>} : memref<1x64x4096xf32, #tpu.memory_space<vmem>>, vector<1x64x64xf32>,
    %slice3A_465 = vector.extract_strided_slice %transpose3A {offsets = [0, 1984], sizes = [128, 64], strides = [1, 1]} : vector<128x2048xf32> to vector<128x64xf32>
    %slice3A_466 = vector.extract_strided_slice %slice3A_465 {offsets = [0, 0], sizes = [64, 64], strides = [1, 1]} : vector<128x64xf32> to vector<64x64xf32>
    %swap3A_467 = arith.constant 0 : index
    %swap3A_468 = arith.constant 0 : index
    %swap3A_469 = arith.constant 3968 : index
    %swap3A_470 = vector.load %arg3[%swap3A_467, %swap3A_468, %swap3A_469] : memref<1x64x4096xf32, #tpu.memory_space<vmem>>, vector<1x64x64xf32>
    %swap3A_471 = vector.shape_cast %swap3A_470 : vector<1x64x64xf32> to vector<64x64xf32>
    %swap3A_472 = vector.shape_cast %slice3A_466 : vector<64x64xf32> to vector<1x64x64xf32>
    tpu.vector_store %arg3[%swap3A_467, %swap3A_468, %swap3A_469], %swap3A_472 {strides = array<i32>} : memref<1x64x4096xf32, #tpu.memory_space<vmem>>, vector<1x64x64xf32>,
    %slice3A_473 = vector.extract_strided_slice %slice3A_465 {offsets = [64, 0], sizes = [64, 64], strides = [1, 1]} : vector<128x64xf32> to vector<64x64xf32>
    %swap3A_474 = arith.constant 0 : index
    %swap3A_475 = arith.constant 0 : index
    %swap3A_476 = arith.constant 4032 : index
    %swap3A_477 = vector.load %arg3[%swap3A_474, %swap3A_475, %swap3A_476] : memref<1x64x4096xf32, #tpu.memory_space<vmem>>, vector<1x64x64xf32>
    %swap3A_478 = vector.shape_cast %swap3A_477 : vector<1x64x64xf32> to vector<64x64xf32>
    %swap3A_479 = vector.shape_cast %slice3A_473 : vector<64x64xf32> to vector<1x64x64xf32>
    tpu.vector_store %arg3[%swap3A_474, %swap3A_475, %swap3A_476], %swap3A_479 {strides = array<i32>} : memref<1x64x4096xf32, #tpu.memory_space<vmem>>, vector<1x64x64xf32>,
    return
  }
  func.func @transform_0(%arg0: i32) -> (i32, i32) {
    %c0_i32 = arith.constant 0 : i32
    %c0_i32_0 = arith.constant 0 : i32
    return %arg0, %c0_i32 : i32, i32
  }
  func.func @transform_2(%arg0: i32) -> (i32, i32, i32) {
    %jit3A = arith.constant 1 : i32
    %div3A = arith.divsi %arg0, %jit3A : i32
    %sign3A = arith.constant 0 : i32
    %sign3A_0 = arith.cmpi sgt, %arg0, %sign3A : i32
    %sign3A_1 = arith.extui %sign3A_0 : i1 to i32
    %sign3A_2 = arith.constant 0 : i32
    %sign3A_3 = arith.cmpi slt, %arg0, %sign3A_2 : i32
    %sign3A_4 = arith.extui %sign3A_3 : i1 to i32
    %sign3A_5 = arith.subi %sign3A_1, %sign3A_4 : i32
    %sign3A_6 = arith.constant 0 : i32
    %sign3A_7 = arith.cmpi sgt, %jit3A, %sign3A_6 : i32
    %sign3A_8 = arith.extui %sign3A_7 : i1 to i32
    %sign3A_9 = arith.constant 0 : i32
    %sign3A_10 = arith.cmpi slt, %jit3A, %sign3A_9 : i32
    %sign3A_11 = arith.extui %sign3A_10 : i1 to i32
    %sign3A_12 = arith.subi %sign3A_8, %sign3A_11 : i32
    %ne3A = arith.cmpi ne, %sign3A_5, %sign3A_12 : i32
    %rem3A = arith.remsi %arg0, %jit3A : i32
    %ne3A_13 = arith.constant 0 : i32
    %ne3A_14 = arith.cmpi ne, %rem3A, %ne3A_13 : i32
    %and3A = arith.andi %ne3A, %ne3A_14 : i1
    %sub3A = arith.constant 1 : i32
    %sub3A_15 = arith.subi %div3A, %sub3A : i32
    %select_n3A = arith.select %and3A, %sub3A_15, %div3A : i32
    %add3A = arith.constant 25 : i32
    %add3A_16 = arith.addi %add3A, %select_n3A : i32
    %jit3A_17 = arith.constant 1 : i32
    %eq3A = arith.constant 0 : i32
    %eq3A_18 = arith.cmpi eq, %jit3A_17, %eq3A : i32
    %jit3A_19 = arith.constant 1 : i32
    %select_n3A_20 = arith.select %eq3A_18, %jit3A_19, %jit3A_17 : i32
    %rem3A_21 = arith.remsi %arg0, %select_n3A_20 : i32
    %ne3A_22 = arith.constant 0 : i32
    %ne3A_23 = arith.cmpi ne, %rem3A_21, %ne3A_22 : i32
    %lt3A = arith.constant 0 : i32
    %lt3A_24 = arith.cmpi slt, %rem3A_21, %lt3A : i32
    %lt3A_25 = arith.constant 0 : i32
    %lt3A_26 = arith.cmpi slt, %select_n3A_20, %lt3A_25 : i32
    %ne3A_27 = arith.xori %lt3A_24, %lt3A_26 : i1
    %and3A_28 = arith.andi %ne3A_27, %ne3A_23 : i1
    %add3A_29 = arith.addi %rem3A_21, %select_n3A_20 : i32
    %select_n3A_30 = arith.select %and3A_28, %add3A_29, %rem3A_21 : i32
    %c0_i32 = arith.constant 0 : i32
    %c0_i32_31 = arith.constant 0 : i32
    return %add3A_16, %c0_i32, %select_n3A_30 : i32, i32, i32
  }
}

module attributes {stable_mosaic.version = 14 : i64} {
  func.func @body(%arg0: i32, %arg1: memref<64x4096xf32, #tpu.memory_space<vmem>>, %arg2: memref<4096x128xf32, #tpu.memory_space<vmem>>) attributes {dimension_semantics = [#tpu.dimension_semantics<arbitrary>], iteration_bounds = array<i64: 25>, scalar_prefetch = 0 : i64, scratch_operands = 0 : i64, tpu.core_type = #tpu.core_type<tc>, window_params = [{transform_indices = @transform_0, window_bounds = array<i64: 64, 4096>}, {transform_indices = @transform_1, window_bounds = array<i64: 4096, 128>}]} {
    %get3A = arith.constant 0 : index
    %get3A_0 = arith.constant 0 : index
    %get3A_1 = vector.load %arg1[%get3A, %get3A_0] : memref<64x4096xf32, #tpu.memory_space<vmem>>, vector<64x4096xf32>
    %transpose3A = tpu.transpose %get3A_1, [1, 0] : vector<64x4096xf32> -> vector<4096x64xf32>
    %swap3A = arith.constant 0 : index
    %swap3A_2 = arith.constant 0 : index
    %swap3A_3 = vector.load %arg2[%swap3A, %swap3A_2] : memref<4096x128xf32, #tpu.memory_space<vmem>>, vector<4096x64xf32>
    tpu.vector_store %arg2[%swap3A, %swap3A_2], %transpose3A {strides = array<i32>} : memref<4096x128xf32, #tpu.memory_space<vmem>>, vector<4096x64xf32>,
    return
  }
  func.func @transform_0(%arg0: i32) -> (i32, i32) {
    %c0_i32 = arith.constant 0 : i32
    %c0_i32_0 = arith.constant 0 : i32
    return %c0_i32, %arg0 : i32, i32
  }
  func.func @transform_1(%arg0: i32) -> (i32, i32) {
    %c0_i32 = arith.constant 0 : i32
    %c0_i32_0 = arith.constant 0 : i32
    return %arg0, %c0_i32 : i32, i32
  }
}

module attributes {stable_mosaic.version = 14 : i64} {
  func.func @body(%arg0: i32, %arg1: memref<2048x128xf32, #tpu.memory_space<vmem>>, %arg2: memref<1x64x4096xf32, #tpu.memory_space<vmem>>) attributes {dimension_semantics = [#tpu.dimension_semantics<arbitrary>], iteration_bounds = array<i64: 25>, scalar_prefetch = 0 : i64, scratch_operands = 0 : i64, tpu.core_type = #tpu.core_type<tc>, window_params = [{transform_indices = @transform_0, window_bounds = array<i64: 2048, 128>}, {transform_indices = @transform_1, window_bounds = array<i64: 1, 64, 4096>}]} {
    %get3A = arith.constant 0 : index
    %get3A_0 = arith.constant 0 : index
    %get3A_1 = vector.load %arg1[%get3A, %get3A_0] : memref<2048x128xf32, #tpu.memory_space<vmem>>, vector<2048x128xf32>
    %transpose3A = tpu.transpose %get3A_1, [1, 0] : vector<2048x128xf32> -> vector<128x2048xf32>
    %slice3A = vector.extract_strided_slice %transpose3A {offsets = [0, 0], sizes = [128, 64], strides = [1, 1]} : vector<128x2048xf32> to vector<128x64xf32>
    %slice3A_2 = vector.extract_strided_slice %slice3A {offsets = [0, 0], sizes = [64, 64], strides = [1, 1]} : vector<128x64xf32> to vector<64x64xf32>
    %swap3A = arith.constant 0 : index
    %swap3A_3 = arith.constant 0 : index
    %swap3A_4 = arith.constant 0 : index
    %swap3A_5 = vector.load %arg2[%swap3A, %swap3A_3, %swap3A_4] : memref<1x64x4096xf32, #tpu.memory_space<vmem>>, vector<1x64x64xf32>
    %swap3A_6 = vector.shape_cast %swap3A_5 : vector<1x64x64xf32> to vector<64x64xf32>
    %swap3A_7 = vector.shape_cast %slice3A_2 : vector<64x64xf32> to vector<1x64x64xf32>
    tpu.vector_store %arg2[%swap3A, %swap3A_3, %swap3A_4], %swap3A_7 {strides = array<i32>} : memref<1x64x4096xf32, #tpu.memory_space<vmem>>, vector<1x64x64xf32>,
    %slice3A_8 = vector.extract_strided_slice %slice3A {offsets = [64, 0], sizes = [64, 64], strides = [1, 1]} : vector<128x64xf32> to vector<64x64xf32>
    %swap3A_9 = arith.constant 0 : index
    %swap3A_10 = arith.constant 0 : index
    %swap3A_11 = arith.constant 64 : index
    %swap3A_12 = vector.load %arg2[%swap3A_9, %swap3A_10, %swap3A_11] : memref<1x64x4096xf32, #tpu.memory_space<vmem>>, vector<1x64x64xf32>
    %swap3A_13 = vector.shape_cast %swap3A_12 : vector<1x64x64xf32> to vector<64x64xf32>
    %swap3A_14 = vector.shape_cast %slice3A_8 : vector<64x64xf32> to vector<1x64x64xf32>
    tpu.vector_store %arg2[%swap3A_9, %swap3A_10, %swap3A_11], %swap3A_14 {strides = array<i32>} : memref<1x64x4096xf32, #tpu.memory_space<vmem>>, vector<1x64x64xf32>,
    %slice3A_15 = vector.extract_strided_slice %transpose3A {offsets = [0, 64], sizes = [128, 64], strides = [1, 1]} : vector<128x2048xf32> to vector<128x64xf32>
    %slice3A_16 = vector.extract_strided_slice %slice3A_15 {offsets = [0, 0], sizes = [64, 64], strides = [1, 1]} : vector<128x64xf32> to vector<64x64xf32>
    %swap3A_17 = arith.constant 0 : index
    %swap3A_18 = arith.constant 0 : index
    %swap3A_19 = arith.constant 128 : index
    %swap3A_20 = vector.load %arg2[%swap3A_17, %swap3A_18, %swap3A_19] : memref<1x64x4096xf32, #tpu.memory_space<vmem>>, vector<1x64x64xf32>
    %swap3A_21 = vector.shape_cast %swap3A_20 : vector<1x64x64xf32> to vector<64x64xf32>
    %swap3A_22 = vector.shape_cast %slice3A_16 : vector<64x64xf32> to vector<1x64x64xf32>
    tpu.vector_store %arg2[%swap3A_17, %swap3A_18, %swap3A_19], %swap3A_22 {strides = array<i32>} : memref<1x64x4096xf32, #tpu.memory_space<vmem>>, vector<1x64x64xf32>,
    %slice3A_23 = vector.extract_strided_slice %slice3A_15 {offsets = [64, 0], sizes = [64, 64], strides = [1, 1]} : vector<128x64xf32> to vector<64x64xf32>
    %swap3A_24 = arith.constant 0 : index
    %swap3A_25 = arith.constant 0 : index
    %swap3A_26 = arith.constant 192 : index
    %swap3A_27 = vector.load %arg2[%swap3A_24, %swap3A_25, %swap3A_26] : memref<1x64x4096xf32, #tpu.memory_space<vmem>>, vector<1x64x64xf32>
    %swap3A_28 = vector.shape_cast %swap3A_27 : vector<1x64x64xf32> to vector<64x64xf32>
    %swap3A_29 = vector.shape_cast %slice3A_23 : vector<64x64xf32> to vector<1x64x64xf32>
    tpu.vector_store %arg2[%swap3A_24, %swap3A_25, %swap3A_26], %swap3A_29 {strides = array<i32>} : memref<1x64x4096xf32, #tpu.memory_space<vmem>>, vector<1x64x64xf32>,
    %slice3A_30 = vector.extract_strided_slice %transpose3A {offsets = [0, 128], sizes = [128, 64], strides = [1, 1]} : vector<128x2048xf32> to vector<128x64xf32>
    %slice3A_31 = vector.extract_strided_slice %slice3A_30 {offsets = [0, 0], sizes = [64, 64], strides = [1, 1]} : vector<128x64xf32> to vector<64x64xf32>
    %swap3A_32 = arith.constant 0 : index
    %swap3A_33 = arith.constant 0 : index
    %swap3A_34 = arith.constant 256 : index
    %swap3A_35 = vector.load %arg2[%swap3A_32, %swap3A_33, %swap3A_34] : memref<1x64x4096xf32, #tpu.memory_space<vmem>>, vector<1x64x64xf32>
    %swap3A_36 = vector.shape_cast %swap3A_35 : vector<1x64x64xf32> to vector<64x64xf32>
    %swap3A_37 = vector.shape_cast %slice3A_31 : vector<64x64xf32> to vector<1x64x64xf32>
    tpu.vector_store %arg2[%swap3A_32, %swap3A_33, %swap3A_34], %swap3A_37 {strides = array<i32>} : memref<1x64x4096xf32, #tpu.memory_space<vmem>>, vector<1x64x64xf32>,
    %slice3A_38 = vector.extract_strided_slice %slice3A_30 {offsets = [64, 0], sizes = [64, 64], strides = [1, 1]} : vector<128x64xf32> to vector<64x64xf32>
    %swap3A_39 = arith.constant 0 : index
    %swap3A_40 = arith.constant 0 : index
    %swap3A_41 = arith.constant 320 : index
    %swap3A_42 = vector.load %arg2[%swap3A_39, %swap3A_40, %swap3A_41] : memref<1x64x4096xf32, #tpu.memory_space<vmem>>, vector<1x64x64xf32>
    %swap3A_43 = vector.shape_cast %swap3A_42 : vector<1x64x64xf32> to vector<64x64xf32>
    %swap3A_44 = vector.shape_cast %slice3A_38 : vector<64x64xf32> to vector<1x64x64xf32>
    tpu.vector_store %arg2[%swap3A_39, %swap3A_40, %swap3A_41], %swap3A_44 {strides = array<i32>} : memref<1x64x4096xf32, #tpu.memory_space<vmem>>, vector<1x64x64xf32>,
    %slice3A_45 = vector.extract_strided_slice %transpose3A {offsets = [0, 192], sizes = [128, 64], strides = [1, 1]} : vector<128x2048xf32> to vector<128x64xf32>
    %slice3A_46 = vector.extract_strided_slice %slice3A_45 {offsets = [0, 0], sizes = [64, 64], strides = [1, 1]} : vector<128x64xf32> to vector<64x64xf32>
    %swap3A_47 = arith.constant 0 : index
    %swap3A_48 = arith.constant 0 : index
    %swap3A_49 = arith.constant 384 : index
    %swap3A_50 = vector.load %arg2[%swap3A_47, %swap3A_48, %swap3A_49] : memref<1x64x4096xf32, #tpu.memory_space<vmem>>, vector<1x64x64xf32>
    %swap3A_51 = vector.shape_cast %swap3A_50 : vector<1x64x64xf32> to vector<64x64xf32>
    %swap3A_52 = vector.shape_cast %slice3A_46 : vector<64x64xf32> to vector<1x64x64xf32>
    tpu.vector_store %arg2[%swap3A_47, %swap3A_48, %swap3A_49], %swap3A_52 {strides = array<i32>} : memref<1x64x4096xf32, #tpu.memory_space<vmem>>, vector<1x64x64xf32>,
    %slice3A_53 = vector.extract_strided_slice %slice3A_45 {offsets = [64, 0], sizes = [64, 64], strides = [1, 1]} : vector<128x64xf32> to vector<64x64xf32>
    %swap3A_54 = arith.constant 0 : index
    %swap3A_55 = arith.constant 0 : index
    %swap3A_56 = arith.constant 448 : index
    %swap3A_57 = vector.load %arg2[%swap3A_54, %swap3A_55, %swap3A_56] : memref<1x64x4096xf32, #tpu.memory_space<vmem>>, vector<1x64x64xf32>
    %swap3A_58 = vector.shape_cast %swap3A_57 : vector<1x64x64xf32> to vector<64x64xf32>
    %swap3A_59 = vector.shape_cast %slice3A_53 : vector<64x64xf32> to vector<1x64x64xf32>
    tpu.vector_store %arg2[%swap3A_54, %swap3A_55, %swap3A_56], %swap3A_59 {strides = array<i32>} : memref<1x64x4096xf32, #tpu.memory_space<vmem>>, vector<1x64x64xf32>,
    %slice3A_60 = vector.extract_strided_slice %transpose3A {offsets = [0, 256], sizes = [128, 64], strides = [1, 1]} : vector<128x2048xf32> to vector<128x64xf32>
    %slice3A_61 = vector.extract_strided_slice %slice3A_60 {offsets = [0, 0], sizes = [64, 64], strides = [1, 1]} : vector<128x64xf32> to vector<64x64xf32>
    %swap3A_62 = arith.constant 0 : index
    %swap3A_63 = arith.constant 0 : index
    %swap3A_64 = arith.constant 512 : index
    %swap3A_65 = vector.load %arg2[%swap3A_62, %swap3A_63, %swap3A_64] : memref<1x64x4096xf32, #tpu.memory_space<vmem>>, vector<1x64x64xf32>
    %swap3A_66 = vector.shape_cast %swap3A_65 : vector<1x64x64xf32> to vector<64x64xf32>
    %swap3A_67 = vector.shape_cast %slice3A_61 : vector<64x64xf32> to vector<1x64x64xf32>
    tpu.vector_store %arg2[%swap3A_62, %swap3A_63, %swap3A_64], %swap3A_67 {strides = array<i32>} : memref<1x64x4096xf32, #tpu.memory_space<vmem>>, vector<1x64x64xf32>,
    %slice3A_68 = vector.extract_strided_slice %slice3A_60 {offsets = [64, 0], sizes = [64, 64], strides = [1, 1]} : vector<128x64xf32> to vector<64x64xf32>
    %swap3A_69 = arith.constant 0 : index
    %swap3A_70 = arith.constant 0 : index
    %swap3A_71 = arith.constant 576 : index
    %swap3A_72 = vector.load %arg2[%swap3A_69, %swap3A_70, %swap3A_71] : memref<1x64x4096xf32, #tpu.memory_space<vmem>>, vector<1x64x64xf32>
    %swap3A_73 = vector.shape_cast %swap3A_72 : vector<1x64x64xf32> to vector<64x64xf32>
    %swap3A_74 = vector.shape_cast %slice3A_68 : vector<64x64xf32> to vector<1x64x64xf32>
    tpu.vector_store %arg2[%swap3A_69, %swap3A_70, %swap3A_71], %swap3A_74 {strides = array<i32>} : memref<1x64x4096xf32, #tpu.memory_space<vmem>>, vector<1x64x64xf32>,
    %slice3A_75 = vector.extract_strided_slice %transpose3A {offsets = [0, 320], sizes = [128, 64], strides = [1, 1]} : vector<128x2048xf32> to vector<128x64xf32>
    %slice3A_76 = vector.extract_strided_slice %slice3A_75 {offsets = [0, 0], sizes = [64, 64], strides = [1, 1]} : vector<128x64xf32> to vector<64x64xf32>
    %swap3A_77 = arith.constant 0 : index
    %swap3A_78 = arith.constant 0 : index
    %swap3A_79 = arith.constant 640 : index
    %swap3A_80 = vector.load %arg2[%swap3A_77, %swap3A_78, %swap3A_79] : memref<1x64x4096xf32, #tpu.memory_space<vmem>>, vector<1x64x64xf32>
    %swap3A_81 = vector.shape_cast %swap3A_80 : vector<1x64x64xf32> to vector<64x64xf32>
    %swap3A_82 = vector.shape_cast %slice3A_76 : vector<64x64xf32> to vector<1x64x64xf32>
    tpu.vector_store %arg2[%swap3A_77, %swap3A_78, %swap3A_79], %swap3A_82 {strides = array<i32>} : memref<1x64x4096xf32, #tpu.memory_space<vmem>>, vector<1x64x64xf32>,
    %slice3A_83 = vector.extract_strided_slice %slice3A_75 {offsets = [64, 0], sizes = [64, 64], strides = [1, 1]} : vector<128x64xf32> to vector<64x64xf32>
    %swap3A_84 = arith.constant 0 : index
    %swap3A_85 = arith.constant 0 : index
    %swap3A_86 = arith.constant 704 : index
    %swap3A_87 = vector.load %arg2[%swap3A_84, %swap3A_85, %swap3A_86] : memref<1x64x4096xf32, #tpu.memory_space<vmem>>, vector<1x64x64xf32>
    %swap3A_88 = vector.shape_cast %swap3A_87 : vector<1x64x64xf32> to vector<64x64xf32>
    %swap3A_89 = vector.shape_cast %slice3A_83 : vector<64x64xf32> to vector<1x64x64xf32>
    tpu.vector_store %arg2[%swap3A_84, %swap3A_85, %swap3A_86], %swap3A_89 {strides = array<i32>} : memref<1x64x4096xf32, #tpu.memory_space<vmem>>, vector<1x64x64xf32>,
    %slice3A_90 = vector.extract_strided_slice %transpose3A {offsets = [0, 384], sizes = [128, 64], strides = [1, 1]} : vector<128x2048xf32> to vector<128x64xf32>
    %slice3A_91 = vector.extract_strided_slice %slice3A_90 {offsets = [0, 0], sizes = [64, 64], strides = [1, 1]} : vector<128x64xf32> to vector<64x64xf32>
    %swap3A_92 = arith.constant 0 : index
    %swap3A_93 = arith.constant 0 : index
    %swap3A_94 = arith.constant 768 : index
    %swap3A_95 = vector.load %arg2[%swap3A_92, %swap3A_93, %swap3A_94] : memref<1x64x4096xf32, #tpu.memory_space<vmem>>, vector<1x64x64xf32>
    %swap3A_96 = vector.shape_cast %swap3A_95 : vector<1x64x64xf32> to vector<64x64xf32>
    %swap3A_97 = vector.shape_cast %slice3A_91 : vector<64x64xf32> to vector<1x64x64xf32>
    tpu.vector_store %arg2[%swap3A_92, %swap3A_93, %swap3A_94], %swap3A_97 {strides = array<i32>} : memref<1x64x4096xf32, #tpu.memory_space<vmem>>, vector<1x64x64xf32>,
    %slice3A_98 = vector.extract_strided_slice %slice3A_90 {offsets = [64, 0], sizes = [64, 64], strides = [1, 1]} : vector<128x64xf32> to vector<64x64xf32>
    %swap3A_99 = arith.constant 0 : index
    %swap3A_100 = arith.constant 0 : index
    %swap3A_101 = arith.constant 832 : index
    %swap3A_102 = vector.load %arg2[%swap3A_99, %swap3A_100, %swap3A_101] : memref<1x64x4096xf32, #tpu.memory_space<vmem>>, vector<1x64x64xf32>
    %swap3A_103 = vector.shape_cast %swap3A_102 : vector<1x64x64xf32> to vector<64x64xf32>
    %swap3A_104 = vector.shape_cast %slice3A_98 : vector<64x64xf32> to vector<1x64x64xf32>
    tpu.vector_store %arg2[%swap3A_99, %swap3A_100, %swap3A_101], %swap3A_104 {strides = array<i32>} : memref<1x64x4096xf32, #tpu.memory_space<vmem>>, vector<1x64x64xf32>,
    %slice3A_105 = vector.extract_strided_slice %transpose3A {offsets = [0, 448], sizes = [128, 64], strides = [1, 1]} : vector<128x2048xf32> to vector<128x64xf32>
    %slice3A_106 = vector.extract_strided_slice %slice3A_105 {offsets = [0, 0], sizes = [64, 64], strides = [1, 1]} : vector<128x64xf32> to vector<64x64xf32>
    %swap3A_107 = arith.constant 0 : index
    %swap3A_108 = arith.constant 0 : index
    %swap3A_109 = arith.constant 896 : index
    %swap3A_110 = vector.load %arg2[%swap3A_107, %swap3A_108, %swap3A_109] : memref<1x64x4096xf32, #tpu.memory_space<vmem>>, vector<1x64x64xf32>
    %swap3A_111 = vector.shape_cast %swap3A_110 : vector<1x64x64xf32> to vector<64x64xf32>
    %swap3A_112 = vector.shape_cast %slice3A_106 : vector<64x64xf32> to vector<1x64x64xf32>
    tpu.vector_store %arg2[%swap3A_107, %swap3A_108, %swap3A_109], %swap3A_112 {strides = array<i32>} : memref<1x64x4096xf32, #tpu.memory_space<vmem>>, vector<1x64x64xf32>,
    %slice3A_113 = vector.extract_strided_slice %slice3A_105 {offsets = [64, 0], sizes = [64, 64], strides = [1, 1]} : vector<128x64xf32> to vector<64x64xf32>
    %swap3A_114 = arith.constant 0 : index
    %swap3A_115 = arith.constant 0 : index
    %swap3A_116 = arith.constant 960 : index
    %swap3A_117 = vector.load %arg2[%swap3A_114, %swap3A_115, %swap3A_116] : memref<1x64x4096xf32, #tpu.memory_space<vmem>>, vector<1x64x64xf32>
    %swap3A_118 = vector.shape_cast %swap3A_117 : vector<1x64x64xf32> to vector<64x64xf32>
    %swap3A_119 = vector.shape_cast %slice3A_113 : vector<64x64xf32> to vector<1x64x64xf32>
    tpu.vector_store %arg2[%swap3A_114, %swap3A_115, %swap3A_116], %swap3A_119 {strides = array<i32>} : memref<1x64x4096xf32, #tpu.memory_space<vmem>>, vector<1x64x64xf32>,
    %slice3A_120 = vector.extract_strided_slice %transpose3A {offsets = [0, 512], sizes = [128, 64], strides = [1, 1]} : vector<128x2048xf32> to vector<128x64xf32>
    %slice3A_121 = vector.extract_strided_slice %slice3A_120 {offsets = [0, 0], sizes = [64, 64], strides = [1, 1]} : vector<128x64xf32> to vector<64x64xf32>
    %swap3A_122 = arith.constant 0 : index
    %swap3A_123 = arith.constant 0 : index
    %swap3A_124 = arith.constant 1024 : index
    %swap3A_125 = vector.load %arg2[%swap3A_122, %swap3A_123, %swap3A_124] : memref<1x64x4096xf32, #tpu.memory_space<vmem>>, vector<1x64x64xf32>
    %swap3A_126 = vector.shape_cast %swap3A_125 : vector<1x64x64xf32> to vector<64x64xf32>
    %swap3A_127 = vector.shape_cast %slice3A_121 : vector<64x64xf32> to vector<1x64x64xf32>
    tpu.vector_store %arg2[%swap3A_122, %swap3A_123, %swap3A_124], %swap3A_127 {strides = array<i32>} : memref<1x64x4096xf32, #tpu.memory_space<vmem>>, vector<1x64x64xf32>,
    %slice3A_128 = vector.extract_strided_slice %slice3A_120 {offsets = [64, 0], sizes = [64, 64], strides = [1, 1]} : vector<128x64xf32> to vector<64x64xf32>
    %swap3A_129 = arith.constant 0 : index
    %swap3A_130 = arith.constant 0 : index
    %swap3A_131 = arith.constant 1088 : index
    %swap3A_132 = vector.load %arg2[%swap3A_129, %swap3A_130, %swap3A_131] : memref<1x64x4096xf32, #tpu.memory_space<vmem>>, vector<1x64x64xf32>
    %swap3A_133 = vector.shape_cast %swap3A_132 : vector<1x64x64xf32> to vector<64x64xf32>
    %swap3A_134 = vector.shape_cast %slice3A_128 : vector<64x64xf32> to vector<1x64x64xf32>
    tpu.vector_store %arg2[%swap3A_129, %swap3A_130, %swap3A_131], %swap3A_134 {strides = array<i32>} : memref<1x64x4096xf32, #tpu.memory_space<vmem>>, vector<1x64x64xf32>,
    %slice3A_135 = vector.extract_strided_slice %transpose3A {offsets = [0, 576], sizes = [128, 64], strides = [1, 1]} : vector<128x2048xf32> to vector<128x64xf32>
    %slice3A_136 = vector.extract_strided_slice %slice3A_135 {offsets = [0, 0], sizes = [64, 64], strides = [1, 1]} : vector<128x64xf32> to vector<64x64xf32>
    %swap3A_137 = arith.constant 0 : index
    %swap3A_138 = arith.constant 0 : index
    %swap3A_139 = arith.constant 1152 : index
    %swap3A_140 = vector.load %arg2[%swap3A_137, %swap3A_138, %swap3A_139] : memref<1x64x4096xf32, #tpu.memory_space<vmem>>, vector<1x64x64xf32>
    %swap3A_141 = vector.shape_cast %swap3A_140 : vector<1x64x64xf32> to vector<64x64xf32>
    %swap3A_142 = vector.shape_cast %slice3A_136 : vector<64x64xf32> to vector<1x64x64xf32>
    tpu.vector_store %arg2[%swap3A_137, %swap3A_138, %swap3A_139], %swap3A_142 {strides = array<i32>} : memref<1x64x4096xf32, #tpu.memory_space<vmem>>, vector<1x64x64xf32>,
    %slice3A_143 = vector.extract_strided_slice %slice3A_135 {offsets = [64, 0], sizes = [64, 64], strides = [1, 1]} : vector<128x64xf32> to vector<64x64xf32>
    %swap3A_144 = arith.constant 0 : index
    %swap3A_145 = arith.constant 0 : index
    %swap3A_146 = arith.constant 1216 : index
    %swap3A_147 = vector.load %arg2[%swap3A_144, %swap3A_145, %swap3A_146] : memref<1x64x4096xf32, #tpu.memory_space<vmem>>, vector<1x64x64xf32>
    %swap3A_148 = vector.shape_cast %swap3A_147 : vector<1x64x64xf32> to vector<64x64xf32>
    %swap3A_149 = vector.shape_cast %slice3A_143 : vector<64x64xf32> to vector<1x64x64xf32>
    tpu.vector_store %arg2[%swap3A_144, %swap3A_145, %swap3A_146], %swap3A_149 {strides = array<i32>} : memref<1x64x4096xf32, #tpu.memory_space<vmem>>, vector<1x64x64xf32>,
    %slice3A_150 = vector.extract_strided_slice %transpose3A {offsets = [0, 640], sizes = [128, 64], strides = [1, 1]} : vector<128x2048xf32> to vector<128x64xf32>
    %slice3A_151 = vector.extract_strided_slice %slice3A_150 {offsets = [0, 0], sizes = [64, 64], strides = [1, 1]} : vector<128x64xf32> to vector<64x64xf32>
    %swap3A_152 = arith.constant 0 : index
    %swap3A_153 = arith.constant 0 : index
    %swap3A_154 = arith.constant 1280 : index
    %swap3A_155 = vector.load %arg2[%swap3A_152, %swap3A_153, %swap3A_154] : memref<1x64x4096xf32, #tpu.memory_space<vmem>>, vector<1x64x64xf32>
    %swap3A_156 = vector.shape_cast %swap3A_155 : vector<1x64x64xf32> to vector<64x64xf32>
    %swap3A_157 = vector.shape_cast %slice3A_151 : vector<64x64xf32> to vector<1x64x64xf32>
    tpu.vector_store %arg2[%swap3A_152, %swap3A_153, %swap3A_154], %swap3A_157 {strides = array<i32>} : memref<1x64x4096xf32, #tpu.memory_space<vmem>>, vector<1x64x64xf32>,
    %slice3A_158 = vector.extract_strided_slice %slice3A_150 {offsets = [64, 0], sizes = [64, 64], strides = [1, 1]} : vector<128x64xf32> to vector<64x64xf32>
    %swap3A_159 = arith.constant 0 : index
    %swap3A_160 = arith.constant 0 : index
    %swap3A_161 = arith.constant 1344 : index
    %swap3A_162 = vector.load %arg2[%swap3A_159, %swap3A_160, %swap3A_161] : memref<1x64x4096xf32, #tpu.memory_space<vmem>>, vector<1x64x64xf32>
    %swap3A_163 = vector.shape_cast %swap3A_162 : vector<1x64x64xf32> to vector<64x64xf32>
    %swap3A_164 = vector.shape_cast %slice3A_158 : vector<64x64xf32> to vector<1x64x64xf32>
    tpu.vector_store %arg2[%swap3A_159, %swap3A_160, %swap3A_161], %swap3A_164 {strides = array<i32>} : memref<1x64x4096xf32, #tpu.memory_space<vmem>>, vector<1x64x64xf32>,
    %slice3A_165 = vector.extract_strided_slice %transpose3A {offsets = [0, 704], sizes = [128, 64], strides = [1, 1]} : vector<128x2048xf32> to vector<128x64xf32>
    %slice3A_166 = vector.extract_strided_slice %slice3A_165 {offsets = [0, 0], sizes = [64, 64], strides = [1, 1]} : vector<128x64xf32> to vector<64x64xf32>
    %swap3A_167 = arith.constant 0 : index
    %swap3A_168 = arith.constant 0 : index
    %swap3A_169 = arith.constant 1408 : index
    %swap3A_170 = vector.load %arg2[%swap3A_167, %swap3A_168, %swap3A_169] : memref<1x64x4096xf32, #tpu.memory_space<vmem>>, vector<1x64x64xf32>
    %swap3A_171 = vector.shape_cast %swap3A_170 : vector<1x64x64xf32> to vector<64x64xf32>
    %swap3A_172 = vector.shape_cast %slice3A_166 : vector<64x64xf32> to vector<1x64x64xf32>
    tpu.vector_store %arg2[%swap3A_167, %swap3A_168, %swap3A_169], %swap3A_172 {strides = array<i32>} : memref<1x64x4096xf32, #tpu.memory_space<vmem>>, vector<1x64x64xf32>,
    %slice3A_173 = vector.extract_strided_slice %slice3A_165 {offsets = [64, 0], sizes = [64, 64], strides = [1, 1]} : vector<128x64xf32> to vector<64x64xf32>
    %swap3A_174 = arith.constant 0 : index
    %swap3A_175 = arith.constant 0 : index
    %swap3A_176 = arith.constant 1472 : index
    %swap3A_177 = vector.load %arg2[%swap3A_174, %swap3A_175, %swap3A_176] : memref<1x64x4096xf32, #tpu.memory_space<vmem>>, vector<1x64x64xf32>
    %swap3A_178 = vector.shape_cast %swap3A_177 : vector<1x64x64xf32> to vector<64x64xf32>
    %swap3A_179 = vector.shape_cast %slice3A_173 : vector<64x64xf32> to vector<1x64x64xf32>
    tpu.vector_store %arg2[%swap3A_174, %swap3A_175, %swap3A_176], %swap3A_179 {strides = array<i32>} : memref<1x64x4096xf32, #tpu.memory_space<vmem>>, vector<1x64x64xf32>,
    %slice3A_180 = vector.extract_strided_slice %transpose3A {offsets = [0, 768], sizes = [128, 64], strides = [1, 1]} : vector<128x2048xf32> to vector<128x64xf32>
    %slice3A_181 = vector.extract_strided_slice %slice3A_180 {offsets = [0, 0], sizes = [64, 64], strides = [1, 1]} : vector<128x64xf32> to vector<64x64xf32>
    %swap3A_182 = arith.constant 0 : index
    %swap3A_183 = arith.constant 0 : index
    %swap3A_184 = arith.constant 1536 : index
    %swap3A_185 = vector.load %arg2[%swap3A_182, %swap3A_183, %swap3A_184] : memref<1x64x4096xf32, #tpu.memory_space<vmem>>, vector<1x64x64xf32>
    %swap3A_186 = vector.shape_cast %swap3A_185 : vector<1x64x64xf32> to vector<64x64xf32>
    %swap3A_187 = vector.shape_cast %slice3A_181 : vector<64x64xf32> to vector<1x64x64xf32>
    tpu.vector_store %arg2[%swap3A_182, %swap3A_183, %swap3A_184], %swap3A_187 {strides = array<i32>} : memref<1x64x4096xf32, #tpu.memory_space<vmem>>, vector<1x64x64xf32>,
    %slice3A_188 = vector.extract_strided_slice %slice3A_180 {offsets = [64, 0], sizes = [64, 64], strides = [1, 1]} : vector<128x64xf32> to vector<64x64xf32>
    %swap3A_189 = arith.constant 0 : index
    %swap3A_190 = arith.constant 0 : index
    %swap3A_191 = arith.constant 1600 : index
    %swap3A_192 = vector.load %arg2[%swap3A_189, %swap3A_190, %swap3A_191] : memref<1x64x4096xf32, #tpu.memory_space<vmem>>, vector<1x64x64xf32>
    %swap3A_193 = vector.shape_cast %swap3A_192 : vector<1x64x64xf32> to vector<64x64xf32>
    %swap3A_194 = vector.shape_cast %slice3A_188 : vector<64x64xf32> to vector<1x64x64xf32>
    tpu.vector_store %arg2[%swap3A_189, %swap3A_190, %swap3A_191], %swap3A_194 {strides = array<i32>} : memref<1x64x4096xf32, #tpu.memory_space<vmem>>, vector<1x64x64xf32>,
    %slice3A_195 = vector.extract_strided_slice %transpose3A {offsets = [0, 832], sizes = [128, 64], strides = [1, 1]} : vector<128x2048xf32> to vector<128x64xf32>
    %slice3A_196 = vector.extract_strided_slice %slice3A_195 {offsets = [0, 0], sizes = [64, 64], strides = [1, 1]} : vector<128x64xf32> to vector<64x64xf32>
    %swap3A_197 = arith.constant 0 : index
    %swap3A_198 = arith.constant 0 : index
    %swap3A_199 = arith.constant 1664 : index
    %swap3A_200 = vector.load %arg2[%swap3A_197, %swap3A_198, %swap3A_199] : memref<1x64x4096xf32, #tpu.memory_space<vmem>>, vector<1x64x64xf32>
    %swap3A_201 = vector.shape_cast %swap3A_200 : vector<1x64x64xf32> to vector<64x64xf32>
    %swap3A_202 = vector.shape_cast %slice3A_196 : vector<64x64xf32> to vector<1x64x64xf32>
    tpu.vector_store %arg2[%swap3A_197, %swap3A_198, %swap3A_199], %swap3A_202 {strides = array<i32>} : memref<1x64x4096xf32, #tpu.memory_space<vmem>>, vector<1x64x64xf32>,
    %slice3A_203 = vector.extract_strided_slice %slice3A_195 {offsets = [64, 0], sizes = [64, 64], strides = [1, 1]} : vector<128x64xf32> to vector<64x64xf32>
    %swap3A_204 = arith.constant 0 : index
    %swap3A_205 = arith.constant 0 : index
    %swap3A_206 = arith.constant 1728 : index
    %swap3A_207 = vector.load %arg2[%swap3A_204, %swap3A_205, %swap3A_206] : memref<1x64x4096xf32, #tpu.memory_space<vmem>>, vector<1x64x64xf32>
    %swap3A_208 = vector.shape_cast %swap3A_207 : vector<1x64x64xf32> to vector<64x64xf32>
    %swap3A_209 = vector.shape_cast %slice3A_203 : vector<64x64xf32> to vector<1x64x64xf32>
    tpu.vector_store %arg2[%swap3A_204, %swap3A_205, %swap3A_206], %swap3A_209 {strides = array<i32>} : memref<1x64x4096xf32, #tpu.memory_space<vmem>>, vector<1x64x64xf32>,
    %slice3A_210 = vector.extract_strided_slice %transpose3A {offsets = [0, 896], sizes = [128, 64], strides = [1, 1]} : vector<128x2048xf32> to vector<128x64xf32>
    %slice3A_211 = vector.extract_strided_slice %slice3A_210 {offsets = [0, 0], sizes = [64, 64], strides = [1, 1]} : vector<128x64xf32> to vector<64x64xf32>
    %swap3A_212 = arith.constant 0 : index
    %swap3A_213 = arith.constant 0 : index
    %swap3A_214 = arith.constant 1792 : index
    %swap3A_215 = vector.load %arg2[%swap3A_212, %swap3A_213, %swap3A_214] : memref<1x64x4096xf32, #tpu.memory_space<vmem>>, vector<1x64x64xf32>
    %swap3A_216 = vector.shape_cast %swap3A_215 : vector<1x64x64xf32> to vector<64x64xf32>
    %swap3A_217 = vector.shape_cast %slice3A_211 : vector<64x64xf32> to vector<1x64x64xf32>
    tpu.vector_store %arg2[%swap3A_212, %swap3A_213, %swap3A_214], %swap3A_217 {strides = array<i32>} : memref<1x64x4096xf32, #tpu.memory_space<vmem>>, vector<1x64x64xf32>,
    %slice3A_218 = vector.extract_strided_slice %slice3A_210 {offsets = [64, 0], sizes = [64, 64], strides = [1, 1]} : vector<128x64xf32> to vector<64x64xf32>
    %swap3A_219 = arith.constant 0 : index
    %swap3A_220 = arith.constant 0 : index
    %swap3A_221 = arith.constant 1856 : index
    %swap3A_222 = vector.load %arg2[%swap3A_219, %swap3A_220, %swap3A_221] : memref<1x64x4096xf32, #tpu.memory_space<vmem>>, vector<1x64x64xf32>
    %swap3A_223 = vector.shape_cast %swap3A_222 : vector<1x64x64xf32> to vector<64x64xf32>
    %swap3A_224 = vector.shape_cast %slice3A_218 : vector<64x64xf32> to vector<1x64x64xf32>
    tpu.vector_store %arg2[%swap3A_219, %swap3A_220, %swap3A_221], %swap3A_224 {strides = array<i32>} : memref<1x64x4096xf32, #tpu.memory_space<vmem>>, vector<1x64x64xf32>,
    %slice3A_225 = vector.extract_strided_slice %transpose3A {offsets = [0, 960], sizes = [128, 64], strides = [1, 1]} : vector<128x2048xf32> to vector<128x64xf32>
    %slice3A_226 = vector.extract_strided_slice %slice3A_225 {offsets = [0, 0], sizes = [64, 64], strides = [1, 1]} : vector<128x64xf32> to vector<64x64xf32>
    %swap3A_227 = arith.constant 0 : index
    %swap3A_228 = arith.constant 0 : index
    %swap3A_229 = arith.constant 1920 : index
    %swap3A_230 = vector.load %arg2[%swap3A_227, %swap3A_228, %swap3A_229] : memref<1x64x4096xf32, #tpu.memory_space<vmem>>, vector<1x64x64xf32>
    %swap3A_231 = vector.shape_cast %swap3A_230 : vector<1x64x64xf32> to vector<64x64xf32>
    %swap3A_232 = vector.shape_cast %slice3A_226 : vector<64x64xf32> to vector<1x64x64xf32>
    tpu.vector_store %arg2[%swap3A_227, %swap3A_228, %swap3A_229], %swap3A_232 {strides = array<i32>} : memref<1x64x4096xf32, #tpu.memory_space<vmem>>, vector<1x64x64xf32>,
    %slice3A_233 = vector.extract_strided_slice %slice3A_225 {offsets = [64, 0], sizes = [64, 64], strides = [1, 1]} : vector<128x64xf32> to vector<64x64xf32>
    %swap3A_234 = arith.constant 0 : index
    %swap3A_235 = arith.constant 0 : index
    %swap3A_236 = arith.constant 1984 : index
    %swap3A_237 = vector.load %arg2[%swap3A_234, %swap3A_235, %swap3A_236] : memref<1x64x4096xf32, #tpu.memory_space<vmem>>, vector<1x64x64xf32>
    %swap3A_238 = vector.shape_cast %swap3A_237 : vector<1x64x64xf32> to vector<64x64xf32>
    %swap3A_239 = vector.shape_cast %slice3A_233 : vector<64x64xf32> to vector<1x64x64xf32>
    tpu.vector_store %arg2[%swap3A_234, %swap3A_235, %swap3A_236], %swap3A_239 {strides = array<i32>} : memref<1x64x4096xf32, #tpu.memory_space<vmem>>, vector<1x64x64xf32>,
    %slice3A_240 = vector.extract_strided_slice %transpose3A {offsets = [0, 1024], sizes = [128, 64], strides = [1, 1]} : vector<128x2048xf32> to vector<128x64xf32>
    %slice3A_241 = vector.extract_strided_slice %slice3A_240 {offsets = [0, 0], sizes = [64, 64], strides = [1, 1]} : vector<128x64xf32> to vector<64x64xf32>
    %swap3A_242 = arith.constant 0 : index
    %swap3A_243 = arith.constant 0 : index
    %swap3A_244 = arith.constant 2048 : index
    %swap3A_245 = vector.load %arg2[%swap3A_242, %swap3A_243, %swap3A_244] : memref<1x64x4096xf32, #tpu.memory_space<vmem>>, vector<1x64x64xf32>
    %swap3A_246 = vector.shape_cast %swap3A_245 : vector<1x64x64xf32> to vector<64x64xf32>
    %swap3A_247 = vector.shape_cast %slice3A_241 : vector<64x64xf32> to vector<1x64x64xf32>
    tpu.vector_store %arg2[%swap3A_242, %swap3A_243, %swap3A_244], %swap3A_247 {strides = array<i32>} : memref<1x64x4096xf32, #tpu.memory_space<vmem>>, vector<1x64x64xf32>,
    %slice3A_248 = vector.extract_strided_slice %slice3A_240 {offsets = [64, 0], sizes = [64, 64], strides = [1, 1]} : vector<128x64xf32> to vector<64x64xf32>
    %swap3A_249 = arith.constant 0 : index
    %swap3A_250 = arith.constant 0 : index
    %swap3A_251 = arith.constant 2112 : index
    %swap3A_252 = vector.load %arg2[%swap3A_249, %swap3A_250, %swap3A_251] : memref<1x64x4096xf32, #tpu.memory_space<vmem>>, vector<1x64x64xf32>
    %swap3A_253 = vector.shape_cast %swap3A_252 : vector<1x64x64xf32> to vector<64x64xf32>
    %swap3A_254 = vector.shape_cast %slice3A_248 : vector<64x64xf32> to vector<1x64x64xf32>
    tpu.vector_store %arg2[%swap3A_249, %swap3A_250, %swap3A_251], %swap3A_254 {strides = array<i32>} : memref<1x64x4096xf32, #tpu.memory_space<vmem>>, vector<1x64x64xf32>,
    %slice3A_255 = vector.extract_strided_slice %transpose3A {offsets = [0, 1088], sizes = [128, 64], strides = [1, 1]} : vector<128x2048xf32> to vector<128x64xf32>
    %slice3A_256 = vector.extract_strided_slice %slice3A_255 {offsets = [0, 0], sizes = [64, 64], strides = [1, 1]} : vector<128x64xf32> to vector<64x64xf32>
    %swap3A_257 = arith.constant 0 : index
    %swap3A_258 = arith.constant 0 : index
    %swap3A_259 = arith.constant 2176 : index
    %swap3A_260 = vector.load %arg2[%swap3A_257, %swap3A_258, %swap3A_259] : memref<1x64x4096xf32, #tpu.memory_space<vmem>>, vector<1x64x64xf32>
    %swap3A_261 = vector.shape_cast %swap3A_260 : vector<1x64x64xf32> to vector<64x64xf32>
    %swap3A_262 = vector.shape_cast %slice3A_256 : vector<64x64xf32> to vector<1x64x64xf32>
    tpu.vector_store %arg2[%swap3A_257, %swap3A_258, %swap3A_259], %swap3A_262 {strides = array<i32>} : memref<1x64x4096xf32, #tpu.memory_space<vmem>>, vector<1x64x64xf32>,
    %slice3A_263 = vector.extract_strided_slice %slice3A_255 {offsets = [64, 0], sizes = [64, 64], strides = [1, 1]} : vector<128x64xf32> to vector<64x64xf32>
    %swap3A_264 = arith.constant 0 : index
    %swap3A_265 = arith.constant 0 : index
    %swap3A_266 = arith.constant 2240 : index
    %swap3A_267 = vector.load %arg2[%swap3A_264, %swap3A_265, %swap3A_266] : memref<1x64x4096xf32, #tpu.memory_space<vmem>>, vector<1x64x64xf32>
    %swap3A_268 = vector.shape_cast %swap3A_267 : vector<1x64x64xf32> to vector<64x64xf32>
    %swap3A_269 = vector.shape_cast %slice3A_263 : vector<64x64xf32> to vector<1x64x64xf32>
    tpu.vector_store %arg2[%swap3A_264, %swap3A_265, %swap3A_266], %swap3A_269 {strides = array<i32>} : memref<1x64x4096xf32, #tpu.memory_space<vmem>>, vector<1x64x64xf32>,
    %slice3A_270 = vector.extract_strided_slice %transpose3A {offsets = [0, 1152], sizes = [128, 64], strides = [1, 1]} : vector<128x2048xf32> to vector<128x64xf32>
    %slice3A_271 = vector.extract_strided_slice %slice3A_270 {offsets = [0, 0], sizes = [64, 64], strides = [1, 1]} : vector<128x64xf32> to vector<64x64xf32>
    %swap3A_272 = arith.constant 0 : index
    %swap3A_273 = arith.constant 0 : index
    %swap3A_274 = arith.constant 2304 : index
    %swap3A_275 = vector.load %arg2[%swap3A_272, %swap3A_273, %swap3A_274] : memref<1x64x4096xf32, #tpu.memory_space<vmem>>, vector<1x64x64xf32>
    %swap3A_276 = vector.shape_cast %swap3A_275 : vector<1x64x64xf32> to vector<64x64xf32>
    %swap3A_277 = vector.shape_cast %slice3A_271 : vector<64x64xf32> to vector<1x64x64xf32>
    tpu.vector_store %arg2[%swap3A_272, %swap3A_273, %swap3A_274], %swap3A_277 {strides = array<i32>} : memref<1x64x4096xf32, #tpu.memory_space<vmem>>, vector<1x64x64xf32>,
    %slice3A_278 = vector.extract_strided_slice %slice3A_270 {offsets = [64, 0], sizes = [64, 64], strides = [1, 1]} : vector<128x64xf32> to vector<64x64xf32>
    %swap3A_279 = arith.constant 0 : index
    %swap3A_280 = arith.constant 0 : index
    %swap3A_281 = arith.constant 2368 : index
    %swap3A_282 = vector.load %arg2[%swap3A_279, %swap3A_280, %swap3A_281] : memref<1x64x4096xf32, #tpu.memory_space<vmem>>, vector<1x64x64xf32>
    %swap3A_283 = vector.shape_cast %swap3A_282 : vector<1x64x64xf32> to vector<64x64xf32>
    %swap3A_284 = vector.shape_cast %slice3A_278 : vector<64x64xf32> to vector<1x64x64xf32>
    tpu.vector_store %arg2[%swap3A_279, %swap3A_280, %swap3A_281], %swap3A_284 {strides = array<i32>} : memref<1x64x4096xf32, #tpu.memory_space<vmem>>, vector<1x64x64xf32>,
    %slice3A_285 = vector.extract_strided_slice %transpose3A {offsets = [0, 1216], sizes = [128, 64], strides = [1, 1]} : vector<128x2048xf32> to vector<128x64xf32>
    %slice3A_286 = vector.extract_strided_slice %slice3A_285 {offsets = [0, 0], sizes = [64, 64], strides = [1, 1]} : vector<128x64xf32> to vector<64x64xf32>
    %swap3A_287 = arith.constant 0 : index
    %swap3A_288 = arith.constant 0 : index
    %swap3A_289 = arith.constant 2432 : index
    %swap3A_290 = vector.load %arg2[%swap3A_287, %swap3A_288, %swap3A_289] : memref<1x64x4096xf32, #tpu.memory_space<vmem>>, vector<1x64x64xf32>
    %swap3A_291 = vector.shape_cast %swap3A_290 : vector<1x64x64xf32> to vector<64x64xf32>
    %swap3A_292 = vector.shape_cast %slice3A_286 : vector<64x64xf32> to vector<1x64x64xf32>
    tpu.vector_store %arg2[%swap3A_287, %swap3A_288, %swap3A_289], %swap3A_292 {strides = array<i32>} : memref<1x64x4096xf32, #tpu.memory_space<vmem>>, vector<1x64x64xf32>,
    %slice3A_293 = vector.extract_strided_slice %slice3A_285 {offsets = [64, 0], sizes = [64, 64], strides = [1, 1]} : vector<128x64xf32> to vector<64x64xf32>
    %swap3A_294 = arith.constant 0 : index
    %swap3A_295 = arith.constant 0 : index
    %swap3A_296 = arith.constant 2496 : index
    %swap3A_297 = vector.load %arg2[%swap3A_294, %swap3A_295, %swap3A_296] : memref<1x64x4096xf32, #tpu.memory_space<vmem>>, vector<1x64x64xf32>
    %swap3A_298 = vector.shape_cast %swap3A_297 : vector<1x64x64xf32> to vector<64x64xf32>
    %swap3A_299 = vector.shape_cast %slice3A_293 : vector<64x64xf32> to vector<1x64x64xf32>
    tpu.vector_store %arg2[%swap3A_294, %swap3A_295, %swap3A_296], %swap3A_299 {strides = array<i32>} : memref<1x64x4096xf32, #tpu.memory_space<vmem>>, vector<1x64x64xf32>,
    %slice3A_300 = vector.extract_strided_slice %transpose3A {offsets = [0, 1280], sizes = [128, 64], strides = [1, 1]} : vector<128x2048xf32> to vector<128x64xf32>
    %slice3A_301 = vector.extract_strided_slice %slice3A_300 {offsets = [0, 0], sizes = [64, 64], strides = [1, 1]} : vector<128x64xf32> to vector<64x64xf32>
    %swap3A_302 = arith.constant 0 : index
    %swap3A_303 = arith.constant 0 : index
    %swap3A_304 = arith.constant 2560 : index
    %swap3A_305 = vector.load %arg2[%swap3A_302, %swap3A_303, %swap3A_304] : memref<1x64x4096xf32, #tpu.memory_space<vmem>>, vector<1x64x64xf32>
    %swap3A_306 = vector.shape_cast %swap3A_305 : vector<1x64x64xf32> to vector<64x64xf32>
    %swap3A_307 = vector.shape_cast %slice3A_301 : vector<64x64xf32> to vector<1x64x64xf32>
    tpu.vector_store %arg2[%swap3A_302, %swap3A_303, %swap3A_304], %swap3A_307 {strides = array<i32>} : memref<1x64x4096xf32, #tpu.memory_space<vmem>>, vector<1x64x64xf32>,
    %slice3A_308 = vector.extract_strided_slice %slice3A_300 {offsets = [64, 0], sizes = [64, 64], strides = [1, 1]} : vector<128x64xf32> to vector<64x64xf32>
    %swap3A_309 = arith.constant 0 : index
    %swap3A_310 = arith.constant 0 : index
    %swap3A_311 = arith.constant 2624 : index
    %swap3A_312 = vector.load %arg2[%swap3A_309, %swap3A_310, %swap3A_311] : memref<1x64x4096xf32, #tpu.memory_space<vmem>>, vector<1x64x64xf32>
    %swap3A_313 = vector.shape_cast %swap3A_312 : vector<1x64x64xf32> to vector<64x64xf32>
    %swap3A_314 = vector.shape_cast %slice3A_308 : vector<64x64xf32> to vector<1x64x64xf32>
    tpu.vector_store %arg2[%swap3A_309, %swap3A_310, %swap3A_311], %swap3A_314 {strides = array<i32>} : memref<1x64x4096xf32, #tpu.memory_space<vmem>>, vector<1x64x64xf32>,
    %slice3A_315 = vector.extract_strided_slice %transpose3A {offsets = [0, 1344], sizes = [128, 64], strides = [1, 1]} : vector<128x2048xf32> to vector<128x64xf32>
    %slice3A_316 = vector.extract_strided_slice %slice3A_315 {offsets = [0, 0], sizes = [64, 64], strides = [1, 1]} : vector<128x64xf32> to vector<64x64xf32>
    %swap3A_317 = arith.constant 0 : index
    %swap3A_318 = arith.constant 0 : index
    %swap3A_319 = arith.constant 2688 : index
    %swap3A_320 = vector.load %arg2[%swap3A_317, %swap3A_318, %swap3A_319] : memref<1x64x4096xf32, #tpu.memory_space<vmem>>, vector<1x64x64xf32>
    %swap3A_321 = vector.shape_cast %swap3A_320 : vector<1x64x64xf32> to vector<64x64xf32>
    %swap3A_322 = vector.shape_cast %slice3A_316 : vector<64x64xf32> to vector<1x64x64xf32>
    tpu.vector_store %arg2[%swap3A_317, %swap3A_318, %swap3A_319], %swap3A_322 {strides = array<i32>} : memref<1x64x4096xf32, #tpu.memory_space<vmem>>, vector<1x64x64xf32>,
    %slice3A_323 = vector.extract_strided_slice %slice3A_315 {offsets = [64, 0], sizes = [64, 64], strides = [1, 1]} : vector<128x64xf32> to vector<64x64xf32>
    %swap3A_324 = arith.constant 0 : index
    %swap3A_325 = arith.constant 0 : index
    %swap3A_326 = arith.constant 2752 : index
    %swap3A_327 = vector.load %arg2[%swap3A_324, %swap3A_325, %swap3A_326] : memref<1x64x4096xf32, #tpu.memory_space<vmem>>, vector<1x64x64xf32>
    %swap3A_328 = vector.shape_cast %swap3A_327 : vector<1x64x64xf32> to vector<64x64xf32>
    %swap3A_329 = vector.shape_cast %slice3A_323 : vector<64x64xf32> to vector<1x64x64xf32>
    tpu.vector_store %arg2[%swap3A_324, %swap3A_325, %swap3A_326], %swap3A_329 {strides = array<i32>} : memref<1x64x4096xf32, #tpu.memory_space<vmem>>, vector<1x64x64xf32>,
    %slice3A_330 = vector.extract_strided_slice %transpose3A {offsets = [0, 1408], sizes = [128, 64], strides = [1, 1]} : vector<128x2048xf32> to vector<128x64xf32>
    %slice3A_331 = vector.extract_strided_slice %slice3A_330 {offsets = [0, 0], sizes = [64, 64], strides = [1, 1]} : vector<128x64xf32> to vector<64x64xf32>
    %swap3A_332 = arith.constant 0 : index
    %swap3A_333 = arith.constant 0 : index
    %swap3A_334 = arith.constant 2816 : index
    %swap3A_335 = vector.load %arg2[%swap3A_332, %swap3A_333, %swap3A_334] : memref<1x64x4096xf32, #tpu.memory_space<vmem>>, vector<1x64x64xf32>
    %swap3A_336 = vector.shape_cast %swap3A_335 : vector<1x64x64xf32> to vector<64x64xf32>
    %swap3A_337 = vector.shape_cast %slice3A_331 : vector<64x64xf32> to vector<1x64x64xf32>
    tpu.vector_store %arg2[%swap3A_332, %swap3A_333, %swap3A_334], %swap3A_337 {strides = array<i32>} : memref<1x64x4096xf32, #tpu.memory_space<vmem>>, vector<1x64x64xf32>,
    %slice3A_338 = vector.extract_strided_slice %slice3A_330 {offsets = [64, 0], sizes = [64, 64], strides = [1, 1]} : vector<128x64xf32> to vector<64x64xf32>
    %swap3A_339 = arith.constant 0 : index
    %swap3A_340 = arith.constant 0 : index
    %swap3A_341 = arith.constant 2880 : index
    %swap3A_342 = vector.load %arg2[%swap3A_339, %swap3A_340, %swap3A_341] : memref<1x64x4096xf32, #tpu.memory_space<vmem>>, vector<1x64x64xf32>
    %swap3A_343 = vector.shape_cast %swap3A_342 : vector<1x64x64xf32> to vector<64x64xf32>
    %swap3A_344 = vector.shape_cast %slice3A_338 : vector<64x64xf32> to vector<1x64x64xf32>
    tpu.vector_store %arg2[%swap3A_339, %swap3A_340, %swap3A_341], %swap3A_344 {strides = array<i32>} : memref<1x64x4096xf32, #tpu.memory_space<vmem>>, vector<1x64x64xf32>,
    %slice3A_345 = vector.extract_strided_slice %transpose3A {offsets = [0, 1472], sizes = [128, 64], strides = [1, 1]} : vector<128x2048xf32> to vector<128x64xf32>
    %slice3A_346 = vector.extract_strided_slice %slice3A_345 {offsets = [0, 0], sizes = [64, 64], strides = [1, 1]} : vector<128x64xf32> to vector<64x64xf32>
    %swap3A_347 = arith.constant 0 : index
    %swap3A_348 = arith.constant 0 : index
    %swap3A_349 = arith.constant 2944 : index
    %swap3A_350 = vector.load %arg2[%swap3A_347, %swap3A_348, %swap3A_349] : memref<1x64x4096xf32, #tpu.memory_space<vmem>>, vector<1x64x64xf32>
    %swap3A_351 = vector.shape_cast %swap3A_350 : vector<1x64x64xf32> to vector<64x64xf32>
    %swap3A_352 = vector.shape_cast %slice3A_346 : vector<64x64xf32> to vector<1x64x64xf32>
    tpu.vector_store %arg2[%swap3A_347, %swap3A_348, %swap3A_349], %swap3A_352 {strides = array<i32>} : memref<1x64x4096xf32, #tpu.memory_space<vmem>>, vector<1x64x64xf32>,
    %slice3A_353 = vector.extract_strided_slice %slice3A_345 {offsets = [64, 0], sizes = [64, 64], strides = [1, 1]} : vector<128x64xf32> to vector<64x64xf32>
    %swap3A_354 = arith.constant 0 : index
    %swap3A_355 = arith.constant 0 : index
    %swap3A_356 = arith.constant 3008 : index
    %swap3A_357 = vector.load %arg2[%swap3A_354, %swap3A_355, %swap3A_356] : memref<1x64x4096xf32, #tpu.memory_space<vmem>>, vector<1x64x64xf32>
    %swap3A_358 = vector.shape_cast %swap3A_357 : vector<1x64x64xf32> to vector<64x64xf32>
    %swap3A_359 = vector.shape_cast %slice3A_353 : vector<64x64xf32> to vector<1x64x64xf32>
    tpu.vector_store %arg2[%swap3A_354, %swap3A_355, %swap3A_356], %swap3A_359 {strides = array<i32>} : memref<1x64x4096xf32, #tpu.memory_space<vmem>>, vector<1x64x64xf32>,
    %slice3A_360 = vector.extract_strided_slice %transpose3A {offsets = [0, 1536], sizes = [128, 64], strides = [1, 1]} : vector<128x2048xf32> to vector<128x64xf32>
    %slice3A_361 = vector.extract_strided_slice %slice3A_360 {offsets = [0, 0], sizes = [64, 64], strides = [1, 1]} : vector<128x64xf32> to vector<64x64xf32>
    %swap3A_362 = arith.constant 0 : index
    %swap3A_363 = arith.constant 0 : index
    %swap3A_364 = arith.constant 3072 : index
    %swap3A_365 = vector.load %arg2[%swap3A_362, %swap3A_363, %swap3A_364] : memref<1x64x4096xf32, #tpu.memory_space<vmem>>, vector<1x64x64xf32>
    %swap3A_366 = vector.shape_cast %swap3A_365 : vector<1x64x64xf32> to vector<64x64xf32>
    %swap3A_367 = vector.shape_cast %slice3A_361 : vector<64x64xf32> to vector<1x64x64xf32>
    tpu.vector_store %arg2[%swap3A_362, %swap3A_363, %swap3A_364], %swap3A_367 {strides = array<i32>} : memref<1x64x4096xf32, #tpu.memory_space<vmem>>, vector<1x64x64xf32>,
    %slice3A_368 = vector.extract_strided_slice %slice3A_360 {offsets = [64, 0], sizes = [64, 64], strides = [1, 1]} : vector<128x64xf32> to vector<64x64xf32>
    %swap3A_369 = arith.constant 0 : index
    %swap3A_370 = arith.constant 0 : index
    %swap3A_371 = arith.constant 3136 : index
    %swap3A_372 = vector.load %arg2[%swap3A_369, %swap3A_370, %swap3A_371] : memref<1x64x4096xf32, #tpu.memory_space<vmem>>, vector<1x64x64xf32>
    %swap3A_373 = vector.shape_cast %swap3A_372 : vector<1x64x64xf32> to vector<64x64xf32>
    %swap3A_374 = vector.shape_cast %slice3A_368 : vector<64x64xf32> to vector<1x64x64xf32>
    tpu.vector_store %arg2[%swap3A_369, %swap3A_370, %swap3A_371], %swap3A_374 {strides = array<i32>} : memref<1x64x4096xf32, #tpu.memory_space<vmem>>, vector<1x64x64xf32>,
    %slice3A_375 = vector.extract_strided_slice %transpose3A {offsets = [0, 1600], sizes = [128, 64], strides = [1, 1]} : vector<128x2048xf32> to vector<128x64xf32>
    %slice3A_376 = vector.extract_strided_slice %slice3A_375 {offsets = [0, 0], sizes = [64, 64], strides = [1, 1]} : vector<128x64xf32> to vector<64x64xf32>
    %swap3A_377 = arith.constant 0 : index
    %swap3A_378 = arith.constant 0 : index
    %swap3A_379 = arith.constant 3200 : index
    %swap3A_380 = vector.load %arg2[%swap3A_377, %swap3A_378, %swap3A_379] : memref<1x64x4096xf32, #tpu.memory_space<vmem>>, vector<1x64x64xf32>
    %swap3A_381 = vector.shape_cast %swap3A_380 : vector<1x64x64xf32> to vector<64x64xf32>
    %swap3A_382 = vector.shape_cast %slice3A_376 : vector<64x64xf32> to vector<1x64x64xf32>
    tpu.vector_store %arg2[%swap3A_377, %swap3A_378, %swap3A_379], %swap3A_382 {strides = array<i32>} : memref<1x64x4096xf32, #tpu.memory_space<vmem>>, vector<1x64x64xf32>,
    %slice3A_383 = vector.extract_strided_slice %slice3A_375 {offsets = [64, 0], sizes = [64, 64], strides = [1, 1]} : vector<128x64xf32> to vector<64x64xf32>
    %swap3A_384 = arith.constant 0 : index
    %swap3A_385 = arith.constant 0 : index
    %swap3A_386 = arith.constant 3264 : index
    %swap3A_387 = vector.load %arg2[%swap3A_384, %swap3A_385, %swap3A_386] : memref<1x64x4096xf32, #tpu.memory_space<vmem>>, vector<1x64x64xf32>
    %swap3A_388 = vector.shape_cast %swap3A_387 : vector<1x64x64xf32> to vector<64x64xf32>
    %swap3A_389 = vector.shape_cast %slice3A_383 : vector<64x64xf32> to vector<1x64x64xf32>
    tpu.vector_store %arg2[%swap3A_384, %swap3A_385, %swap3A_386], %swap3A_389 {strides = array<i32>} : memref<1x64x4096xf32, #tpu.memory_space<vmem>>, vector<1x64x64xf32>,
    %slice3A_390 = vector.extract_strided_slice %transpose3A {offsets = [0, 1664], sizes = [128, 64], strides = [1, 1]} : vector<128x2048xf32> to vector<128x64xf32>
    %slice3A_391 = vector.extract_strided_slice %slice3A_390 {offsets = [0, 0], sizes = [64, 64], strides = [1, 1]} : vector<128x64xf32> to vector<64x64xf32>
    %swap3A_392 = arith.constant 0 : index
    %swap3A_393 = arith.constant 0 : index
    %swap3A_394 = arith.constant 3328 : index
    %swap3A_395 = vector.load %arg2[%swap3A_392, %swap3A_393, %swap3A_394] : memref<1x64x4096xf32, #tpu.memory_space<vmem>>, vector<1x64x64xf32>
    %swap3A_396 = vector.shape_cast %swap3A_395 : vector<1x64x64xf32> to vector<64x64xf32>
    %swap3A_397 = vector.shape_cast %slice3A_391 : vector<64x64xf32> to vector<1x64x64xf32>
    tpu.vector_store %arg2[%swap3A_392, %swap3A_393, %swap3A_394], %swap3A_397 {strides = array<i32>} : memref<1x64x4096xf32, #tpu.memory_space<vmem>>, vector<1x64x64xf32>,
    %slice3A_398 = vector.extract_strided_slice %slice3A_390 {offsets = [64, 0], sizes = [64, 64], strides = [1, 1]} : vector<128x64xf32> to vector<64x64xf32>
    %swap3A_399 = arith.constant 0 : index
    %swap3A_400 = arith.constant 0 : index
    %swap3A_401 = arith.constant 3392 : index
    %swap3A_402 = vector.load %arg2[%swap3A_399, %swap3A_400, %swap3A_401] : memref<1x64x4096xf32, #tpu.memory_space<vmem>>, vector<1x64x64xf32>
    %swap3A_403 = vector.shape_cast %swap3A_402 : vector<1x64x64xf32> to vector<64x64xf32>
    %swap3A_404 = vector.shape_cast %slice3A_398 : vector<64x64xf32> to vector<1x64x64xf32>
    tpu.vector_store %arg2[%swap3A_399, %swap3A_400, %swap3A_401], %swap3A_404 {strides = array<i32>} : memref<1x64x4096xf32, #tpu.memory_space<vmem>>, vector<1x64x64xf32>,
    %slice3A_405 = vector.extract_strided_slice %transpose3A {offsets = [0, 1728], sizes = [128, 64], strides = [1, 1]} : vector<128x2048xf32> to vector<128x64xf32>
    %slice3A_406 = vector.extract_strided_slice %slice3A_405 {offsets = [0, 0], sizes = [64, 64], strides = [1, 1]} : vector<128x64xf32> to vector<64x64xf32>
    %swap3A_407 = arith.constant 0 : index
    %swap3A_408 = arith.constant 0 : index
    %swap3A_409 = arith.constant 3456 : index
    %swap3A_410 = vector.load %arg2[%swap3A_407, %swap3A_408, %swap3A_409] : memref<1x64x4096xf32, #tpu.memory_space<vmem>>, vector<1x64x64xf32>
    %swap3A_411 = vector.shape_cast %swap3A_410 : vector<1x64x64xf32> to vector<64x64xf32>
    %swap3A_412 = vector.shape_cast %slice3A_406 : vector<64x64xf32> to vector<1x64x64xf32>
    tpu.vector_store %arg2[%swap3A_407, %swap3A_408, %swap3A_409], %swap3A_412 {strides = array<i32>} : memref<1x64x4096xf32, #tpu.memory_space<vmem>>, vector<1x64x64xf32>,
    %slice3A_413 = vector.extract_strided_slice %slice3A_405 {offsets = [64, 0], sizes = [64, 64], strides = [1, 1]} : vector<128x64xf32> to vector<64x64xf32>
    %swap3A_414 = arith.constant 0 : index
    %swap3A_415 = arith.constant 0 : index
    %swap3A_416 = arith.constant 3520 : index
    %swap3A_417 = vector.load %arg2[%swap3A_414, %swap3A_415, %swap3A_416] : memref<1x64x4096xf32, #tpu.memory_space<vmem>>, vector<1x64x64xf32>
    %swap3A_418 = vector.shape_cast %swap3A_417 : vector<1x64x64xf32> to vector<64x64xf32>
    %swap3A_419 = vector.shape_cast %slice3A_413 : vector<64x64xf32> to vector<1x64x64xf32>
    tpu.vector_store %arg2[%swap3A_414, %swap3A_415, %swap3A_416], %swap3A_419 {strides = array<i32>} : memref<1x64x4096xf32, #tpu.memory_space<vmem>>, vector<1x64x64xf32>,
    %slice3A_420 = vector.extract_strided_slice %transpose3A {offsets = [0, 1792], sizes = [128, 64], strides = [1, 1]} : vector<128x2048xf32> to vector<128x64xf32>
    %slice3A_421 = vector.extract_strided_slice %slice3A_420 {offsets = [0, 0], sizes = [64, 64], strides = [1, 1]} : vector<128x64xf32> to vector<64x64xf32>
    %swap3A_422 = arith.constant 0 : index
    %swap3A_423 = arith.constant 0 : index
    %swap3A_424 = arith.constant 3584 : index
    %swap3A_425 = vector.load %arg2[%swap3A_422, %swap3A_423, %swap3A_424] : memref<1x64x4096xf32, #tpu.memory_space<vmem>>, vector<1x64x64xf32>
    %swap3A_426 = vector.shape_cast %swap3A_425 : vector<1x64x64xf32> to vector<64x64xf32>
    %swap3A_427 = vector.shape_cast %slice3A_421 : vector<64x64xf32> to vector<1x64x64xf32>
    tpu.vector_store %arg2[%swap3A_422, %swap3A_423, %swap3A_424], %swap3A_427 {strides = array<i32>} : memref<1x64x4096xf32, #tpu.memory_space<vmem>>, vector<1x64x64xf32>,
    %slice3A_428 = vector.extract_strided_slice %slice3A_420 {offsets = [64, 0], sizes = [64, 64], strides = [1, 1]} : vector<128x64xf32> to vector<64x64xf32>
    %swap3A_429 = arith.constant 0 : index
    %swap3A_430 = arith.constant 0 : index
    %swap3A_431 = arith.constant 3648 : index
    %swap3A_432 = vector.load %arg2[%swap3A_429, %swap3A_430, %swap3A_431] : memref<1x64x4096xf32, #tpu.memory_space<vmem>>, vector<1x64x64xf32>
    %swap3A_433 = vector.shape_cast %swap3A_432 : vector<1x64x64xf32> to vector<64x64xf32>
    %swap3A_434 = vector.shape_cast %slice3A_428 : vector<64x64xf32> to vector<1x64x64xf32>
    tpu.vector_store %arg2[%swap3A_429, %swap3A_430, %swap3A_431], %swap3A_434 {strides = array<i32>} : memref<1x64x4096xf32, #tpu.memory_space<vmem>>, vector<1x64x64xf32>,
    %slice3A_435 = vector.extract_strided_slice %transpose3A {offsets = [0, 1856], sizes = [128, 64], strides = [1, 1]} : vector<128x2048xf32> to vector<128x64xf32>
    %slice3A_436 = vector.extract_strided_slice %slice3A_435 {offsets = [0, 0], sizes = [64, 64], strides = [1, 1]} : vector<128x64xf32> to vector<64x64xf32>
    %swap3A_437 = arith.constant 0 : index
    %swap3A_438 = arith.constant 0 : index
    %swap3A_439 = arith.constant 3712 : index
    %swap3A_440 = vector.load %arg2[%swap3A_437, %swap3A_438, %swap3A_439] : memref<1x64x4096xf32, #tpu.memory_space<vmem>>, vector<1x64x64xf32>
    %swap3A_441 = vector.shape_cast %swap3A_440 : vector<1x64x64xf32> to vector<64x64xf32>
    %swap3A_442 = vector.shape_cast %slice3A_436 : vector<64x64xf32> to vector<1x64x64xf32>
    tpu.vector_store %arg2[%swap3A_437, %swap3A_438, %swap3A_439], %swap3A_442 {strides = array<i32>} : memref<1x64x4096xf32, #tpu.memory_space<vmem>>, vector<1x64x64xf32>,
    %slice3A_443 = vector.extract_strided_slice %slice3A_435 {offsets = [64, 0], sizes = [64, 64], strides = [1, 1]} : vector<128x64xf32> to vector<64x64xf32>
    %swap3A_444 = arith.constant 0 : index
    %swap3A_445 = arith.constant 0 : index
    %swap3A_446 = arith.constant 3776 : index
    %swap3A_447 = vector.load %arg2[%swap3A_444, %swap3A_445, %swap3A_446] : memref<1x64x4096xf32, #tpu.memory_space<vmem>>, vector<1x64x64xf32>
    %swap3A_448 = vector.shape_cast %swap3A_447 : vector<1x64x64xf32> to vector<64x64xf32>
    %swap3A_449 = vector.shape_cast %slice3A_443 : vector<64x64xf32> to vector<1x64x64xf32>
    tpu.vector_store %arg2[%swap3A_444, %swap3A_445, %swap3A_446], %swap3A_449 {strides = array<i32>} : memref<1x64x4096xf32, #tpu.memory_space<vmem>>, vector<1x64x64xf32>,
    %slice3A_450 = vector.extract_strided_slice %transpose3A {offsets = [0, 1920], sizes = [128, 64], strides = [1, 1]} : vector<128x2048xf32> to vector<128x64xf32>
    %slice3A_451 = vector.extract_strided_slice %slice3A_450 {offsets = [0, 0], sizes = [64, 64], strides = [1, 1]} : vector<128x64xf32> to vector<64x64xf32>
    %swap3A_452 = arith.constant 0 : index
    %swap3A_453 = arith.constant 0 : index
    %swap3A_454 = arith.constant 3840 : index
    %swap3A_455 = vector.load %arg2[%swap3A_452, %swap3A_453, %swap3A_454] : memref<1x64x4096xf32, #tpu.memory_space<vmem>>, vector<1x64x64xf32>
    %swap3A_456 = vector.shape_cast %swap3A_455 : vector<1x64x64xf32> to vector<64x64xf32>
    %swap3A_457 = vector.shape_cast %slice3A_451 : vector<64x64xf32> to vector<1x64x64xf32>
    tpu.vector_store %arg2[%swap3A_452, %swap3A_453, %swap3A_454], %swap3A_457 {strides = array<i32>} : memref<1x64x4096xf32, #tpu.memory_space<vmem>>, vector<1x64x64xf32>,
    %slice3A_458 = vector.extract_strided_slice %slice3A_450 {offsets = [64, 0], sizes = [64, 64], strides = [1, 1]} : vector<128x64xf32> to vector<64x64xf32>
    %swap3A_459 = arith.constant 0 : index
    %swap3A_460 = arith.constant 0 : index
    %swap3A_461 = arith.constant 3904 : index
    %swap3A_462 = vector.load %arg2[%swap3A_459, %swap3A_460, %swap3A_461] : memref<1x64x4096xf32, #tpu.memory_space<vmem>>, vector<1x64x64xf32>
    %swap3A_463 = vector.shape_cast %swap3A_462 : vector<1x64x64xf32> to vector<64x64xf32>
    %swap3A_464 = vector.shape_cast %slice3A_458 : vector<64x64xf32> to vector<1x64x64xf32>
    tpu.vector_store %arg2[%swap3A_459, %swap3A_460, %swap3A_461], %swap3A_464 {strides = array<i32>} : memref<1x64x4096xf32, #tpu.memory_space<vmem>>, vector<1x64x64xf32>,
    %slice3A_465 = vector.extract_strided_slice %transpose3A {offsets = [0, 1984], sizes = [128, 64], strides = [1, 1]} : vector<128x2048xf32> to vector<128x64xf32>
    %slice3A_466 = vector.extract_strided_slice %slice3A_465 {offsets = [0, 0], sizes = [64, 64], strides = [1, 1]} : vector<128x64xf32> to vector<64x64xf32>
    %swap3A_467 = arith.constant 0 : index
    %swap3A_468 = arith.constant 0 : index
    %swap3A_469 = arith.constant 3968 : index
    %swap3A_470 = vector.load %arg2[%swap3A_467, %swap3A_468, %swap3A_469] : memref<1x64x4096xf32, #tpu.memory_space<vmem>>, vector<1x64x64xf32>
    %swap3A_471 = vector.shape_cast %swap3A_470 : vector<1x64x64xf32> to vector<64x64xf32>
    %swap3A_472 = vector.shape_cast %slice3A_466 : vector<64x64xf32> to vector<1x64x64xf32>
    tpu.vector_store %arg2[%swap3A_467, %swap3A_468, %swap3A_469], %swap3A_472 {strides = array<i32>} : memref<1x64x4096xf32, #tpu.memory_space<vmem>>, vector<1x64x64xf32>,
    %slice3A_473 = vector.extract_strided_slice %slice3A_465 {offsets = [64, 0], sizes = [64, 64], strides = [1, 1]} : vector<128x64xf32> to vector<64x64xf32>
    %swap3A_474 = arith.constant 0 : index
    %swap3A_475 = arith.constant 0 : index
    %swap3A_476 = arith.constant 4032 : index
    %swap3A_477 = vector.load %arg2[%swap3A_474, %swap3A_475, %swap3A_476] : memref<1x64x4096xf32, #tpu.memory_space<vmem>>, vector<1x64x64xf32>
    %swap3A_478 = vector.shape_cast %swap3A_477 : vector<1x64x64xf32> to vector<64x64xf32>
    %swap3A_479 = vector.shape_cast %slice3A_473 : vector<64x64xf32> to vector<1x64x64xf32>
    tpu.vector_store %arg2[%swap3A_474, %swap3A_475, %swap3A_476], %swap3A_479 {strides = array<i32>} : memref<1x64x4096xf32, #tpu.memory_space<vmem>>, vector<1x64x64xf32>,
    return
  }
  func.func @transform_0(%arg0: i32) -> (i32, i32) {
    %c0_i32 = arith.constant 0 : i32
    %c0_i32_0 = arith.constant 0 : i32
    return %arg0, %c0_i32 : i32, i32
  }
  func.func @transform_1(%arg0: i32) -> (i32, i32, i32) {
    %jit3A = arith.constant 1 : i32
    %div3A = arith.divsi %arg0, %jit3A : i32
    %sign3A = arith.constant 0 : i32
    %sign3A_0 = arith.cmpi sgt, %arg0, %sign3A : i32
    %sign3A_1 = arith.extui %sign3A_0 : i1 to i32
    %sign3A_2 = arith.constant 0 : i32
    %sign3A_3 = arith.cmpi slt, %arg0, %sign3A_2 : i32
    %sign3A_4 = arith.extui %sign3A_3 : i1 to i32
    %sign3A_5 = arith.subi %sign3A_1, %sign3A_4 : i32
    %sign3A_6 = arith.constant 0 : i32
    %sign3A_7 = arith.cmpi sgt, %jit3A, %sign3A_6 : i32
    %sign3A_8 = arith.extui %sign3A_7 : i1 to i32
    %sign3A_9 = arith.constant 0 : i32
    %sign3A_10 = arith.cmpi slt, %jit3A, %sign3A_9 : i32
    %sign3A_11 = arith.extui %sign3A_10 : i1 to i32
    %sign3A_12 = arith.subi %sign3A_8, %sign3A_11 : i32
    %ne3A = arith.cmpi ne, %sign3A_5, %sign3A_12 : i32
    %rem3A = arith.remsi %arg0, %jit3A : i32
    %ne3A_13 = arith.constant 0 : i32
    %ne3A_14 = arith.cmpi ne, %rem3A, %ne3A_13 : i32
    %and3A = arith.andi %ne3A, %ne3A_14 : i1
    %sub3A = arith.constant 1 : i32
    %sub3A_15 = arith.subi %div3A, %sub3A : i32
    %select_n3A = arith.select %and3A, %sub3A_15, %div3A : i32
    %add3A = arith.constant 0 : i32
    %add3A_16 = arith.addi %add3A, %select_n3A : i32
    %jit3A_17 = arith.constant 1 : i32
    %eq3A = arith.constant 0 : i32
    %eq3A_18 = arith.cmpi eq, %jit3A_17, %eq3A : i32
    %jit3A_19 = arith.constant 1 : i32
    %select_n3A_20 = arith.select %eq3A_18, %jit3A_19, %jit3A_17 : i32
    %rem3A_21 = arith.remsi %arg0, %select_n3A_20 : i32
    %ne3A_22 = arith.constant 0 : i32
    %ne3A_23 = arith.cmpi ne, %rem3A_21, %ne3A_22 : i32
    %lt3A = arith.constant 0 : i32
    %lt3A_24 = arith.cmpi slt, %rem3A_21, %lt3A : i32
    %lt3A_25 = arith.constant 0 : i32
    %lt3A_26 = arith.cmpi slt, %select_n3A_20, %lt3A_25 : i32
    %ne3A_27 = arith.xori %lt3A_24, %lt3A_26 : i1
    %and3A_28 = arith.andi %ne3A_27, %ne3A_23 : i1
    %add3A_29 = arith.addi %rem3A_21, %select_n3A_20 : i32
    %select_n3A_30 = arith.select %and3A_28, %add3A_29, %rem3A_21 : i32
    %c0_i32 = arith.constant 0 : i32
    %c0_i32_31 = arith.constant 0 : i32
    return %add3A_16, %c0_i32, %select_n3A_30 : i32, i32, i32
  }
}

</mosaic_0001>

<sc_bundles>
// kernel: kernel.10.cloned.1.call-start
scs
__scs_entry_jumppad:
0x0: {  	(pc) =	sbr.rel $0x88, $3  }
0x1: {  	(tag) =	ssettag $0x0;
	lr =	simm.s32 $0x1  }
0x2: {  	[smem:$0x3F9F] =	sst lr;
	_ =	strace $0xD0000000  }
0x3: {  	_ = 	snop  }
0x4: {  	_ = 	snop  }
0x5: {  	_ = 	snop  }
0x6: {  	_ = 	snop  }
0x7: {  	_ = 	snop  }
__scs_overlays_trampoline_lowered:
0x8: {  	[smem:$0x3FAE] =	sst s0  }
0x9: {  	[smem:$0x3FAF] =	sst s1  }
0xa: {  	[smem:$0x3FB0] =	sst s2  }
0xb: {  	[smem:$0x3FB1] =	sst s3  }
0xc: {  	[smem:$0x3FB2] =	sst s4  }
0xd: {  	[smem:$0x3FB3] =	sst s5  }
0xe: {  	[smem:$0x3FB4] =	sst s6  }
0xf: {  	[smem:$0x3FB5] =	sst s7  }
0x10: {  	[smem:$0x3FB6] =	sst s8  }
0x11: {  	[smem:$0x3FB7] =	sst s9;
	s0 =	simm.s32 @!p0 $0x0  }
0x12: {  	s1 =	sld [smem:$0x3F9D];
	s0 =	simm.s32 @p0 $0x1  }
0x13: {  	[smem:$0x3FB8] =	sst s0;
	s0 =	simm.s32 @!p1 $0x0  }
0x14: {  	s2 =	sld [smem:$0x3F9C];
	s0 =	simm.s32 @p1 $0x1  }
0x15: {  	[smem:$0x3FB9] =	sst s0;
	s0 =	simm.s32 @!p2 $0x0  }
0x16: {  	s3 =	sld [smem:$0x3FDB];
	s0 =	simm.s32 @p2 $0x1  }
0x17: {  	s4 =	simm.s32 $0x1BF5;
	[smem:$0x3FBB] =	sst s0  }
0x18: {  	s0 =	sld [smem:$0x3F9E];
	_ =	swait.ge [sflag:s4], $0x0  }
0x19: {  	s7 =	sld [smem:$0x3F9F]  }
0x1a: {  	s8 =	sadd.s32 $0xFFFFE003, lr  }
0x1b: {  	s9 =	sadd.s32 $0xFFFFFEF7, lr;
	s5 =	simm.s32 $0xFFFFFFFF;
	p2 =	slt.u32 s8, $0xFFFFF086  }
0x1c: {  	p1 =	slt.u32 s9, $0xF7A;
	s5 =	simm.s32 @!p2 $0x0  }
0x1d: {  	s5 =	simm.s32 @p1 $0x1;
	p0 =	seq.s32 s7, s2  }
0x1e: {  	s7 =	smul.u32 @!p0 $0xF7A, s2;
	p2 =	seq.s32 @!p0 s5, $0x0  }
0x1f: {  	s9 =	smul.u32 $0xF7A, s1;
	s8 =	simm.s32 @!p0 $0x1BF5;
	p2 =	por !p2, p0  }
0x20: {  	[sflag:s8] =	ssyncset.s32 @!p0 $0xFFFFF086;
	s6 =	sadd.s32 @!p0 s3, s7;
	s7 =	simm.s32 @!p0 $0x108  }
0x21: {  	s3 =	sadd.s32 s3, s9;
	s6 =	sadd.s32 @!p0 $0x88, s6;
	s7 =	simm.s32 @p2 $0x1082  }
0x22: {  	[simem:s7], [sflag:s8] =	dma.local @!p0 [hbm:s6], $0xF7A  }
0x23: {  	s9 =	sor.u32 $0xD0000000, s2;
	s6 =	simm.s32 $0x108;
	_ =	swait.ge @!p0 [sflag:s8], $0x0  }
0x24: {  	s3 =	sadd.s32 $0x88, s3;
	s6 =	simm.s32 @!p1 $0x1082;
	[sflag:s4] =	ssyncset.s32 $0xFFFFF086  }
0x25: {  	[simem:s6], [sflag:s4] =	dma.local [hbm:s3], $0xF7A  }
0x26: {  	[smem:$0x3F9F] =	sst s1;
	(tag) =	ssettag s2;
	_ =	strace s9  }
0x27: {  	s1 =	sld [smem:$0x3FAF]  }
0x28: {  	s2 =	sld [smem:$0x3FB0]  }
0x29: {  	s4 =	sld [smem:$0x3FB2]  }
0x2a: {  	p0 =	seq.s32 s5, $0x0;
	s5 =	sld [smem:$0x3FB3]  }
0x2b: {  	s6 =	sld [smem:$0x3FB4]  }
0x2c: {  	s7 =	sld [smem:$0x3FB5]  }
0x2d: {  	s3 =	simm.s32 $0x108;
	s8 =	sld [smem:$0x3FB6]  }
0x2e: {  	s3 =	simm.s32 @!p0 $0x1082;
	s9 =	sld [smem:$0x3FB7]  }
0x2f: {  	lr =	sadd.s32 s0, s3;
	s0 =	sld [smem:$0x3FAE]  }
0x30: {  	s3 =	sld [smem:$0x3FB1]  }
0x31: {  	[smem:$0x3FBA] =	sst s10  }
0x32: {  	s10 =	sld [smem:$0x3FB8];
	_ =	sdelay $0x3  }
0x33: {  	p0 =	seq.s32 s10, $0x1;
	s10 =	sld [smem:$0x3FBA];
	_ =	sdelay $0x3  }
0x34: {  	[smem:$0x3FBA] =	sst s10  }
0x35: {  	s10 =	sld [smem:$0x3FB9];
	_ =	sdelay $0x3  }
0x36: {  	p1 =	seq.s32 s10, $0x1;
	s10 =	sld [smem:$0x3FBA];
	_ =	sdelay $0x3  }
0x37: {  	[smem:$0x3FBA] =	sst s10  }
0x38: {  	s10 =	sld [smem:$0x3FBB]  }
0x39: {  	_ = 	snop;
	(pc) =	sbr.ind lr, $3  }
0x3a: {  	_ = 	snop  }
0x3b: {  	_ = 	snop  }
0x3c: {  	p2 =	seq.s32 s10, $0x1;
	s10 =	sld [smem:$0x3FBA]  }
0x3d: {  	_ =	shalt  }
0x3e: {  	_ =	shalt  }
0x3f: {  	_ =	shalt  }
0x40: {  	_ =	shalt  }
0x41: {  	_ =	shalt  }
0x42: {  	_ =	shalt  }
0x43: {  	_ =	shalt  }
0x44: {  	_ =	shalt  }
0x45: {  	_ =	shalt  }
0x46: {  	_ =	shalt  }
0x47: {  	_ =	shalt  }
0x48: {  	_ =	shalt  }
0x49: {  	_ =	shalt  }
0x4a: {  	_ =	shalt  }
0x4b: {  	_ =	shalt  }
0x4c: {  	_ =	shalt  }
0x4d: {  	_ =	shalt  }
0x4e: {  	_ =	shalt  }
0x4f: {  	_ =	shalt  }
0x50: {  	_ =	shalt  }
0x51: {  	_ =	shalt  }
0x52: {  	_ =	shalt  }
0x53: {  	_ =	shalt  }
0x54: {  	_ =	shalt  }
0x55: {  	_ =	shalt  }
0x56: {  	_ =	shalt  }
0x57: {  	_ =	shalt  }
0x58: {  	_ =	shalt  }
0x59: {  	_ =	shalt  }
0x5a: {  	_ =	shalt  }
0x5b: {  	_ =	shalt  }
0x5c: {  	_ =	shalt  }
0x5d: {  	_ =	shalt  }
0x5e: {  	_ =	shalt  }
0x5f: {  	_ =	shalt  }
0x60: {  	_ =	shalt  }
0x61: {  	_ =	shalt  }
0x62: {  	_ =	shalt  }
0x63: {  	_ =	shalt  }
0x64: {  	_ =	shalt  }
0x65: {  	_ =	shalt  }
0x66: {  	_ =	shalt  }
0x67: {  	_ =	shalt  }
0x68: {  	_ =	shalt  }
0x69: {  	_ =	shalt  }
0x6a: {  	_ =	shalt  }
0x6b: {  	_ =	shalt  }
0x6c: {  	_ =	shalt  }
0x6d: {  	_ =	shalt  }
0x6e: {  	_ =	shalt  }
0x6f: {  	_ =	shalt  }
0x70: {  	_ =	shalt  }
0x71: {  	_ =	shalt  }
0x72: {  	_ =	shalt  }
0x73: {  	_ =	shalt  }
0x74: {  	_ =	shalt  }
0x75: {  	_ =	shalt  }
0x76: {  	_ =	shalt  }
0x77: {  	_ =	shalt  }
0x78: {  	_ =	shalt  }
0x79: {  	_ =	shalt  }
0x7a: {  	_ =	shalt  }
0x7b: {  	_ =	shalt  }
0x7c: {  	_ =	shalt  }
0x7d: {  	_ =	shalt  }
0x7e: {  	_ =	shalt  }
0x7f: {  	_ =	shalt  }
0x80: {  	_ =	shalt  }
0x81: {  	_ =	shalt  }
0x82: {  	_ =	shalt  }
0x83: {  	_ =	shalt  }
0x84: {  	_ =	shalt  }
0x85: {  	_ =	shalt  }
0x86: {  	_ =	shalt  }
0x87: {  	_ =	shalt  }
.Lfunc_end0:
.L_simem_size_0:
called_computation.1_lowered:
.L_overlay_start_0:
0x88: {  	s2 =	sld [smem:$0x3FD9]  }
0x89: {  	s3 =	sld [smem:$0x3FFE];
	_ =	sdelay $0x1  }
0x8a: {  	s1 =	srdreg.scid  }
0x8b: {  	s0 =	sand.u32 $0x1, s1  }
0x8c: {  	s17 =	sshll.u32 s0, $0xA;
	s2 =	sadd.s32 s3, s2  }
0x8d: {  	s2 =	sadd.s32 s2, s17  }
0x8e: {  	[smem:$0x3FC6] =	sst s2  }
0x8f: {  	_ = 	snop  }
0x90: {  	(tm) =	ssettm $0x1  }
0x91: {  	s18 =	sld [smem:$0x3FFB];
	_ =	sdelay $0x3  }
0x92: {  	_ =	strace s18  }
0x93: {  	s2 =	sld [smem:$0x3FFC];
	_ =	sdelay $0x3  }
0x94: {  	_ =	strace s2  }
0x95: {  	s2 =	sld [smem:$0x3FFD];
	_ =	sdelay $0x3  }
0x96: {  	_ =	strace s2  }
0x97: {  	_ =	strace $0x8FFFFFFF  }
0x98: {  	s19 =	sld [smem:$0x3FDB];
	_ =	sdelay $0x1  }
0x99: {  	s20 =	simm.s32 $_scs_section_size  }
0x9a: {  	s4 =	simm.s32 $_size__tile_overlayer_lowered;
	s5 =	simm.s32 $_tile_overlayer_lowered  }
0x9b: {  	s6 =	simm.s32 $0x1BFF;
	s21 =	sshll.u32 s5, $0x1;
	s3 =	sadd.s32 s20, s19  }
0x9c: {  	s22 =	simm.s32 $0x0;
	s4 =	sshll.u32 s4, $0x1;
	s5 =	sadd.s32 s21, s3  }
0x9d: {  	[timem:s22], [sflag:s6] =	dma.local [hbm:s5], s4  }
0x9e: {  	_ =	swait.ge [sflag:s6], s4  }
0x9f: {  	s4 =	ssub.s32 $0x0, s4;
	[sflag:s6] =	ssyncset.done $0x0  }
0xa0: {  	[sflag:s6] =	ssyncadd.s32 s4;
	_ =	sdelay $0x1  }
0xa1: {  	s23 =	simm.s32 $0x1B8B  }
0xa2: {  	_ =	swait.ge [sflag:s23], $0x1  }
0xa3: {  	[sflag:s23] =	ssyncset.done $0x0  }
0xa4: {  	[sflag:s23] =	ssyncadd.s32 $0xFFFFFFFF  }
0xa5: {  	s4 =	sld [smem:$0x0]  }
0xa6: {  	s5 =	sand.u32 $0xFFFFFFFE, s1  }
0xa7: {  	p0 =	sne.s32 s1, s5  }
0xa8: {  	s5 =	sshll.u32 @p0 s5, $0xE  }
0xa9: {  	s5 =	sadd.s32 @p0 $0x11B8D, s5;
	s6 =	sshll.u32 @p0 s4, $0x11  }
0xaa: {  	s5 =	sor.u32 @p0 s6, s5  }
0xab: {  	[sflag:s5] =	ssyncadd.remote.s32 @p0 $0x1;
	_ =	sdelay $0x1  }
0xac: {  	s5 =	simm.s32 @p0 $0x1B8D  }
0xad: {  	_ =	swait.eq @p0 [sflag:s5], $0x1  }
0xae: {  	[sflag:s5] =	ssyncadd.s32 @p0 $0xFFFFFFFF  }
0xaf: {  	s6 =	sshll.u32 @!p0 s1, $0xE  }
0xb0: {  	s6 =	sor.u32 @!p0 $0x4000, s6;
	s5 =	simm.s32 @!p0 $0x1B8D  }
0xb1: {  	s4 =	sshll.u32 @!p0 s4, $0x11;
	s6 =	sadd.s32 @!p0 $0x11B8D, s6;
	_ =	swait.eq @!p0 [sflag:s5], $0x1  }
0xb2: {  	s4 =	sor.u32 @!p0 s4, s6;
	[sflag:s5] =	ssyncadd.s32 @!p0 $0xFFFFFFFF  }
0xb3: {  	s25 =	simm.s32 $0x1B8E;
	s24 =	sld [smem:$0x3FFE];
	[sflag:s4] =	ssyncadd.remote.s32 @!p0 $0x1  }
0xb4: {  	s26 =	simm.s32 $execute0_lowered;
	[smem:$0x3FD2] =	sst s25  }
0xb5: {  	s5 =	sshll.u32 s26, $0x1;
	_ =	strace $0x80000049;
	[dreg:$0x1] =	wrdreg $0xFFFFFFFF  }
0xb6: {  	s28 =	simm.s32 $_size_execute0_lowered;
	s3 =	sadd.s32 s3, s5;
	[dreg:$0x0] =	wrdreg $0x0  }
0xb7: {  	s5 =	sshll.u32 s28, $0x1;
	[dreg:$0x2] =	wrdreg s3  }
0xb8: {  	[dreg:$0x3] =	wrdreg s5  }
0xb9: {  	[dreg:$0x4] =	wrdreg $0xC0  }
0xba: {  	_ =	task [dreg:s22], $0x5FFFF  }
0xbb: {  	[dreg:$0x1] =	wrdreg $0xFFFFFFFF  }
0xbc: {  	[dreg:$0x0] =	wrdreg $0x60  }
0xbd: {  	[dreg:$0x2] =	wrdreg s24  }
0xbe: {  	[dreg:$0x3] =	wrdreg $0xA  }
0xbf: {  	_ =	task.clear_ibuf [dreg:s22], $0x4FFFF;
	_ =	strace $0x90000049  }
0xc0: {  	s29 =	simm.s32 $0xA;
	_ =	strace $0x8000004B  }
0xc1: {  	_ =	swait.ge [sflag:s29], $0x1  }
0xc2: {  	[sflag:s29] =	ssyncadd.s32 $0xFFFFFFFF  }
0xc3: {  	_ =	strace $0x9000004B  }
0xc4: {  	_ =	sfence  }
0xc5: {  	s30 =	sld [smem:$0x0];
	_ =	sdelay $0x2  }
0xc6: {  	s31 =	sshll.u32 s1, $0xD;
	s1 =	sshrl.u32 s1, $0x2  }
0xc7: {  	s4 =	sand.u32 $0x4000, s31;
	s1 =	sadd.s32 s1, s30  }
0xc8: {  	s0 =	sor.u32 s4, s0;
	s1 =	sshll.u32 s1, $0x11  }
0xc9: {  	s0 =	sor.u32 s1, s0  }
0xca: {  	s0 =	sadd.s32 $0x8F2B, s0  }
0xcb: {  	[sflag:s0] =	ssyncadd.remote.s32 $0x1  }
0xcc: {  	_ =	sfence.sel $0xFFFF  }
0xcd: {  	[dreg:$0x0] =	wrdreg $0xFFFFFFFF;
	(pc) =	sbr.abs _section_cstart, $3  }
0xce: {  	[dreg:$0x1] =	wrdreg $0xFFFFFFFF  }
0xcf: {  	_ =	task.clear_ibuf [dreg:s22], $0x2FFFF;
	_ =	strace $0x9FFFFFFF  }
0xd0: {  	(tm) =	ssettm $0x7FFFFFFF  }
0xd1: {  	_ =	shalt  }
tec
execute0_lowered:
.L_overlay_start_1:
0x0: {  	(tag) =	ssettag $0x1  }
0x1: {  	v0 =	vimm.s32 $0x45054404;
	v1 =	vimm.s32 $0x47074606;
	v2 =	vimm.s32 $0x41014000  }
0x2: {  	v3 =	vimm.s32 $0x43034202;
	vm0 =	vcmask $0x1F10;
	v4 =	vimm.s32 $0x49094808  }
0x3: {  	v5 =	vimm.s32 $0x4B0B4A0A;
	v6 =	vimm.s32 $0x55155414;
	v7 =	vimm.s32 $0x57175616  }
0x4: {  	v8 =	vimm.s32 $0x59195818;
	v9 =	vimm.s32 $0x5B1B5A1A;
	v10 =	vimm.s32 $0x69296828  }
0x5: {  	v11 =	vimm.s32 $0x6B2B6A2A;
	v12 =	vimm.s32 $0x7B3B7A3A;
	v13 =	vimm.s32 $0xC787C686  }
0x6: {  	v14 =	vimm.s32 $0xC181C080;
	v15 =	vimm.s32 $0xC383C282;
	v16 =	vimm.s32 $0xD393D292  }
0x7: {  	v17 =	vimm.s32 $0xF1B1F0B0;
	v18 =	vimm.s32 $0xF3B3F2B2;
	vm14 =	vcmask $0x300  }
0x8: {  	vm13 =	vcmask $0x704;
	vm12 =	vcmask $0xB08;
	vm11 =	vcmask $0xF0C  }
0x9: {  	vm10 =	vcmask $0x1310;
	vm9 =	vcmask $0x1714;
	vm8 =	vcmask $0x1B18  }
0xa: {  	vm7 =	vcmask $0x1F1C;
	vm6 =	vcmask $0x2320;
	v19 =	vimm.s32 $0xFBBBFABA  }
0xb: {  	vm4 =	vcmask $0x2724;
	vm5 =	vcmask $0x2B28;
	vm3 =	vcmask $0x2F2C  }
0xc: {  	vm2 =	vcmask $0x3330;
	vm1 =	vcmask $0x3734;
	vm15 =	vcmask $0x3B38  }
0xd: {  	v20 =	vimm.s32 $0x167;
	v21 =	vimm.s32 $0x16F;
	v22 =	vimm.s32 $0x177  }
0xe: {  	v23 =	vimm.s32 $0x17F;
	v24 =	vimm.s32 $0x1C7;
	v25 =	vimm.s32 $0x1CF  }
0xf: {  	v26 =	vimm.s32 $0x1D7;
	v27 =	vimm.s32 $0x1DF;
	v28 =	vimm.s32 $0x1E7  }
0x10: {  	v29 =	vimm.s32 $0x1EF;
	v30 =	vimm.s32 $0x1F7;
	v31 =	vimm.s32 $0x1FF  }
0x11: {  	v0 =	vunpack.c.0.s8.s32 v0;
	v1 =	vunpack.c.0.s8.s32 v1;
	v2 =	vunpack.c.0.s8.s32 v2  }
0x12: {  	v3 =	vunpack.c.0.s8.s32 v3;
	v4 =	vunpack.c.0.s8.s32 v4;
	v5 =	vunpack.c.0.s8.s32 v5  }
0x13: {  	v6 =	vunpack.c.0.s8.s32 v6;
	v7 =	vunpack.c.0.s8.s32 v7;
	v10 =	vunpack.c.0.s8.s32 v10  }
0x14: {  	v11 =	vunpack.c.0.s8.s32 v11;
	v13 =	vunpack.c.0.s8.s32 v13;
	v14 =	vunpack.c.0.s8.s32 v14  }
0x15: {  	v15 =	vunpack.c.0.s8.s32 v15;
	v12 =	vunpack.c.0.s8.s32 v12;
	v16 =	vunpack.c.0.s8.s32 v16  }
0x16: {  	v19 =	vunpack.c.0.s8.s32 v19;
	v20 =	vsel vm14, $0x120, v20;
	v21 =	vsel vm14, $0x128, v21  }
0x17: {  	v22 =	vsel vm14, $0x130, v22;
	v23 =	vsel vm14, $0x138, v23;
	v24 =	vsel vm14, $0x180, v24  }
0x18: {  	v25 =	vsel vm14, $0x188, v25;
	v26 =	vsel vm14, $0x190, v26;
	v27 =	vsel vm14, $0x198, v27  }
0x19: {  	v28 =	vsel vm14, $0x1A0, v28;
	v29 =	vsel vm14, $0x1A8, v29;
	v30 =	vsel vm14, $0x1B0, v30  }
0x1a: {  	v31 =	vsel vm14, $0x1B8, v31;
	v20 =	vsel vm13, $0x160, v20;
	v21 =	vsel vm13, $0x168, v21  }
0x1b: {  	v22 =	vsel vm13, $0x170, v22;
	v23 =	vsel vm13, $0x178, v23;
	v24 =	vsel vm13, $0x1C0, v24  }
0x1c: {  	v25 =	vsel vm13, $0x1C8, v25;
	v26 =	vsel vm13, $0x1D0, v26;
	v27 =	vsel vm13, $0x1D8, v27  }
0x1d: {  	v28 =	vsel vm13, $0x1E0, v28;
	v29 =	vsel vm13, $0x1E8, v29;
	v30 =	vsel vm13, $0x1F0, v30  }
0x1e: {  	v31 =	vsel vm13, $0x1F8, v31;
	v0 =	vsel vm0, v1, v0;
	v1 =	vsel vm0, v3, v2  }
0x1f: {  	v2 =	vimm.s32 $0x4D0D4C0C;
	v3 =	vimm.s32 $0x4F0F4E0E;
	v20 =	vsel vm12, $0x121, v20  }
0x20: {  	v21 =	vsel vm12, $0x129, v21;
	v22 =	vsel vm12, $0x131, v22;
	v23 =	vsel vm12, $0x139, v23  }
0x21: {  	v24 =	vsel vm12, $0x181, v24;
	v25 =	vsel vm12, $0x189, v25;
	v26 =	vsel vm12, $0x191, v26  }
0x22: {  	v27 =	vsel vm12, $0x199, v27;
	v28 =	vsel vm12, $0x1A1, v28;
	v29 =	vsel vm12, $0x1A9, v29  }
0x23: {  	v30 =	vsel vm12, $0x1B1, v30;
	v31 =	vsel vm12, $0x1B9, v31;
	v2 =	vunpack.c.0.s8.s32 v2  }
0x24: {  	v3 =	vunpack.c.0.s8.s32 v3;
	v0 =	vcombine.low v1, v0;
	v20 =	vsel vm11, $0x161, v20  }
0x25: {  	v21 =	vsel vm11, $0x169, v21;
	v22 =	vsel vm11, $0x171, v22;
	v23 =	vsel vm11, $0x179, v23  }
0x26: {  	v24 =	vsel vm11, $0x1C1, v24;
	v25 =	vsel vm11, $0x1C9, v25;
	v26 =	vsel vm11, $0x1D1, v26  }
0x27: {  	v27 =	vsel vm11, $0x1D9, v27;
	v28 =	vsel vm11, $0x1E1, v28;
	v29 =	vsel vm11, $0x1E9, v29  }
0x28: {  	v30 =	vsel vm11, $0x1F1, v30;
	v31 =	vsel vm11, $0x1F9, v31;
	v20 =	vsel vm10, $0x122, v20  }
0x29: {  	v21 =	vsel vm10, $0x12A, v21;
	v22 =	vsel vm10, $0x132, v22;
	v23 =	vsel vm10, $0x13A, v23  }
0x2a: {  	v24 =	vsel vm10, $0x182, v24;
	v25 =	vsel vm10, $0x18A, v25;
	v26 =	vsel vm10, $0x192, v26  }
0x2b: {  	v27 =	vsel vm10, $0x19A, v27;
	v28 =	vsel vm10, $0x1A2, v28;
	v29 =	vsel vm10, $0x1AA, v29  }
0x2c: {  	v30 =	vsel vm10, $0x1B2, v30;
	v31 =	vsel vm10, $0x1BA, v31;
	v1 =	vsel vm0, v3, v2  }
0x2d: {  	v2 =	vsel vm0, v5, v4;
	v3 =	vsel vm0, v7, v6;
	v4 =	vimm.s32 $0x51115010  }
0x2e: {  	v5 =	vimm.s32 $0x53135212;
	v6 =	vimm.s32 $0x5D1D5C1C;
	v7 =	vimm.s32 $0x5F1F5E1E  }
0x2f: {  	v20 =	vsel vm9, $0x162, v20;
	v21 =	vsel vm9, $0x16A, v21;
	v22 =	vsel vm9, $0x172, v22  }
0x30: {  	v23 =	vsel vm9, $0x17A, v23;
	v24 =	vsel vm9, $0x1C2, v24;
	v25 =	vsel vm9, $0x1CA, v25  }
0x31: {  	v26 =	vsel vm9, $0x1D2, v26;
	v27 =	vsel vm9, $0x1DA, v27;
	v28 =	vsel vm9, $0x1E2, v28  }
0x32: {  	v29 =	vsel vm9, $0x1EA, v29;
	v30 =	vsel vm9, $0x1F2, v30;
	v31 =	vsel vm9, $0x1FA, v31  }
0x33: {  	v4 =	vunpack.c.0.s8.s32 v4;
	v5 =	vunpack.c.0.s8.s32 v5;
	v6 =	vunpack.c.0.s8.s32 v6  }
0x34: {  	v7 =	vunpack.c.0.s8.s32 v7;
	v1 =	vcombine.low v2, v1;
	v20 =	vsel vm8, $0x123, v20  }
0x35: {  	v21 =	vsel vm8, $0x12B, v21;
	v22 =	vsel vm8, $0x133, v22;
	v23 =	vsel vm8, $0x13B, v23  }
0x36: {  	v24 =	vsel vm8, $0x183, v24;
	v25 =	vsel vm8, $0x18B, v25;
	v26 =	vsel vm8, $0x193, v26  }
0x37: {  	v27 =	vsel vm8, $0x19B, v27;
	v28 =	vsel vm8, $0x1A3, v28;
	v29 =	vsel vm8, $0x1AB, v29  }
0x38: {  	v30 =	vsel vm8, $0x1B3, v30;
	v31 =	vsel vm8, $0x1BB, v31;
	v20 =	vsel vm7, $0x163, v20  }
0x39: {  	v21 =	vsel vm7, $0x16B, v21;
	v22 =	vsel vm7, $0x173, v22;
	v23 =	vsel vm7, $0x17B, v23  }
0x3a: {  	v24 =	vsel vm7, $0x1C3, v24;
	v25 =	vsel vm7, $0x1CB, v25;
	v26 =	vsel vm7, $0x1D3, v26  }
0x3b: {  	v27 =	vsel vm7, $0x1DB, v27;
	v28 =	vsel vm7, $0x1E3, v28;
	v29 =	vsel vm7, $0x1EB, v29  }
0x3c: {  	v30 =	vsel vm7, $0x1F3, v30;
	v31 =	vsel vm7, $0x1FB, v31;
	v4 =	vsel vm0, v5, v4  }
0x3d: {  	v5 =	vunpack.c.0.s8.s32 v8;
	v8 =	vunpack.c.0.s8.s32 v9;
	v9 =	vimm.s32 $0x6F2F6E2E  }
0x3e: {  	v20 =	vsel vm6, $0x124, v20;
	v21 =	vsel vm6, $0x12C, v21;
	v22 =	vsel vm6, $0x134, v22  }
0x3f: {  	v23 =	vsel vm6, $0x13C, v23;
	v24 =	vsel vm6, $0x184, v24;
	v25 =	vsel vm6, $0x18C, v25  }
0x40: {  	v26 =	vsel vm6, $0x194, v26;
	v27 =	vsel vm6, $0x19C, v27;
	v28 =	vsel vm6, $0x1A4, v28  }
0x41: {  	v29 =	vsel vm6, $0x1AC, v29;
	v30 =	vsel vm6, $0x1B4, v30;
	v31 =	vsel vm6, $0x1BC, v31  }
0x42: {  	v2 =	vcombine.low v4, v3;
	v3 =	vsel vm0, v7, v6;
	v6 =	vimm.s32 $0x67276626  }
0x43: {  	v7 =	vimm.s32 $0x63236222;
	v9 =	vunpack.c.0.s8.s32 v9;
	v20 =	vsel vm4, $0x164, v20  }
0x44: {  	v21 =	vsel vm4, $0x16C, v21;
	v22 =	vsel vm4, $0x174, v22;
	v23 =	vsel vm4, $0x17C, v23  }
0x45: {  	v24 =	vsel vm4, $0x1C4, v24;
	v25 =	vsel vm4, $0x1CC, v25;
	v26 =	vsel vm4, $0x1D4, v26  }
0x46: {  	v27 =	vsel vm4, $0x1DC, v27;
	v28 =	vsel vm4, $0x1E4, v28;
	v29 =	vsel vm4, $0x1EC, v29  }
0x47: {  	v30 =	vsel vm4, $0x1F4, v30;
	v31 =	vsel vm4, $0x1FC, v31;
	v4 =	vsel vm0, v8, v5  }
0x48: {  	v5 =	vimm.s32 $0x65256424;
	v8 =	vimm.s32 $0x6D2D6C2C;
	v7 =	vunpack.c.0.s8.s32 v7  }
0x49: {  	v20 =	vsel vm5, $0x125, v20;
	v21 =	vsel vm5, $0x12D, v21;
	v22 =	vsel vm5, $0x135, v22  }
0x4a: {  	v23 =	vsel vm5, $0x13D, v23;
	v24 =	vsel vm5, $0x185, v24;
	v25 =	vsel vm5, $0x18D, v25  }
0x4b: {  	v26 =	vsel vm5, $0x195, v26;
	v27 =	vsel vm5, $0x19D, v27;
	v28 =	vsel vm5, $0x1A5, v28  }
0x4c: {  	v29 =	vsel vm5, $0x1AD, v29;
	v30 =	vsel vm5, $0x1B5, v30;
	v31 =	vsel vm5, $0x1BD, v31  }
0x4d: {  	v3 =	vcombine.low v4, v3;
	v4 =	vunpack.c.0.s8.s32 v5;
	v5 =	vunpack.c.0.s8.s32 v6  }
0x4e: {  	v6 =	vimm.s32 $0x61216020;
	v8 =	vunpack.c.0.s8.s32 v8;
	v20 =	vsel vm3, $0x165, v20  }
0x4f: {  	v21 =	vsel vm3, $0x16D, v21;
	v22 =	vsel vm3, $0x175, v22;
	v23 =	vsel vm3, $0x17D, v23  }
0x50: {  	v24 =	vsel vm3, $0x1C5, v24;
	v25 =	vsel vm3, $0x1CD, v25;
	v26 =	vsel vm3, $0x1D5, v26  }
0x51: {  	v27 =	vsel vm3, $0x1DD, v27;
	v28 =	vsel vm3, $0x1E5, v28;
	v29 =	vsel vm3, $0x1ED, v29  }
0x52: {  	v30 =	vsel vm3, $0x1F5, v30;
	v31 =	vsel vm3, $0x1FD, v31;
	v6 =	vunpack.c.0.s8.s32 v6  }
0x53: {  	v20 =	vsel vm2, $0x126, v20;
	v21 =	vsel vm2, $0x12E, v21;
	v22 =	vsel vm2, $0x136, v22  }
0x54: {  	v23 =	vsel vm2, $0x13E, v23;
	v24 =	vsel vm2, $0x186, v24;
	v25 =	vsel vm2, $0x18E, v25  }
0x55: {  	v26 =	vsel vm2, $0x196, v26;
	v27 =	vsel vm2, $0x19E, v27;
	v28 =	vsel vm2, $0x1A6, v28  }
0x56: {  	v29 =	vsel vm2, $0x1AE, v29;
	v30 =	vsel vm2, $0x1B6, v30;
	v31 =	vsel vm2, $0x1BE, v31  }
0x57: {  	v4 =	vsel vm0, v5, v4;
	v20 =	vsel vm1, $0x166, v20;
	v21 =	vsel vm1, $0x16E, v21  }
0x58: {  	v22 =	vsel vm1, $0x176, v22;
	v5 =	vsel vm0, v7, v6;
	v6 =	vimm.s32 $0x75357434  }
0x59: {  	v7 =	vsel vm0, v9, v8;
	v8 =	vsel vm0, v11, v10;
	v9 =	vimm.s32 $0x77377636  }
0x5a: {  	v10 =	vimm.s32 $0x71317030;
	v11 =	vimm.s32 $0x73337232;
	v6 =	vunpack.c.0.s8.s32 v6  }
0x5b: {  	v9 =	vunpack.c.0.s8.s32 v9;
	v10 =	vunpack.c.0.s8.s32 v10;
	v11 =	vunpack.c.0.s8.s32 v11  }
0x5c: {  	v4 =	vcombine.low v5, v4;
	v5 =	vcombine.low v8, v7;
	v8 =	vimm.s32 $0x7D3D7C3C  }
0x5d: {  	v23 =	vsel vm1, $0x17E, v23;
	v8 =	vunpack.c.0.s8.s32 v8;
	v6 =	vsel vm0, v9, v6  }
0x5e: {  	v7 =	vsel vm0, v11, v10;
	v9 =	vimm.s32 $0x7F3F7E3E;
	v10 =	vimm.s32 $0xC585C484  }
0x5f: {  	v11 =	vimm.s32 $0x79397838;
	v10 =	vunpack.c.0.s8.s32 v10;
	v9 =	vunpack.c.0.s8.s32 v9  }
0x60: {  	v24 =	vsel vm1, $0x1C6, v24;
	v11 =	vunpack.c.0.s8.s32 v11;
	v6 =	vcombine.low v7, v6  }
0x61: {  	v7 =	vsel vm0, v13, v10;
	v10 =	vsel vm0, v15, v14;
	v8 =	vsel vm0, v9, v8  }
0x62: {  	v9 =	vsel vm0, v12, v11;
	v11 =	vimm.s32 $0xCF8FCE8E;
	v12 =	vimm.s32 $0xCB8BCA8A  }
0x63: {  	v13 =	vimm.s32 $0xD595D494;
	v14 =	vimm.s32 $0xD797D696;
	v10 =	vcombine.low v10, v7  }
0x64: {  	v15 =	vimm.s32 $0xD191D090;
	v7 =	vcombine.low v9, v8;
	v9 =	vimm.s32 $0xCD8DCC8C  }
0x65: {  	v8 =	vand.u32 $0xFF, v10;
	v10 =	vunpack.c.0.s8.s32 v11;
	v11 =	vimm.s32 $0xC989C888  }
0x66: {  	v12 =	vunpack.c.0.s8.s32 v12;
	v9 =	vunpack.c.0.s8.s32 v9;
	v11 =	vunpack.c.0.s8.s32 v11  }
0x67: {  	v13 =	vunpack.c.0.s8.s32 v13;
	v14 =	vunpack.c.0.s8.s32 v14;
	v15 =	vunpack.c.0.s8.s32 v15  }
0x68: {  	v9 =	vsel vm0, v10, v9;
	v10 =	vsel vm0, v12, v11;
	v11 =	vimm.s32 $0xDD9DDC9C  }
0x69: {  	v12 =	vsel vm0, v14, v13;
	v13 =	vsel vm0, v16, v15;
	v14 =	vimm.s32 $0xDF9FDE9E  }
0x6a: {  	v15 =	vimm.s32 $0xD999D898;
	v16 =	vimm.s32 $0xDB9BDA9A;
	v11 =	vunpack.c.0.s8.s32 v11  }
0x6b: {  	v14 =	vunpack.c.0.s8.s32 v14;
	v15 =	vunpack.c.0.s8.s32 v15;
	v16 =	vunpack.c.0.s8.s32 v16  }
0x6c: {  	v9 =	vcombine.low v10, v9;
	v10 =	vcombine.low v13, v12;
	v12 =	vimm.s32 $0xE5A5E4A4  }
0x6d: {  	v25 =	vsel vm1, $0x1CE, v25;
	v26 =	vsel vm1, $0x1D6, v26;
	v12 =	vunpack.c.0.s8.s32 v12  }
0x6e: {  	v11 =	vsel vm0, v14, v11;
	v13 =	vsel vm0, v16, v15;
	v14 =	vimm.s32 $0xE7A7E6A6  }
0x6f: {  	v15 =	vimm.s32 $0xE1A1E0A0;
	v16 =	vimm.s32 $0xE3A3E2A2;
	v14 =	vunpack.c.0.s8.s32 v14  }
0x70: {  	v27 =	vsel vm1, $0x1DE, v27;
	v15 =	vunpack.c.0.s8.s32 v15;
	v16 =	vunpack.c.0.s8.s32 v16  }
0x71: {  	v28 =	vsel vm1, $0x1E6, v28;
	v11 =	vcombine.low v13, v11;
	v12 =	vsel vm0, v14, v12  }
0x72: {  	v13 =	vsel vm0, v16, v15;
	v14 =	vimm.s32 $0xEDADECAC;
	v15 =	vimm.s32 $0xE9A9E8A8  }
0x73: {  	v16 =	vimm.s32 $0xEBABEAAA;
	v12 =	vcombine.low v13, v12;
	v13 =	vunpack.c.0.s8.s32 v14  }
0x74: {  	v14 =	vimm.s32 $0xEFAFEEAE;
	v15 =	vunpack.c.0.s8.s32 v15;
	v16 =	vunpack.c.0.s8.s32 v16  }
0x75: {  	v29 =	vsel vm1, $0x1EE, v29;
	v30 =	vsel vm1, $0x1F6, v30;
	v14 =	vunpack.c.0.s8.s32 v14  }
0x76: {  	v31 =	vsel vm1, $0x1FE, v31;
	v20 =	vsel vm15, $0x127, v20;
	v15 =	vsel vm0, v16, v15  }
0x77: {  	v16 =	vimm.s32 $0xF7B7F6B6;
	v13 =	vsel vm0, v14, v13;
	v14 =	vimm.s32 $0xF5B5F4B4  }
0x78: {  	v21 =	vsel vm15, $0x12F, v21;
	v16 =	vunpack.c.0.s8.s32 v16;
	v14 =	vunpack.c.0.s8.s32 v14  }
0x79: {  	v13 =	vcombine.low v15, v13;
	v15 =	vunpack.c.0.s8.s32 v17;
	v17 =	vunpack.c.0.s8.s32 v18  }
0x7a: {  	v22 =	vsel vm15, $0x137, v22;
	v14 =	vsel vm0, v16, v14;
	v16 =	vimm.s32 $0x147  }
0x7b: {  	v23 =	vsel vm15, $0x13F, v23;
	v15 =	vsel vm0, v17, v15;
	v16 =	vsel vm14, $0x100, v16  }
0x7c: {  	v24 =	vsel vm15, $0x187, v24;
	v14 =	vcombine.low v15, v14;
	v15 =	vsel vm13, $0x140, v16  }
0x7d: {  	v25 =	vsel vm15, $0x18F, v25;
	v26 =	vsel vm15, $0x197, v26;
	v15 =	vsel vm12, $0x101, v15  }
0x7e: {  	v27 =	vsel vm15, $0x19F, v27;
	v28 =	vsel vm15, $0x1A7, v28;
	v15 =	vsel vm11, $0x141, v15  }
0x7f: {  	v29 =	vsel vm15, $0x1AF, v29;
	v30 =	vsel vm15, $0x1B7, v30;
	v15 =	vsel vm10, $0x102, v15  }
0x80: {  	v31 =	vsel vm15, $0x1BF, v31;
	v9 =	vand.u32 $0xFF, v9;
	v15 =	vsel vm9, $0x142, v15  }
0x81: {  	v10 =	vand.u32 $0xFF, v10;
	v18 =	vimm.s32 $0xF9B9F8B8;
	v15 =	vsel vm8, $0x103, v15  }
0x82: {  	v11 =	vand.u32 $0xFF, v11;
	v18 =	vunpack.c.0.s8.s32 v18;
	v15 =	vsel vm7, $0x143, v15  }
0x83: {  	v17 =	vimm.s32 $0xFFBFFEBE;
	v16 =	vimm.s32 $0xFDBDFCBC;
	v15 =	vsel vm6, $0x104, v15  }
0x84: {  	v17 =	vunpack.c.0.s8.s32 v17;
	v16 =	vunpack.c.0.s8.s32 v16;
	v15 =	vsel vm4, $0x144, v15  }
0x85: {  	v12 =	vand.u32 $0xFF, v12;
	v13 =	vand.u32 $0xFF, v13;
	v15 =	vsel vm5, $0x105, v15  }
0x86: {  	v16 =	vsel vm0, v17, v16;
	v17 =	vsel vm0, v19, v18;
	v15 =	vsel vm3, $0x145, v15  }
0x87: {  	v14 =	vand.u32 $0xFF, v14;
	v16 =	vcombine.low v17, v16;
	v15 =	vsel vm2, $0x106, v15  }
0x88: {  	v18 =	vimm.s32 $0x157;
	v19 =	vimm.s32 $0x15F;
	v17 =	vsel vm1, $0x146, v15  }
0x89: {  	v15 =	vand.u32 $0xFF, v16;
	v16 =	vsel vm15, $0x107, v17;
	v17 =	vimm.s32 $0x14F  }
0x8a: {  	v18 =	vsel vm14, $0x110, v18;
	v19 =	vsel vm14, $0x118, v19;
	v17 =	vsel vm14, $0x108, v17  }
0x8b: {  	s0 =	srdreg.scid;
	s2 =	stileid.u32;
	v18 =	vsel vm13, $0x150, v18;
	v19 =	vsel vm13, $0x158, v19;
	v17 =	vsel vm13, $0x148, v17  }
0x8c: {  	s1 =	rddreg [dreg:$0x0];
	s12 =	simm.s32 $0x80;
	s19 =	simm.s32 $0x14E00;
	v18 =	vsel vm12, $0x111, v18;
	v19 =	vsel vm12, $0x119, v19;
	v17 =	vsel vm12, $0x109, v17  }
0x8d: {  	s20 =	simm.s32 $0xCC80;
	s21 =	simm.s32 $0x1;
	s22 =	simm.s32 $0x14E80;
	v18 =	vsel vm11, $0x151, v18;
	v19 =	vsel vm11, $0x159, v19;
	v17 =	vsel vm11, $0x149, v17  }
0x8e: {  	s23 =	simm.s32 $0x10C80;
	s24 =	simm.s32 $0x2;
	s25 =	simm.s32 $0x3;
	v18 =	vsel vm10, $0x112, v18;
	v19 =	vsel vm10, $0x11A, v19;
	v17 =	vsel vm10, $0x10A, v17  }
0x8f: {  	s26 =	simm.s32 $0x4;
	s28 =	simm.s32 $0x5;
	s30 =	simm.s32 $0x7;
	v18 =	vsel vm9, $0x152, v18;
	v19 =	vsel vm9, $0x15A, v19;
	v17 =	vsel vm9, $0x14A, v17  }
0x90: {  	s31 =	simm.s32 $0x8;
	s0 =	sand.u32 $0x1, s0;
	s3 =	sshll.u32 s2, $0x1;
	v18 =	vsel vm8, $0x113, v18;
	v19 =	vsel vm8, $0x11B, v19;
	v17 =	vsel vm8, $0x10B, v17  }
0x91: {  	s13 =	simm.s32 $0x0;
	s2 =	simm.s32 $0x0;
	s4 =	sor.u32 s0, s3;
	v18 =	vsel vm7, $0x153, v18;
	v19 =	vsel vm7, $0x15B, v19;
	v17 =	vsel vm7, $0x14B, v17  }
0x92: {  	[smem:$0x7FF] =	sst s2;
	s0 =	ssub.s32 $0x2, s0;
	s5 =	smul.u32 $0xC80, s4;
	v18 =	vsel vm6, $0x114, v18;
	v19 =	vsel vm6, $0x11C, v19;
	v17 =	vsel vm6, $0x10C, v17  }
0x93: {  	s3 =	sadd.s32 $0x25EE00, s1;
	s6 =	sshrl.u32 s0, $0x1;
	s4 =	smul.u32 $0x19, s4;
	v18 =	vsel vm4, $0x154, v18;
	v19 =	vsel vm4, $0x15C, v19;
	v17 =	vsel vm4, $0x14C, v17  }
.Ltmp0:
0x94: {  	_ =	strace $0x8000004A;
	s0 =	ssub.s32 s0, s6;
	v18 =	vsel vm5, $0x115, v18;
	v19 =	vsel vm5, $0x11D, v19;
	v17 =	vsel vm5, $0x10D, v17;
	(pc) =	sbr.rel .LBB2_1-.Ltmp0, $4  }
0x95: {  	s5 =	sshrl.u32 s5, $0x3;
	s8 =	sadd.s32 $0x2, s4;
	s9 =	sadd.s32 $0x3, s4;
	v18 =	vsel vm3, $0x155, v18;
	v19 =	vsel vm3, $0x15D, v19;
	v17 =	vsel vm3, $0x14D, v17  }
0x96: {  	s0 =	smax.u32 s0, $0x1;
	s7 =	sadd.s32 s1, s5;
	s5 =	sadd.s32 $0xA00, s1;
	v18 =	vsel vm2, $0x116, v18;
	v19 =	vsel vm2, $0x11E, v19;
	v17 =	vsel vm2, $0x10E, v17  }
0x97: {  	[dreg:$0x3] =	wrdreg s0;
	s1 =	simm.s32 $0x9;
	s29 =	sadd.s32 $0x193C00, s7;
	v18 =	vsel vm1, $0x156, v18;
	v19 =	vsel vm1, $0x15E, v19;
	v17 =	vsel vm1, $0x14E, v17  }
0x98: {  	s0 =	simm.s32 $0xA;
	s7 =	sadd.s32 $0x1, s4;
	[dreg:$0x2] =	wrdreg s29;
	v18 =	vsel vm15, $0x117, v18;
	v19 =	vsel vm15, $0x11F, v19;
	v17 =	vsel vm15, $0x10F, v17  }
.LBB2_14:
0x99: {  	s6 =	simm.s32 $0x6  }
0x9a: {  	_ =	swait.ge [sflag:s6], $0x2000  }
0x9b: {  	[sflag:s6] =	ssyncset.done $0x0  }
0x9c: {  	[sflag:s6] =	ssyncadd.s32 $0xFFFFE000  }
0x9d: {  	_ =	swait.ge [sflag:s30], $0x2000  }
0x9e: {  	[sflag:s30] =	ssyncset.done $0x0  }
0x9f: {  	[sflag:s30] =	ssyncadd.s32 $0xFFFFE000  }
0xa0: {  	_ =	swait.ge [sflag:s31], $0x2000  }
0xa1: {  	[sflag:s31] =	ssyncset.done $0x0  }
0xa2: {  	[sflag:s31] =	ssyncadd.s32 $0xFFFFE000  }
0xa3: {  	_ =	swait.ge [sflag:s1], $0x2000  }
0xa4: {  	[sflag:s1] =	ssyncset.done $0x0  }
0xa5: {  	[sflag:s1] =	ssyncadd.s32 $0xFFFFE000  }
0xa6: {  	_ =	swait.ge [sflag:s0], $0x2000  }
0xa7: {  	s13 =	sadd.s32 $0x1, s13;
	s29 =	rddreg [dreg:$0x3]  }
0xa8: {  	p0 =	sne.s32 s13, s29  }
.Ltmp1:
0xa9: {  	_ = 	snop;
	(pc) =	sbr.rel @!p0 .LBB2_15-.Ltmp1, $3  }
0xaa: {  	_ =	sdelay $0x1  }
0xab: {  	[sflag:s0] =	ssyncset.done $0x0  }
0xac: {  	[sflag:s0] =	ssyncadd.s32 $0xFFFFE000  }
.LBB2_1:
0xad: {  	s6 =	rddreg [dreg:$0x2];
	s14 =	simm.s32 $0xB  }
0xae: {  	[tilespmem:s2], [sflag:$0xB] =	stream.linear.gather [hbm4b:s6+s2], $0xC80, $0x38;
	[tilespmem:$0x14F00] =	vst v63  }
0xaf: {  	_ =	swait.ge [sflag:s14], $0xC80  }
0xb0: {  	[sflag:s14] =	ssyncset.done $0x0  }
0xb1: {  	[sflag:s14] =	ssyncadd.s32 $0xFFFFF380  }
0xb2: {  	v32 =	vld.idx.msk [tilespmem:v0+s2+$0x0], $0xffff;
	_ =	sdelay $0x4  }
0xb3: {  	[tilespmem:$0x14C80] =	vst v32  }
0xb4: {  	v32 =	vld.idx.msk [tilespmem:v1+s2+$0x0], $0xffff;
	_ =	sdelay $0x4  }
0xb5: {  	[tilespmem:$0x14C90] =	vst v32  }
0xb6: {  	v32 =	vld.idx.msk [tilespmem:v2+s2+$0x0], $0xffff;
	_ =	sdelay $0x4  }
0xb7: {  	[tilespmem:$0x14CA0] =	vst v32  }
0xb8: {  	v32 =	vld.idx.msk [tilespmem:v3+s2+$0x0], $0xffff;
	_ =	sdelay $0x4  }
0xb9: {  	[tilespmem:$0x14CB0] =	vst v32  }
0xba: {  	v32 =	vld.idx.msk [tilespmem:v4+s2+$0x0], $0xffff;
	_ =	sdelay $0x4  }
0xbb: {  	[tilespmem:$0x14CC0] =	vst v32  }
0xbc: {  	v32 =	vld.idx.msk [tilespmem:v5+s2+$0x0], $0xffff;
	_ =	sdelay $0x4  }
0xbd: {  	[tilespmem:$0x14CD0] =	vst v32  }
0xbe: {  	v32 =	vld.idx.msk [tilespmem:v6+s2+$0x0], $0xffff;
	_ =	sdelay $0x4  }
0xbf: {  	[tilespmem:$0x14CE0] =	vst v32  }
0xc0: {  	v32 =	vld.idx.msk [tilespmem:v7+s2+$0x0], $0xffff;
	_ =	sdelay $0x4  }
0xc1: {  	s15 =	simm.s32 $0x14C80;
	s10 =	simm.s32 $0xC80;
	[tilespmem:$0x14CF0] =	vst v32  }
0xc2: {  	[tilespmem:s10], [sflag:$0x1] =	stream.indirect.gather [hbm4b:s5+s12], $0x80, s15, s12, $0xb8;
	[tilespmem:$0x14F00] =	vst v63  }
0xc3: {  	v32 =	vld.idx.msk [tilespmem:v8+s2+$0x0], $0xffff;
	_ =	sdelay $0x4  }
0xc4: {  	[tilespmem:$0x14D00] =	vst v32  }
0xc5: {  	v32 =	vld.idx.msk [tilespmem:v9+s2+$0x0], $0xffff;
	_ =	sdelay $0x4  }
0xc6: {  	[tilespmem:$0x14D10] =	vst v32  }
0xc7: {  	v32 =	vld.idx.msk [tilespmem:v10+s2+$0x0], $0xffff;
	_ =	sdelay $0x4  }
0xc8: {  	[tilespmem:$0x14D20] =	vst v32  }
0xc9: {  	v32 =	vld.idx.msk [tilespmem:v11+s2+$0x0], $0xffff;
	_ =	sdelay $0x4  }
0xca: {  	[tilespmem:$0x14D30] =	vst v32  }
0xcb: {  	v32 =	vld.idx.msk [tilespmem:v12+s2+$0x0], $0xffff;
	_ =	sdelay $0x4  }
0xcc: {  	[tilespmem:$0x14D40] =	vst v32  }
0xcd: {  	v32 =	vld.idx.msk [tilespmem:v13+s2+$0x0], $0xffff;
	_ =	sdelay $0x4  }
0xce: {  	[tilespmem:$0x14D50] =	vst v32  }
0xcf: {  	v32 =	vld.idx.msk [tilespmem:v14+s2+$0x0], $0xffff;
	_ =	sdelay $0x4  }
0xd0: {  	[tilespmem:$0x14D60] =	vst v32  }
0xd1: {  	v32 =	vld.idx.msk [tilespmem:v15+s2+$0x0], $0xffff;
	_ =	sdelay $0x4  }
0xd2: {  	s16 =	simm.s32 $0x14D00;
	s17 =	simm.s32 $0x4C80;
	[tilespmem:$0x14D70] =	vst v32  }
0xd3: {  	[tilespmem:s17], [sflag:$0x2] =	stream.indirect.gather [hbm4b:s5+s12], $0x80, s16, s12, $0xb8;
	[tilespmem:$0x14F00] =	vst v63  }
0xd4: {  	v32 =	vld.idx.msk [tilespmem:v16+s2+$0x0], $0xffff;
	_ =	sdelay $0x4  }
0xd5: {  	[tilespmem:$0x14D80] =	vst v32  }
0xd6: {  	v32 =	vld.idx.msk [tilespmem:v17+s2+$0x0], $0xffff;
	_ =	sdelay $0x4  }
0xd7: {  	[tilespmem:$0x14D90] =	vst v32  }
0xd8: {  	v32 =	vld.idx.msk [tilespmem:v18+s2+$0x0], $0xffff;
	_ =	sdelay $0x4  }
0xd9: {  	[tilespmem:$0x14DA0] =	vst v32  }
0xda: {  	v32 =	vld.idx.msk [tilespmem:v19+s2+$0x0], $0xffff;
	_ =	sdelay $0x4  }
0xdb: {  	[tilespmem:$0x14DB0] =	vst v32  }
0xdc: {  	v32 =	vld.idx.msk [tilespmem:v20+s2+$0x0], $0xffff;
	_ =	sdelay $0x4  }
0xdd: {  	[tilespmem:$0x14DC0] =	vst v32  }
0xde: {  	v32 =	vld.idx.msk [tilespmem:v21+s2+$0x0], $0xffff;
	_ =	sdelay $0x4  }
0xdf: {  	[tilespmem:$0x14DD0] =	vst v32  }
0xe0: {  	v32 =	vld.idx.msk [tilespmem:v22+s2+$0x0], $0xffff;
	_ =	sdelay $0x4  }
0xe1: {  	[tilespmem:$0x14DE0] =	vst v32  }
0xe2: {  	v32 =	vld.idx.msk [tilespmem:v23+s2+$0x0], $0xffff;
	_ =	sdelay $0x4  }
0xe3: {  	s18 =	simm.s32 $0x14D80;
	s29 =	simm.s32 $0x8C80;
	[tilespmem:$0x14DF0] =	vst v32  }
0xe4: {  	[tilespmem:s29], [sflag:$0x3] =	stream.indirect.gather [hbm4b:s5+s12], $0x80, s18, s12, $0xb8;
	[tilespmem:$0x14F00] =	vst v63  }
0xe5: {  	v32 =	vld.idx.msk [tilespmem:v24+s2+$0x0], $0xffff;
	_ =	sdelay $0x4  }
0xe6: {  	[tilespmem:$0x14E00] =	vst v32  }
0xe7: {  	v32 =	vld.idx.msk [tilespmem:v25+s2+$0x0], $0xffff;
	_ =	sdelay $0x4  }
0xe8: {  	[tilespmem:$0x14E10] =	vst v32  }
0xe9: {  	v32 =	vld.idx.msk [tilespmem:v26+s2+$0x0], $0xffff;
	_ =	sdelay $0x4  }
0xea: {  	[tilespmem:$0x14E20] =	vst v32  }
0xeb: {  	v32 =	vld.idx.msk [tilespmem:v27+s2+$0x0], $0xffff;
	_ =	sdelay $0x4  }
0xec: {  	[tilespmem:$0x14E30] =	vst v32  }
0xed: {  	v32 =	vld.idx.msk [tilespmem:v28+s2+$0x0], $0xffff;
	_ =	sdelay $0x4  }
0xee: {  	[tilespmem:$0x14E40] =	vst v32  }
0xef: {  	v32 =	vld.idx.msk [tilespmem:v29+s2+$0x0], $0xffff;
	_ =	sdelay $0x4  }
0xf0: {  	[tilespmem:$0x14E50] =	vst v32  }
0xf1: {  	v32 =	vld.idx.msk [tilespmem:v30+s2+$0x0], $0xffff;
	_ =	sdelay $0x4  }
0xf2: {  	[tilespmem:$0x14E60] =	vst v32  }
0xf3: {  	v32 =	vld.idx.msk [tilespmem:v31+s2+$0x0], $0xffff;
	_ =	sdelay $0x4  }
0xf4: {  	s14 =	simm.s32 $0x0;
	[tilespmem:$0x14E70] =	vst v32  }
0xf5: {  	[tilespmem:s20], [sflag:$0x4] =	stream.indirect.gather [hbm4b:s5+s12], $0x80, s19, s12, $0xb8;
	[tilespmem:$0x14F00] =	vst v63  }
.LBB2_2:
0xf6: {  	s16 =	smul.u32 $0x5, s14;
	_ =	sdelay $0x1  }
0xf7: {  	s6 =	sadd.s32 s4, s16  }
0xf8: {  	_ =	swait.ge [sflag:s21], $0x4000;
	s10 =	simm.s32 $0xC80;
	s6 =	sshll.u32 s6, $0xA  }
0xf9: {  	s15 =	simm.s32 $0x8;
	[sflag:s21] =	ssyncset.done $0x0;
	s6 =	sadd.s32 s3, s6  }
0xfa: {  	s11 =	simm.s32 $0xD00;
	[sflag:s21] =	ssyncadd.s32 $0xFFFFC000;
	s17 =	sadd.s32 $0x0, s6  }
.LBB2_3:
0xfb: {  	[hbm4b:s17+s2] =	stream.linear.scatter [tilespmem:s10], [sflag:$0x6], $0x40, $0x38;
	[tilespmem:$0x14F00] =	vst v63  }
0xfc: {  	s17 =	smov.u32 s15;
	s10 =	smov.u32 s11;
	p0 =	sne.s32 s15, $0x3F8  }
.Ltmp2:
0xfd: {  	s15 =	sadd.s32 $0x8, s15;
	(pc) =	sbr.rel @p0 .LBB2_3-.Ltmp2, $2  }
0xfe: {  	_ =	sdelay $0x2  }
0xff: {  	s11 =	sadd.s32 $0x80, s11;
	s17 =	sadd.s32 s17, s6  }
0x100: {  	[hbm4b:s17+s2] =	stream.linear.scatter [tilespmem:s10], [sflag:$0x6], $0x40, $0x38;
	[tilespmem:$0x14F00] =	vst v63  }
0x101: {  	s15 =	sadd.s32 $0x4, s16  }
0x102: {  	s6 =	sshll.u32 s15, $0x7  }
0x103: {  	p0 =	seq.s32 s14, $0x0;
	v32 =	vor.u32 s6, v0  }
0x104: {  	s10 =	simm.s32 @!p0 $0xA  }
0x105: {  	_ =	swait.ge @!p0 [sflag:s10], $0x2000  }
0x106: {  	[sflag:s10] =	ssyncset.done @!p0 $0x0  }
0x107: {  	[sflag:s10] =	ssyncadd.s32 @!p0 $0xFFFFE000;
	s10 =	simm.s32 $0x0  }
0x108: {  	s11 =	sor.u32 $0x8, s6;
	v32 =	vld.idx.msk [tilespmem:v32+s10+$0x0], $0xffff  }
0x109: {  	v33 =	vor.u32 s11, v0;
	_ =	sdelay $0x3  }
0x10a: {  	[tilespmem:$0x14E80] =	vst v32  }
0x10b: {  	s17 =	sor.u32 $0x10, s6;
	v32 =	vld.idx.msk [tilespmem:v33+s10+$0x0], $0xffff  }
0x10c: {  	v58 =	vor.u32 s17, v0;
	_ =	sdelay $0x3  }
0x10d: {  	[tilespmem:$0x14E90] =	vst v32  }
0x10e: {  	s18 =	sor.u32 $0x18, s6;
	v32 =	vld.idx.msk [tilespmem:v58+s10+$0x0], $0xffff  }
0x10f: {  	v59 =	vor.u32 s18, v0;
	_ =	sdelay $0x3  }
0x110: {  	[tilespmem:$0x14EA0] =	vst v32  }
0x111: {  	s29 =	sor.u32 $0x20, s6;
	v32 =	vld.idx.msk [tilespmem:v59+s10+$0x0], $0xffff  }
0x112: {  	v60 =	vor.u32 s29, v0;
	_ =	sdelay $0x3  }
0x113: {  	[tilespmem:$0x14EB0] =	vst v32  }
0x114: {  	s17 =	sor.u32 $0x28, s6;
	v32 =	vld.idx.msk [tilespmem:v60+s10+$0x0], $0xffff  }
0x115: {  	v61 =	vor.u32 s17, v0;
	_ =	sdelay $0x3  }
0x116: {  	[tilespmem:$0x14EC0] =	vst v32  }
0x117: {  	s18 =	sor.u32 $0x30, s6;
	v32 =	vld.idx.msk [tilespmem:v61+s10+$0x0], $0xffff  }
0x118: {  	v62 =	vor.u32 s18, v0;
	_ =	sdelay $0x3  }
0x119: {  	[tilespmem:$0x14ED0] =	vst v32  }
0x11a: {  	s6 =	sor.u32 $0x38, s6;
	v32 =	vld.idx.msk [tilespmem:v62+s10+$0x0], $0xffff  }
0x11b: {  	v63 =	vor.u32 s6, v0;
	_ =	sdelay $0x3  }
0x11c: {  	[tilespmem:$0x14EE0] =	vst v32  }
0x11d: {  	v32 =	vld.idx.msk [tilespmem:v63+s10+$0x0], $0xffff;
	_ =	sdelay $0x3  }
0x11e: {  	s29 =	sadd.s32 s16, s7  }
0x11f: {  	s6 =	sshll.u32 s29, $0xA;
	[tilespmem:$0x14EF0] =	vst v32  }
0x120: {  	[tilespmem:s23], [sflag:$0x5] =	stream.indirect.gather [hbm4b:s5+s12], $0x80, s22, s12, $0xb8;
	[tilespmem:$0x14F00] =	vst v63  }
0x121: {  	s11 =	simm.s32 $0x4D00;
	s6 =	sand.u32 $0x1FFFFC00, s6;
	_ =	swait.ge [sflag:s24], $0x4000  }
0x122: {  	s18 =	simm.s32 $0x4C80;
	s17 =	sadd.s32 s3, s6;
	[sflag:s24] =	ssyncset.done $0x0  }
0x123: {  	s6 =	sadd.s32 $0x0, s17;
	s10 =	simm.s32 $0x8;
	[sflag:s24] =	ssyncadd.s32 $0xFFFFC000  }
.LBB2_5:
0x124: {  	[hbm4b:s6+s2] =	stream.linear.scatter [tilespmem:s18], [sflag:$0x7], $0x40, $0x38;
	[tilespmem:$0x14F00] =	vst v63  }
0x125: {  	s6 =	smov.u32 s10;
	s18 =	smov.u32 s11;
	p0 =	sne.s32 s10, $0x3F8  }
.Ltmp3:
0x126: {  	s10 =	sadd.s32 $0x8, s10;
	(pc) =	sbr.rel @p0 .LBB2_5-.Ltmp3, $2  }
0x127: {  	_ =	sdelay $0x2  }
0x128: {  	s11 =	sadd.s32 $0x80, s11;
	s6 =	sadd.s32 s6, s17  }
0x129: {  	p0 =	seq.s32 s14, $0x4  }
0x12a: {  	v32 =	vimm.s32 @!p0 $0x45054404;
	v33 =	vimm.s32 @!p0 $0x47074606  }
0x12b: {  	v34 =	vimm.s32 @!p0 $0x41014000;
	v35 =	vimm.s32 @!p0 $0x43034202;
	v32 =	vunpack.c.0.s8.s32 @!p0 v32  }
0x12c: {  	v33 =	vunpack.c.0.s8.s32 @!p0 v33;
	v34 =	vunpack.c.0.s8.s32 @!p0 v34;
	v35 =	vunpack.c.0.s8.s32 @!p0 v35  }
0x12d: {  	vm0 =	vcmask @!p0 $0x1F10  }
0x12e: {  	s17 =	smul.u32 @!p0 $0x280, s14;
	v32 =	vsel @!p0 vm0, v33, v32;
	v33 =	vsel @!p0 vm0, v35, v34  }
0x12f: {  	v32 =	vcombine.low @!p0 v33, v32  }
0x130: {  	s10 =	sadd.s32 @!p0 $0x280, s17  }
0x131: {  	[hbm4b:s6+s2] =	stream.linear.scatter [tilespmem:s18], [sflag:$0x7], $0x40, $0x38;
	v33 =	vor.u32 @!p0 s10, v32;
	[tilespmem:$0x14F00] =	vst v63  }
0x132: {  	s6 =	simm.s32 @!p0 $0x6  }
0x133: {  	_ =	swait.ge @!p0 [sflag:s6], $0x2000  }
0x134: {  	[sflag:s6] =	ssyncset.done @!p0 $0x0  }
0x135: {  	[sflag:s6] =	ssyncadd.s32 @!p0 $0xFFFFE000;
	s6 =	simm.s32 @!p0 $0x0  }
0x136: {  	s10 =	sadd.s32 @!p0 $0x288, s17;
	v33 =	vld.idx.msk @!p0 [tilespmem:v33+s6+$0x0], $0xffff  }
0x137: {  	v34 =	vor.u32 @!p0 s10, v32;
	_ =	sdelay $0x3  }
0x138: {  	[tilespmem:$0x14C80] =	vst @!p0 v33  }
0x139: {  	s10 =	sadd.s32 @!p0 $0x290, s17;
	v33 =	vld.idx.msk @!p0 [tilespmem:v34+s6+$0x0], $0xffff  }
0x13a: {  	v34 =	vor.u32 @!p0 s10, v32;
	_ =	sdelay $0x3  }
0x13b: {  	[tilespmem:$0x14C90] =	vst @!p0 v33  }
0x13c: {  	s10 =	sadd.s32 @!p0 $0x298, s17;
	v33 =	vld.idx.msk @!p0 [tilespmem:v34+s6+$0x0], $0xffff  }
0x13d: {  	v34 =	vor.u32 @!p0 s10, v32;
	_ =	sdelay $0x3  }
0x13e: {  	[tilespmem:$0x14CA0] =	vst @!p0 v33  }
0x13f: {  	s10 =	sadd.s32 @!p0 $0x2A0, s17;
	v33 =	vld.idx.msk @!p0 [tilespmem:v34+s6+$0x0], $0xffff  }
0x140: {  	v34 =	vor.u32 @!p0 s10, v32;
	_ =	sdelay $0x3  }
0x141: {  	[tilespmem:$0x14CB0] =	vst @!p0 v33  }
0x142: {  	s10 =	sadd.s32 @!p0 $0x2A8, s17;
	v33 =	vld.idx.msk @!p0 [tilespmem:v34+s6+$0x0], $0xffff  }
0x143: {  	v34 =	vor.u32 @!p0 s10, v32;
	_ =	sdelay $0x3  }
0x144: {  	[tilespmem:$0x14CC0] =	vst @!p0 v33  }
0x145: {  	s10 =	sadd.s32 @!p0 $0x2B0, s17;
	v33 =	vld.idx.msk @!p0 [tilespmem:v34+s6+$0x0], $0xffff  }
0x146: {  	v34 =	vor.u32 @!p0 s10, v32;
	_ =	sdelay $0x3  }
0x147: {  	[tilespmem:$0x14CD0] =	vst @!p0 v33  }
0x148: {  	s10 =	sadd.s32 @!p0 $0x2B8, s17;
	v33 =	vld.idx.msk @!p0 [tilespmem:v34+s6+$0x0], $0xffff  }
0x149: {  	v32 =	vor.u32 @!p0 s10, v32;
	_ =	sdelay $0x3  }
0x14a: {  	[tilespmem:$0x14CE0] =	vst @!p0 v33  }
0x14b: {  	v32 =	vld.idx.msk @!p0 [tilespmem:v32+s6+$0x0], $0xffff;
	_ =	sdelay $0x3  }
0x14c: {  	s18 =	sadd.s32 s16, s8  }
0x14d: {  	s11 =	simm.s32 @!p0 $0xC80;
	s10 =	simm.s32 @!p0 $0x14C80;
	s6 =	simm.s32 @!p0 $0x80;
	[tilespmem:$0x14CF0] =	vst @!p0 v32  }
0x14e: {  	[tilespmem:s11], [sflag:$0x1] =	stream.indirect.gather @!p0 [hbm4b:s5+s6], $0x80, s10, s6, $0xb8;
	[tilespmem:$0x14F00] =	vst v63  }
0x14f: {  	s6 =	sshll.u32 s18, $0xA  }
0x150: {  	s29 =	simm.s32 $0x8D00;
	_ =	swait.ge [sflag:s25], $0x4000;
	s6 =	sand.u32 $0x1FFFFC00, s6  }
0x151: {  	s18 =	simm.s32 $0x8C80;
	[sflag:s25] =	ssyncset.done $0x0;
	s10 =	sadd.s32 s3, s6  }
0x152: {  	s11 =	simm.s32 $0x8;
	[sflag:s25] =	ssyncadd.s32 $0xFFFFC000;
	s6 =	sadd.s32 $0x0, s10  }
.LBB2_7:
0x153: {  	[hbm4b:s6+s2] =	stream.linear.scatter [tilespmem:s18], [sflag:$0x8], $0x40, $0x38;
	[tilespmem:$0x14F00] =	vst v63  }
0x154: {  	s6 =	smov.u32 s11;
	s18 =	smov.u32 s29;
	p1 =	sne.s32 s11, $0x3F8  }
.Ltmp4:
0x155: {  	s11 =	sadd.s32 $0x8, s11;
	(pc) =	sbr.rel @p1 .LBB2_7-.Ltmp4, $2  }
0x156: {  	_ =	sdelay $0x2  }
0x157: {  	s29 =	sadd.s32 $0x80, s29;
	s6 =	sadd.s32 s6, s10  }
0x158: {  	v32 =	vimm.s32 @!p0 $0x45054404;
	v33 =	vimm.s32 @!p0 $0x47074606  }
0x159: {  	v34 =	vimm.s32 @!p0 $0x41014000;
	v35 =	vimm.s32 @!p0 $0x43034202;
	v32 =	vunpack.c.0.s8.s32 @!p0 v32  }
0x15a: {  	v33 =	vunpack.c.0.s8.s32 @!p0 v33;
	v34 =	vunpack.c.0.s8.s32 @!p0 v34;
	v35 =	vunpack.c.0.s8.s32 @!p0 v35;
	_ =	sdelay $0x1  }
0x15b: {  	v32 =	vsel @!p0 vm0, v33, v32;
	v33 =	vsel @!p0 vm0, v35, v34  }
0x15c: {  	v32 =	vcombine.low @!p0 v33, v32  }
0x15d: {  	s10 =	sadd.s32 @!p0 $0x300, s17  }
0x15e: {  	[hbm4b:s6+s2] =	stream.linear.scatter [tilespmem:s18], [sflag:$0x8], $0x40, $0x38;
	v33 =	vor.u32 @!p0 s10, v32;
	[tilespmem:$0x14F00] =	vst v63  }
0x15f: {  	s6 =	simm.s32 @!p0 $0x7  }
0x160: {  	_ =	swait.ge @!p0 [sflag:s6], $0x2000  }
0x161: {  	[sflag:s6] =	ssyncset.done @!p0 $0x0  }
0x162: {  	[sflag:s6] =	ssyncadd.s32 @!p0 $0xFFFFE000;
	s6 =	simm.s32 @!p0 $0x0  }
0x163: {  	s10 =	sadd.s32 @!p0 $0x308, s17;
	v33 =	vld.idx.msk @!p0 [tilespmem:v33+s6+$0x0], $0xffff  }
0x164: {  	v34 =	vor.u32 @!p0 s10, v32;
	_ =	sdelay $0x3  }
0x165: {  	[tilespmem:$0x14D00] =	vst @!p0 v33  }
0x166: {  	s10 =	sadd.s32 @!p0 $0x310, s17;
	v33 =	vld.idx.msk @!p0 [tilespmem:v34+s6+$0x0], $0xffff  }
0x167: {  	v34 =	vor.u32 @!p0 s10, v32;
	_ =	sdelay $0x3  }
0x168: {  	[tilespmem:$0x14D10] =	vst @!p0 v33  }
0x169: {  	s10 =	sadd.s32 @!p0 $0x318, s17;
	v33 =	vld.idx.msk @!p0 [tilespmem:v34+s6+$0x0], $0xffff  }
0x16a: {  	v34 =	vor.u32 @!p0 s10, v32;
	_ =	sdelay $0x3  }
0x16b: {  	[tilespmem:$0x14D20] =	vst @!p0 v33  }
0x16c: {  	s10 =	sadd.s32 @!p0 $0x320, s17;
	v33 =	vld.idx.msk @!p0 [tilespmem:v34+s6+$0x0], $0xffff  }
0x16d: {  	v34 =	vor.u32 @!p0 s10, v32;
	_ =	sdelay $0x3  }
0x16e: {  	[tilespmem:$0x14D30] =	vst @!p0 v33  }
0x16f: {  	s10 =	sadd.s32 @!p0 $0x328, s17;
	v33 =	vld.idx.msk @!p0 [tilespmem:v34+s6+$0x0], $0xffff  }
0x170: {  	v34 =	vor.u32 @!p0 s10, v32;
	_ =	sdelay $0x3  }
0x171: {  	[tilespmem:$0x14D40] =	vst @!p0 v33  }
0x172: {  	s10 =	sadd.s32 @!p0 $0x330, s17;
	v33 =	vld.idx.msk @!p0 [tilespmem:v34+s6+$0x0], $0xffff  }
0x173: {  	v34 =	vor.u32 @!p0 s10, v32;
	_ =	sdelay $0x3  }
0x174: {  	[tilespmem:$0x14D50] =	vst @!p0 v33  }
0x175: {  	s10 =	sadd.s32 @!p0 $0x338, s17;
	v33 =	vld.idx.msk @!p0 [tilespmem:v34+s6+$0x0], $0xffff  }
0x176: {  	v32 =	vor.u32 @!p0 s10, v32;
	_ =	sdelay $0x3  }
0x177: {  	[tilespmem:$0x14D60] =	vst @!p0 v33  }
0x178: {  	v32 =	vld.idx.msk @!p0 [tilespmem:v32+s6+$0x0], $0xffff;
	_ =	sdelay $0x3  }
0x179: {  	s11 =	simm.s32 @!p0 $0x4C80  }
0x17a: {  	s29 =	sadd.s32 s16, s9;
	s10 =	simm.s32 @!p0 $0x14D00;
	s6 =	simm.s32 @!p0 $0x80;
	[tilespmem:$0x14D70] =	vst @!p0 v32  }
0x17b: {  	[tilespmem:s11], [sflag:$0x2] =	stream.indirect.gather @!p0 [hbm4b:s5+s6], $0x80, s10, s6, $0xb8;
	[tilespmem:$0x14F00] =	vst v63  }
0x17c: {  	s6 =	sshll.u32 s29, $0xA  }
0x17d: {  	s16 =	simm.s32 $0xCC80;
	_ =	swait.ge [sflag:s26], $0x4000;
	s6 =	sand.u32 $0x1FFFFC00, s6  }
0x17e: {  	s18 =	simm.s32 $0xCD00;
	[sflag:s26] =	ssyncset.done $0x0;
	s10 =	sadd.s32 s3, s6  }
0x17f: {  	s11 =	simm.s32 $0x8;
	[sflag:s26] =	ssyncadd.s32 $0xFFFFC000;
	s6 =	sadd.s32 $0x0, s10  }
.LBB2_9:
0x180: {  	[hbm4b:s6+s2] =	stream.linear.scatter [tilespmem:s16], [sflag:$0x9], $0x40, $0x38;
	[tilespmem:$0x14F00] =	vst v63  }
0x181: {  	s6 =	smov.u32 s11;
	s16 =	smov.u32 s18;
	p1 =	sne.s32 s11, $0x3F8  }
.Ltmp5:
0x182: {  	s11 =	sadd.s32 $0x8, s11;
	(pc) =	sbr.rel @p1 .LBB2_9-.Ltmp5, $2  }
0x183: {  	_ =	sdelay $0x2  }
0x184: {  	s18 =	sadd.s32 $0x80, s18;
	s6 =	sadd.s32 s6, s10  }
0x185: {  	v32 =	vimm.s32 @!p0 $0x45054404;
	v33 =	vimm.s32 @!p0 $0x47074606  }
0x186: {  	v34 =	vimm.s32 @!p0 $0x41014000;
	v35 =	vimm.s32 @!p0 $0x43034202;
	v32 =	vunpack.c.0.s8.s32 @!p0 v32  }
0x187: {  	v33 =	vunpack.c.0.s8.s32 @!p0 v33;
	v34 =	vunpack.c.0.s8.s32 @!p0 v34;
	v35 =	vunpack.c.0.s8.s32 @!p0 v35;
	_ =	sdelay $0x1  }
0x188: {  	v32 =	vsel @!p0 vm0, v33, v32;
	v33 =	vsel @!p0 vm0, v35, v34  }
0x189: {  	v32 =	vcombine.low @!p0 v33, v32  }
0x18a: {  	s10 =	sadd.s32 @!p0 $0x380, s17  }
0x18b: {  	[hbm4b:s6+s2] =	stream.linear.scatter [tilespmem:s16], [sflag:$0x9], $0x40, $0x38;
	v33 =	vor.u32 @!p0 s10, v32;
	[tilespmem:$0x14F00] =	vst v63  }
0x18c: {  	s6 =	simm.s32 @!p0 $0x8  }
0x18d: {  	_ =	swait.ge @!p0 [sflag:s6], $0x2000  }
0x18e: {  	[sflag:s6] =	ssyncset.done @!p0 $0x0  }
0x18f: {  	[sflag:s6] =	ssyncadd.s32 @!p0 $0xFFFFE000;
	s6 =	simm.s32 @!p0 $0x0  }
0x190: {  	s10 =	sadd.s32 @!p0 $0x388, s17;
	v33 =	vld.idx.msk @!p0 [tilespmem:v33+s6+$0x0], $0xffff  }
0x191: {  	v34 =	vor.u32 @!p0 s10, v32;
	_ =	sdelay $0x3  }
0x192: {  	[tilespmem:$0x14D80] =	vst @!p0 v33  }
0x193: {  	s10 =	sadd.s32 @!p0 $0x390, s17;
	v33 =	vld.idx.msk @!p0 [tilespmem:v34+s6+$0x0], $0xffff  }
0x194: {  	v34 =	vor.u32 @!p0 s10, v32;
	_ =	sdelay $0x3  }
0x195: {  	[tilespmem:$0x14D90] =	vst @!p0 v33  }
0x196: {  	s10 =	sadd.s32 @!p0 $0x398, s17;
	v33 =	vld.idx.msk @!p0 [tilespmem:v34+s6+$0x0], $0xffff  }
0x197: {  	v34 =	vor.u32 @!p0 s10, v32;
	_ =	sdelay $0x3  }
0x198: {  	[tilespmem:$0x14DA0] =	vst @!p0 v33  }
0x199: {  	s10 =	sadd.s32 @!p0 $0x3A0, s17;
	v33 =	vld.idx.msk @!p0 [tilespmem:v34+s6+$0x0], $0xffff  }
0x19a: {  	v34 =	vor.u32 @!p0 s10, v32;
	_ =	sdelay $0x3  }
0x19b: {  	[tilespmem:$0x14DB0] =	vst @!p0 v33  }
0x19c: {  	s10 =	sadd.s32 @!p0 $0x3A8, s17;
	v33 =	vld.idx.msk @!p0 [tilespmem:v34+s6+$0x0], $0xffff  }
0x19d: {  	v34 =	vor.u32 @!p0 s10, v32;
	_ =	sdelay $0x3  }
0x19e: {  	[tilespmem:$0x14DC0] =	vst @!p0 v33  }
0x19f: {  	s10 =	sadd.s32 @!p0 $0x3B0, s17;
	v33 =	vld.idx.msk @!p0 [tilespmem:v34+s6+$0x0], $0xffff  }
0x1a0: {  	v34 =	vor.u32 @!p0 s10, v32;
	_ =	sdelay $0x3  }
0x1a1: {  	[tilespmem:$0x14DD0] =	vst @!p0 v33  }
0x1a2: {  	s10 =	sadd.s32 @!p0 $0x3B8, s17;
	v33 =	vld.idx.msk @!p0 [tilespmem:v34+s6+$0x0], $0xffff  }
0x1a3: {  	v32 =	vor.u32 @!p0 s10, v32;
	_ =	sdelay $0x3  }
0x1a4: {  	[tilespmem:$0x14DE0] =	vst @!p0 v33  }
0x1a5: {  	v32 =	vld.idx.msk @!p0 [tilespmem:v32+s6+$0x0], $0xffff;
	_ =	sdelay $0x3  }
0x1a6: {  	s11 =	simm.s32 @!p0 $0x8C80  }
0x1a7: {  	s29 =	sadd.s32 s4, s15;
	s10 =	simm.s32 @!p0 $0x14D80;
	s6 =	simm.s32 @!p0 $0x80;
	[tilespmem:$0x14DF0] =	vst @!p0 v32  }
0x1a8: {  	[tilespmem:s11], [sflag:$0x3] =	stream.indirect.gather @!p0 [hbm4b:s5+s6], $0x80, s10, s6, $0xb8;
	[tilespmem:$0x14F00] =	vst v63  }
0x1a9: {  	s6 =	sshll.u32 s29, $0xA  }
0x1aa: {  	s15 =	simm.s32 $0x10D00;
	_ =	swait.ge [sflag:s28], $0x4000;
	s6 =	sand.u32 $0x1FFFFC00, s6  }
0x1ab: {  	s10 =	simm.s32 $0x10C80;
	[sflag:s28] =	ssyncset.done $0x0;
	s6 =	sadd.s32 s3, s6  }
0x1ac: {  	s11 =	simm.s32 $0x8;
	[sflag:s28] =	ssyncadd.s32 $0xFFFFC000;
	s16 =	sadd.s32 $0x0, s6  }
.LBB2_11:
0x1ad: {  	[hbm4b:s16+s2] =	stream.linear.scatter [tilespmem:s10], [sflag:$0xA], $0x40, $0x38;
	[tilespmem:$0x14F00] =	vst v63  }
0x1ae: {  	s16 =	smov.u32 s11;
	s10 =	smov.u32 s15;
	p1 =	sne.s32 s11, $0x3F8  }
.Ltmp6:
0x1af: {  	s11 =	sadd.s32 $0x8, s11;
	(pc) =	sbr.rel @p1 .LBB2_11-.Ltmp6, $2  }
0x1b0: {  	_ =	sdelay $0x2  }
0x1b1: {  	s15 =	sadd.s32 $0x80, s15;
	s16 =	sadd.s32 s16, s6  }
.Ltmp7:
0x1b2: {  	(pc) =	sbr.rel @p0 .LBB2_14-.Ltmp7, $2  }
0x1b3: {  	_ =	sdelay $0x2  }
0x1b4: {  	[hbm4b:s16+s2] =	stream.linear.scatter [tilespmem:s10], [sflag:$0xA], $0x40, $0x38;
	[tilespmem:$0x14F00] =	vst v63  }
0x1b5: {  	s6 =	smul.u32 $0x280, s14;
	_ =	sdelay $0x1  }
0x1b6: {  	s10 =	sadd.s32 $0x400, s6  }
0x1b7: {  	v32 =	vor.u32 s10, v0;
	_ =	sdelay $0x1  }
0x1b8: {  	_ =	swait.ge [sflag:s1], $0x2000  }
0x1b9: {  	[sflag:s1] =	ssyncset.done $0x0  }
0x1ba: {  	[sflag:s1] =	ssyncadd.s32 $0xFFFFE000  }
0x1bb: {  	s11 =	sadd.s32 $0x408, s6;
	v32 =	vld.idx.msk [tilespmem:v32+s2+$0x0], $0xffff  }
0x1bc: {  	v33 =	vor.u32 s11, v0;
	_ =	sdelay $0x3  }
0x1bd: {  	[tilespmem:$0x14E00] =	vst v32  }
0x1be: {  	s15 =	sadd.s32 $0x410, s6;
	v32 =	vld.idx.msk [tilespmem:v33+s2+$0x0], $0xffff  }
0x1bf: {  	v58 =	vor.u32 s15, v0;
	_ =	sdelay $0x3  }
0x1c0: {  	[tilespmem:$0x14E10] =	vst v32  }
0x1c1: {  	s16 =	sadd.s32 $0x418, s6;
	v32 =	vld.idx.msk [tilespmem:v58+s2+$0x0], $0xffff  }
0x1c2: {  	v59 =	vor.u32 s16, v0;
	_ =	sdelay $0x3  }
0x1c3: {  	[tilespmem:$0x14E20] =	vst v32  }
0x1c4: {  	s17 =	sadd.s32 $0x420, s6;
	v32 =	vld.idx.msk [tilespmem:v59+s2+$0x0], $0xffff  }
0x1c5: {  	v60 =	vor.u32 s17, v0;
	_ =	sdelay $0x3  }
0x1c6: {  	[tilespmem:$0x14E30] =	vst v32  }
0x1c7: {  	s18 =	sadd.s32 $0x428, s6;
	v32 =	vld.idx.msk [tilespmem:v60+s2+$0x0], $0xffff  }
0x1c8: {  	v61 =	vor.u32 s18, v0;
	_ =	sdelay $0x3  }
0x1c9: {  	[tilespmem:$0x14E40] =	vst v32  }
0x1ca: {  	s29 =	sadd.s32 $0x430, s6;
	v32 =	vld.idx.msk [tilespmem:v61+s2+$0x0], $0xffff  }
0x1cb: {  	v62 =	vor.u32 s29, v0;
	_ =	sdelay $0x3  }
0x1cc: {  	[tilespmem:$0x14E50] =	vst v32  }
0x1cd: {  	s6 =	sadd.s32 $0x438, s6;
	v32 =	vld.idx.msk [tilespmem:v62+s2+$0x0], $0xffff  }
0x1ce: {  	v63 =	vor.u32 s6, v0;
	_ =	sdelay $0x3  }
0x1cf: {  	[tilespmem:$0x14E60] =	vst v32  }
0x1d0: {  	v32 =	vld.idx.msk [tilespmem:v63+s2+$0x0], $0xffff;
	_ =	sdelay $0x1  }
.Ltmp8:
0x1d1: {  	_ = 	snop;
	(pc) =	sbr.rel .LBB2_2-.Ltmp8, $3  }
0x1d2: {  	_ =	sdelay $0x1  }
0x1d3: {  	s14 =	sadd.s32 $0x1, s14;
	[tilespmem:$0x14E70] =	vst v32  }
0x1d4: {  	[tilespmem:s20], [sflag:$0x4] =	stream.indirect.gather [hbm4b:s5+s12], $0x80, s19, s12, $0xb8;
	[tilespmem:$0x14F00] =	vst v63  }
.LBB2_15:
0x1d5: {  	_ =	sfence.sel $0x180000  }
0x1d6: {  	[bflag:$0x0] =	sbarrier.arrive $0xFFFF  }
0x1d7: {  	_ =	strace $0x9000004A  }
0x1d8: {  	s0 =	stileid.u32;
	[bflag:$0x2] =	sbarrier.arrive $0xFFFF  }
0x1d9: {  	p0 =	sne.s32 s0, $0x0;
	s0 =	rddreg [dreg:$0x1]  }
0x1da: {  	s0 =	sadd.s32 @!p0 $0x100000, s0  }
0x1db: {  	[sflag:s0] =	ssyncadd.tile.s32 @!p0 $0x1;
	_ =	shalt  }
.Lfunc_end2:
_tile_overlayer_lowered:
.L_overlay_start_2:
0x1dc: {  	(tag) =	ssettag $0x2  }
0x1dd: {  	s0 =	rddreg [dreg:$0x0];
	s2 =	stileid.u32  }
0x1de: {  	s1 =	rddreg [dreg:$0x1];
	p0 =	sne.s32 s2, $0x0  }
0x1df: {  	s3 =	rddreg [dreg:$0x2];
	[bflag:$0x3] =	sbarrier.arrive $0xFFFF;
	s2 =	simm.s32 @!p0 $0x1C0B  }
0x1e0: {  	[timem:s3], [sflag:s2] =	dma.local @!p0 [hbm:s0], s1  }
0x1e1: {  	s0 =	simm.s32 @!p0 $0xB  }
0x1e2: {  	_ =	swait.ge @!p0 [sflag:s0], s1  }
0x1e3: {  	s1 =	ssub.s32 @!p0 $0x0, s1;
	[sflag:s0] =	ssyncset.done @!p0 $0x0  }
0x1e4: {  	[sflag:s0] =	ssyncadd.s32 @!p0 s1  }
0x1e5: {  	[bflag:$0x3] =	sbarrier.arrive $0xFFFF  }
0x1e6: {  	_ =	shalt  }

// kernel: kernel.7.cloned.1.call-start
scs
__scs_entry_jumppad:
0x0: {  	(pc) =	sbr.rel $0x88, $3  }
0x1: {  	(tag) =	ssettag $0x0;
	lr =	simm.s32 $0x1  }
0x2: {  	[smem:$0x3F9F] =	sst lr;
	_ =	strace $0xD0000000  }
0x3: {  	_ = 	snop  }
0x4: {  	_ = 	snop  }
0x5: {  	_ = 	snop  }
0x6: {  	_ = 	snop  }
0x7: {  	_ = 	snop  }
__scs_overlays_trampoline_lowered:
0x8: {  	[smem:$0x3FAE] =	sst s0  }
0x9: {  	[smem:$0x3FAF] =	sst s1  }
0xa: {  	[smem:$0x3FB0] =	sst s2  }
0xb: {  	[smem:$0x3FB1] =	sst s3  }
0xc: {  	[smem:$0x3FB2] =	sst s4  }
0xd: {  	[smem:$0x3FB3] =	sst s5  }
0xe: {  	[smem:$0x3FB4] =	sst s6  }
0xf: {  	[smem:$0x3FB5] =	sst s7  }
0x10: {  	[smem:$0x3FB6] =	sst s8  }
0x11: {  	[smem:$0x3FB7] =	sst s9;
	s0 =	simm.s32 @!p0 $0x0  }
0x12: {  	s1 =	sld [smem:$0x3F9D];
	s0 =	simm.s32 @p0 $0x1  }
0x13: {  	[smem:$0x3FB8] =	sst s0;
	s0 =	simm.s32 @!p1 $0x0  }
0x14: {  	s2 =	sld [smem:$0x3F9C];
	s0 =	simm.s32 @p1 $0x1  }
0x15: {  	[smem:$0x3FB9] =	sst s0;
	s0 =	simm.s32 @!p2 $0x0  }
0x16: {  	s3 =	sld [smem:$0x3FDB];
	s0 =	simm.s32 @p2 $0x1  }
0x17: {  	s4 =	simm.s32 $0x1BF5;
	[smem:$0x3FBB] =	sst s0  }
0x18: {  	s0 =	sld [smem:$0x3F9E];
	_ =	swait.ge [sflag:s4], $0x0  }
0x19: {  	s7 =	sld [smem:$0x3F9F]  }
0x1a: {  	s8 =	sadd.s32 $0xFFFFE003, lr  }
0x1b: {  	s9 =	sadd.s32 $0xFFFFFEF7, lr;
	s5 =	simm.s32 $0xFFFFFFFF;
	p2 =	slt.u32 s8, $0xFFFFF086  }
0x1c: {  	p1 =	slt.u32 s9, $0xF7A;
	s5 =	simm.s32 @!p2 $0x0  }
0x1d: {  	s5 =	simm.s32 @p1 $0x1;
	p0 =	seq.s32 s7, s2  }
0x1e: {  	s7 =	smul.u32 @!p0 $0xF7A, s2;
	p2 =	seq.s32 @!p0 s5, $0x0  }
0x1f: {  	s9 =	smul.u32 $0xF7A, s1;
	s8 =	simm.s32 @!p0 $0x1BF5;
	p2 =	por !p2, p0  }
0x20: {  	[sflag:s8] =	ssyncset.s32 @!p0 $0xFFFFF086;
	s6 =	sadd.s32 @!p0 s3, s7;
	s7 =	simm.s32 @!p0 $0x108  }
0x21: {  	s3 =	sadd.s32 s3, s9;
	s6 =	sadd.s32 @!p0 $0x88, s6;
	s7 =	simm.s32 @p2 $0x1082  }
0x22: {  	[simem:s7], [sflag:s8] =	dma.local @!p0 [hbm:s6], $0xF7A  }
0x23: {  	s9 =	sor.u32 $0xD0000000, s2;
	s6 =	simm.s32 $0x108;
	_ =	swait.ge @!p0 [sflag:s8], $0x0  }
0x24: {  	s3 =	sadd.s32 $0x88, s3;
	s6 =	simm.s32 @!p1 $0x1082;
	[sflag:s4] =	ssyncset.s32 $0xFFFFF086  }
0x25: {  	[simem:s6], [sflag:s4] =	dma.local [hbm:s3], $0xF7A  }
0x26: {  	[smem:$0x3F9F] =	sst s1;
	(tag) =	ssettag s2;
	_ =	strace s9  }
0x27: {  	s1 =	sld [smem:$0x3FAF]  }
0x28: {  	s2 =	sld [smem:$0x3FB0]  }
0x29: {  	s4 =	sld [smem:$0x3FB2]  }
0x2a: {  	p0 =	seq.s32 s5, $0x0;
	s5 =	sld [smem:$0x3FB3]  }
0x2b: {  	s6 =	sld [smem:$0x3FB4]  }
0x2c: {  	s7 =	sld [smem:$0x3FB5]  }
0x2d: {  	s3 =	simm.s32 $0x108;
	s8 =	sld [smem:$0x3FB6]  }
0x2e: {  	s3 =	simm.s32 @!p0 $0x1082;
	s9 =	sld [smem:$0x3FB7]  }
0x2f: {  	lr =	sadd.s32 s0, s3;
	s0 =	sld [smem:$0x3FAE]  }
0x30: {  	s3 =	sld [smem:$0x3FB1]  }
0x31: {  	[smem:$0x3FBA] =	sst s10  }
0x32: {  	s10 =	sld [smem:$0x3FB8];
	_ =	sdelay $0x3  }
0x33: {  	p0 =	seq.s32 s10, $0x1;
	s10 =	sld [smem:$0x3FBA];
	_ =	sdelay $0x3  }
0x34: {  	[smem:$0x3FBA] =	sst s10  }
0x35: {  	s10 =	sld [smem:$0x3FB9];
	_ =	sdelay $0x3  }
0x36: {  	p1 =	seq.s32 s10, $0x1;
	s10 =	sld [smem:$0x3FBA];
	_ =	sdelay $0x3  }
0x37: {  	[smem:$0x3FBA] =	sst s10  }
0x38: {  	s10 =	sld [smem:$0x3FBB]  }
0x39: {  	_ = 	snop;
	(pc) =	sbr.ind lr, $3  }
0x3a: {  	_ = 	snop  }
0x3b: {  	_ = 	snop  }
0x3c: {  	p2 =	seq.s32 s10, $0x1;
	s10 =	sld [smem:$0x3FBA]  }
0x3d: {  	_ =	shalt  }
0x3e: {  	_ =	shalt  }
0x3f: {  	_ =	shalt  }
0x40: {  	_ =	shalt  }
0x41: {  	_ =	shalt  }
0x42: {  	_ =	shalt  }
0x43: {  	_ =	shalt  }
0x44: {  	_ =	shalt  }
0x45: {  	_ =	shalt  }
0x46: {  	_ =	shalt  }
0x47: {  	_ =	shalt  }
0x48: {  	_ =	shalt  }
0x49: {  	_ =	shalt  }
0x4a: {  	_ =	shalt  }
0x4b: {  	_ =	shalt  }
0x4c: {  	_ =	shalt  }
0x4d: {  	_ =	shalt  }
0x4e: {  	_ =	shalt  }
0x4f: {  	_ =	shalt  }
0x50: {  	_ =	shalt  }
0x51: {  	_ =	shalt  }
0x52: {  	_ =	shalt  }
0x53: {  	_ =	shalt  }
0x54: {  	_ =	shalt  }
0x55: {  	_ =	shalt  }
0x56: {  	_ =	shalt  }
0x57: {  	_ =	shalt  }
0x58: {  	_ =	shalt  }
0x59: {  	_ =	shalt  }
0x5a: {  	_ =	shalt  }
0x5b: {  	_ =	shalt  }
0x5c: {  	_ =	shalt  }
0x5d: {  	_ =	shalt  }
0x5e: {  	_ =	shalt  }
0x5f: {  	_ =	shalt  }
0x60: {  	_ =	shalt  }
0x61: {  	_ =	shalt  }
0x62: {  	_ =	shalt  }
0x63: {  	_ =	shalt  }
0x64: {  	_ =	shalt  }
0x65: {  	_ =	shalt  }
0x66: {  	_ =	shalt  }
0x67: {  	_ =	shalt  }
0x68: {  	_ =	shalt  }
0x69: {  	_ =	shalt  }
0x6a: {  	_ =	shalt  }
0x6b: {  	_ =	shalt  }
0x6c: {  	_ =	shalt  }
0x6d: {  	_ =	shalt  }
0x6e: {  	_ =	shalt  }
0x6f: {  	_ =	shalt  }
0x70: {  	_ =	shalt  }
0x71: {  	_ =	shalt  }
0x72: {  	_ =	shalt  }
0x73: {  	_ =	shalt  }
0x74: {  	_ =	shalt  }
0x75: {  	_ =	shalt  }
0x76: {  	_ =	shalt  }
0x77: {  	_ =	shalt  }
0x78: {  	_ =	shalt  }
0x79: {  	_ =	shalt  }
0x7a: {  	_ =	shalt  }
0x7b: {  	_ =	shalt  }
0x7c: {  	_ =	shalt  }
0x7d: {  	_ =	shalt  }
0x7e: {  	_ =	shalt  }
0x7f: {  	_ =	shalt  }
0x80: {  	_ =	shalt  }
0x81: {  	_ =	shalt  }
0x82: {  	_ =	shalt  }
0x83: {  	_ =	shalt  }
0x84: {  	_ =	shalt  }
0x85: {  	_ =	shalt  }
0x86: {  	_ =	shalt  }
0x87: {  	_ =	shalt  }
.Lfunc_end0:
.L_simem_size_0:
called_computation_lowered:
.L_overlay_start_0:
0x88: {  	s2 =	sld [smem:$0x3FD9]  }
0x89: {  	s3 =	sld [smem:$0x3FFE];
	_ =	sdelay $0x1  }
0x8a: {  	s1 =	srdreg.scid  }
0x8b: {  	s0 =	sand.u32 $0x1, s1  }
0x8c: {  	s16 =	sshll.u32 s0, $0xA;
	s2 =	sadd.s32 s3, s2  }
0x8d: {  	s2 =	sadd.s32 s2, s16  }
0x8e: {  	[smem:$0x3FC6] =	sst s2  }
0x8f: {  	_ = 	snop  }
0x90: {  	(tm) =	ssettm $0x1  }
0x91: {  	s17 =	sld [smem:$0x3FFB];
	_ =	sdelay $0x3  }
0x92: {  	_ =	strace s17  }
0x93: {  	s2 =	sld [smem:$0x3FFC];
	_ =	sdelay $0x3  }
0x94: {  	_ =	strace s2  }
0x95: {  	s2 =	sld [smem:$0x3FFD];
	_ =	sdelay $0x3  }
0x96: {  	_ =	strace s2  }
0x97: {  	_ =	strace $0x8FFFFFFF  }
0x98: {  	s18 =	sld [smem:$0x3FDB];
	_ =	sdelay $0x1  }
0x99: {  	s19 =	simm.s32 $_scs_section_size  }
0x9a: {  	s4 =	simm.s32 $_size__tile_overlayer_lowered;
	s5 =	simm.s32 $_tile_overlayer_lowered  }
0x9b: {  	s22 =	simm.s32 $0x1BFF;
	s21 =	sshll.u32 s5, $0x1;
	s2 =	sadd.s32 s19, s18  }
0x9c: {  	s6 =	simm.s32 $0x0;
	s20 =	sshll.u32 s4, $0x1;
	s4 =	sadd.s32 s21, s2  }
0x9d: {  	[timem:s6], [sflag:s22] =	dma.local [hbm:s4], s20  }
0x9e: {  	_ =	swait.ge [sflag:s22], s20  }
0x9f: {  	s3 =	ssub.s32 $0x0, s20;
	[sflag:s22] =	ssyncset.done $0x0  }
0xa0: {  	[sflag:s22] =	ssyncadd.s32 s3;
	_ =	sdelay $0x1  }
0xa1: {  	s23 =	simm.s32 $0x1B8B  }
0xa2: {  	_ =	swait.ge [sflag:s23], $0x1  }
0xa3: {  	[sflag:s23] =	ssyncset.done $0x0  }
0xa4: {  	s25 =	simm.s32 $0x1B8E;
	s24 =	sld [smem:$0x3FFE];
	[sflag:s23] =	ssyncadd.s32 $0xFFFFFFFF  }
0xa5: {  	s26 =	simm.s32 $execute0_lowered;
	[smem:$0x3FD2] =	sst s25  }
0xa6: {  	s4 =	sshll.u32 s26, $0x1;
	_ =	strace $0x80000046;
	[dreg:$0x1] =	wrdreg $0xFFFFFFFF  }
0xa7: {  	s28 =	simm.s32 $_size_execute0_lowered;
	s2 =	sadd.s32 s2, s4;
	[dreg:$0x0] =	wrdreg $0x0  }
0xa8: {  	s4 =	sshll.u32 s28, $0x1;
	[dreg:$0x2] =	wrdreg s2  }
0xa9: {  	[dreg:$0x3] =	wrdreg s4  }
0xaa: {  	[dreg:$0x4] =	wrdreg $0xC0  }
0xab: {  	_ =	task [dreg:s6], $0x5FFFF  }
0xac: {  	[dreg:$0x1] =	wrdreg $0xFFFFFFFF  }
0xad: {  	[dreg:$0x0] =	wrdreg $0x60  }
0xae: {  	[dreg:$0x2] =	wrdreg s24  }
0xaf: {  	[dreg:$0x3] =	wrdreg $0x9  }
0xb0: {  	_ =	task.clear_ibuf [dreg:s6], $0x4FFFF;
	_ =	strace $0x90000046  }
0xb1: {  	s29 =	simm.s32 $0x9;
	_ =	strace $0x80000048  }
0xb2: {  	_ =	swait.ge [sflag:s29], $0x1  }
0xb3: {  	[sflag:s29] =	ssyncadd.s32 $0xFFFFFFFF  }
0xb4: {  	_ =	strace $0x90000048  }
0xb5: {  	_ =	sfence  }
0xb6: {  	s30 =	sld [smem:$0x0];
	_ =	sdelay $0x2  }
0xb7: {  	s31 =	sshll.u32 s1, $0xD;
	s1 =	sshrl.u32 s1, $0x2  }
0xb8: {  	s3 =	sand.u32 $0x4000, s31;
	s1 =	sadd.s32 s1, s30  }
0xb9: {  	s0 =	sor.u32 s3, s0;
	s1 =	sshll.u32 s1, $0x11  }
0xba: {  	s0 =	sor.u32 s1, s0  }
0xbb: {  	s0 =	sadd.s32 $0x8F2B, s0  }
0xbc: {  	[sflag:s0] =	ssyncadd.remote.s32 $0x1  }
0xbd: {  	_ =	sfence.sel $0xFFFF  }
0xbe: {  	[dreg:$0x0] =	wrdreg $0xFFFFFFFF;
	(pc) =	sbr.abs _section_cstart, $3  }
0xbf: {  	[dreg:$0x1] =	wrdreg $0xFFFFFFFF  }
0xc0: {  	_ =	task.clear_ibuf [dreg:s6], $0x2FFFF;
	_ =	strace $0x9FFFFFFF  }
0xc1: {  	(tm) =	ssettm $0x7FFFFFFF  }
tec
execute0_lowered:
.L_overlay_start_1:
0x0: {  	(tag) =	ssettag $0x1  }
0x1: {  	v0 =	vimm.s32 $0x45054404;
	v1 =	vimm.s32 $0x47074606;
	v2 =	vimm.s32 $0x41014000  }
0x2: {  	v3 =	vimm.s32 $0x43034202;
	vm0 =	vcmask $0x1F10;
	v4 =	vimm.s32 $0x49094808  }
0x3: {  	v5 =	vimm.s32 $0x4B0B4A0A;
	v6 =	vimm.s32 $0x55155414;
	v7 =	vimm.s32 $0x57175616  }
0x4: {  	v8 =	vimm.s32 $0x59195818;
	v9 =	vimm.s32 $0x5B1B5A1A;
	v10 =	vimm.s32 $0x69296828  }
0x5: {  	v11 =	vimm.s32 $0x6B2B6A2A;
	v12 =	vimm.s32 $0x7B3B7A3A;
	v13 =	vimm.s32 $0xC787C686  }
0x6: {  	v14 =	vimm.s32 $0xC181C080;
	v15 =	vimm.s32 $0xC383C282;
	v16 =	vimm.s32 $0xD393D292  }
0x7: {  	v17 =	vimm.s32 $0xF1B1F0B0;
	v18 =	vimm.s32 $0xF3B3F2B2;
	vm14 =	vcmask $0x300  }
0x8: {  	vm13 =	vcmask $0x704;
	vm12 =	vcmask $0xB08;
	vm11 =	vcmask $0xF0C  }
0x9: {  	vm10 =	vcmask $0x1310;
	vm9 =	vcmask $0x1714;
	vm8 =	vcmask $0x1B18  }
0xa: {  	vm7 =	vcmask $0x1F1C;
	vm6 =	vcmask $0x2320;
	v19 =	vimm.s32 $0xFBBBFABA  }
0xb: {  	vm4 =	vcmask $0x2724;
	vm5 =	vcmask $0x2B28;
	vm3 =	vcmask $0x2F2C  }
0xc: {  	vm2 =	vcmask $0x3330;
	vm1 =	vcmask $0x3734;
	vm15 =	vcmask $0x3B38  }
0xd: {  	v20 =	vimm.s32 $0x167;
	v21 =	vimm.s32 $0x16F;
	v22 =	vimm.s32 $0x177  }
0xe: {  	v23 =	vimm.s32 $0x17F;
	v24 =	vimm.s32 $0x1C7;
	v25 =	vimm.s32 $0x1CF  }
0xf: {  	v26 =	vimm.s32 $0x1D7;
	v27 =	vimm.s32 $0x1DF;
	v28 =	vimm.s32 $0x1E7  }
0x10: {  	v29 =	vimm.s32 $0x1EF;
	v30 =	vimm.s32 $0x1F7;
	v31 =	vimm.s32 $0x1FF  }
0x11: {  	v0 =	vunpack.c.0.s8.s32 v0;
	v1 =	vunpack.c.0.s8.s32 v1;
	v2 =	vunpack.c.0.s8.s32 v2  }
0x12: {  	v3 =	vunpack.c.0.s8.s32 v3;
	v4 =	vunpack.c.0.s8.s32 v4;
	v5 =	vunpack.c.0.s8.s32 v5  }
0x13: {  	v6 =	vunpack.c.0.s8.s32 v6;
	v7 =	vunpack.c.0.s8.s32 v7;
	v10 =	vunpack.c.0.s8.s32 v10  }
0x14: {  	v11 =	vunpack.c.0.s8.s32 v11;
	v13 =	vunpack.c.0.s8.s32 v13;
	v14 =	vunpack.c.0.s8.s32 v14  }
0x15: {  	v15 =	vunpack.c.0.s8.s32 v15;
	v12 =	vunpack.c.0.s8.s32 v12;
	v16 =	vunpack.c.0.s8.s32 v16  }
0x16: {  	v19 =	vunpack.c.0.s8.s32 v19;
	v20 =	vsel vm14, $0x120, v20;
	v21 =	vsel vm14, $0x128, v21  }
0x17: {  	v22 =	vsel vm14, $0x130, v22;
	v23 =	vsel vm14, $0x138, v23;
	v24 =	vsel vm14, $0x180, v24  }
0x18: {  	v25 =	vsel vm14, $0x188, v25;
	v26 =	vsel vm14, $0x190, v26;
	v27 =	vsel vm14, $0x198, v27  }
0x19: {  	v28 =	vsel vm14, $0x1A0, v28;
	v29 =	vsel vm14, $0x1A8, v29;
	v30 =	vsel vm14, $0x1B0, v30  }
0x1a: {  	v31 =	vsel vm14, $0x1B8, v31;
	v20 =	vsel vm13, $0x160, v20;
	v21 =	vsel vm13, $0x168, v21  }
0x1b: {  	v22 =	vsel vm13, $0x170, v22;
	v23 =	vsel vm13, $0x178, v23;
	v24 =	vsel vm13, $0x1C0, v24  }
0x1c: {  	v25 =	vsel vm13, $0x1C8, v25;
	v26 =	vsel vm13, $0x1D0, v26;
	v27 =	vsel vm13, $0x1D8, v27  }
0x1d: {  	v28 =	vsel vm13, $0x1E0, v28;
	v29 =	vsel vm13, $0x1E8, v29;
	v30 =	vsel vm13, $0x1F0, v30  }
0x1e: {  	v31 =	vsel vm13, $0x1F8, v31;
	v0 =	vsel vm0, v1, v0;
	v1 =	vsel vm0, v3, v2  }
0x1f: {  	v2 =	vimm.s32 $0x4D0D4C0C;
	v3 =	vimm.s32 $0x4F0F4E0E;
	v20 =	vsel vm12, $0x121, v20  }
0x20: {  	v21 =	vsel vm12, $0x129, v21;
	v22 =	vsel vm12, $0x131, v22;
	v23 =	vsel vm12, $0x139, v23  }
0x21: {  	v24 =	vsel vm12, $0x181, v24;
	v25 =	vsel vm12, $0x189, v25;
	v26 =	vsel vm12, $0x191, v26  }
0x22: {  	v27 =	vsel vm12, $0x199, v27;
	v28 =	vsel vm12, $0x1A1, v28;
	v29 =	vsel vm12, $0x1A9, v29  }
0x23: {  	v30 =	vsel vm12, $0x1B1, v30;
	v31 =	vsel vm12, $0x1B9, v31;
	v2 =	vunpack.c.0.s8.s32 v2  }
0x24: {  	v3 =	vunpack.c.0.s8.s32 v3;
	v0 =	vcombine.low v1, v0;
	v20 =	vsel vm11, $0x161, v20  }
0x25: {  	v21 =	vsel vm11, $0x169, v21;
	v22 =	vsel vm11, $0x171, v22;
	v23 =	vsel vm11, $0x179, v23  }
0x26: {  	v24 =	vsel vm11, $0x1C1, v24;
	v25 =	vsel vm11, $0x1C9, v25;
	v26 =	vsel vm11, $0x1D1, v26  }
0x27: {  	v27 =	vsel vm11, $0x1D9, v27;
	v28 =	vsel vm11, $0x1E1, v28;
	v29 =	vsel vm11, $0x1E9, v29  }
0x28: {  	v30 =	vsel vm11, $0x1F1, v30;
	v31 =	vsel vm11, $0x1F9, v31;
	v20 =	vsel vm10, $0x122, v20  }
0x29: {  	v21 =	vsel vm10, $0x12A, v21;
	v22 =	vsel vm10, $0x132, v22;
	v23 =	vsel vm10, $0x13A, v23  }
0x2a: {  	v24 =	vsel vm10, $0x182, v24;
	v25 =	vsel vm10, $0x18A, v25;
	v26 =	vsel vm10, $0x192, v26  }
0x2b: {  	v27 =	vsel vm10, $0x19A, v27;
	v28 =	vsel vm10, $0x1A2, v28;
	v29 =	vsel vm10, $0x1AA, v29  }
0x2c: {  	v30 =	vsel vm10, $0x1B2, v30;
	v31 =	vsel vm10, $0x1BA, v31;
	v1 =	vsel vm0, v3, v2  }
0x2d: {  	v2 =	vsel vm0, v5, v4;
	v3 =	vsel vm0, v7, v6;
	v4 =	vimm.s32 $0x51115010  }
0x2e: {  	v5 =	vimm.s32 $0x53135212;
	v6 =	vimm.s32 $0x5D1D5C1C;
	v7 =	vimm.s32 $0x5F1F5E1E  }
0x2f: {  	v20 =	vsel vm9, $0x162, v20;
	v21 =	vsel vm9, $0x16A, v21;
	v22 =	vsel vm9, $0x172, v22  }
0x30: {  	v23 =	vsel vm9, $0x17A, v23;
	v24 =	vsel vm9, $0x1C2, v24;
	v25 =	vsel vm9, $0x1CA, v25  }
0x31: {  	v26 =	vsel vm9, $0x1D2, v26;
	v27 =	vsel vm9, $0x1DA, v27;
	v28 =	vsel vm9, $0x1E2, v28  }
0x32: {  	v29 =	vsel vm9, $0x1EA, v29;
	v30 =	vsel vm9, $0x1F2, v30;
	v31 =	vsel vm9, $0x1FA, v31  }
0x33: {  	v4 =	vunpack.c.0.s8.s32 v4;
	v5 =	vunpack.c.0.s8.s32 v5;
	v6 =	vunpack.c.0.s8.s32 v6  }
0x34: {  	v7 =	vunpack.c.0.s8.s32 v7;
	v1 =	vcombine.low v2, v1;
	v20 =	vsel vm8, $0x123, v20  }
0x35: {  	v21 =	vsel vm8, $0x12B, v21;
	v22 =	vsel vm8, $0x133, v22;
	v23 =	vsel vm8, $0x13B, v23  }
0x36: {  	v24 =	vsel vm8, $0x183, v24;
	v25 =	vsel vm8, $0x18B, v25;
	v26 =	vsel vm8, $0x193, v26  }
0x37: {  	v27 =	vsel vm8, $0x19B, v27;
	v28 =	vsel vm8, $0x1A3, v28;
	v29 =	vsel vm8, $0x1AB, v29  }
0x38: {  	v30 =	vsel vm8, $0x1B3, v30;
	v31 =	vsel vm8, $0x1BB, v31;
	v20 =	vsel vm7, $0x163, v20  }
0x39: {  	v21 =	vsel vm7, $0x16B, v21;
	v22 =	vsel vm7, $0x173, v22;
	v23 =	vsel vm7, $0x17B, v23  }
0x3a: {  	v24 =	vsel vm7, $0x1C3, v24;
	v25 =	vsel vm7, $0x1CB, v25;
	v26 =	vsel vm7, $0x1D3, v26  }
0x3b: {  	v27 =	vsel vm7, $0x1DB, v27;
	v28 =	vsel vm7, $0x1E3, v28;
	v29 =	vsel vm7, $0x1EB, v29  }
0x3c: {  	v30 =	vsel vm7, $0x1F3, v30;
	v31 =	vsel vm7, $0x1FB, v31;
	v4 =	vsel vm0, v5, v4  }
0x3d: {  	v5 =	vunpack.c.0.s8.s32 v8;
	v8 =	vunpack.c.0.s8.s32 v9;
	v9 =	vimm.s32 $0x6F2F6E2E  }
0x3e: {  	v20 =	vsel vm6, $0x124, v20;
	v21 =	vsel vm6, $0x12C, v21;
	v22 =	vsel vm6, $0x134, v22  }
0x3f: {  	v23 =	vsel vm6, $0x13C, v23;
	v24 =	vsel vm6, $0x184, v24;
	v25 =	vsel vm6, $0x18C, v25  }
0x40: {  	v26 =	vsel vm6, $0x194, v26;
	v27 =	vsel vm6, $0x19C, v27;
	v28 =	vsel vm6, $0x1A4, v28  }
0x41: {  	v29 =	vsel vm6, $0x1AC, v29;
	v30 =	vsel vm6, $0x1B4, v30;
	v31 =	vsel vm6, $0x1BC, v31  }
0x42: {  	v2 =	vcombine.low v4, v3;
	v3 =	vsel vm0, v7, v6;
	v6 =	vimm.s32 $0x67276626  }
0x43: {  	v7 =	vimm.s32 $0x63236222;
	v9 =	vunpack.c.0.s8.s32 v9;
	v20 =	vsel vm4, $0x164, v20  }
0x44: {  	v21 =	vsel vm4, $0x16C, v21;
	v22 =	vsel vm4, $0x174, v22;
	v23 =	vsel vm4, $0x17C, v23  }
0x45: {  	v24 =	vsel vm4, $0x1C4, v24;
	v25 =	vsel vm4, $0x1CC, v25;
	v26 =	vsel vm4, $0x1D4, v26  }
0x46: {  	v27 =	vsel vm4, $0x1DC, v27;
	v28 =	vsel vm4, $0x1E4, v28;
	v29 =	vsel vm4, $0x1EC, v29  }
0x47: {  	v30 =	vsel vm4, $0x1F4, v30;
	v31 =	vsel vm4, $0x1FC, v31;
	v4 =	vsel vm0, v8, v5  }
0x48: {  	v5 =	vimm.s32 $0x65256424;
	v8 =	vimm.s32 $0x6D2D6C2C;
	v7 =	vunpack.c.0.s8.s32 v7  }
0x49: {  	v20 =	vsel vm5, $0x125, v20;
	v21 =	vsel vm5, $0x12D, v21;
	v22 =	vsel vm5, $0x135, v22  }
0x4a: {  	v23 =	vsel vm5, $0x13D, v23;
	v24 =	vsel vm5, $0x185, v24;
	v25 =	vsel vm5, $0x18D, v25  }
0x4b: {  	v26 =	vsel vm5, $0x195, v26;
	v27 =	vsel vm5, $0x19D, v27;
	v28 =	vsel vm5, $0x1A5, v28  }
0x4c: {  	v29 =	vsel vm5, $0x1AD, v29;
	v30 =	vsel vm5, $0x1B5, v30;
	v31 =	vsel vm5, $0x1BD, v31  }
0x4d: {  	v3 =	vcombine.low v4, v3;
	v4 =	vunpack.c.0.s8.s32 v5;
	v5 =	vunpack.c.0.s8.s32 v6  }
0x4e: {  	v6 =	vimm.s32 $0x61216020;
	v8 =	vunpack.c.0.s8.s32 v8;
	v20 =	vsel vm3, $0x165, v20  }
0x4f: {  	v21 =	vsel vm3, $0x16D, v21;
	v22 =	vsel vm3, $0x175, v22;
	v23 =	vsel vm3, $0x17D, v23  }
0x50: {  	v24 =	vsel vm3, $0x1C5, v24;
	v25 =	vsel vm3, $0x1CD, v25;
	v26 =	vsel vm3, $0x1D5, v26  }
0x51: {  	v27 =	vsel vm3, $0x1DD, v27;
	v28 =	vsel vm3, $0x1E5, v28;
	v29 =	vsel vm3, $0x1ED, v29  }
0x52: {  	v30 =	vsel vm3, $0x1F5, v30;
	v31 =	vsel vm3, $0x1FD, v31;
	v6 =	vunpack.c.0.s8.s32 v6  }
0x53: {  	v20 =	vsel vm2, $0x126, v20;
	v21 =	vsel vm2, $0x12E, v21;
	v22 =	vsel vm2, $0x136, v22  }
0x54: {  	v23 =	vsel vm2, $0x13E, v23;
	v24 =	vsel vm2, $0x186, v24;
	v25 =	vsel vm2, $0x18E, v25  }
0x55: {  	v26 =	vsel vm2, $0x196, v26;
	v27 =	vsel vm2, $0x19E, v27;
	v28 =	vsel vm2, $0x1A6, v28  }
0x56: {  	v29 =	vsel vm2, $0x1AE, v29;
	v30 =	vsel vm2, $0x1B6, v30;
	v31 =	vsel vm2, $0x1BE, v31  }
0x57: {  	v4 =	vsel vm0, v5, v4;
	v20 =	vsel vm1, $0x166, v20;
	v21 =	vsel vm1, $0x16E, v21  }
0x58: {  	v22 =	vsel vm1, $0x176, v22;
	v5 =	vsel vm0, v7, v6;
	v6 =	vimm.s32 $0x75357434  }
0x59: {  	v7 =	vsel vm0, v9, v8;
	v8 =	vsel vm0, v11, v10;
	v9 =	vimm.s32 $0x77377636  }
0x5a: {  	v10 =	vimm.s32 $0x71317030;
	v11 =	vimm.s32 $0x73337232;
	v6 =	vunpack.c.0.s8.s32 v6  }
0x5b: {  	v9 =	vunpack.c.0.s8.s32 v9;
	v10 =	vunpack.c.0.s8.s32 v10;
	v11 =	vunpack.c.0.s8.s32 v11  }
0x5c: {  	v4 =	vcombine.low v5, v4;
	v5 =	vcombine.low v8, v7;
	v8 =	vimm.s32 $0x7D3D7C3C  }
0x5d: {  	v23 =	vsel vm1, $0x17E, v23;
	v8 =	vunpack.c.0.s8.s32 v8;
	v6 =	vsel vm0, v9, v6  }
0x5e: {  	v7 =	vsel vm0, v11, v10;
	v9 =	vimm.s32 $0x7F3F7E3E;
	v10 =	vimm.s32 $0xC585C484  }
0x5f: {  	v11 =	vimm.s32 $0x79397838;
	v10 =	vunpack.c.0.s8.s32 v10;
	v9 =	vunpack.c.0.s8.s32 v9  }
0x60: {  	v24 =	vsel vm1, $0x1C6, v24;
	v11 =	vunpack.c.0.s8.s32 v11;
	v6 =	vcombine.low v7, v6  }
0x61: {  	v7 =	vsel vm0, v13, v10;
	v10 =	vsel vm0, v15, v14;
	v8 =	vsel vm0, v9, v8  }
0x62: {  	v9 =	vsel vm0, v12, v11;
	v11 =	vimm.s32 $0xCF8FCE8E;
	v12 =	vimm.s32 $0xCB8BCA8A  }
0x63: {  	v13 =	vimm.s32 $0xD595D494;
	v14 =	vimm.s32 $0xD797D696;
	v10 =	vcombine.low v10, v7  }
0x64: {  	v15 =	vimm.s32 $0xD191D090;
	v7 =	vcombine.low v9, v8;
	v9 =	vimm.s32 $0xCD8DCC8C  }
0x65: {  	v8 =	vand.u32 $0xFF, v10;
	v10 =	vunpack.c.0.s8.s32 v11;
	v11 =	vimm.s32 $0xC989C888  }
0x66: {  	v12 =	vunpack.c.0.s8.s32 v12;
	v9 =	vunpack.c.0.s8.s32 v9;
	v11 =	vunpack.c.0.s8.s32 v11  }
0x67: {  	v13 =	vunpack.c.0.s8.s32 v13;
	v14 =	vunpack.c.0.s8.s32 v14;
	v15 =	vunpack.c.0.s8.s32 v15  }
0x68: {  	v9 =	vsel vm0, v10, v9;
	v10 =	vsel vm0, v12, v11;
	v11 =	vimm.s32 $0xDD9DDC9C  }
0x69: {  	v12 =	vsel vm0, v14, v13;
	v13 =	vsel vm0, v16, v15;
	v14 =	vimm.s32 $0xDF9FDE9E  }
0x6a: {  	v15 =	vimm.s32 $0xD999D898;
	v16 =	vimm.s32 $0xDB9BDA9A;
	v11 =	vunpack.c.0.s8.s32 v11  }
0x6b: {  	v14 =	vunpack.c.0.s8.s32 v14;
	v15 =	vunpack.c.0.s8.s32 v15;
	v16 =	vunpack.c.0.s8.s32 v16  }
0x6c: {  	v9 =	vcombine.low v10, v9;
	v10 =	vcombine.low v13, v12;
	v12 =	vimm.s32 $0xE5A5E4A4  }
0x6d: {  	v25 =	vsel vm1, $0x1CE, v25;
	v26 =	vsel vm1, $0x1D6, v26;
	v12 =	vunpack.c.0.s8.s32 v12  }
0x6e: {  	v11 =	vsel vm0, v14, v11;
	v13 =	vsel vm0, v16, v15;
	v14 =	vimm.s32 $0xE7A7E6A6  }
0x6f: {  	v15 =	vimm.s32 $0xE1A1E0A0;
	v16 =	vimm.s32 $0xE3A3E2A2;
	v14 =	vunpack.c.0.s8.s32 v14  }
0x70: {  	v27 =	vsel vm1, $0x1DE, v27;
	v15 =	vunpack.c.0.s8.s32 v15;
	v16 =	vunpack.c.0.s8.s32 v16  }
0x71: {  	v28 =	vsel vm1, $0x1E6, v28;
	v11 =	vcombine.low v13, v11;
	v12 =	vsel vm0, v14, v12  }
0x72: {  	v13 =	vsel vm0, v16, v15;
	v14 =	vimm.s32 $0xEDADECAC;
	v15 =	vimm.s32 $0xE9A9E8A8  }
0x73: {  	v16 =	vimm.s32 $0xEBABEAAA;
	v12 =	vcombine.low v13, v12;
	v13 =	vunpack.c.0.s8.s32 v14  }
0x74: {  	v14 =	vimm.s32 $0xEFAFEEAE;
	v15 =	vunpack.c.0.s8.s32 v15;
	v16 =	vunpack.c.0.s8.s32 v16  }
0x75: {  	v29 =	vsel vm1, $0x1EE, v29;
	v30 =	vsel vm1, $0x1F6, v30;
	v14 =	vunpack.c.0.s8.s32 v14  }
0x76: {  	v31 =	vsel vm1, $0x1FE, v31;
	v20 =	vsel vm15, $0x127, v20;
	v15 =	vsel vm0, v16, v15  }
0x77: {  	v16 =	vimm.s32 $0xF7B7F6B6;
	v13 =	vsel vm0, v14, v13;
	v14 =	vimm.s32 $0xF5B5F4B4  }
0x78: {  	v21 =	vsel vm15, $0x12F, v21;
	v16 =	vunpack.c.0.s8.s32 v16;
	v14 =	vunpack.c.0.s8.s32 v14  }
0x79: {  	v13 =	vcombine.low v15, v13;
	v15 =	vunpack.c.0.s8.s32 v17;
	v17 =	vunpack.c.0.s8.s32 v18  }
0x7a: {  	v22 =	vsel vm15, $0x137, v22;
	v14 =	vsel vm0, v16, v14;
	v16 =	vimm.s32 $0x147  }
0x7b: {  	v23 =	vsel vm15, $0x13F, v23;
	v15 =	vsel vm0, v17, v15;
	v16 =	vsel vm14, $0x100, v16  }
0x7c: {  	v24 =	vsel vm15, $0x187, v24;
	v14 =	vcombine.low v15, v14;
	v15 =	vsel vm13, $0x140, v16  }
0x7d: {  	v25 =	vsel vm15, $0x18F, v25;
	v26 =	vsel vm15, $0x197, v26;
	v15 =	vsel vm12, $0x101, v15  }
0x7e: {  	v27 =	vsel vm15, $0x19F, v27;
	v28 =	vsel vm15, $0x1A7, v28;
	v15 =	vsel vm11, $0x141, v15  }
0x7f: {  	v29 =	vsel vm15, $0x1AF, v29;
	v30 =	vsel vm15, $0x1B7, v30;
	v15 =	vsel vm10, $0x102, v15  }
0x80: {  	v31 =	vsel vm15, $0x1BF, v31;
	v9 =	vand.u32 $0xFF, v9;
	v15 =	vsel vm9, $0x142, v15  }
0x81: {  	v10 =	vand.u32 $0xFF, v10;
	v18 =	vimm.s32 $0xF9B9F8B8;
	v15 =	vsel vm8, $0x103, v15  }
0x82: {  	v11 =	vand.u32 $0xFF, v11;
	v18 =	vunpack.c.0.s8.s32 v18;
	v15 =	vsel vm7, $0x143, v15  }
0x83: {  	v17 =	vimm.s32 $0xFFBFFEBE;
	v16 =	vimm.s32 $0xFDBDFCBC;
	v15 =	vsel vm6, $0x104, v15  }
0x84: {  	v17 =	vunpack.c.0.s8.s32 v17;
	v16 =	vunpack.c.0.s8.s32 v16;
	v15 =	vsel vm4, $0x144, v15  }
0x85: {  	v12 =	vand.u32 $0xFF, v12;
	v13 =	vand.u32 $0xFF, v13;
	v15 =	vsel vm5, $0x105, v15  }
0x86: {  	v16 =	vsel vm0, v17, v16;
	v17 =	vsel vm0, v19, v18;
	v15 =	vsel vm3, $0x145, v15  }
0x87: {  	v14 =	vand.u32 $0xFF, v14;
	v16 =	vcombine.low v17, v16;
	v15 =	vsel vm2, $0x106, v15  }
0x88: {  	v18 =	vimm.s32 $0x157;
	v19 =	vimm.s32 $0x15F;
	v17 =	vsel vm1, $0x146, v15  }
0x89: {  	v15 =	vand.u32 $0xFF, v16;
	v16 =	vsel vm15, $0x107, v17;
	v17 =	vimm.s32 $0x14F  }
0x8a: {  	v18 =	vsel vm14, $0x110, v18;
	v19 =	vsel vm14, $0x118, v19;
	v17 =	vsel vm14, $0x108, v17  }
0x8b: {  	s0 =	srdreg.scid;
	v18 =	vsel vm13, $0x150, v18;
	v19 =	vsel vm13, $0x158, v19;
	v17 =	vsel vm13, $0x148, v17  }
0x8c: {  	s1 =	stileid.u32;
	s5 =	rddreg [dreg:$0x0];
	s2 =	simm.s32 $0x0;
	v18 =	vsel vm12, $0x111, v18;
	v19 =	vsel vm12, $0x119, v19;
	v17 =	vsel vm12, $0x109, v17  }
0x8d: {  	s12 =	simm.s32 $0x80;
	s19 =	simm.s32 $0x14E00;
	s20 =	simm.s32 $0xCC80;
	v18 =	vsel vm11, $0x151, v18;
	v19 =	vsel vm11, $0x159, v19;
	v17 =	vsel vm11, $0x149, v17  }
0x8e: {  	s21 =	simm.s32 $0x1;
	s22 =	simm.s32 $0x14E80;
	s23 =	simm.s32 $0x10C80;
	v18 =	vsel vm10, $0x112, v18;
	v19 =	vsel vm10, $0x11A, v19;
	v17 =	vsel vm10, $0x10A, v17  }
0x8f: {  	s24 =	simm.s32 $0x2;
	s25 =	simm.s32 $0x3;
	s26 =	simm.s32 $0x4;
	v18 =	vsel vm9, $0x152, v18;
	v19 =	vsel vm9, $0x15A, v19;
	v17 =	vsel vm9, $0x14A, v17  }
0x90: {  	s28 =	simm.s32 $0x5;
	s0 =	sand.u32 $0x1, s0;
	s1 =	sshll.u32 s1, $0x1;
	v18 =	vsel vm8, $0x113, v18;
	v19 =	vsel vm8, $0x11B, v19;
	v17 =	vsel vm8, $0x10B, v17  }
0x91: {  	s30 =	simm.s32 $0x7;
	s31 =	simm.s32 $0x8;
	s1 =	sor.u32 s0, s1;
	v18 =	vsel vm7, $0x153, v18;
	v19 =	vsel vm7, $0x15B, v19;
	v17 =	vsel vm7, $0x14B, v17  }
0x92: {  	s13 =	simm.s32 $0x0;
	[smem:$0x7FF] =	sst s2;
	s3 =	smul.u32 $0x190, s1;
	v18 =	vsel vm6, $0x114, v18;
	v19 =	vsel vm6, $0x11C, v19;
	v17 =	vsel vm6, $0x10C, v17  }
0x93: {  	_ =	strace $0x80000047;
	s0 =	ssub.s32 $0x2, s0;
	s4 =	smul.u32 $0x19, s1;
	v18 =	vsel vm4, $0x154, v18;
	v19 =	vsel vm4, $0x15C, v19;
	v17 =	vsel vm4, $0x14C, v17  }
.Ltmp0:
0x94: {  	s7 =	sshrl.u32 s0, $0x1;
	s1 =	simm.s32 $0x9;
	v18 =	vsel vm5, $0x115, v18;
	v19 =	vsel vm5, $0x11D, v19;
	v17 =	vsel vm5, $0x10D, v17;
	(pc) =	sbr.rel .LBB2_1-.Ltmp0, $4  }
0x95: {  	s0 =	ssub.s32 s0, s7;
	s6 =	sadd.s32 s3, s5;
	s3 =	sadd.s32 $0x196E00, s5;
	v18 =	vsel vm3, $0x155, v18;
	v19 =	vsel vm3, $0x15D, v19;
	v17 =	vsel vm3, $0x14D, v17  }
0x96: {  	s5 =	sadd.s32 $0xA00, s5;
	s7 =	sadd.s32 $0x1, s4;
	s0 =	smax.u32 s0, $0x1;
	v18 =	vsel vm2, $0x116, v18;
	v19 =	vsel vm2, $0x11E, v19;
	v17 =	vsel vm2, $0x10E, v17  }
0x97: {  	s8 =	sadd.s32 $0x2, s4;
	s29 =	sadd.s32 $0x190A00, s6;
	[dreg:$0x3] =	wrdreg s0;
	v18 =	vsel vm1, $0x156, v18;
	v19 =	vsel vm1, $0x15E, v19;
	v17 =	vsel vm1, $0x14E, v17  }
0x98: {  	s9 =	sadd.s32 $0x3, s4;
	s0 =	simm.s32 $0xA;
	[dreg:$0x2] =	wrdreg s29;
	v18 =	vsel vm15, $0x117, v18;
	v19 =	vsel vm15, $0x11F, v19;
	v17 =	vsel vm15, $0x10F, v17  }
.LBB2_14:
0x99: {  	s6 =	simm.s32 $0x6  }
0x9a: {  	_ =	swait.ge [sflag:s6], $0x2000  }
0x9b: {  	[sflag:s6] =	ssyncset.done $0x0  }
0x9c: {  	[sflag:s6] =	ssyncadd.s32 $0xFFFFE000  }
0x9d: {  	_ =	swait.ge [sflag:s30], $0x2000  }
0x9e: {  	[sflag:s30] =	ssyncset.done $0x0  }
0x9f: {  	[sflag:s30] =	ssyncadd.s32 $0xFFFFE000  }
0xa0: {  	_ =	swait.ge [sflag:s31], $0x2000  }
0xa1: {  	[sflag:s31] =	ssyncset.done $0x0  }
0xa2: {  	[sflag:s31] =	ssyncadd.s32 $0xFFFFE000  }
0xa3: {  	_ =	swait.ge [sflag:s1], $0x2000  }
0xa4: {  	[sflag:s1] =	ssyncset.done $0x0  }
0xa5: {  	[sflag:s1] =	ssyncadd.s32 $0xFFFFE000  }
0xa6: {  	_ =	swait.ge [sflag:s0], $0x2000  }
0xa7: {  	s13 =	sadd.s32 $0x1, s13;
	s29 =	rddreg [dreg:$0x3]  }
0xa8: {  	p0 =	sne.s32 s13, s29  }
.Ltmp1:
0xa9: {  	_ = 	snop;
	(pc) =	sbr.rel @!p0 .LBB2_15-.Ltmp1, $3  }
0xaa: {  	_ =	sdelay $0x1  }
0xab: {  	[sflag:s0] =	ssyncset.done $0x0  }
0xac: {  	[sflag:s0] =	ssyncadd.s32 $0xFFFFE000  }
.LBB2_1:
0xad: {  	s6 =	rddreg [dreg:$0x2];
	s14 =	simm.s32 $0xB  }
0xae: {  	[tilespmem:s2], [sflag:$0xB] =	stream.linear.gather [hbm4b:s6+s2], $0xC80, $0x38;
	[tilespmem:$0x14F00] =	vst v63  }
0xaf: {  	_ =	swait.ge [sflag:s14], $0xC80  }
0xb0: {  	[sflag:s14] =	ssyncset.done $0x0  }
0xb1: {  	[sflag:s14] =	ssyncadd.s32 $0xFFFFF380  }
0xb2: {  	v32 =	vld.idx.msk [tilespmem:v0+s2+$0x0], $0xffff;
	_ =	sdelay $0x4  }
0xb3: {  	[tilespmem:$0x14C80] =	vst v32  }
0xb4: {  	v32 =	vld.idx.msk [tilespmem:v1+s2+$0x0], $0xffff;
	_ =	sdelay $0x4  }
0xb5: {  	[tilespmem:$0x14C90] =	vst v32  }
0xb6: {  	v32 =	vld.idx.msk [tilespmem:v2+s2+$0x0], $0xffff;
	_ =	sdelay $0x4  }
0xb7: {  	[tilespmem:$0x14CA0] =	vst v32  }
0xb8: {  	v32 =	vld.idx.msk [tilespmem:v3+s2+$0x0], $0xffff;
	_ =	sdelay $0x4  }
0xb9: {  	[tilespmem:$0x14CB0] =	vst v32  }
0xba: {  	v32 =	vld.idx.msk [tilespmem:v4+s2+$0x0], $0xffff;
	_ =	sdelay $0x4  }
0xbb: {  	[tilespmem:$0x14CC0] =	vst v32  }
0xbc: {  	v32 =	vld.idx.msk [tilespmem:v5+s2+$0x0], $0xffff;
	_ =	sdelay $0x4  }
0xbd: {  	[tilespmem:$0x14CD0] =	vst v32  }
0xbe: {  	v32 =	vld.idx.msk [tilespmem:v6+s2+$0x0], $0xffff;
	_ =	sdelay $0x4  }
0xbf: {  	[tilespmem:$0x14CE0] =	vst v32  }
0xc0: {  	v32 =	vld.idx.msk [tilespmem:v7+s2+$0x0], $0xffff;
	_ =	sdelay $0x4  }
0xc1: {  	s15 =	simm.s32 $0x14C80;
	s10 =	simm.s32 $0xC80;
	[tilespmem:$0x14CF0] =	vst v32  }
0xc2: {  	[tilespmem:s10], [sflag:$0x1] =	stream.indirect.gather [hbm4b:s5+s12], $0x80, s15, s12, $0xb8;
	[tilespmem:$0x14F00] =	vst v63  }
0xc3: {  	v32 =	vld.idx.msk [tilespmem:v8+s2+$0x0], $0xffff;
	_ =	sdelay $0x4  }
0xc4: {  	[tilespmem:$0x14D00] =	vst v32  }
0xc5: {  	v32 =	vld.idx.msk [tilespmem:v9+s2+$0x0], $0xffff;
	_ =	sdelay $0x4  }
0xc6: {  	[tilespmem:$0x14D10] =	vst v32  }
0xc7: {  	v32 =	vld.idx.msk [tilespmem:v10+s2+$0x0], $0xffff;
	_ =	sdelay $0x4  }
0xc8: {  	[tilespmem:$0x14D20] =	vst v32  }
0xc9: {  	v32 =	vld.idx.msk [tilespmem:v11+s2+$0x0], $0xffff;
	_ =	sdelay $0x4  }
0xca: {  	[tilespmem:$0x14D30] =	vst v32  }
0xcb: {  	v32 =	vld.idx.msk [tilespmem:v12+s2+$0x0], $0xffff;
	_ =	sdelay $0x4  }
0xcc: {  	[tilespmem:$0x14D40] =	vst v32  }
0xcd: {  	v32 =	vld.idx.msk [tilespmem:v13+s2+$0x0], $0xffff;
	_ =	sdelay $0x4  }
0xce: {  	[tilespmem:$0x14D50] =	vst v32  }
0xcf: {  	v32 =	vld.idx.msk [tilespmem:v14+s2+$0x0], $0xffff;
	_ =	sdelay $0x4  }
0xd0: {  	[tilespmem:$0x14D60] =	vst v32  }
0xd1: {  	v32 =	vld.idx.msk [tilespmem:v15+s2+$0x0], $0xffff;
	_ =	sdelay $0x4  }
0xd2: {  	s16 =	simm.s32 $0x14D00;
	s17 =	simm.s32 $0x4C80;
	[tilespmem:$0x14D70] =	vst v32  }
0xd3: {  	[tilespmem:s17], [sflag:$0x2] =	stream.indirect.gather [hbm4b:s5+s12], $0x80, s16, s12, $0xb8;
	[tilespmem:$0x14F00] =	vst v63  }
0xd4: {  	v32 =	vld.idx.msk [tilespmem:v16+s2+$0x0], $0xffff;
	_ =	sdelay $0x4  }
0xd5: {  	[tilespmem:$0x14D80] =	vst v32  }
0xd6: {  	v32 =	vld.idx.msk [tilespmem:v17+s2+$0x0], $0xffff;
	_ =	sdelay $0x4  }
0xd7: {  	[tilespmem:$0x14D90] =	vst v32  }
0xd8: {  	v32 =	vld.idx.msk [tilespmem:v18+s2+$0x0], $0xffff;
	_ =	sdelay $0x4  }
0xd9: {  	[tilespmem:$0x14DA0] =	vst v32  }
0xda: {  	v32 =	vld.idx.msk [tilespmem:v19+s2+$0x0], $0xffff;
	_ =	sdelay $0x4  }
0xdb: {  	[tilespmem:$0x14DB0] =	vst v32  }
0xdc: {  	v32 =	vld.idx.msk [tilespmem:v20+s2+$0x0], $0xffff;
	_ =	sdelay $0x4  }
0xdd: {  	[tilespmem:$0x14DC0] =	vst v32  }
0xde: {  	v32 =	vld.idx.msk [tilespmem:v21+s2+$0x0], $0xffff;
	_ =	sdelay $0x4  }
0xdf: {  	[tilespmem:$0x14DD0] =	vst v32  }
0xe0: {  	v32 =	vld.idx.msk [tilespmem:v22+s2+$0x0], $0xffff;
	_ =	sdelay $0x4  }
0xe1: {  	[tilespmem:$0x14DE0] =	vst v32  }
0xe2: {  	v32 =	vld.idx.msk [tilespmem:v23+s2+$0x0], $0xffff;
	_ =	sdelay $0x4  }
0xe3: {  	s18 =	simm.s32 $0x14D80;
	s29 =	simm.s32 $0x8C80;
	[tilespmem:$0x14DF0] =	vst v32  }
0xe4: {  	[tilespmem:s29], [sflag:$0x3] =	stream.indirect.gather [hbm4b:s5+s12], $0x80, s18, s12, $0xb8;
	[tilespmem:$0x14F00] =	vst v63  }
0xe5: {  	v32 =	vld.idx.msk [tilespmem:v24+s2+$0x0], $0xffff;
	_ =	sdelay $0x4  }
0xe6: {  	[tilespmem:$0x14E00] =	vst v32  }
0xe7: {  	v32 =	vld.idx.msk [tilespmem:v25+s2+$0x0], $0xffff;
	_ =	sdelay $0x4  }
0xe8: {  	[tilespmem:$0x14E10] =	vst v32  }
0xe9: {  	v32 =	vld.idx.msk [tilespmem:v26+s2+$0x0], $0xffff;
	_ =	sdelay $0x4  }
0xea: {  	[tilespmem:$0x14E20] =	vst v32  }
0xeb: {  	v32 =	vld.idx.msk [tilespmem:v27+s2+$0x0], $0xffff;
	_ =	sdelay $0x4  }
0xec: {  	[tilespmem:$0x14E30] =	vst v32  }
0xed: {  	v32 =	vld.idx.msk [tilespmem:v28+s2+$0x0], $0xffff;
	_ =	sdelay $0x4  }
0xee: {  	[tilespmem:$0x14E40] =	vst v32  }
0xef: {  	v32 =	vld.idx.msk [tilespmem:v29+s2+$0x0], $0xffff;
	_ =	sdelay $0x4  }
0xf0: {  	[tilespmem:$0x14E50] =	vst v32  }
0xf1: {  	v32 =	vld.idx.msk [tilespmem:v30+s2+$0x0], $0xffff;
	_ =	sdelay $0x4  }
0xf2: {  	[tilespmem:$0x14E60] =	vst v32  }
0xf3: {  	v32 =	vld.idx.msk [tilespmem:v31+s2+$0x0], $0xffff;
	_ =	sdelay $0x4  }
0xf4: {  	s14 =	simm.s32 $0x0;
	[tilespmem:$0x14E70] =	vst v32  }
0xf5: {  	[tilespmem:s20], [sflag:$0x4] =	stream.indirect.gather [hbm4b:s5+s12], $0x80, s19, s12, $0xb8;
	[tilespmem:$0x14F00] =	vst v63  }
.LBB2_2:
0xf6: {  	s16 =	smul.u32 $0x5, s14;
	_ =	sdelay $0x1  }
0xf7: {  	s6 =	sadd.s32 s4, s16  }
0xf8: {  	_ =	swait.ge [sflag:s21], $0x4000;
	s10 =	simm.s32 $0xC80;
	s6 =	sshll.u32 s6, $0xA  }
0xf9: {  	s15 =	simm.s32 $0x8;
	[sflag:s21] =	ssyncset.done $0x0;
	s6 =	sadd.s32 s3, s6  }
0xfa: {  	s11 =	simm.s32 $0xD00;
	[sflag:s21] =	ssyncadd.s32 $0xFFFFC000;
	s17 =	sadd.s32 $0x0, s6  }
.LBB2_3:
0xfb: {  	[hbm4b:s17+s2] =	stream.linear.scatter [tilespmem:s10], [sflag:$0x6], $0x40, $0x38;
	[tilespmem:$0x14F00] =	vst v63  }
0xfc: {  	s17 =	smov.u32 s15;
	s10 =	smov.u32 s11;
	p0 =	sne.s32 s15, $0x3F8  }
.Ltmp2:
0xfd: {  	s15 =	sadd.s32 $0x8, s15;
	(pc) =	sbr.rel @p0 .LBB2_3-.Ltmp2, $2  }
0xfe: {  	_ =	sdelay $0x2  }
0xff: {  	s11 =	sadd.s32 $0x80, s11;
	s17 =	sadd.s32 s17, s6  }
0x100: {  	[hbm4b:s17+s2] =	stream.linear.scatter [tilespmem:s10], [sflag:$0x6], $0x40, $0x38;
	[tilespmem:$0x14F00] =	vst v63  }
0x101: {  	s15 =	sadd.s32 $0x4, s16  }
0x102: {  	s6 =	sshll.u32 s15, $0x7  }
0x103: {  	p0 =	seq.s32 s14, $0x0;
	v32 =	vor.u32 s6, v0  }
0x104: {  	s10 =	simm.s32 @!p0 $0xA  }
0x105: {  	_ =	swait.ge @!p0 [sflag:s10], $0x2000  }
0x106: {  	[sflag:s10] =	ssyncset.done @!p0 $0x0  }
0x107: {  	[sflag:s10] =	ssyncadd.s32 @!p0 $0xFFFFE000;
	s10 =	simm.s32 $0x0  }
0x108: {  	s11 =	sor.u32 $0x8, s6;
	v32 =	vld.idx.msk [tilespmem:v32+s10+$0x0], $0xffff  }
0x109: {  	v33 =	vor.u32 s11, v0;
	_ =	sdelay $0x3  }
0x10a: {  	[tilespmem:$0x14E80] =	vst v32  }
0x10b: {  	s17 =	sor.u32 $0x10, s6;
	v32 =	vld.idx.msk [tilespmem:v33+s10+$0x0], $0xffff  }
0x10c: {  	v58 =	vor.u32 s17, v0;
	_ =	sdelay $0x3  }
0x10d: {  	[tilespmem:$0x14E90] =	vst v32  }
0x10e: {  	s18 =	sor.u32 $0x18, s6;
	v32 =	vld.idx.msk [tilespmem:v58+s10+$0x0], $0xffff  }
0x10f: {  	v59 =	vor.u32 s18, v0;
	_ =	sdelay $0x3  }
0x110: {  	[tilespmem:$0x14EA0] =	vst v32  }
0x111: {  	s29 =	sor.u32 $0x20, s6;
	v32 =	vld.idx.msk [tilespmem:v59+s10+$0x0], $0xffff  }
0x112: {  	v60 =	vor.u32 s29, v0;
	_ =	sdelay $0x3  }
0x113: {  	[tilespmem:$0x14EB0] =	vst v32  }
0x114: {  	s17 =	sor.u32 $0x28, s6;
	v32 =	vld.idx.msk [tilespmem:v60+s10+$0x0], $0xffff  }
0x115: {  	v61 =	vor.u32 s17, v0;
	_ =	sdelay $0x3  }
0x116: {  	[tilespmem:$0x14EC0] =	vst v32  }
0x117: {  	s18 =	sor.u32 $0x30, s6;
	v32 =	vld.idx.msk [tilespmem:v61+s10+$0x0], $0xffff  }
0x118: {  	v62 =	vor.u32 s18, v0;
	_ =	sdelay $0x3  }
0x119: {  	[tilespmem:$0x14ED0] =	vst v32  }
0x11a: {  	s6 =	sor.u32 $0x38, s6;
	v32 =	vld.idx.msk [tilespmem:v62+s10+$0x0], $0xffff  }
0x11b: {  	v63 =	vor.u32 s6, v0;
	_ =	sdelay $0x3  }
0x11c: {  	[tilespmem:$0x14EE0] =	vst v32  }
0x11d: {  	v32 =	vld.idx.msk [tilespmem:v63+s10+$0x0], $0xffff;
	_ =	sdelay $0x3  }
0x11e: {  	s29 =	sadd.s32 s16, s7  }
0x11f: {  	s6 =	sshll.u32 s29, $0xA;
	[tilespmem:$0x14EF0] =	vst v32  }
0x120: {  	[tilespmem:s23], [sflag:$0x5] =	stream.indirect.gather [hbm4b:s5+s12], $0x80, s22, s12, $0xb8;
	[tilespmem:$0x14F00] =	vst v63  }
0x121: {  	s11 =	simm.s32 $0x4D00;
	s6 =	sand.u32 $0x1FFFFC00, s6;
	_ =	swait.ge [sflag:s24], $0x4000  }
0x122: {  	s18 =	simm.s32 $0x4C80;
	s17 =	sadd.s32 s3, s6;
	[sflag:s24] =	ssyncset.done $0x0  }
0x123: {  	s6 =	sadd.s32 $0x0, s17;
	s10 =	simm.s32 $0x8;
	[sflag:s24] =	ssyncadd.s32 $0xFFFFC000  }
.LBB2_5:
0x124: {  	[hbm4b:s6+s2] =	stream.linear.scatter [tilespmem:s18], [sflag:$0x7], $0x40, $0x38;
	[tilespmem:$0x14F00] =	vst v63  }
0x125: {  	s6 =	smov.u32 s10;
	s18 =	smov.u32 s11;
	p0 =	sne.s32 s10, $0x3F8  }
.Ltmp3:
0x126: {  	s10 =	sadd.s32 $0x8, s10;
	(pc) =	sbr.rel @p0 .LBB2_5-.Ltmp3, $2  }
0x127: {  	_ =	sdelay $0x2  }
0x128: {  	s11 =	sadd.s32 $0x80, s11;
	s6 =	sadd.s32 s6, s17  }
0x129: {  	p0 =	seq.s32 s14, $0x4  }
0x12a: {  	v32 =	vimm.s32 @!p0 $0x45054404;
	v33 =	vimm.s32 @!p0 $0x47074606  }
0x12b: {  	v34 =	vimm.s32 @!p0 $0x41014000;
	v35 =	vimm.s32 @!p0 $0x43034202;
	v32 =	vunpack.c.0.s8.s32 @!p0 v32  }
0x12c: {  	v33 =	vunpack.c.0.s8.s32 @!p0 v33;
	v34 =	vunpack.c.0.s8.s32 @!p0 v34;
	v35 =	vunpack.c.0.s8.s32 @!p0 v35  }
0x12d: {  	vm0 =	vcmask @!p0 $0x1F10  }
0x12e: {  	s17 =	smul.u32 @!p0 $0x280, s14;
	v32 =	vsel @!p0 vm0, v33, v32;
	v33 =	vsel @!p0 vm0, v35, v34  }
0x12f: {  	v32 =	vcombine.low @!p0 v33, v32  }
0x130: {  	s10 =	sadd.s32 @!p0 $0x280, s17  }
0x131: {  	[hbm4b:s6+s2] =	stream.linear.scatter [tilespmem:s18], [sflag:$0x7], $0x40, $0x38;
	v33 =	vor.u32 @!p0 s10, v32;
	[tilespmem:$0x14F00] =	vst v63  }
0x132: {  	s6 =	simm.s32 @!p0 $0x6  }
0x133: {  	_ =	swait.ge @!p0 [sflag:s6], $0x2000  }
0x134: {  	[sflag:s6] =	ssyncset.done @!p0 $0x0  }
0x135: {  	[sflag:s6] =	ssyncadd.s32 @!p0 $0xFFFFE000;
	s6 =	simm.s32 @!p0 $0x0  }
0x136: {  	s10 =	sadd.s32 @!p0 $0x288, s17;
	v33 =	vld.idx.msk @!p0 [tilespmem:v33+s6+$0x0], $0xffff  }
0x137: {  	v34 =	vor.u32 @!p0 s10, v32;
	_ =	sdelay $0x3  }
0x138: {  	[tilespmem:$0x14C80] =	vst @!p0 v33  }
0x139: {  	s10 =	sadd.s32 @!p0 $0x290, s17;
	v33 =	vld.idx.msk @!p0 [tilespmem:v34+s6+$0x0], $0xffff  }
0x13a: {  	v34 =	vor.u32 @!p0 s10, v32;
	_ =	sdelay $0x3  }
0x13b: {  	[tilespmem:$0x14C90] =	vst @!p0 v33  }
0x13c: {  	s10 =	sadd.s32 @!p0 $0x298, s17;
	v33 =	vld.idx.msk @!p0 [tilespmem:v34+s6+$0x0], $0xffff  }
0x13d: {  	v34 =	vor.u32 @!p0 s10, v32;
	_ =	sdelay $0x3  }
0x13e: {  	[tilespmem:$0x14CA0] =	vst @!p0 v33  }
0x13f: {  	s10 =	sadd.s32 @!p0 $0x2A0, s17;
	v33 =	vld.idx.msk @!p0 [tilespmem:v34+s6+$0x0], $0xffff  }
0x140: {  	v34 =	vor.u32 @!p0 s10, v32;
	_ =	sdelay $0x3  }
0x141: {  	[tilespmem:$0x14CB0] =	vst @!p0 v33  }
0x142: {  	s10 =	sadd.s32 @!p0 $0x2A8, s17;
	v33 =	vld.idx.msk @!p0 [tilespmem:v34+s6+$0x0], $0xffff  }
0x143: {  	v34 =	vor.u32 @!p0 s10, v32;
	_ =	sdelay $0x3  }
0x144: {  	[tilespmem:$0x14CC0] =	vst @!p0 v33  }
0x145: {  	s10 =	sadd.s32 @!p0 $0x2B0, s17;
	v33 =	vld.idx.msk @!p0 [tilespmem:v34+s6+$0x0], $0xffff  }
0x146: {  	v34 =	vor.u32 @!p0 s10, v32;
	_ =	sdelay $0x3  }
0x147: {  	[tilespmem:$0x14CD0] =	vst @!p0 v33  }
0x148: {  	s10 =	sadd.s32 @!p0 $0x2B8, s17;
	v33 =	vld.idx.msk @!p0 [tilespmem:v34+s6+$0x0], $0xffff  }
0x149: {  	v32 =	vor.u32 @!p0 s10, v32;
	_ =	sdelay $0x3  }
0x14a: {  	[tilespmem:$0x14CE0] =	vst @!p0 v33  }
0x14b: {  	v32 =	vld.idx.msk @!p0 [tilespmem:v32+s6+$0x0], $0xffff;
	_ =	sdelay $0x3  }
0x14c: {  	s18 =	sadd.s32 s16, s8  }
0x14d: {  	s11 =	simm.s32 @!p0 $0xC80;
	s10 =	simm.s32 @!p0 $0x14C80;
	s6 =	simm.s32 @!p0 $0x80;
	[tilespmem:$0x14CF0] =	vst @!p0 v32  }
0x14e: {  	[tilespmem:s11], [sflag:$0x1] =	stream.indirect.gather @!p0 [hbm4b:s5+s6], $0x80, s10, s6, $0xb8;
	[tilespmem:$0x14F00] =	vst v63  }
0x14f: {  	s6 =	sshll.u32 s18, $0xA  }
0x150: {  	s29 =	simm.s32 $0x8D00;
	_ =	swait.ge [sflag:s25], $0x4000;
	s6 =	sand.u32 $0x1FFFFC00, s6  }
0x151: {  	s18 =	simm.s32 $0x8C80;
	[sflag:s25] =	ssyncset.done $0x0;
	s10 =	sadd.s32 s3, s6  }
0x152: {  	s11 =	simm.s32 $0x8;
	[sflag:s25] =	ssyncadd.s32 $0xFFFFC000;
	s6 =	sadd.s32 $0x0, s10  }
.LBB2_7:
0x153: {  	[hbm4b:s6+s2] =	stream.linear.scatter [tilespmem:s18], [sflag:$0x8], $0x40, $0x38;
	[tilespmem:$0x14F00] =	vst v63  }
0x154: {  	s6 =	smov.u32 s11;
	s18 =	smov.u32 s29;
	p1 =	sne.s32 s11, $0x3F8  }
.Ltmp4:
0x155: {  	s11 =	sadd.s32 $0x8, s11;
	(pc) =	sbr.rel @p1 .LBB2_7-.Ltmp4, $2  }
0x156: {  	_ =	sdelay $0x2  }
0x157: {  	s29 =	sadd.s32 $0x80, s29;
	s6 =	sadd.s32 s6, s10  }
0x158: {  	v32 =	vimm.s32 @!p0 $0x45054404;
	v33 =	vimm.s32 @!p0 $0x47074606  }
0x159: {  	v34 =	vimm.s32 @!p0 $0x41014000;
	v35 =	vimm.s32 @!p0 $0x43034202;
	v32 =	vunpack.c.0.s8.s32 @!p0 v32  }
0x15a: {  	v33 =	vunpack.c.0.s8.s32 @!p0 v33;
	v34 =	vunpack.c.0.s8.s32 @!p0 v34;
	v35 =	vunpack.c.0.s8.s32 @!p0 v35;
	_ =	sdelay $0x1  }
0x15b: {  	v32 =	vsel @!p0 vm0, v33, v32;
	v33 =	vsel @!p0 vm0, v35, v34  }
0x15c: {  	v32 =	vcombine.low @!p0 v33, v32  }
0x15d: {  	s10 =	sadd.s32 @!p0 $0x300, s17  }
0x15e: {  	[hbm4b:s6+s2] =	stream.linear.scatter [tilespmem:s18], [sflag:$0x8], $0x40, $0x38;
	v33 =	vor.u32 @!p0 s10, v32;
	[tilespmem:$0x14F00] =	vst v63  }
0x15f: {  	s6 =	simm.s32 @!p0 $0x7  }
0x160: {  	_ =	swait.ge @!p0 [sflag:s6], $0x2000  }
0x161: {  	[sflag:s6] =	ssyncset.done @!p0 $0x0  }
0x162: {  	[sflag:s6] =	ssyncadd.s32 @!p0 $0xFFFFE000;
	s6 =	simm.s32 @!p0 $0x0  }
0x163: {  	s10 =	sadd.s32 @!p0 $0x308, s17;
	v33 =	vld.idx.msk @!p0 [tilespmem:v33+s6+$0x0], $0xffff  }
0x164: {  	v34 =	vor.u32 @!p0 s10, v32;
	_ =	sdelay $0x3  }
0x165: {  	[tilespmem:$0x14D00] =	vst @!p0 v33  }
0x166: {  	s10 =	sadd.s32 @!p0 $0x310, s17;
	v33 =	vld.idx.msk @!p0 [tilespmem:v34+s6+$0x0], $0xffff  }
0x167: {  	v34 =	vor.u32 @!p0 s10, v32;
	_ =	sdelay $0x3  }
0x168: {  	[tilespmem:$0x14D10] =	vst @!p0 v33  }
0x169: {  	s10 =	sadd.s32 @!p0 $0x318, s17;
	v33 =	vld.idx.msk @!p0 [tilespmem:v34+s6+$0x0], $0xffff  }
0x16a: {  	v34 =	vor.u32 @!p0 s10, v32;
	_ =	sdelay $0x3  }
0x16b: {  	[tilespmem:$0x14D20] =	vst @!p0 v33  }
0x16c: {  	s10 =	sadd.s32 @!p0 $0x320, s17;
	v33 =	vld.idx.msk @!p0 [tilespmem:v34+s6+$0x0], $0xffff  }
0x16d: {  	v34 =	vor.u32 @!p0 s10, v32;
	_ =	sdelay $0x3  }
0x16e: {  	[tilespmem:$0x14D30] =	vst @!p0 v33  }
0x16f: {  	s10 =	sadd.s32 @!p0 $0x328, s17;
	v33 =	vld.idx.msk @!p0 [tilespmem:v34+s6+$0x0], $0xffff  }
0x170: {  	v34 =	vor.u32 @!p0 s10, v32;
	_ =	sdelay $0x3  }
0x171: {  	[tilespmem:$0x14D40] =	vst @!p0 v33  }
0x172: {  	s10 =	sadd.s32 @!p0 $0x330, s17;
	v33 =	vld.idx.msk @!p0 [tilespmem:v34+s6+$0x0], $0xffff  }
0x173: {  	v34 =	vor.u32 @!p0 s10, v32;
	_ =	sdelay $0x3  }
0x174: {  	[tilespmem:$0x14D50] =	vst @!p0 v33  }
0x175: {  	s10 =	sadd.s32 @!p0 $0x338, s17;
	v33 =	vld.idx.msk @!p0 [tilespmem:v34+s6+$0x0], $0xffff  }
0x176: {  	v32 =	vor.u32 @!p0 s10, v32;
	_ =	sdelay $0x3  }
0x177: {  	[tilespmem:$0x14D60] =	vst @!p0 v33  }
0x178: {  	v32 =	vld.idx.msk @!p0 [tilespmem:v32+s6+$0x0], $0xffff;
	_ =	sdelay $0x3  }
0x179: {  	s11 =	simm.s32 @!p0 $0x4C80  }
0x17a: {  	s29 =	sadd.s32 s16, s9;
	s10 =	simm.s32 @!p0 $0x14D00;
	s6 =	simm.s32 @!p0 $0x80;
	[tilespmem:$0x14D70] =	vst @!p0 v32  }
0x17b: {  	[tilespmem:s11], [sflag:$0x2] =	stream.indirect.gather @!p0 [hbm4b:s5+s6], $0x80, s10, s6, $0xb8;
	[tilespmem:$0x14F00] =	vst v63  }
0x17c: {  	s6 =	sshll.u32 s29, $0xA  }
0x17d: {  	s16 =	simm.s32 $0xCC80;
	_ =	swait.ge [sflag:s26], $0x4000;
	s6 =	sand.u32 $0x1FFFFC00, s6  }
0x17e: {  	s18 =	simm.s32 $0xCD00;
	[sflag:s26] =	ssyncset.done $0x0;
	s10 =	sadd.s32 s3, s6  }
0x17f: {  	s11 =	simm.s32 $0x8;
	[sflag:s26] =	ssyncadd.s32 $0xFFFFC000;
	s6 =	sadd.s32 $0x0, s10  }
.LBB2_9:
0x180: {  	[hbm4b:s6+s2] =	stream.linear.scatter [tilespmem:s16], [sflag:$0x9], $0x40, $0x38;
	[tilespmem:$0x14F00] =	vst v63  }
0x181: {  	s6 =	smov.u32 s11;
	s16 =	smov.u32 s18;
	p1 =	sne.s32 s11, $0x3F8  }
.Ltmp5:
0x182: {  	s11 =	sadd.s32 $0x8, s11;
	(pc) =	sbr.rel @p1 .LBB2_9-.Ltmp5, $2  }
0x183: {  	_ =	sdelay $0x2  }
0x184: {  	s18 =	sadd.s32 $0x80, s18;
	s6 =	sadd.s32 s6, s10  }
0x185: {  	v32 =	vimm.s32 @!p0 $0x45054404;
	v33 =	vimm.s32 @!p0 $0x47074606  }
0x186: {  	v34 =	vimm.s32 @!p0 $0x41014000;
	v35 =	vimm.s32 @!p0 $0x43034202;
	v32 =	vunpack.c.0.s8.s32 @!p0 v32  }
0x187: {  	v33 =	vunpack.c.0.s8.s32 @!p0 v33;
	v34 =	vunpack.c.0.s8.s32 @!p0 v34;
	v35 =	vunpack.c.0.s8.s32 @!p0 v35;
	_ =	sdelay $0x1  }
0x188: {  	v32 =	vsel @!p0 vm0, v33, v32;
	v33 =	vsel @!p0 vm0, v35, v34  }
0x189: {  	v32 =	vcombine.low @!p0 v33, v32  }
0x18a: {  	s10 =	sadd.s32 @!p0 $0x380, s17  }
0x18b: {  	[hbm4b:s6+s2] =	stream.linear.scatter [tilespmem:s16], [sflag:$0x9], $0x40, $0x38;
	v33 =	vor.u32 @!p0 s10, v32;
	[tilespmem:$0x14F00] =	vst v63  }
0x18c: {  	s6 =	simm.s32 @!p0 $0x8  }
0x18d: {  	_ =	swait.ge @!p0 [sflag:s6], $0x2000  }
0x18e: {  	[sflag:s6] =	ssyncset.done @!p0 $0x0  }
0x18f: {  	[sflag:s6] =	ssyncadd.s32 @!p0 $0xFFFFE000;
	s6 =	simm.s32 @!p0 $0x0  }
0x190: {  	s10 =	sadd.s32 @!p0 $0x388, s17;
	v33 =	vld.idx.msk @!p0 [tilespmem:v33+s6+$0x0], $0xffff  }
0x191: {  	v34 =	vor.u32 @!p0 s10, v32;
	_ =	sdelay $0x3  }
0x192: {  	[tilespmem:$0x14D80] =	vst @!p0 v33  }
0x193: {  	s10 =	sadd.s32 @!p0 $0x390, s17;
	v33 =	vld.idx.msk @!p0 [tilespmem:v34+s6+$0x0], $0xffff  }
0x194: {  	v34 =	vor.u32 @!p0 s10, v32;
	_ =	sdelay $0x3  }
0x195: {  	[tilespmem:$0x14D90] =	vst @!p0 v33  }
0x196: {  	s10 =	sadd.s32 @!p0 $0x398, s17;
	v33 =	vld.idx.msk @!p0 [tilespmem:v34+s6+$0x0], $0xffff  }
0x197: {  	v34 =	vor.u32 @!p0 s10, v32;
	_ =	sdelay $0x3  }
0x198: {  	[tilespmem:$0x14DA0] =	vst @!p0 v33  }
0x199: {  	s10 =	sadd.s32 @!p0 $0x3A0, s17;
	v33 =	vld.idx.msk @!p0 [tilespmem:v34+s6+$0x0], $0xffff  }
0x19a: {  	v34 =	vor.u32 @!p0 s10, v32;
	_ =	sdelay $0x3  }
0x19b: {  	[tilespmem:$0x14DB0] =	vst @!p0 v33  }
0x19c: {  	s10 =	sadd.s32 @!p0 $0x3A8, s17;
	v33 =	vld.idx.msk @!p0 [tilespmem:v34+s6+$0x0], $0xffff  }
0x19d: {  	v34 =	vor.u32 @!p0 s10, v32;
	_ =	sdelay $0x3  }
0x19e: {  	[tilespmem:$0x14DC0] =	vst @!p0 v33  }
0x19f: {  	s10 =	sadd.s32 @!p0 $0x3B0, s17;
	v33 =	vld.idx.msk @!p0 [tilespmem:v34+s6+$0x0], $0xffff  }
0x1a0: {  	v34 =	vor.u32 @!p0 s10, v32;
	_ =	sdelay $0x3  }
0x1a1: {  	[tilespmem:$0x14DD0] =	vst @!p0 v33  }
0x1a2: {  	s10 =	sadd.s32 @!p0 $0x3B8, s17;
	v33 =	vld.idx.msk @!p0 [tilespmem:v34+s6+$0x0], $0xffff  }
0x1a3: {  	v32 =	vor.u32 @!p0 s10, v32;
	_ =	sdelay $0x3  }
0x1a4: {  	[tilespmem:$0x14DE0] =	vst @!p0 v33  }
0x1a5: {  	v32 =	vld.idx.msk @!p0 [tilespmem:v32+s6+$0x0], $0xffff;
	_ =	sdelay $0x3  }
0x1a6: {  	s11 =	simm.s32 @!p0 $0x8C80  }
0x1a7: {  	s29 =	sadd.s32 s4, s15;
	s10 =	simm.s32 @!p0 $0x14D80;
	s6 =	simm.s32 @!p0 $0x80;
	[tilespmem:$0x14DF0] =	vst @!p0 v32  }
0x1a8: {  	[tilespmem:s11], [sflag:$0x3] =	stream.indirect.gather @!p0 [hbm4b:s5+s6], $0x80, s10, s6, $0xb8;
	[tilespmem:$0x14F00] =	vst v63  }
0x1a9: {  	s6 =	sshll.u32 s29, $0xA  }
0x1aa: {  	s15 =	simm.s32 $0x10D00;
	_ =	swait.ge [sflag:s28], $0x4000;
	s6 =	sand.u32 $0x1FFFFC00, s6  }
0x1ab: {  	s10 =	simm.s32 $0x10C80;
	[sflag:s28] =	ssyncset.done $0x0;
	s6 =	sadd.s32 s3, s6  }
0x1ac: {  	s11 =	simm.s32 $0x8;
	[sflag:s28] =	ssyncadd.s32 $0xFFFFC000;
	s16 =	sadd.s32 $0x0, s6  }
.LBB2_11:
0x1ad: {  	[hbm4b:s16+s2] =	stream.linear.scatter [tilespmem:s10], [sflag:$0xA], $0x40, $0x38;
	[tilespmem:$0x14F00] =	vst v63  }
0x1ae: {  	s16 =	smov.u32 s11;
	s10 =	smov.u32 s15;
	p1 =	sne.s32 s11, $0x3F8  }
.Ltmp6:
0x1af: {  	s11 =	sadd.s32 $0x8, s11;
	(pc) =	sbr.rel @p1 .LBB2_11-.Ltmp6, $2  }
0x1b0: {  	_ =	sdelay $0x2  }
0x1b1: {  	s15 =	sadd.s32 $0x80, s15;
	s16 =	sadd.s32 s16, s6  }
.Ltmp7:
0x1b2: {  	(pc) =	sbr.rel @p0 .LBB2_14-.Ltmp7, $2  }
0x1b3: {  	_ =	sdelay $0x2  }
0x1b4: {  	[hbm4b:s16+s2] =	stream.linear.scatter [tilespmem:s10], [sflag:$0xA], $0x40, $0x38;
	[tilespmem:$0x14F00] =	vst v63  }
0x1b5: {  	s6 =	smul.u32 $0x280, s14;
	_ =	sdelay $0x1  }
0x1b6: {  	s10 =	sadd.s32 $0x400, s6  }
0x1b7: {  	v32 =	vor.u32 s10, v0;
	_ =	sdelay $0x1  }
0x1b8: {  	_ =	swait.ge [sflag:s1], $0x2000  }
0x1b9: {  	[sflag:s1] =	ssyncset.done $0x0  }
0x1ba: {  	[sflag:s1] =	ssyncadd.s32 $0xFFFFE000  }
0x1bb: {  	s11 =	sadd.s32 $0x408, s6;
	v32 =	vld.idx.msk [tilespmem:v32+s2+$0x0], $0xffff  }
0x1bc: {  	v33 =	vor.u32 s11, v0;
	_ =	sdelay $0x3  }
0x1bd: {  	[tilespmem:$0x14E00] =	vst v32  }
0x1be: {  	s15 =	sadd.s32 $0x410, s6;
	v32 =	vld.idx.msk [tilespmem:v33+s2+$0x0], $0xffff  }
0x1bf: {  	v58 =	vor.u32 s15, v0;
	_ =	sdelay $0x3  }
0x1c0: {  	[tilespmem:$0x14E10] =	vst v32  }
0x1c1: {  	s16 =	sadd.s32 $0x418, s6;
	v32 =	vld.idx.msk [tilespmem:v58+s2+$0x0], $0xffff  }
0x1c2: {  	v59 =	vor.u32 s16, v0;
	_ =	sdelay $0x3  }
0x1c3: {  	[tilespmem:$0x14E20] =	vst v32  }
0x1c4: {  	s17 =	sadd.s32 $0x420, s6;
	v32 =	vld.idx.msk [tilespmem:v59+s2+$0x0], $0xffff  }
0x1c5: {  	v60 =	vor.u32 s17, v0;
	_ =	sdelay $0x3  }
0x1c6: {  	[tilespmem:$0x14E30] =	vst v32  }
0x1c7: {  	s18 =	sadd.s32 $0x428, s6;
	v32 =	vld.idx.msk [tilespmem:v60+s2+$0x0], $0xffff  }
0x1c8: {  	v61 =	vor.u32 s18, v0;
	_ =	sdelay $0x3  }
0x1c9: {  	[tilespmem:$0x14E40] =	vst v32  }
0x1ca: {  	s29 =	sadd.s32 $0x430, s6;
	v32 =	vld.idx.msk [tilespmem:v61+s2+$0x0], $0xffff  }
0x1cb: {  	v62 =	vor.u32 s29, v0;
	_ =	sdelay $0x3  }
0x1cc: {  	[tilespmem:$0x14E50] =	vst v32  }
0x1cd: {  	s6 =	sadd.s32 $0x438, s6;
	v32 =	vld.idx.msk [tilespmem:v62+s2+$0x0], $0xffff  }
0x1ce: {  	v63 =	vor.u32 s6, v0;
	_ =	sdelay $0x3  }
0x1cf: {  	[tilespmem:$0x14E60] =	vst v32  }
0x1d0: {  	v32 =	vld.idx.msk [tilespmem:v63+s2+$0x0], $0xffff;
	_ =	sdelay $0x1  }
.Ltmp8:
0x1d1: {  	_ = 	snop;
	(pc) =	sbr.rel .LBB2_2-.Ltmp8, $3  }
0x1d2: {  	_ =	sdelay $0x1  }
0x1d3: {  	s14 =	sadd.s32 $0x1, s14;
	[tilespmem:$0x14E70] =	vst v32  }
0x1d4: {  	[tilespmem:s20], [sflag:$0x4] =	stream.indirect.gather [hbm4b:s5+s12], $0x80, s19, s12, $0xb8;
	[tilespmem:$0x14F00] =	vst v63  }
.LBB2_15:
0x1d5: {  	_ =	sfence.sel $0x180000  }
0x1d6: {  	[bflag:$0x0] =	sbarrier.arrive $0xFFFF  }
0x1d7: {  	_ =	strace $0x90000047  }
0x1d8: {  	s0 =	stileid.u32;
	[bflag:$0x2] =	sbarrier.arrive $0xFFFF  }
0x1d9: {  	p0 =	sne.s32 s0, $0x0;
	s0 =	rddreg [dreg:$0x1]  }
0x1da: {  	s0 =	sadd.s32 @!p0 $0x100000, s0  }
0x1db: {  	[sflag:s0] =	ssyncadd.tile.s32 @!p0 $0x1;
	_ =	shalt  }
.Lfunc_end2:
_tile_overlayer_lowered:
.L_overlay_start_2:
0x1dc: {  	(tag) =	ssettag $0x2  }
0x1dd: {  	s0 =	rddreg [dreg:$0x0];
	s2 =	stileid.u32  }
0x1de: {  	s1 =	rddreg [dreg:$0x1];
	p0 =	sne.s32 s2, $0x0  }
0x1df: {  	s3 =	rddreg [dreg:$0x2];
	[bflag:$0x3] =	sbarrier.arrive $0xFFFF;
	s2 =	simm.s32 @!p0 $0x1C0B  }
0x1e0: {  	[timem:s3], [sflag:s2] =	dma.local @!p0 [hbm:s0], s1  }
0x1e1: {  	s0 =	simm.s32 @!p0 $0xB  }
0x1e2: {  	_ =	swait.ge @!p0 [sflag:s0], s1  }
0x1e3: {  	s1 =	ssub.s32 @!p0 $0x0, s1;
	[sflag:s0] =	ssyncset.done @!p0 $0x0  }
0x1e4: {  	[sflag:s0] =	ssyncadd.s32 @!p0 s1  }
0x1e5: {  	[bflag:$0x3] =	sbarrier.arrive $0xFFFF  }
0x1e6: {  	_ =	shalt  }

</sc_bundles>
